<compile_context>
chip_gen: v7x
topology: tpu7x:2x2x1
jax: 0.10.2.dev20260603
libtpu: 0.0.44.dev20260713+nightly
codegen_flags: <defaults>
</compile_context>

<pallas_src>
import functools

import jax
import jax.numpy as jnp
from jax import lax
from jax.experimental import pallas as pl
from jax.experimental.pallas import tpu as pltpu
from jax.experimental.pallas import tpu_sc as plsc

B, S, D = 1024, 200, 128
N = B * S
NC, NS = 2, 16
NW = NC * NS
TOK_PER_W = N // NW
CHUNK = 128
NCHUNK = TOK_PER_W // CHUNK
NBUF = 3
LANES = 16
CG = D // LANES
GRP = CHUNK // LANES


def _emb_kernel(word_hbm, pos_hbm, type_hbm, ids_hbm, tt_hbm, out_hbm,
                pt_v, type_v, idx_v, tt_v, rows_v, gsem, osem):
    wid = lax.axis_index("s") * NC + lax.axis_index("c")
    base = wid * TOK_PER_W

    pltpu.sync_copy(ids_hbm.at[wid], idx_v)
    pltpu.sync_copy(tt_hbm.at[wid], tt_v)

    def gather(c):
        b = lax.rem(c, NBUF)
        pltpu.make_async_copy(word_hbm.at[idx_v.at[c]],
                              rows_v.at[pl.ds(b * CHUNK, CHUNK)],
                              gsem.at[b]).start()

    def wait_out(c):
        b = lax.rem(c, NBUF)
        tok = base + c * CHUNK
        pltpu.make_async_copy(rows_v.at[pl.ds(b * CHUNK, CHUNK)],
                              out_hbm.at[pl.ds(tok, CHUNK)],
                              osem.at[b]).wait()

    def finish(c, sm0):
        b = lax.rem(c, NBUF)
        tok = base + c * CHUNK
        pltpu.make_async_copy(word_hbm.at[idx_v.at[c]],
                              rows_v.at[pl.ds(b * CHUNK, CHUNK)],
                              gsem.at[b]).wait()

        @plsc.parallel_loop(0, 2 * GRP)
        def grp_body(j2):
            j = j2 >> 1
            half = j2 & 1
            ttg = tt_v[c, pl.ds(j * LANES, LANES)]
            for l in range(LANES):
                i = j * LANES + l
                sm = sm0 + j * LANES + l
                sm = jnp.where(sm >= S, sm - S, sm)
                row = ttg[l] * S + sm
                ri = b * CHUNK + i
                for gh in range(CG // 2):
                    g = half * (CG // 2) + gh
                    p = pt_v[row, pl.ds(g * LANES, LANES)]
                    plsc.addupdate(rows_v.at[ri, pl.ds(g * LANES, LANES)], p)

        pltpu.make_async_copy(rows_v.at[pl.ds(b * CHUNK, CHUNK)],
                              out_hbm.at[pl.ds(tok, CHUNK)],
                              osem.at[b]).start()
        smn = sm0 + CHUNK
        return jnp.where(smn >= S, smn - S, smn)

    gather(jnp.int32(0))
    gather(jnp.int32(1))

    pltpu.sync_copy(pos_hbm.at[pl.ds(0, S)], pt_v.at[pl.ds(0, S)])
    pltpu.sync_copy(type_hbm, type_v)

    t0 = [type_v[0, pl.ds(g * LANES, LANES)] for g in range(CG)]
    t1 = [type_v[1, pl.ds(g * LANES, LANES)] for g in range(CG)]

    @plsc.parallel_loop(0, S)
    def _build_pt(s):
        for g in range(CG):
            sl = pl.ds(g * LANES, LANES)
            raw = pt_v[s, sl]
            pt_v[S + s, sl] = raw + t1[g]
            pt_v[s, sl] = raw + t0[g]

    def chunk_body(c, sm):
        sm = finish(c, sm)

        @pl.when(c + 2 < NCHUNK)
        def _():
            @pl.when(c >= 1)
            def _():
                wait_out(c - 1)
            gather(c + 2)

        return sm

    lax.fori_loop(0, NCHUNK, chunk_body, jnp.int32(0))
    for m in range(NCHUNK - NBUF, NCHUNK):
        wait_out(jnp.int32(m))


@jax.jit
def _run(word_emb, pos_emb, type_emb, ids2d, tt2d):
    mesh = plsc.VectorSubcoreMesh(core_axis_name="c", subcore_axis_name="s")
    k = functools.partial(
        pl.kernel,
        mesh=mesh,
        out_type=jax.ShapeDtypeStruct((N, D), jnp.float32),
        scratch_types=[
            pltpu.VMEM((2 * S, D), jnp.float32),
            pltpu.VMEM((2, D), jnp.float32),
            pltpu.VMEM((NCHUNK, CHUNK), jnp.int32),
            pltpu.VMEM((NCHUNK, CHUNK), jnp.int32),
            pltpu.VMEM((NBUF * CHUNK, D), jnp.float32),
            pltpu.SemaphoreType.DMA((NBUF,)),
            pltpu.SemaphoreType.DMA((NBUF,)),
        ],
    )(_emb_kernel)
    return k(word_emb, pos_emb, type_emb, ids2d, tt2d)


def kernel(input_ids, token_type_ids, word_emb, pos_emb, type_emb):
    ids2d = input_ids.reshape(NW, NCHUNK, CHUNK).astype(jnp.int32)
    tt2d = token_type_ids.reshape(NW, NCHUNK, CHUNK).astype(jnp.int32)
    out = _run(word_emb, pos_emb, type_emb, ids2d, tt2d)
    return out.reshape(B, S, D)

# --- scband reference (transcript-rebuilt; emitter-appended) ---
"""Pipeline reference for scband-input-embedding-60936995996030 (READ-ONLY COPY).

The authoritative reference and input builder live on the scoring server;
editing this copy changes nothing except your own understanding.
"""

import jax, jax.numpy as jnp
import numpy as np

VOCAB = 100000
EMB = 128
TYPE_VOCAB = 2
MAX_POS = 512
B, S = 1024, 200


def setup_inputs(seed: int = 0) -> dict:
    key = jax.random.key(seed)
    k1, k2, k3, k4, k5 = jax.random.split(key, 5)
    input_ids = jax.random.randint(k1, (B, S), 0, VOCAB, dtype=jnp.int64) if jax.config.jax_enable_x64 else jax.random.randint(k1, (B, S), 0, VOCAB, dtype=jnp.int32)
    token_type_ids = jax.random.randint(k2, (B, S), 0, TYPE_VOCAB, dtype=input_ids.dtype)
    word_emb = jax.random.normal(k3, (VOCAB, EMB), dtype=jnp.float32) * 0.02
    pos_emb = jax.random.normal(k4, (MAX_POS, EMB), dtype=jnp.float32) * 0.02
    type_emb = jax.random.normal(k5, (TYPE_VOCAB, EMB), dtype=jnp.float32) * 0.02
    return {
        "input_ids": input_ids,
        "token_type_ids": token_type_ids,
        "word_emb": word_emb,
        "pos_emb": pos_emb,
        "type_emb": type_emb,
    }


def reference(input_ids, token_type_ids, word_emb, pos_emb, type_emb):
    seq_length = input_ids.shape[1]
    position_ids = jnp.arange(seq_length, dtype=input_ids.dtype)
    position_ids = jnp.broadcast_to(position_ids[None, :], input_ids.shape)
    embeddings = (
        jnp.take(word_emb, input_ids, axis=0)
        + jnp.take(pos_emb, position_ids, axis=0)
        + jnp.take(type_emb, token_type_ids, axis=0)
    )
    # dropout is identity at inference time
    return embeddings

if __name__ == "__main__":
    import jax
    _d = setup_inputs()
    print(jax.jit(kernel)(*tuple(_d.values())))

</pallas_src>

<mosaic_0001>
#map = affine_map<(d0, d1) -> (0, 0)>
#map1 = affine_map<(d0, d1) -> (0, 0, 0)>
module attributes {stable_mosaic.version = 14 : i64} {
  func.func @_emb_kernel(%arg0: i32, %arg1: i32, %arg2: memref<100000x128xf32, #tpu.memory_space<hbm>>, %arg3: memref<512x128xf32, #tpu.memory_space<hbm>>, %arg4: memref<2x128xf32, #tpu.memory_space<hbm>>, %arg5: memref<32x50x128xi32, #tpu.memory_space<hbm>>, %arg6: memref<32x50x128xi32, #tpu.memory_space<hbm>>, %arg7: memref<204800x128xf32, #tpu.memory_space<hbm>>, %arg8: memref<400x128xf32, #tpu.memory_space<vmem>>, %arg9: memref<2x128xf32, #tpu.memory_space<vmem>>, %arg10: memref<50x128xi32, #tpu.memory_space<vmem>>, %arg11: memref<50x128xi32, #tpu.memory_space<vmem>>, %arg12: memref<384x128xf32, #tpu.memory_space<vmem>>, %arg13: memref<3x!tpu.dma_semaphore, #tpu.memory_space<semaphore_mem>>, %arg14: memref<3x!tpu.dma_semaphore, #tpu.memory_space<semaphore_mem>>) attributes {dimension_semantics = [#tpu.dimension_semantics<core_parallel>, #tpu.dimension_semantics<subcore_parallel>], iteration_bounds = array<i64: 2, 16>, scalar_prefetch = 0 : i64, scratch_operands = 7 : i64, tpu.core_type = #tpu.core_type<sc_vector_subcore>, window_params = [{transform_indices = #map}, {transform_indices = #map}, {transform_indices = #map}, {transform_indices = #map1}, {transform_indices = #map1}, {transform_indices = #map}]} {
    %mul3A = arith.constant 2 : i32
    %mul3A_0 = arith.muli %arg1, %mul3A : i32
    %add3A = arith.addi %mul3A_0, %arg0 : i32
    %mul3A_1 = arith.constant 6400 : i32
    %mul3A_2 = arith.muli %add3A, %mul3A_1 : i32
    "tpu.region"() ({
      %run_scoped3A = tpu.sem_alloc : memref<!tpu.dma_semaphore, #tpu.memory_space<semaphore_mem>>
      %dma_start3A_176 = arith.constant 0 : i32
      %dma_start3A_177 = arith.constant 0 : i32
      %dma_start3A_178 = tpu.memref_slice %arg5[%add3A, %dma_start3A_176, %dma_start3A_177] : memref<32x50x128xi32, #tpu.memory_space<hbm>> -> memref<1x50x128xi32, #tpu.memory_space<hbm>>
      %dma_start3A_179 = tpu.memref_squeeze %dma_start3A_178 : memref<1x50x128xi32, #tpu.memory_space<hbm>> -> memref<50x128xi32, #tpu.memory_space<hbm>>
      %dma_start3A_180 = arith.constant 0 : i32
      %dma_start3A_181 = arith.constant 0 : i32
      %dma_start3A_182 = tpu.memref_slice %arg5[%add3A, %dma_start3A_180, %dma_start3A_181] : memref<32x50x128xi32, #tpu.memory_space<hbm>> -> memref<1x50x128xi32, #tpu.memory_space<hbm>>
      %dma_start3A_183 = tpu.memref_squeeze %dma_start3A_182 : memref<1x50x128xi32, #tpu.memory_space<hbm>> -> memref<50x128xi32, #tpu.memory_space<hbm>>
      tpu.enqueue_dma source(%dma_start3A_183 : memref<50x128xi32, #tpu.memory_space<hbm>>) target(%arg10 : memref<50x128xi32, #tpu.memory_space<vmem>>) target_semaphore(%run_scoped3A : memref<!tpu.dma_semaphore, #tpu.memory_space<semaphore_mem>>)
      %dma_wait3A_184 = arith.constant 0 : i32
      %dma_wait3A_185 = arith.constant 0 : i32
      %dma_wait3A_186 = tpu.memref_slice %arg5[%add3A, %dma_wait3A_184, %dma_wait3A_185] : memref<32x50x128xi32, #tpu.memory_space<hbm>> -> memref<1x50x128xi32, #tpu.memory_space<hbm>>
      %dma_wait3A_187 = tpu.memref_squeeze %dma_wait3A_186 : memref<1x50x128xi32, #tpu.memory_space<hbm>> -> memref<50x128xi32, #tpu.memory_space<hbm>>
      %dma_wait3A_188 = arith.constant 0 : i32
      %dma_wait3A_189 = arith.constant 0 : i32
      %dma_wait3A_190 = tpu.memref_slice %arg5[%add3A, %dma_wait3A_188, %dma_wait3A_189] : memref<32x50x128xi32, #tpu.memory_space<hbm>> -> memref<1x50x128xi32, #tpu.memory_space<hbm>>
      %dma_wait3A_191 = tpu.memref_squeeze %dma_wait3A_190 : memref<1x50x128xi32, #tpu.memory_space<hbm>> -> memref<50x128xi32, #tpu.memory_space<hbm>>
      tpu.wait_dma2 semaphore(%run_scoped3A : memref<!tpu.dma_semaphore, #tpu.memory_space<semaphore_mem>>) src(%dma_wait3A_191 : memref<50x128xi32, #tpu.memory_space<hbm>>) dst(%arg10 : memref<50x128xi32, #tpu.memory_space<vmem>>)
      tpu.yield
    }) : () -> ()
    "tpu.region"() ({
      %run_scoped3A = tpu.sem_alloc : memref<!tpu.dma_semaphore, #tpu.memory_space<semaphore_mem>>
      %dma_start3A_176 = arith.constant 0 : i32
      %dma_start3A_177 = arith.constant 0 : i32
      %dma_start3A_178 = tpu.memref_slice %arg6[%add3A, %dma_start3A_176, %dma_start3A_177] : memref<32x50x128xi32, #tpu.memory_space<hbm>> -> memref<1x50x128xi32, #tpu.memory_space<hbm>>
      %dma_start3A_179 = tpu.memref_squeeze %dma_start3A_178 : memref<1x50x128xi32, #tpu.memory_space<hbm>> -> memref<50x128xi32, #tpu.memory_space<hbm>>
      %dma_start3A_180 = arith.constant 0 : i32
      %dma_start3A_181 = arith.constant 0 : i32
      %dma_start3A_182 = tpu.memref_slice %arg6[%add3A, %dma_start3A_180, %dma_start3A_181] : memref<32x50x128xi32, #tpu.memory_space<hbm>> -> memref<1x50x128xi32, #tpu.memory_space<hbm>>
      %dma_start3A_183 = tpu.memref_squeeze %dma_start3A_182 : memref<1x50x128xi32, #tpu.memory_space<hbm>> -> memref<50x128xi32, #tpu.memory_space<hbm>>
      tpu.enqueue_dma source(%dma_start3A_183 : memref<50x128xi32, #tpu.memory_space<hbm>>) target(%arg11 : memref<50x128xi32, #tpu.memory_space<vmem>>) target_semaphore(%run_scoped3A : memref<!tpu.dma_semaphore, #tpu.memory_space<semaphore_mem>>)
      %dma_wait3A_184 = arith.constant 0 : i32
      %dma_wait3A_185 = arith.constant 0 : i32
      %dma_wait3A_186 = tpu.memref_slice %arg6[%add3A, %dma_wait3A_184, %dma_wait3A_185] : memref<32x50x128xi32, #tpu.memory_space<hbm>> -> memref<1x50x128xi32, #tpu.memory_space<hbm>>
      %dma_wait3A_187 = tpu.memref_squeeze %dma_wait3A_186 : memref<1x50x128xi32, #tpu.memory_space<hbm>> -> memref<50x128xi32, #tpu.memory_space<hbm>>
      %dma_wait3A_188 = arith.constant 0 : i32
      %dma_wait3A_189 = arith.constant 0 : i32
      %dma_wait3A_190 = tpu.memref_slice %arg6[%add3A, %dma_wait3A_188, %dma_wait3A_189] : memref<32x50x128xi32, #tpu.memory_space<hbm>> -> memref<1x50x128xi32, #tpu.memory_space<hbm>>
      %dma_wait3A_191 = tpu.memref_squeeze %dma_wait3A_190 : memref<1x50x128xi32, #tpu.memory_space<hbm>> -> memref<50x128xi32, #tpu.memory_space<hbm>>
      tpu.wait_dma2 semaphore(%run_scoped3A : memref<!tpu.dma_semaphore, #tpu.memory_space<semaphore_mem>>) src(%dma_wait3A_191 : memref<50x128xi32, #tpu.memory_space<hbm>>) dst(%arg11 : memref<50x128xi32, #tpu.memory_space<vmem>>)
      tpu.yield
    }) : () -> ()
    %rem3A = arith.constant 0 : i32
    %rem3A_3 = arith.constant 3 : i32
    %rem3A_4 = arith.remsi %rem3A, %rem3A_3 : i32
    %mul3A_5 = arith.constant 128 : i32
    %mul3A_6 = arith.muli %rem3A_4, %mul3A_5 : i32
    %dma_start3A = arith.constant 0 : i32
    %dma_start3A_7 = arith.constant 0 : i32
    %dma_start3A_8 = tpu.memref_slice %arg12[%mul3A_6, %dma_start3A_7] : memref<384x128xf32, #tpu.memory_space<vmem>> -> memref<128x128xf32, #tpu.memory_space<vmem>>
    %dma_start3A_9 = arith.constant 0 : i32
    %dma_start3A_10 = tpu.memref_slice %arg10[%dma_start3A, %dma_start3A_9] : memref<50x128xi32, #tpu.memory_space<vmem>> -> memref<1x128xi32, #tpu.memory_space<vmem>>
    %dma_start3A_11 = tpu.memref_squeeze %dma_start3A_10 : memref<1x128xi32, #tpu.memory_space<vmem>> -> memref<128xi32, #tpu.memory_space<vmem>>
    %dma_start3A_12 = arith.constant 0 : i32
    %dma_start3A_13 = arith.constant 0 : i32
    %dma_start3A_14 = tpu.memref_slice %arg2[%dma_start3A_12, %dma_start3A_13] : memref<100000x128xf32, #tpu.memory_space<hbm>> -> memref<100000x128xf32, #tpu.memory_space<hbm>>
    %dma_start3A_15 = tpu.memref_slice %arg13[%rem3A_4] : memref<3x!tpu.dma_semaphore, #tpu.memory_space<semaphore_mem>> -> memref<1x!tpu.dma_semaphore, #tpu.memory_space<semaphore_mem>>
    %dma_start3A_16 = tpu.memref_squeeze %dma_start3A_15 : memref<1x!tpu.dma_semaphore, #tpu.memory_space<semaphore_mem>> -> memref<!tpu.dma_semaphore, #tpu.memory_space<semaphore_mem>>
    tpu.enqueue_indirect_dma source(%dma_start3A_14 : memref<100000x128xf32, #tpu.memory_space<hbm>>) target(%dma_start3A_8 : memref<128x128xf32, #tpu.memory_space<vmem>>) offsets(%dma_start3A_11 : memref<128xi32, #tpu.memory_space<vmem>>) semaphore(%dma_start3A_16 : memref<!tpu.dma_semaphore, #tpu.memory_space<semaphore_mem>>)
    %rem3A_17 = arith.constant 1 : i32
    %rem3A_18 = arith.constant 3 : i32
    %rem3A_19 = arith.remsi %rem3A_17, %rem3A_18 : i32
    %mul3A_20 = arith.constant 128 : i32
    %mul3A_21 = arith.muli %rem3A_19, %mul3A_20 : i32
    %dma_start3A_22 = arith.constant 1 : i32
    %dma_start3A_23 = arith.constant 0 : i32
    %dma_start3A_24 = tpu.memref_slice %arg12[%mul3A_21, %dma_start3A_23] : memref<384x128xf32, #tpu.memory_space<vmem>> -> memref<128x128xf32, #tpu.memory_space<vmem>>
    %dma_start3A_25 = arith.constant 0 : i32
    %dma_start3A_26 = tpu.memref_slice %arg10[%dma_start3A_22, %dma_start3A_25] : memref<50x128xi32, #tpu.memory_space<vmem>> -> memref<1x128xi32, #tpu.memory_space<vmem>>
    %dma_start3A_27 = tpu.memref_squeeze %dma_start3A_26 : memref<1x128xi32, #tpu.memory_space<vmem>> -> memref<128xi32, #tpu.memory_space<vmem>>
    %dma_start3A_28 = arith.constant 0 : i32
    %dma_start3A_29 = arith.constant 0 : i32
    %dma_start3A_30 = tpu.memref_slice %arg2[%dma_start3A_28, %dma_start3A_29] : memref<100000x128xf32, #tpu.memory_space<hbm>> -> memref<100000x128xf32, #tpu.memory_space<hbm>>
    %dma_start3A_31 = tpu.memref_slice %arg13[%rem3A_19] : memref<3x!tpu.dma_semaphore, #tpu.memory_space<semaphore_mem>> -> memref<1x!tpu.dma_semaphore, #tpu.memory_space<semaphore_mem>>
    %dma_start3A_32 = tpu.memref_squeeze %dma_start3A_31 : memref<1x!tpu.dma_semaphore, #tpu.memory_space<semaphore_mem>> -> memref<!tpu.dma_semaphore, #tpu.memory_space<semaphore_mem>>
    tpu.enqueue_indirect_dma source(%dma_start3A_30 : memref<100000x128xf32, #tpu.memory_space<hbm>>) target(%dma_start3A_24 : memref<128x128xf32, #tpu.memory_space<vmem>>) offsets(%dma_start3A_27 : memref<128xi32, #tpu.memory_space<vmem>>) semaphore(%dma_start3A_32 : memref<!tpu.dma_semaphore, #tpu.memory_space<semaphore_mem>>)
    "tpu.region"() ({
      %run_scoped3A = tpu.sem_alloc : memref<!tpu.dma_semaphore, #tpu.memory_space<semaphore_mem>>
      %dma_start3A_176 = arith.constant 0 : i32
      %dma_start3A_177 = arith.constant 0 : i32
      %dma_start3A_178 = tpu.memref_slice %arg8[%dma_start3A_176, %dma_start3A_177] : memref<400x128xf32, #tpu.memory_space<vmem>> -> memref<200x128xf32, #tpu.memory_space<vmem>>
      %dma_start3A_179 = arith.constant 0 : i32
      %dma_start3A_180 = arith.constant 0 : i32
      %dma_start3A_181 = tpu.memref_slice %arg3[%dma_start3A_179, %dma_start3A_180] : memref<512x128xf32, #tpu.memory_space<hbm>> -> memref<200x128xf32, #tpu.memory_space<hbm>>
      %dma_start3A_182 = arith.constant 0 : i32
      %dma_start3A_183 = arith.constant 0 : i32
      %dma_start3A_184 = tpu.memref_slice %arg8[%dma_start3A_182, %dma_start3A_183] : memref<400x128xf32, #tpu.memory_space<vmem>> -> memref<200x128xf32, #tpu.memory_space<vmem>>
      %dma_start3A_185 = arith.constant 0 : i32
      %dma_start3A_186 = arith.constant 0 : i32
      %dma_start3A_187 = tpu.memref_slice %arg3[%dma_start3A_185, %dma_start3A_186] : memref<512x128xf32, #tpu.memory_space<hbm>> -> memref<200x128xf32, #tpu.memory_space<hbm>>
      tpu.enqueue_dma source(%dma_start3A_187 : memref<200x128xf32, #tpu.memory_space<hbm>>) target(%dma_start3A_184 : memref<200x128xf32, #tpu.memory_space<vmem>>) target_semaphore(%run_scoped3A : memref<!tpu.dma_semaphore, #tpu.memory_space<semaphore_mem>>)
      %dma_wait3A_188 = arith.constant 0 : i32
      %dma_wait3A_189 = arith.constant 0 : i32
      %dma_wait3A_190 = tpu.memref_slice %arg8[%dma_wait3A_188, %dma_wait3A_189] : memref<400x128xf32, #tpu.memory_space<vmem>> -> memref<200x128xf32, #tpu.memory_space<vmem>>
      %dma_wait3A_191 = arith.constant 0 : i32
      %dma_wait3A_192 = arith.constant 0 : i32
      %dma_wait3A_193 = tpu.memref_slice %arg3[%dma_wait3A_191, %dma_wait3A_192] : memref<512x128xf32, #tpu.memory_space<hbm>> -> memref<200x128xf32, #tpu.memory_space<hbm>>
      %dma_wait3A_194 = arith.constant 0 : i32
      %dma_wait3A_195 = arith.constant 0 : i32
      %dma_wait3A_196 = tpu.memref_slice %arg8[%dma_wait3A_194, %dma_wait3A_195] : memref<400x128xf32, #tpu.memory_space<vmem>> -> memref<200x128xf32, #tpu.memory_space<vmem>>
      %dma_wait3A_197 = arith.constant 0 : i32
      %dma_wait3A_198 = arith.constant 0 : i32
      %dma_wait3A_199 = tpu.memref_slice %arg3[%dma_wait3A_197, %dma_wait3A_198] : memref<512x128xf32, #tpu.memory_space<hbm>> -> memref<200x128xf32, #tpu.memory_space<hbm>>
      tpu.wait_dma2 semaphore(%run_scoped3A : memref<!tpu.dma_semaphore, #tpu.memory_space<semaphore_mem>>) src(%dma_wait3A_199 : memref<200x128xf32, #tpu.memory_space<hbm>>) dst(%dma_wait3A_196 : memref<200x128xf32, #tpu.memory_space<vmem>>)
      tpu.yield
    }) : () -> ()
    "tpu.region"() ({
      %run_scoped3A = tpu.sem_alloc : memref<!tpu.dma_semaphore, #tpu.memory_space<semaphore_mem>>
      tpu.enqueue_dma source(%arg4 : memref<2x128xf32, #tpu.memory_space<hbm>>) target(%arg9 : memref<2x128xf32, #tpu.memory_space<vmem>>) target_semaphore(%run_scoped3A : memref<!tpu.dma_semaphore, #tpu.memory_space<semaphore_mem>>)
      tpu.wait_dma2 semaphore(%run_scoped3A : memref<!tpu.dma_semaphore, #tpu.memory_space<semaphore_mem>>) src(%arg4 : memref<2x128xf32, #tpu.memory_space<hbm>>) dst(%arg9 : memref<2x128xf32, #tpu.memory_space<vmem>>)
      tpu.yield
    }) : () -> ()
    %get3A = arith.constant 0 : i32
    %get3A_33 = arith.index_cast %get3A : i32 to index
    %get3A_34 = arith.constant 0 : index
    %get3A_35 = tpu.vector_load %arg9[%get3A_33, %get3A_34] {strides = array<i32>} : memref<2x128xf32, #tpu.memory_space<vmem>>, vector<1x16xf32>,
    %get3A_36 = vector.shape_cast %get3A_35 : vector<1x16xf32> to vector<16xf32>
    %get3A_37 = arith.constant 0 : i32
    %get3A_38 = arith.index_cast %get3A_37 : i32 to index
    %get3A_39 = arith.constant 16 : index
    %get3A_40 = tpu.vector_load %arg9[%get3A_38, %get3A_39] {strides = array<i32>} : memref<2x128xf32, #tpu.memory_space<vmem>>, vector<1x16xf32>,
    %get3A_41 = vector.shape_cast %get3A_40 : vector<1x16xf32> to vector<16xf32>
    %get3A_42 = arith.constant 0 : i32
    %get3A_43 = arith.index_cast %get3A_42 : i32 to index
    %get3A_44 = arith.constant 32 : index
    %get3A_45 = tpu.vector_load %arg9[%get3A_43, %get3A_44] {strides = array<i32>} : memref<2x128xf32, #tpu.memory_space<vmem>>, vector<1x16xf32>,
    %get3A_46 = vector.shape_cast %get3A_45 : vector<1x16xf32> to vector<16xf32>
    %get3A_47 = arith.constant 0 : i32
    %get3A_48 = arith.index_cast %get3A_47 : i32 to index
    %get3A_49 = arith.constant 48 : index
    %get3A_50 = tpu.vector_load %arg9[%get3A_48, %get3A_49] {strides = array<i32>} : memref<2x128xf32, #tpu.memory_space<vmem>>, vector<1x16xf32>,
    %get3A_51 = vector.shape_cast %get3A_50 : vector<1x16xf32> to vector<16xf32>
    %get3A_52 = arith.constant 0 : i32
    %get3A_53 = arith.index_cast %get3A_52 : i32 to index
    %get3A_54 = arith.constant 64 : index
    %get3A_55 = tpu.vector_load %arg9[%get3A_53, %get3A_54] {strides = array<i32>} : memref<2x128xf32, #tpu.memory_space<vmem>>, vector<1x16xf32>,
    %get3A_56 = vector.shape_cast %get3A_55 : vector<1x16xf32> to vector<16xf32>
    %get3A_57 = arith.constant 0 : i32
    %get3A_58 = arith.index_cast %get3A_57 : i32 to index
    %get3A_59 = arith.constant 80 : index
    %get3A_60 = tpu.vector_load %arg9[%get3A_58, %get3A_59] {strides = array<i32>} : memref<2x128xf32, #tpu.memory_space<vmem>>, vector<1x16xf32>,
    %get3A_61 = vector.shape_cast %get3A_60 : vector<1x16xf32> to vector<16xf32>
    %get3A_62 = arith.constant 0 : i32
    %get3A_63 = arith.index_cast %get3A_62 : i32 to index
    %get3A_64 = arith.constant 96 : index
    %get3A_65 = tpu.vector_load %arg9[%get3A_63, %get3A_64] {strides = array<i32>} : memref<2x128xf32, #tpu.memory_space<vmem>>, vector<1x16xf32>,
    %get3A_66 = vector.shape_cast %get3A_65 : vector<1x16xf32> to vector<16xf32>
    %get3A_67 = arith.constant 0 : i32
    %get3A_68 = arith.index_cast %get3A_67 : i32 to index
    %get3A_69 = arith.constant 112 : index
    %get3A_70 = tpu.vector_load %arg9[%get3A_68, %get3A_69] {strides = array<i32>} : memref<2x128xf32, #tpu.memory_space<vmem>>, vector<1x16xf32>,
    %get3A_71 = vector.shape_cast %get3A_70 : vector<1x16xf32> to vector<16xf32>
    %get3A_72 = arith.constant 1 : i32
    %get3A_73 = arith.index_cast %get3A_72 : i32 to index
    %get3A_74 = arith.constant 0 : index
    %get3A_75 = tpu.vector_load %arg9[%get3A_73, %get3A_74] {strides = array<i32>} : memref<2x128xf32, #tpu.memory_space<vmem>>, vector<1x16xf32>,
    %get3A_76 = vector.shape_cast %get3A_75 : vector<1x16xf32> to vector<16xf32>
    %get3A_77 = arith.constant 1 : i32
    %get3A_78 = arith.index_cast %get3A_77 : i32 to index
    %get3A_79 = arith.constant 16 : index
    %get3A_80 = tpu.vector_load %arg9[%get3A_78, %get3A_79] {strides = array<i32>} : memref<2x128xf32, #tpu.memory_space<vmem>>, vector<1x16xf32>,
    %get3A_81 = vector.shape_cast %get3A_80 : vector<1x16xf32> to vector<16xf32>
    %get3A_82 = arith.constant 1 : i32
    %get3A_83 = arith.index_cast %get3A_82 : i32 to index
    %get3A_84 = arith.constant 32 : index
    %get3A_85 = tpu.vector_load %arg9[%get3A_83, %get3A_84] {strides = array<i32>} : memref<2x128xf32, #tpu.memory_space<vmem>>, vector<1x16xf32>,
    %get3A_86 = vector.shape_cast %get3A_85 : vector<1x16xf32> to vector<16xf32>
    %get3A_87 = arith.constant 1 : i32
    %get3A_88 = arith.index_cast %get3A_87 : i32 to index
    %get3A_89 = arith.constant 48 : index
    %get3A_90 = tpu.vector_load %arg9[%get3A_88, %get3A_89] {strides = array<i32>} : memref<2x128xf32, #tpu.memory_space<vmem>>, vector<1x16xf32>,
    %get3A_91 = vector.shape_cast %get3A_90 : vector<1x16xf32> to vector<16xf32>
    %get3A_92 = arith.constant 1 : i32
    %get3A_93 = arith.index_cast %get3A_92 : i32 to index
    %get3A_94 = arith.constant 64 : index
    %get3A_95 = tpu.vector_load %arg9[%get3A_93, %get3A_94] {strides = array<i32>} : memref<2x128xf32, #tpu.memory_space<vmem>>, vector<1x16xf32>,
    %get3A_96 = vector.shape_cast %get3A_95 : vector<1x16xf32> to vector<16xf32>
    %get3A_97 = arith.constant 1 : i32
    %get3A_98 = arith.index_cast %get3A_97 : i32 to index
    %get3A_99 = arith.constant 80 : index
    %get3A_100 = tpu.vector_load %arg9[%get3A_98, %get3A_99] {strides = array<i32>} : memref<2x128xf32, #tpu.memory_space<vmem>>, vector<1x16xf32>,
    %get3A_101 = vector.shape_cast %get3A_100 : vector<1x16xf32> to vector<16xf32>
    %get3A_102 = arith.constant 1 : i32
    %get3A_103 = arith.index_cast %get3A_102 : i32 to index
    %get3A_104 = arith.constant 96 : index
    %get3A_105 = tpu.vector_load %arg9[%get3A_103, %get3A_104] {strides = array<i32>} : memref<2x128xf32, #tpu.memory_space<vmem>>, vector<1x16xf32>,
    %get3A_106 = vector.shape_cast %get3A_105 : vector<1x16xf32> to vector<16xf32>
    %get3A_107 = arith.constant 1 : i32
    %get3A_108 = arith.index_cast %get3A_107 : i32 to index
    %get3A_109 = arith.constant 112 : index
    %get3A_110 = tpu.vector_load %arg9[%get3A_108, %get3A_109] {strides = array<i32>} : memref<2x128xf32, #tpu.memory_space<vmem>>, vector<1x16xf32>,
    %get3A_111 = vector.shape_cast %get3A_110 : vector<1x16xf32> to vector<16xf32>
    %parallel_loop3A = arith.constant 0 : i32
    %parallel_loop3A_112 = arith.constant 200 : i32
    %parallel_loop3A_113 = arith.constant 1 : i32
    scf.for %parallel_loop3A_176 = %parallel_loop3A to %parallel_loop3A_112 step %parallel_loop3A_113  : i32 {
      %parallel_loop3A_177 = arith.index_cast %parallel_loop3A_176 : i32 to index
      %parallel_loop3A_178 = arith.constant 0 : index
      %parallel_loop3A_179 = tpu.vector_load %arg8[%parallel_loop3A_177, %parallel_loop3A_178] {strides = array<i32>} : memref<400x128xf32, #tpu.memory_space<vmem>>, vector<1x16xf32>,
      %parallel_loop3A_180 = vector.shape_cast %parallel_loop3A_179 : vector<1x16xf32> to vector<16xf32>
      %parallel_loop3A_181 = arith.addf %parallel_loop3A_180, %get3A_76 : vector<16xf32>
      %parallel_loop3A_182 = arith.constant 200 : i32
      %parallel_loop3A_183 = arith.addi %parallel_loop3A_182, %parallel_loop3A_176 : i32
      %parallel_loop3A_184 = arith.index_cast %parallel_loop3A_183 : i32 to index
      %parallel_loop3A_185 = arith.constant 0 : index
      %parallel_loop3A_186 = tpu.vector_load %arg8[%parallel_loop3A_184, %parallel_loop3A_185] {strides = array<i32>} : memref<400x128xf32, #tpu.memory_space<vmem>>, vector<1x16xf32>,
      %parallel_loop3A_187 = vector.shape_cast %parallel_loop3A_186 : vector<1x16xf32> to vector<16xf32>
      %parallel_loop3A_188 = vector.shape_cast %parallel_loop3A_181 : vector<16xf32> to vector<1x16xf32>
      tpu.vector_store %arg8[%parallel_loop3A_184, %parallel_loop3A_185], %parallel_loop3A_188 {strides = array<i32>} : memref<400x128xf32, #tpu.memory_space<vmem>>, vector<1x16xf32>,
      %parallel_loop3A_189 = arith.addf %parallel_loop3A_180, %get3A_36 : vector<16xf32>
      %parallel_loop3A_190 = arith.index_cast %parallel_loop3A_176 : i32 to index
      %parallel_loop3A_191 = arith.constant 0 : index
      %parallel_loop3A_192 = tpu.vector_load %arg8[%parallel_loop3A_190, %parallel_loop3A_191] {strides = array<i32>} : memref<400x128xf32, #tpu.memory_space<vmem>>, vector<1x16xf32>,
      %parallel_loop3A_193 = vector.shape_cast %parallel_loop3A_192 : vector<1x16xf32> to vector<16xf32>
      %parallel_loop3A_194 = vector.shape_cast %parallel_loop3A_189 : vector<16xf32> to vector<1x16xf32>
      tpu.vector_store %arg8[%parallel_loop3A_190, %parallel_loop3A_191], %parallel_loop3A_194 {strides = array<i32>} : memref<400x128xf32, #tpu.memory_space<vmem>>, vector<1x16xf32>,
      %parallel_loop3A_195 = arith.index_cast %parallel_loop3A_176 : i32 to index
      %parallel_loop3A_196 = arith.constant 16 : index
      %parallel_loop3A_197 = tpu.vector_load %arg8[%parallel_loop3A_195, %parallel_loop3A_196] {strides = array<i32>} : memref<400x128xf32, #tpu.memory_space<vmem>>, vector<1x16xf32>,
      %parallel_loop3A_198 = vector.shape_cast %parallel_loop3A_197 : vector<1x16xf32> to vector<16xf32>
      %parallel_loop3A_199 = arith.addf %parallel_loop3A_198, %get3A_81 : vector<16xf32>
      %parallel_loop3A_200 = arith.constant 200 : i32
      %parallel_loop3A_201 = arith.addi %parallel_loop3A_200, %parallel_loop3A_176 : i32
      %parallel_loop3A_202 = arith.index_cast %parallel_loop3A_201 : i32 to index
      %parallel_loop3A_203 = arith.constant 16 : index
      %parallel_loop3A_204 = tpu.vector_load %arg8[%parallel_loop3A_202, %parallel_loop3A_203] {strides = array<i32>} : memref<400x128xf32, #tpu.memory_space<vmem>>, vector<1x16xf32>,
      %parallel_loop3A_205 = vector.shape_cast %parallel_loop3A_204 : vector<1x16xf32> to vector<16xf32>
      %parallel_loop3A_206 = vector.shape_cast %parallel_loop3A_199 : vector<16xf32> to vector<1x16xf32>
      tpu.vector_store %arg8[%parallel_loop3A_202, %parallel_loop3A_203], %parallel_loop3A_206 {strides = array<i32>} : memref<400x128xf32, #tpu.memory_space<vmem>>, vector<1x16xf32>,
      %parallel_loop3A_207 = arith.addf %parallel_loop3A_198, %get3A_41 : vector<16xf32>
      %parallel_loop3A_208 = arith.index_cast %parallel_loop3A_176 : i32 to index
      %parallel_loop3A_209 = arith.constant 16 : index
      %parallel_loop3A_210 = tpu.vector_load %arg8[%parallel_loop3A_208, %parallel_loop3A_209] {strides = array<i32>} : memref<400x128xf32, #tpu.memory_space<vmem>>, vector<1x16xf32>,
      %parallel_loop3A_211 = vector.shape_cast %parallel_loop3A_210 : vector<1x16xf32> to vector<16xf32>
      %parallel_loop3A_212 = vector.shape_cast %parallel_loop3A_207 : vector<16xf32> to vector<1x16xf32>
      tpu.vector_store %arg8[%parallel_loop3A_208, %parallel_loop3A_209], %parallel_loop3A_212 {strides = array<i32>} : memref<400x128xf32, #tpu.memory_space<vmem>>, vector<1x16xf32>,
      %parallel_loop3A_213 = arith.index_cast %parallel_loop3A_176 : i32 to index
      %parallel_loop3A_214 = arith.constant 32 : index
      %parallel_loop3A_215 = tpu.vector_load %arg8[%parallel_loop3A_213, %parallel_loop3A_214] {strides = array<i32>} : memref<400x128xf32, #tpu.memory_space<vmem>>, vector<1x16xf32>,
      %parallel_loop3A_216 = vector.shape_cast %parallel_loop3A_215 : vector<1x16xf32> to vector<16xf32>
      %parallel_loop3A_217 = arith.addf %parallel_loop3A_216, %get3A_86 : vector<16xf32>
      %parallel_loop3A_218 = arith.constant 200 : i32
      %parallel_loop3A_219 = arith.addi %parallel_loop3A_218, %parallel_loop3A_176 : i32
      %parallel_loop3A_220 = arith.index_cast %parallel_loop3A_219 : i32 to index
      %parallel_loop3A_221 = arith.constant 32 : index
      %parallel_loop3A_222 = tpu.vector_load %arg8[%parallel_loop3A_220, %parallel_loop3A_221] {strides = array<i32>} : memref<400x128xf32, #tpu.memory_space<vmem>>, vector<1x16xf32>,
      %parallel_loop3A_223 = vector.shape_cast %parallel_loop3A_222 : vector<1x16xf32> to vector<16xf32>
      %parallel_loop3A_224 = vector.shape_cast %parallel_loop3A_217 : vector<16xf32> to vector<1x16xf32>
      tpu.vector_store %arg8[%parallel_loop3A_220, %parallel_loop3A_221], %parallel_loop3A_224 {strides = array<i32>} : memref<400x128xf32, #tpu.memory_space<vmem>>, vector<1x16xf32>,
      %parallel_loop3A_225 = arith.addf %parallel_loop3A_216, %get3A_46 : vector<16xf32>
      %parallel_loop3A_226 = arith.index_cast %parallel_loop3A_176 : i32 to index
      %parallel_loop3A_227 = arith.constant 32 : index
      %parallel_loop3A_228 = tpu.vector_load %arg8[%parallel_loop3A_226, %parallel_loop3A_227] {strides = array<i32>} : memref<400x128xf32, #tpu.memory_space<vmem>>, vector<1x16xf32>,
      %parallel_loop3A_229 = vector.shape_cast %parallel_loop3A_228 : vector<1x16xf32> to vector<16xf32>
      %parallel_loop3A_230 = vector.shape_cast %parallel_loop3A_225 : vector<16xf32> to vector<1x16xf32>
      tpu.vector_store %arg8[%parallel_loop3A_226, %parallel_loop3A_227], %parallel_loop3A_230 {strides = array<i32>} : memref<400x128xf32, #tpu.memory_space<vmem>>, vector<1x16xf32>,
      %parallel_loop3A_231 = arith.index_cast %parallel_loop3A_176 : i32 to index
      %parallel_loop3A_232 = arith.constant 48 : index
      %parallel_loop3A_233 = tpu.vector_load %arg8[%parallel_loop3A_231, %parallel_loop3A_232] {strides = array<i32>} : memref<400x128xf32, #tpu.memory_space<vmem>>, vector<1x16xf32>,
      %parallel_loop3A_234 = vector.shape_cast %parallel_loop3A_233 : vector<1x16xf32> to vector<16xf32>
      %parallel_loop3A_235 = arith.addf %parallel_loop3A_234, %get3A_91 : vector<16xf32>
      %parallel_loop3A_236 = arith.constant 200 : i32
      %parallel_loop3A_237 = arith.addi %parallel_loop3A_236, %parallel_loop3A_176 : i32
      %parallel_loop3A_238 = arith.index_cast %parallel_loop3A_237 : i32 to index
      %parallel_loop3A_239 = arith.constant 48 : index
      %parallel_loop3A_240 = tpu.vector_load %arg8[%parallel_loop3A_238, %parallel_loop3A_239] {strides = array<i32>} : memref<400x128xf32, #tpu.memory_space<vmem>>, vector<1x16xf32>,
      %parallel_loop3A_241 = vector.shape_cast %parallel_loop3A_240 : vector<1x16xf32> to vector<16xf32>
      %parallel_loop3A_242 = vector.shape_cast %parallel_loop3A_235 : vector<16xf32> to vector<1x16xf32>
      tpu.vector_store %arg8[%parallel_loop3A_238, %parallel_loop3A_239], %parallel_loop3A_242 {strides = array<i32>} : memref<400x128xf32, #tpu.memory_space<vmem>>, vector<1x16xf32>,
      %parallel_loop3A_243 = arith.addf %parallel_loop3A_234, %get3A_51 : vector<16xf32>
      %parallel_loop3A_244 = arith.index_cast %parallel_loop3A_176 : i32 to index
      %parallel_loop3A_245 = arith.constant 48 : index
      %parallel_loop3A_246 = tpu.vector_load %arg8[%parallel_loop3A_244, %parallel_loop3A_245] {strides = array<i32>} : memref<400x128xf32, #tpu.memory_space<vmem>>, vector<1x16xf32>,
      %parallel_loop3A_247 = vector.shape_cast %parallel_loop3A_246 : vector<1x16xf32> to vector<16xf32>
      %parallel_loop3A_248 = vector.shape_cast %parallel_loop3A_243 : vector<16xf32> to vector<1x16xf32>
      tpu.vector_store %arg8[%parallel_loop3A_244, %parallel_loop3A_245], %parallel_loop3A_248 {strides = array<i32>} : memref<400x128xf32, #tpu.memory_space<vmem>>, vector<1x16xf32>,
      %parallel_loop3A_249 = arith.index_cast %parallel_loop3A_176 : i32 to index
      %parallel_loop3A_250 = arith.constant 64 : index
      %parallel_loop3A_251 = tpu.vector_load %arg8[%parallel_loop3A_249, %parallel_loop3A_250] {strides = array<i32>} : memref<400x128xf32, #tpu.memory_space<vmem>>, vector<1x16xf32>,
      %parallel_loop3A_252 = vector.shape_cast %parallel_loop3A_251 : vector<1x16xf32> to vector<16xf32>
      %parallel_loop3A_253 = arith.addf %parallel_loop3A_252, %get3A_96 : vector<16xf32>
      %parallel_loop3A_254 = arith.constant 200 : i32
      %parallel_loop3A_255 = arith.addi %parallel_loop3A_254, %parallel_loop3A_176 : i32
      %parallel_loop3A_256 = arith.index_cast %parallel_loop3A_255 : i32 to index
      %parallel_loop3A_257 = arith.constant 64 : index
      %parallel_loop3A_258 = tpu.vector_load %arg8[%parallel_loop3A_256, %parallel_loop3A_257] {strides = array<i32>} : memref<400x128xf32, #tpu.memory_space<vmem>>, vector<1x16xf32>,
      %parallel_loop3A_259 = vector.shape_cast %parallel_loop3A_258 : vector<1x16xf32> to vector<16xf32>
      %parallel_loop3A_260 = vector.shape_cast %parallel_loop3A_253 : vector<16xf32> to vector<1x16xf32>
      tpu.vector_store %arg8[%parallel_loop3A_256, %parallel_loop3A_257], %parallel_loop3A_260 {strides = array<i32>} : memref<400x128xf32, #tpu.memory_space<vmem>>, vector<1x16xf32>,
      %parallel_loop3A_261 = arith.addf %parallel_loop3A_252, %get3A_56 : vector<16xf32>
      %parallel_loop3A_262 = arith.index_cast %parallel_loop3A_176 : i32 to index
      %parallel_loop3A_263 = arith.constant 64 : index
      %parallel_loop3A_264 = tpu.vector_load %arg8[%parallel_loop3A_262, %parallel_loop3A_263] {strides = array<i32>} : memref<400x128xf32, #tpu.memory_space<vmem>>, vector<1x16xf32>,
      %parallel_loop3A_265 = vector.shape_cast %parallel_loop3A_264 : vector<1x16xf32> to vector<16xf32>
      %parallel_loop3A_266 = vector.shape_cast %parallel_loop3A_261 : vector<16xf32> to vector<1x16xf32>
      tpu.vector_store %arg8[%parallel_loop3A_262, %parallel_loop3A_263], %parallel_loop3A_266 {strides = array<i32>} : memref<400x128xf32, #tpu.memory_space<vmem>>, vector<1x16xf32>,
      %parallel_loop3A_267 = arith.index_cast %parallel_loop3A_176 : i32 to index
      %parallel_loop3A_268 = arith.constant 80 : index
      %parallel_loop3A_269 = tpu.vector_load %arg8[%parallel_loop3A_267, %parallel_loop3A_268] {strides = array<i32>} : memref<400x128xf32, #tpu.memory_space<vmem>>, vector<1x16xf32>,
      %parallel_loop3A_270 = vector.shape_cast %parallel_loop3A_269 : vector<1x16xf32> to vector<16xf32>
      %parallel_loop3A_271 = arith.addf %parallel_loop3A_270, %get3A_101 : vector<16xf32>
      %parallel_loop3A_272 = arith.constant 200 : i32
      %parallel_loop3A_273 = arith.addi %parallel_loop3A_272, %parallel_loop3A_176 : i32
      %parallel_loop3A_274 = arith.index_cast %parallel_loop3A_273 : i32 to index
      %parallel_loop3A_275 = arith.constant 80 : index
      %parallel_loop3A_276 = tpu.vector_load %arg8[%parallel_loop3A_274, %parallel_loop3A_275] {strides = array<i32>} : memref<400x128xf32, #tpu.memory_space<vmem>>, vector<1x16xf32>,
      %parallel_loop3A_277 = vector.shape_cast %parallel_loop3A_276 : vector<1x16xf32> to vector<16xf32>
      %parallel_loop3A_278 = vector.shape_cast %parallel_loop3A_271 : vector<16xf32> to vector<1x16xf32>
      tpu.vector_store %arg8[%parallel_loop3A_274, %parallel_loop3A_275], %parallel_loop3A_278 {strides = array<i32>} : memref<400x128xf32, #tpu.memory_space<vmem>>, vector<1x16xf32>,
      %parallel_loop3A_279 = arith.addf %parallel_loop3A_270, %get3A_61 : vector<16xf32>
      %parallel_loop3A_280 = arith.index_cast %parallel_loop3A_176 : i32 to index
      %parallel_loop3A_281 = arith.constant 80 : index
      %parallel_loop3A_282 = tpu.vector_load %arg8[%parallel_loop3A_280, %parallel_loop3A_281] {strides = array<i32>} : memref<400x128xf32, #tpu.memory_space<vmem>>, vector<1x16xf32>,
      %parallel_loop3A_283 = vector.shape_cast %parallel_loop3A_282 : vector<1x16xf32> to vector<16xf32>
      %parallel_loop3A_284 = vector.shape_cast %parallel_loop3A_279 : vector<16xf32> to vector<1x16xf32>
      tpu.vector_store %arg8[%parallel_loop3A_280, %parallel_loop3A_281], %parallel_loop3A_284 {strides = array<i32>} : memref<400x128xf32, #tpu.memory_space<vmem>>, vector<1x16xf32>,
      %parallel_loop3A_285 = arith.index_cast %parallel_loop3A_176 : i32 to index
      %parallel_loop3A_286 = arith.constant 96 : index
      %parallel_loop3A_287 = tpu.vector_load %arg8[%parallel_loop3A_285, %parallel_loop3A_286] {strides = array<i32>} : memref<400x128xf32, #tpu.memory_space<vmem>>, vector<1x16xf32>,
      %parallel_loop3A_288 = vector.shape_cast %parallel_loop3A_287 : vector<1x16xf32> to vector<16xf32>
      %parallel_loop3A_289 = arith.addf %parallel_loop3A_288, %get3A_106 : vector<16xf32>
      %parallel_loop3A_290 = arith.constant 200 : i32
      %parallel_loop3A_291 = arith.addi %parallel_loop3A_290, %parallel_loop3A_176 : i32
      %parallel_loop3A_292 = arith.index_cast %parallel_loop3A_291 : i32 to index
      %parallel_loop3A_293 = arith.constant 96 : index
      %parallel_loop3A_294 = tpu.vector_load %arg8[%parallel_loop3A_292, %parallel_loop3A_293] {strides = array<i32>} : memref<400x128xf32, #tpu.memory_space<vmem>>, vector<1x16xf32>,
      %parallel_loop3A_295 = vector.shape_cast %parallel_loop3A_294 : vector<1x16xf32> to vector<16xf32>
      %parallel_loop3A_296 = vector.shape_cast %parallel_loop3A_289 : vector<16xf32> to vector<1x16xf32>
      tpu.vector_store %arg8[%parallel_loop3A_292, %parallel_loop3A_293], %parallel_loop3A_296 {strides = array<i32>} : memref<400x128xf32, #tpu.memory_space<vmem>>, vector<1x16xf32>,
      %parallel_loop3A_297 = arith.addf %parallel_loop3A_288, %get3A_66 : vector<16xf32>
      %parallel_loop3A_298 = arith.index_cast %parallel_loop3A_176 : i32 to index
      %parallel_loop3A_299 = arith.constant 96 : index
      %parallel_loop3A_300 = tpu.vector_load %arg8[%parallel_loop3A_298, %parallel_loop3A_299] {strides = array<i32>} : memref<400x128xf32, #tpu.memory_space<vmem>>, vector<1x16xf32>,
      %parallel_loop3A_301 = vector.shape_cast %parallel_loop3A_300 : vector<1x16xf32> to vector<16xf32>
      %parallel_loop3A_302 = vector.shape_cast %parallel_loop3A_297 : vector<16xf32> to vector<1x16xf32>
      tpu.vector_store %arg8[%parallel_loop3A_298, %parallel_loop3A_299], %parallel_loop3A_302 {strides = array<i32>} : memref<400x128xf32, #tpu.memory_space<vmem>>, vector<1x16xf32>,
      %parallel_loop3A_303 = arith.index_cast %parallel_loop3A_176 : i32 to index
      %parallel_loop3A_304 = arith.constant 112 : index
      %parallel_loop3A_305 = tpu.vector_load %arg8[%parallel_loop3A_303, %parallel_loop3A_304] {strides = array<i32>} : memref<400x128xf32, #tpu.memory_space<vmem>>, vector<1x16xf32>,
      %parallel_loop3A_306 = vector.shape_cast %parallel_loop3A_305 : vector<1x16xf32> to vector<16xf32>
      %parallel_loop3A_307 = arith.addf %parallel_loop3A_306, %get3A_111 : vector<16xf32>
      %parallel_loop3A_308 = arith.constant 200 : i32
      %parallel_loop3A_309 = arith.addi %parallel_loop3A_308, %parallel_loop3A_176 : i32
      %parallel_loop3A_310 = arith.index_cast %parallel_loop3A_309 : i32 to index
      %parallel_loop3A_311 = arith.constant 112 : index
      %parallel_loop3A_312 = tpu.vector_load %arg8[%parallel_loop3A_310, %parallel_loop3A_311] {strides = array<i32>} : memref<400x128xf32, #tpu.memory_space<vmem>>, vector<1x16xf32>,
      %parallel_loop3A_313 = vector.shape_cast %parallel_loop3A_312 : vector<1x16xf32> to vector<16xf32>
      %parallel_loop3A_314 = vector.shape_cast %parallel_loop3A_307 : vector<16xf32> to vector<1x16xf32>
      tpu.vector_store %arg8[%parallel_loop3A_310, %parallel_loop3A_311], %parallel_loop3A_314 {strides = array<i32>} : memref<400x128xf32, #tpu.memory_space<vmem>>, vector<1x16xf32>,
      %parallel_loop3A_315 = arith.addf %parallel_loop3A_306, %get3A_71 : vector<16xf32>
      %parallel_loop3A_316 = arith.index_cast %parallel_loop3A_176 : i32 to index
      %parallel_loop3A_317 = arith.constant 112 : index
      %parallel_loop3A_318 = tpu.vector_load %arg8[%parallel_loop3A_316, %parallel_loop3A_317] {strides = array<i32>} : memref<400x128xf32, #tpu.memory_space<vmem>>, vector<1x16xf32>,
      %parallel_loop3A_319 = vector.shape_cast %parallel_loop3A_318 : vector<1x16xf32> to vector<16xf32>
      %parallel_loop3A_320 = vector.shape_cast %parallel_loop3A_315 : vector<16xf32> to vector<1x16xf32>
      tpu.vector_store %arg8[%parallel_loop3A_316, %parallel_loop3A_317], %parallel_loop3A_320 {strides = array<i32>} : memref<400x128xf32, #tpu.memory_space<vmem>>, vector<1x16xf32>,
    } {sc.loop_unroll_factor = 1 : i64, sc.parallel_access}
    %scan3A = arith.constant 0 : i32
    %scan3A_114 = arith.constant 0 : i32
    %scan3A_115 = arith.constant 50 : i32
    %scan3A_116 = arith.addi %scan3A_114, %scan3A_115 : i32
    %scan3A_117 = arith.constant 1 : i32
    %scan3A_118 = scf.for %scan3A_176 = %scan3A_114 to %scan3A_116 step %scan3A_117 iter_args(%scan3A_177 = %scan3A) -> (i32)  : i32 {
      %rem3A_178 = arith.constant 3 : i32
      %rem3A_179 = arith.remsi %scan3A_176, %rem3A_178 : i32
      %mul3A_180 = arith.constant 128 : i32
      %mul3A_181 = arith.muli %scan3A_176, %mul3A_180 : i32
      %add3A_182 = arith.addi %mul3A_2, %mul3A_181 : i32
      %mul3A_183 = arith.constant 128 : i32
      %mul3A_184 = arith.muli %rem3A_179, %mul3A_183 : i32
      %dma_wait3A_185 = arith.constant 0 : i32
      %dma_wait3A_186 = tpu.memref_slice %arg12[%mul3A_184, %dma_wait3A_185] : memref<384x128xf32, #tpu.memory_space<vmem>> -> memref<128x128xf32, #tpu.memory_space<vmem>>
      %dma_wait3A_187 = arith.constant 0 : i32
      %dma_wait3A_188 = tpu.memref_slice %arg10[%scan3A_176, %dma_wait3A_187] : memref<50x128xi32, #tpu.memory_space<vmem>> -> memref<1x128xi32, #tpu.memory_space<vmem>>
      %dma_wait3A_189 = tpu.memref_squeeze %dma_wait3A_188 : memref<1x128xi32, #tpu.memory_space<vmem>> -> memref<128xi32, #tpu.memory_space<vmem>>
      %dma_wait3A_190 = arith.constant 0 : i32
      %dma_wait3A_191 = arith.constant 0 : i32
      %dma_wait3A_192 = tpu.memref_slice %arg2[%dma_wait3A_190, %dma_wait3A_191] : memref<100000x128xf32, #tpu.memory_space<hbm>> -> memref<100000x128xf32, #tpu.memory_space<hbm>>
      %dma_wait3A_193 = tpu.memref_slice %arg13[%rem3A_179] : memref<3x!tpu.dma_semaphore, #tpu.memory_space<semaphore_mem>> -> memref<1x!tpu.dma_semaphore, #tpu.memory_space<semaphore_mem>>
      %dma_wait3A_194 = tpu.memref_squeeze %dma_wait3A_193 : memref<1x!tpu.dma_semaphore, #tpu.memory_space<semaphore_mem>> -> memref<!tpu.dma_semaphore, #tpu.memory_space<semaphore_mem>>
      tpu.wait_indirect_dma semaphore(%dma_wait3A_194 : memref<!tpu.dma_semaphore, #tpu.memory_space<semaphore_mem>>) src(%dma_wait3A_192 : memref<100000x128xf32, #tpu.memory_space<hbm>>) dst(%dma_wait3A_186 : memref<128x128xf32, #tpu.memory_space<vmem>>)
      %parallel_loop3A_195 = arith.constant 0 : i32
      %parallel_loop3A_196 = arith.constant 16 : i32
      %parallel_loop3A_197 = arith.constant 1 : i32
      scf.for %parallel_loop3A_218 = %parallel_loop3A_195 to %parallel_loop3A_196 step %parallel_loop3A_197  : i32 {
        %parallel_loop3A_219 = arith.constant 1 : i32
        %parallel_loop3A_220 = arith.shrsi %parallel_loop3A_218, %parallel_loop3A_219 : i32
        %parallel_loop3A_221 = arith.constant 1 : i32
        %parallel_loop3A_222 = arith.andi %parallel_loop3A_218, %parallel_loop3A_221 : i32
        %parallel_loop3A_223 = arith.constant 16 : i32
        %parallel_loop3A_224 = arith.muli %parallel_loop3A_220, %parallel_loop3A_223 : i32
        %parallel_loop3A_225 = arith.index_cast %scan3A_176 : i32 to index
        %parallel_loop3A_226 = arith.index_cast %parallel_loop3A_224 : i32 to index
        %parallel_loop3A_227 = tpu.vector_load %arg11[%parallel_loop3A_225, %parallel_loop3A_226] {strides = array<i32>} : memref<50x128xi32, #tpu.memory_space<vmem>>, vector<1x16xi32>,
        %parallel_loop3A_228 = vector.shape_cast %parallel_loop3A_227 : vector<1x16xi32> to vector<16xi32>
        %parallel_loop3A_229 = arith.constant 16 : i32
        %parallel_loop3A_230 = arith.muli %parallel_loop3A_220, %parallel_loop3A_229 : i32
        %parallel_loop3A_231 = arith.constant 0 : i32
        %parallel_loop3A_232 = arith.addi %parallel_loop3A_230, %parallel_loop3A_231 : i32
        %parallel_loop3A_233 = arith.constant 16 : i32
        %parallel_loop3A_234 = arith.muli %parallel_loop3A_220, %parallel_loop3A_233 : i32
        %parallel_loop3A_235 = arith.addi %scan3A_177, %parallel_loop3A_234 : i32
        %parallel_loop3A_236 = arith.constant 0 : i32
        %parallel_loop3A_237 = arith.addi %parallel_loop3A_235, %parallel_loop3A_236 : i32
        %parallel_loop3A_238 = arith.constant 200 : i32
        %parallel_loop3A_239 = arith.cmpi sge, %parallel_loop3A_237, %parallel_loop3A_238 : i32
        %parallel_loop3A_240 = arith.constant 200 : i32
        %parallel_loop3A_241 = arith.subi %parallel_loop3A_237, %parallel_loop3A_240 : i32
        %parallel_loop3A_242 = arith.select %parallel_loop3A_239, %parallel_loop3A_241, %parallel_loop3A_237 : i32
        %parallel_loop3A_243 = vector.extract_strided_slice %parallel_loop3A_228 {offsets = [0], sizes = [1], strides = [1]} : vector<16xi32> to vector<1xi32>
        %parallel_loop3A_244 = vector.extract %parallel_loop3A_243[0] : i32 from vector<1xi32>
        %parallel_loop3A_245 = arith.constant 200 : i32
        %parallel_loop3A_246 = arith.muli %parallel_loop3A_244, %parallel_loop3A_245 : i32
        %parallel_loop3A_247 = arith.addi %parallel_loop3A_246, %parallel_loop3A_242 : i32
        %parallel_loop3A_248 = arith.constant 128 : i32
        %parallel_loop3A_249 = arith.muli %rem3A_179, %parallel_loop3A_248 : i32
        %parallel_loop3A_250 = arith.addi %parallel_loop3A_249, %parallel_loop3A_232 : i32
        %parallel_loop3A_251 = arith.constant 4 : i32
        %parallel_loop3A_252 = arith.muli %parallel_loop3A_222, %parallel_loop3A_251 : i32
        %parallel_loop3A_253 = arith.constant 0 : i32
        %parallel_loop3A_254 = arith.addi %parallel_loop3A_252, %parallel_loop3A_253 : i32
        %parallel_loop3A_255 = arith.constant 16 : i32
        %parallel_loop3A_256 = arith.muli %parallel_loop3A_254, %parallel_loop3A_255 : i32
        %parallel_loop3A_257 = arith.index_cast %parallel_loop3A_247 : i32 to index
        %parallel_loop3A_258 = arith.index_cast %parallel_loop3A_256 : i32 to index
        %parallel_loop3A_259 = tpu.vector_load %arg8[%parallel_loop3A_257, %parallel_loop3A_258] {strides = array<i32>} : memref<400x128xf32, #tpu.memory_space<vmem>>, vector<1x16xf32>,
        %parallel_loop3A_260 = vector.shape_cast %parallel_loop3A_259 : vector<1x16xf32> to vector<16xf32>
        %parallel_loop3A_261 = arith.constant 16 : i32
        %parallel_loop3A_262 = arith.muli %parallel_loop3A_254, %parallel_loop3A_261 : i32
        %parallel_loop3A_263 = arith.index_cast %parallel_loop3A_250 : i32 to index
        %parallel_loop3A_264 = arith.index_cast %parallel_loop3A_262 : i32 to index
        %parallel_loop3A_265 = tpu.vector_load %arg12[%parallel_loop3A_263, %parallel_loop3A_264] {strides = array<i32>} : memref<384x128xf32, #tpu.memory_space<vmem>>, vector<1x16xf32>,
        %parallel_loop3A_266 = vector.shape_cast %parallel_loop3A_265 : vector<1x16xf32> to vector<16xf32>
        %parallel_loop3A_267 = vector.shape_cast %parallel_loop3A_260 : vector<16xf32> to vector<1x16xf32>
        tpu.vector_store %arg12[%parallel_loop3A_263, %parallel_loop3A_264], %parallel_loop3A_267 {add = true, strides = array<i32>} : memref<384x128xf32, #tpu.memory_space<vmem>>, vector<1x16xf32>,
        %parallel_loop3A_268 = arith.constant 4 : i32
        %parallel_loop3A_269 = arith.muli %parallel_loop3A_222, %parallel_loop3A_268 : i32
        %parallel_loop3A_270 = arith.constant 1 : i32
        %parallel_loop3A_271 = arith.addi %parallel_loop3A_269, %parallel_loop3A_270 : i32
        %parallel_loop3A_272 = arith.constant 16 : i32
        %parallel_loop3A_273 = arith.muli %parallel_loop3A_271, %parallel_loop3A_272 : i32
        %parallel_loop3A_274 = arith.index_cast %parallel_loop3A_247 : i32 to index
        %parallel_loop3A_275 = arith.index_cast %parallel_loop3A_273 : i32 to index
        %parallel_loop3A_276 = tpu.vector_load %arg8[%parallel_loop3A_274, %parallel_loop3A_275] {strides = array<i32>} : memref<400x128xf32, #tpu.memory_space<vmem>>, vector<1x16xf32>,
        %parallel_loop3A_277 = vector.shape_cast %parallel_loop3A_276 : vector<1x16xf32> to vector<16xf32>
        %parallel_loop3A_278 = arith.constant 16 : i32
        %parallel_loop3A_279 = arith.muli %parallel_loop3A_271, %parallel_loop3A_278 : i32
        %parallel_loop3A_280 = arith.index_cast %parallel_loop3A_250 : i32 to index
        %parallel_loop3A_281 = arith.index_cast %parallel_loop3A_279 : i32 to index
        %parallel_loop3A_282 = tpu.vector_load %arg12[%parallel_loop3A_280, %parallel_loop3A_281] {strides = array<i32>} : memref<384x128xf32, #tpu.memory_space<vmem>>, vector<1x16xf32>,
        %parallel_loop3A_283 = vector.shape_cast %parallel_loop3A_282 : vector<1x16xf32> to vector<16xf32>
        %parallel_loop3A_284 = vector.shape_cast %parallel_loop3A_277 : vector<16xf32> to vector<1x16xf32>
        tpu.vector_store %arg12[%parallel_loop3A_280, %parallel_loop3A_281], %parallel_loop3A_284 {add = true, strides = array<i32>} : memref<384x128xf32, #tpu.memory_space<vmem>>, vector<1x16xf32>,
        %parallel_loop3A_285 = arith.constant 4 : i32
        %parallel_loop3A_286 = arith.muli %parallel_loop3A_222, %parallel_loop3A_285 : i32
        %parallel_loop3A_287 = arith.constant 2 : i32
        %parallel_loop3A_288 = arith.addi %parallel_loop3A_286, %parallel_loop3A_287 : i32
        %parallel_loop3A_289 = arith.constant 16 : i32
        %parallel_loop3A_290 = arith.muli %parallel_loop3A_288, %parallel_loop3A_289 : i32
        %parallel_loop3A_291 = arith.index_cast %parallel_loop3A_247 : i32 to index
        %parallel_loop3A_292 = arith.index_cast %parallel_loop3A_290 : i32 to index
        %parallel_loop3A_293 = tpu.vector_load %arg8[%parallel_loop3A_291, %parallel_loop3A_292] {strides = array<i32>} : memref<400x128xf32, #tpu.memory_space<vmem>>, vector<1x16xf32>,
        %parallel_loop3A_294 = vector.shape_cast %parallel_loop3A_293 : vector<1x16xf32> to vector<16xf32>
        %parallel_loop3A_295 = arith.constant 16 : i32
        %parallel_loop3A_296 = arith.muli %parallel_loop3A_288, %parallel_loop3A_295 : i32
        %parallel_loop3A_297 = arith.index_cast %parallel_loop3A_250 : i32 to index
        %parallel_loop3A_298 = arith.index_cast %parallel_loop3A_296 : i32 to index
        %parallel_loop3A_299 = tpu.vector_load %arg12[%parallel_loop3A_297, %parallel_loop3A_298] {strides = array<i32>} : memref<384x128xf32, #tpu.memory_space<vmem>>, vector<1x16xf32>,
        %parallel_loop3A_300 = vector.shape_cast %parallel_loop3A_299 : vector<1x16xf32> to vector<16xf32>
        %parallel_loop3A_301 = vector.shape_cast %parallel_loop3A_294 : vector<16xf32> to vector<1x16xf32>
        tpu.vector_store %arg12[%parallel_loop3A_297, %parallel_loop3A_298], %parallel_loop3A_301 {add = true, strides = array<i32>} : memref<384x128xf32, #tpu.memory_space<vmem>>, vector<1x16xf32>,
        %parallel_loop3A_302 = arith.constant 4 : i32
        %parallel_loop3A_303 = arith.muli %parallel_loop3A_222, %parallel_loop3A_302 : i32
        %parallel_loop3A_304 = arith.constant 3 : i32
        %parallel_loop3A_305 = arith.addi %parallel_loop3A_303, %parallel_loop3A_304 : i32
        %parallel_loop3A_306 = arith.constant 16 : i32
        %parallel_loop3A_307 = arith.muli %parallel_loop3A_305, %parallel_loop3A_306 : i32
        %parallel_loop3A_308 = arith.index_cast %parallel_loop3A_247 : i32 to index
        %parallel_loop3A_309 = arith.index_cast %parallel_loop3A_307 : i32 to index
        %parallel_loop3A_310 = tpu.vector_load %arg8[%parallel_loop3A_308, %parallel_loop3A_309] {strides = array<i32>} : memref<400x128xf32, #tpu.memory_space<vmem>>, vector<1x16xf32>,
        %parallel_loop3A_311 = vector.shape_cast %parallel_loop3A_310 : vector<1x16xf32> to vector<16xf32>
        %parallel_loop3A_312 = arith.constant 16 : i32
        %parallel_loop3A_313 = arith.muli %parallel_loop3A_305, %parallel_loop3A_312 : i32
        %parallel_loop3A_314 = arith.index_cast %parallel_loop3A_250 : i32 to index
        %parallel_loop3A_315 = arith.index_cast %parallel_loop3A_313 : i32 to index
        %parallel_loop3A_316 = tpu.vector_load %arg12[%parallel_loop3A_314, %parallel_loop3A_315] {strides = array<i32>} : memref<384x128xf32, #tpu.memory_space<vmem>>, vector<1x16xf32>,
        %parallel_loop3A_317 = vector.shape_cast %parallel_loop3A_316 : vector<1x16xf32> to vector<16xf32>
        %parallel_loop3A_318 = vector.shape_cast %parallel_loop3A_311 : vector<16xf32> to vector<1x16xf32>
        tpu.vector_store %arg12[%parallel_loop3A_314, %parallel_loop3A_315], %parallel_loop3A_318 {add = true, strides = array<i32>} : memref<384x128xf32, #tpu.memory_space<vmem>>, vector<1x16xf32>,
        %parallel_loop3A_319 = arith.constant 16 : i32
        %parallel_loop3A_320 = arith.muli %parallel_loop3A_220, %parallel_loop3A_319 : i32
        %parallel_loop3A_321 = arith.constant 1 : i32
        %parallel_loop3A_322 = arith.addi %parallel_loop3A_320, %parallel_loop3A_321 : i32
        %parallel_loop3A_323 = arith.constant 16 : i32
        %parallel_loop3A_324 = arith.muli %parallel_loop3A_220, %parallel_loop3A_323 : i32
        %parallel_loop3A_325 = arith.addi %scan3A_177, %parallel_loop3A_324 : i32
        %parallel_loop3A_326 = arith.constant 1 : i32
        %parallel_loop3A_327 = arith.addi %parallel_loop3A_325, %parallel_loop3A_326 : i32
        %parallel_loop3A_328 = arith.constant 200 : i32
        %parallel_loop3A_329 = arith.cmpi sge, %parallel_loop3A_327, %parallel_loop3A_328 : i32
        %parallel_loop3A_330 = arith.constant 200 : i32
        %parallel_loop3A_331 = arith.subi %parallel_loop3A_327, %parallel_loop3A_330 : i32
        %parallel_loop3A_332 = arith.select %parallel_loop3A_329, %parallel_loop3A_331, %parallel_loop3A_327 : i32
        %parallel_loop3A_333 = vector.extract_strided_slice %parallel_loop3A_228 {offsets = [1], sizes = [1], strides = [1]} : vector<16xi32> to vector<1xi32>
        %parallel_loop3A_334 = vector.extract %parallel_loop3A_333[0] : i32 from vector<1xi32>
        %parallel_loop3A_335 = arith.constant 200 : i32
        %parallel_loop3A_336 = arith.muli %parallel_loop3A_334, %parallel_loop3A_335 : i32
        %parallel_loop3A_337 = arith.addi %parallel_loop3A_336, %parallel_loop3A_332 : i32
        %parallel_loop3A_338 = arith.constant 128 : i32
        %parallel_loop3A_339 = arith.muli %rem3A_179, %parallel_loop3A_338 : i32
        %parallel_loop3A_340 = arith.addi %parallel_loop3A_339, %parallel_loop3A_322 : i32
        %parallel_loop3A_341 = arith.constant 4 : i32
        %parallel_loop3A_342 = arith.muli %parallel_loop3A_222, %parallel_loop3A_341 : i32
        %parallel_loop3A_343 = arith.constant 0 : i32
        %parallel_loop3A_344 = arith.addi %parallel_loop3A_342, %parallel_loop3A_343 : i32
        %parallel_loop3A_345 = arith.constant 16 : i32
        %parallel_loop3A_346 = arith.muli %parallel_loop3A_344, %parallel_loop3A_345 : i32
        %parallel_loop3A_347 = arith.index_cast %parallel_loop3A_337 : i32 to index
        %parallel_loop3A_348 = arith.index_cast %parallel_loop3A_346 : i32 to index
        %parallel_loop3A_349 = tpu.vector_load %arg8[%parallel_loop3A_347, %parallel_loop3A_348] {strides = array<i32>} : memref<400x128xf32, #tpu.memory_space<vmem>>, vector<1x16xf32>,
        %parallel_loop3A_350 = vector.shape_cast %parallel_loop3A_349 : vector<1x16xf32> to vector<16xf32>
        %parallel_loop3A_351 = arith.constant 16 : i32
        %parallel_loop3A_352 = arith.muli %parallel_loop3A_344, %parallel_loop3A_351 : i32
        %parallel_loop3A_353 = arith.index_cast %parallel_loop3A_340 : i32 to index
        %parallel_loop3A_354 = arith.index_cast %parallel_loop3A_352 : i32 to index
        %parallel_loop3A_355 = tpu.vector_load %arg12[%parallel_loop3A_353, %parallel_loop3A_354] {strides = array<i32>} : memref<384x128xf32, #tpu.memory_space<vmem>>, vector<1x16xf32>,
        %parallel_loop3A_356 = vector.shape_cast %parallel_loop3A_355 : vector<1x16xf32> to vector<16xf32>
        %parallel_loop3A_357 = vector.shape_cast %parallel_loop3A_350 : vector<16xf32> to vector<1x16xf32>
        tpu.vector_store %arg12[%parallel_loop3A_353, %parallel_loop3A_354], %parallel_loop3A_357 {add = true, strides = array<i32>} : memref<384x128xf32, #tpu.memory_space<vmem>>, vector<1x16xf32>,
        %parallel_loop3A_358 = arith.constant 4 : i32
        %parallel_loop3A_359 = arith.muli %parallel_loop3A_222, %parallel_loop3A_358 : i32
        %parallel_loop3A_360 = arith.constant 1 : i32
        %parallel_loop3A_361 = arith.addi %parallel_loop3A_359, %parallel_loop3A_360 : i32
        %parallel_loop3A_362 = arith.constant 16 : i32
        %parallel_loop3A_363 = arith.muli %parallel_loop3A_361, %parallel_loop3A_362 : i32
        %parallel_loop3A_364 = arith.index_cast %parallel_loop3A_337 : i32 to index
        %parallel_loop3A_365 = arith.index_cast %parallel_loop3A_363 : i32 to index
        %parallel_loop3A_366 = tpu.vector_load %arg8[%parallel_loop3A_364, %parallel_loop3A_365] {strides = array<i32>} : memref<400x128xf32, #tpu.memory_space<vmem>>, vector<1x16xf32>,
        %parallel_loop3A_367 = vector.shape_cast %parallel_loop3A_366 : vector<1x16xf32> to vector<16xf32>
        %parallel_loop3A_368 = arith.constant 16 : i32
        %parallel_loop3A_369 = arith.muli %parallel_loop3A_361, %parallel_loop3A_368 : i32
        %parallel_loop3A_370 = arith.index_cast %parallel_loop3A_340 : i32 to index
        %parallel_loop3A_371 = arith.index_cast %parallel_loop3A_369 : i32 to index
        %parallel_loop3A_372 = tpu.vector_load %arg12[%parallel_loop3A_370, %parallel_loop3A_371] {strides = array<i32>} : memref<384x128xf32, #tpu.memory_space<vmem>>, vector<1x16xf32>,
        %parallel_loop3A_373 = vector.shape_cast %parallel_loop3A_372 : vector<1x16xf32> to vector<16xf32>
        %parallel_loop3A_374 = vector.shape_cast %parallel_loop3A_367 : vector<16xf32> to vector<1x16xf32>
        tpu.vector_store %arg12[%parallel_loop3A_370, %parallel_loop3A_371], %parallel_loop3A_374 {add = true, strides = array<i32>} : memref<384x128xf32, #tpu.memory_space<vmem>>, vector<1x16xf32>,
        %parallel_loop3A_375 = arith.constant 4 : i32
        %parallel_loop3A_376 = arith.muli %parallel_loop3A_222, %parallel_loop3A_375 : i32
        %parallel_loop3A_377 = arith.constant 2 : i32
        %parallel_loop3A_378 = arith.addi %parallel_loop3A_376, %parallel_loop3A_377 : i32
        %parallel_loop3A_379 = arith.constant 16 : i32
        %parallel_loop3A_380 = arith.muli %parallel_loop3A_378, %parallel_loop3A_379 : i32
        %parallel_loop3A_381 = arith.index_cast %parallel_loop3A_337 : i32 to index
        %parallel_loop3A_382 = arith.index_cast %parallel_loop3A_380 : i32 to index
        %parallel_loop3A_383 = tpu.vector_load %arg8[%parallel_loop3A_381, %parallel_loop3A_382] {strides = array<i32>} : memref<400x128xf32, #tpu.memory_space<vmem>>, vector<1x16xf32>,
        %parallel_loop3A_384 = vector.shape_cast %parallel_loop3A_383 : vector<1x16xf32> to vector<16xf32>
        %parallel_loop3A_385 = arith.constant 16 : i32
        %parallel_loop3A_386 = arith.muli %parallel_loop3A_378, %parallel_loop3A_385 : i32
        %parallel_loop3A_387 = arith.index_cast %parallel_loop3A_340 : i32 to index
        %parallel_loop3A_388 = arith.index_cast %parallel_loop3A_386 : i32 to index
        %parallel_loop3A_389 = tpu.vector_load %arg12[%parallel_loop3A_387, %parallel_loop3A_388] {strides = array<i32>} : memref<384x128xf32, #tpu.memory_space<vmem>>, vector<1x16xf32>,
        %parallel_loop3A_390 = vector.shape_cast %parallel_loop3A_389 : vector<1x16xf32> to vector<16xf32>
        %parallel_loop3A_391 = vector.shape_cast %parallel_loop3A_384 : vector<16xf32> to vector<1x16xf32>
        tpu.vector_store %arg12[%parallel_loop3A_387, %parallel_loop3A_388], %parallel_loop3A_391 {add = true, strides = array<i32>} : memref<384x128xf32, #tpu.memory_space<vmem>>, vector<1x16xf32>,
        %parallel_loop3A_392 = arith.constant 4 : i32
        %parallel_loop3A_393 = arith.muli %parallel_loop3A_222, %parallel_loop3A_392 : i32
        %parallel_loop3A_394 = arith.constant 3 : i32
        %parallel_loop3A_395 = arith.addi %parallel_loop3A_393, %parallel_loop3A_394 : i32
        %parallel_loop3A_396 = arith.constant 16 : i32
        %parallel_loop3A_397 = arith.muli %parallel_loop3A_395, %parallel_loop3A_396 : i32
        %parallel_loop3A_398 = arith.index_cast %parallel_loop3A_337 : i32 to index
        %parallel_loop3A_399 = arith.index_cast %parallel_loop3A_397 : i32 to index
        %parallel_loop3A_400 = tpu.vector_load %arg8[%parallel_loop3A_398, %parallel_loop3A_399] {strides = array<i32>} : memref<400x128xf32, #tpu.memory_space<vmem>>, vector<1x16xf32>,
        %parallel_loop3A_401 = vector.shape_cast %parallel_loop3A_400 : vector<1x16xf32> to vector<16xf32>
        %parallel_loop3A_402 = arith.constant 16 : i32
        %parallel_loop3A_403 = arith.muli %parallel_loop3A_395, %parallel_loop3A_402 : i32
        %parallel_loop3A_404 = arith.index_cast %parallel_loop3A_340 : i32 to index
        %parallel_loop3A_405 = arith.index_cast %parallel_loop3A_403 : i32 to index
        %parallel_loop3A_406 = tpu.vector_load %arg12[%parallel_loop3A_404, %parallel_loop3A_405] {strides = array<i32>} : memref<384x128xf32, #tpu.memory_space<vmem>>, vector<1x16xf32>,
        %parallel_loop3A_407 = vector.shape_cast %parallel_loop3A_406 : vector<1x16xf32> to vector<16xf32>
        %parallel_loop3A_408 = vector.shape_cast %parallel_loop3A_401 : vector<16xf32> to vector<1x16xf32>
        tpu.vector_store %arg12[%parallel_loop3A_404, %parallel_loop3A_405], %parallel_loop3A_408 {add = true, strides = array<i32>} : memref<384x128xf32, #tpu.memory_space<vmem>>, vector<1x16xf32>,
        %parallel_loop3A_409 = arith.constant 16 : i32
        %parallel_loop3A_410 = arith.muli %parallel_loop3A_220, %parallel_loop3A_409 : i32
        %parallel_loop3A_411 = arith.constant 2 : i32
        %parallel_loop3A_412 = arith.addi %parallel_loop3A_410, %parallel_loop3A_411 : i32
        %parallel_loop3A_413 = arith.constant 16 : i32
        %parallel_loop3A_414 = arith.muli %parallel_loop3A_220, %parallel_loop3A_413 : i32
        %parallel_loop3A_415 = arith.addi %scan3A_177, %parallel_loop3A_414 : i32
        %parallel_loop3A_416 = arith.constant 2 : i32
        %parallel_loop3A_417 = arith.addi %parallel_loop3A_415, %parallel_loop3A_416 : i32
        %parallel_loop3A_418 = arith.constant 200 : i32
        %parallel_loop3A_419 = arith.cmpi sge, %parallel_loop3A_417, %parallel_loop3A_418 : i32
        %parallel_loop3A_420 = arith.constant 200 : i32
        %parallel_loop3A_421 = arith.subi %parallel_loop3A_417, %parallel_loop3A_420 : i32
        %parallel_loop3A_422 = arith.select %parallel_loop3A_419, %parallel_loop3A_421, %parallel_loop3A_417 : i32
        %parallel_loop3A_423 = vector.extract_strided_slice %parallel_loop3A_228 {offsets = [2], sizes = [1], strides = [1]} : vector<16xi32> to vector<1xi32>
        %parallel_loop3A_424 = vector.extract %parallel_loop3A_423[0] : i32 from vector<1xi32>
        %parallel_loop3A_425 = arith.constant 200 : i32
        %parallel_loop3A_426 = arith.muli %parallel_loop3A_424, %parallel_loop3A_425 : i32
        %parallel_loop3A_427 = arith.addi %parallel_loop3A_426, %parallel_loop3A_422 : i32
        %parallel_loop3A_428 = arith.constant 128 : i32
        %parallel_loop3A_429 = arith.muli %rem3A_179, %parallel_loop3A_428 : i32
        %parallel_loop3A_430 = arith.addi %parallel_loop3A_429, %parallel_loop3A_412 : i32
        %parallel_loop3A_431 = arith.constant 4 : i32
        %parallel_loop3A_432 = arith.muli %parallel_loop3A_222, %parallel_loop3A_431 : i32
        %parallel_loop3A_433 = arith.constant 0 : i32
        %parallel_loop3A_434 = arith.addi %parallel_loop3A_432, %parallel_loop3A_433 : i32
        %parallel_loop3A_435 = arith.constant 16 : i32
        %parallel_loop3A_436 = arith.muli %parallel_loop3A_434, %parallel_loop3A_435 : i32
        %parallel_loop3A_437 = arith.index_cast %parallel_loop3A_427 : i32 to index
        %parallel_loop3A_438 = arith.index_cast %parallel_loop3A_436 : i32 to index
        %parallel_loop3A_439 = tpu.vector_load %arg8[%parallel_loop3A_437, %parallel_loop3A_438] {strides = array<i32>} : memref<400x128xf32, #tpu.memory_space<vmem>>, vector<1x16xf32>,
        %parallel_loop3A_440 = vector.shape_cast %parallel_loop3A_439 : vector<1x16xf32> to vector<16xf32>
        %parallel_loop3A_441 = arith.constant 16 : i32
        %parallel_loop3A_442 = arith.muli %parallel_loop3A_434, %parallel_loop3A_441 : i32
        %parallel_loop3A_443 = arith.index_cast %parallel_loop3A_430 : i32 to index
        %parallel_loop3A_444 = arith.index_cast %parallel_loop3A_442 : i32 to index
        %parallel_loop3A_445 = tpu.vector_load %arg12[%parallel_loop3A_443, %parallel_loop3A_444] {strides = array<i32>} : memref<384x128xf32, #tpu.memory_space<vmem>>, vector<1x16xf32>,
        %parallel_loop3A_446 = vector.shape_cast %parallel_loop3A_445 : vector<1x16xf32> to vector<16xf32>
        %parallel_loop3A_447 = vector.shape_cast %parallel_loop3A_440 : vector<16xf32> to vector<1x16xf32>
        tpu.vector_store %arg12[%parallel_loop3A_443, %parallel_loop3A_444], %parallel_loop3A_447 {add = true, strides = array<i32>} : memref<384x128xf32, #tpu.memory_space<vmem>>, vector<1x16xf32>,
        %parallel_loop3A_448 = arith.constant 4 : i32
        %parallel_loop3A_449 = arith.muli %parallel_loop3A_222, %parallel_loop3A_448 : i32
        %parallel_loop3A_450 = arith.constant 1 : i32
        %parallel_loop3A_451 = arith.addi %parallel_loop3A_449, %parallel_loop3A_450 : i32
        %parallel_loop3A_452 = arith.constant 16 : i32
        %parallel_loop3A_453 = arith.muli %parallel_loop3A_451, %parallel_loop3A_452 : i32
        %parallel_loop3A_454 = arith.index_cast %parallel_loop3A_427 : i32 to index
        %parallel_loop3A_455 = arith.index_cast %parallel_loop3A_453 : i32 to index
        %parallel_loop3A_456 = tpu.vector_load %arg8[%parallel_loop3A_454, %parallel_loop3A_455] {strides = array<i32>} : memref<400x128xf32, #tpu.memory_space<vmem>>, vector<1x16xf32>,
        %parallel_loop3A_457 = vector.shape_cast %parallel_loop3A_456 : vector<1x16xf32> to vector<16xf32>
        %parallel_loop3A_458 = arith.constant 16 : i32
        %parallel_loop3A_459 = arith.muli %parallel_loop3A_451, %parallel_loop3A_458 : i32
        %parallel_loop3A_460 = arith.index_cast %parallel_loop3A_430 : i32 to index
        %parallel_loop3A_461 = arith.index_cast %parallel_loop3A_459 : i32 to index
        %parallel_loop3A_462 = tpu.vector_load %arg12[%parallel_loop3A_460, %parallel_loop3A_461] {strides = array<i32>} : memref<384x128xf32, #tpu.memory_space<vmem>>, vector<1x16xf32>,
        %parallel_loop3A_463 = vector.shape_cast %parallel_loop3A_462 : vector<1x16xf32> to vector<16xf32>
        %parallel_loop3A_464 = vector.shape_cast %parallel_loop3A_457 : vector<16xf32> to vector<1x16xf32>
        tpu.vector_store %arg12[%parallel_loop3A_460, %parallel_loop3A_461], %parallel_loop3A_464 {add = true, strides = array<i32>} : memref<384x128xf32, #tpu.memory_space<vmem>>, vector<1x16xf32>,
        %parallel_loop3A_465 = arith.constant 4 : i32
        %parallel_loop3A_466 = arith.muli %parallel_loop3A_222, %parallel_loop3A_465 : i32
        %parallel_loop3A_467 = arith.constant 2 : i32
        %parallel_loop3A_468 = arith.addi %parallel_loop3A_466, %parallel_loop3A_467 : i32
        %parallel_loop3A_469 = arith.constant 16 : i32
        %parallel_loop3A_470 = arith.muli %parallel_loop3A_468, %parallel_loop3A_469 : i32
        %parallel_loop3A_471 = arith.index_cast %parallel_loop3A_427 : i32 to index
        %parallel_loop3A_472 = arith.index_cast %parallel_loop3A_470 : i32 to index
        %parallel_loop3A_473 = tpu.vector_load %arg8[%parallel_loop3A_471, %parallel_loop3A_472] {strides = array<i32>} : memref<400x128xf32, #tpu.memory_space<vmem>>, vector<1x16xf32>,
        %parallel_loop3A_474 = vector.shape_cast %parallel_loop3A_473 : vector<1x16xf32> to vector<16xf32>
        %parallel_loop3A_475 = arith.constant 16 : i32
        %parallel_loop3A_476 = arith.muli %parallel_loop3A_468, %parallel_loop3A_475 : i32
        %parallel_loop3A_477 = arith.index_cast %parallel_loop3A_430 : i32 to index
        %parallel_loop3A_478 = arith.index_cast %parallel_loop3A_476 : i32 to index
        %parallel_loop3A_479 = tpu.vector_load %arg12[%parallel_loop3A_477, %parallel_loop3A_478] {strides = array<i32>} : memref<384x128xf32, #tpu.memory_space<vmem>>, vector<1x16xf32>,
        %parallel_loop3A_480 = vector.shape_cast %parallel_loop3A_479 : vector<1x16xf32> to vector<16xf32>
        %parallel_loop3A_481 = vector.shape_cast %parallel_loop3A_474 : vector<16xf32> to vector<1x16xf32>
        tpu.vector_store %arg12[%parallel_loop3A_477, %parallel_loop3A_478], %parallel_loop3A_481 {add = true, strides = array<i32>} : memref<384x128xf32, #tpu.memory_space<vmem>>, vector<1x16xf32>,
        %parallel_loop3A_482 = arith.constant 4 : i32
        %parallel_loop3A_483 = arith.muli %parallel_loop3A_222, %parallel_loop3A_482 : i32
        %parallel_loop3A_484 = arith.constant 3 : i32
        %parallel_loop3A_485 = arith.addi %parallel_loop3A_483, %parallel_loop3A_484 : i32
        %parallel_loop3A_486 = arith.constant 16 : i32
        %parallel_loop3A_487 = arith.muli %parallel_loop3A_485, %parallel_loop3A_486 : i32
        %parallel_loop3A_488 = arith.index_cast %parallel_loop3A_427 : i32 to index
        %parallel_loop3A_489 = arith.index_cast %parallel_loop3A_487 : i32 to index
        %parallel_loop3A_490 = tpu.vector_load %arg8[%parallel_loop3A_488, %parallel_loop3A_489] {strides = array<i32>} : memref<400x128xf32, #tpu.memory_space<vmem>>, vector<1x16xf32>,
        %parallel_loop3A_491 = vector.shape_cast %parallel_loop3A_490 : vector<1x16xf32> to vector<16xf32>
        %parallel_loop3A_492 = arith.constant 16 : i32
        %parallel_loop3A_493 = arith.muli %parallel_loop3A_485, %parallel_loop3A_492 : i32
        %parallel_loop3A_494 = arith.index_cast %parallel_loop3A_430 : i32 to index
        %parallel_loop3A_495 = arith.index_cast %parallel_loop3A_493 : i32 to index
        %parallel_loop3A_496 = tpu.vector_load %arg12[%parallel_loop3A_494, %parallel_loop3A_495] {strides = array<i32>} : memref<384x128xf32, #tpu.memory_space<vmem>>, vector<1x16xf32>,
        %parallel_loop3A_497 = vector.shape_cast %parallel_loop3A_496 : vector<1x16xf32> to vector<16xf32>
        %parallel_loop3A_498 = vector.shape_cast %parallel_loop3A_491 : vector<16xf32> to vector<1x16xf32>
        tpu.vector_store %arg12[%parallel_loop3A_494, %parallel_loop3A_495], %parallel_loop3A_498 {add = true, strides = array<i32>} : memref<384x128xf32, #tpu.memory_space<vmem>>, vector<1x16xf32>,
        %parallel_loop3A_499 = arith.constant 16 : i32
        %parallel_loop3A_500 = arith.muli %parallel_loop3A_220, %parallel_loop3A_499 : i32
        %parallel_loop3A_501 = arith.constant 3 : i32
        %parallel_loop3A_502 = arith.addi %parallel_loop3A_500, %parallel_loop3A_501 : i32
        %parallel_loop3A_503 = arith.constant 16 : i32
        %parallel_loop3A_504 = arith.muli %parallel_loop3A_220, %parallel_loop3A_503 : i32
        %parallel_loop3A_505 = arith.addi %scan3A_177, %parallel_loop3A_504 : i32
        %parallel_loop3A_506 = arith.constant 3 : i32
        %parallel_loop3A_507 = arith.addi %parallel_loop3A_505, %parallel_loop3A_506 : i32
        %parallel_loop3A_508 = arith.constant 200 : i32
        %parallel_loop3A_509 = arith.cmpi sge, %parallel_loop3A_507, %parallel_loop3A_508 : i32
        %parallel_loop3A_510 = arith.constant 200 : i32
        %parallel_loop3A_511 = arith.subi %parallel_loop3A_507, %parallel_loop3A_510 : i32
        %parallel_loop3A_512 = arith.select %parallel_loop3A_509, %parallel_loop3A_511, %parallel_loop3A_507 : i32
        %parallel_loop3A_513 = vector.extract_strided_slice %parallel_loop3A_228 {offsets = [3], sizes = [1], strides = [1]} : vector<16xi32> to vector<1xi32>
        %parallel_loop3A_514 = vector.extract %parallel_loop3A_513[0] : i32 from vector<1xi32>
        %parallel_loop3A_515 = arith.constant 200 : i32
        %parallel_loop3A_516 = arith.muli %parallel_loop3A_514, %parallel_loop3A_515 : i32
        %parallel_loop3A_517 = arith.addi %parallel_loop3A_516, %parallel_loop3A_512 : i32
        %parallel_loop3A_518 = arith.constant 128 : i32
        %parallel_loop3A_519 = arith.muli %rem3A_179, %parallel_loop3A_518 : i32
        %parallel_loop3A_520 = arith.addi %parallel_loop3A_519, %parallel_loop3A_502 : i32
        %parallel_loop3A_521 = arith.constant 4 : i32
        %parallel_loop3A_522 = arith.muli %parallel_loop3A_222, %parallel_loop3A_521 : i32
        %parallel_loop3A_523 = arith.constant 0 : i32
        %parallel_loop3A_524 = arith.addi %parallel_loop3A_522, %parallel_loop3A_523 : i32
        %parallel_loop3A_525 = arith.constant 16 : i32
        %parallel_loop3A_526 = arith.muli %parallel_loop3A_524, %parallel_loop3A_525 : i32
        %parallel_loop3A_527 = arith.index_cast %parallel_loop3A_517 : i32 to index
        %parallel_loop3A_528 = arith.index_cast %parallel_loop3A_526 : i32 to index
        %parallel_loop3A_529 = tpu.vector_load %arg8[%parallel_loop3A_527, %parallel_loop3A_528] {strides = array<i32>} : memref<400x128xf32, #tpu.memory_space<vmem>>, vector<1x16xf32>,
        %parallel_loop3A_530 = vector.shape_cast %parallel_loop3A_529 : vector<1x16xf32> to vector<16xf32>
        %parallel_loop3A_531 = arith.constant 16 : i32
        %parallel_loop3A_532 = arith.muli %parallel_loop3A_524, %parallel_loop3A_531 : i32
        %parallel_loop3A_533 = arith.index_cast %parallel_loop3A_520 : i32 to index
        %parallel_loop3A_534 = arith.index_cast %parallel_loop3A_532 : i32 to index
        %parallel_loop3A_535 = tpu.vector_load %arg12[%parallel_loop3A_533, %parallel_loop3A_534] {strides = array<i32>} : memref<384x128xf32, #tpu.memory_space<vmem>>, vector<1x16xf32>,
        %parallel_loop3A_536 = vector.shape_cast %parallel_loop3A_535 : vector<1x16xf32> to vector<16xf32>
        %parallel_loop3A_537 = vector.shape_cast %parallel_loop3A_530 : vector<16xf32> to vector<1x16xf32>
        tpu.vector_store %arg12[%parallel_loop3A_533, %parallel_loop3A_534], %parallel_loop3A_537 {add = true, strides = array<i32>} : memref<384x128xf32, #tpu.memory_space<vmem>>, vector<1x16xf32>,
        %parallel_loop3A_538 = arith.constant 4 : i32
        %parallel_loop3A_539 = arith.muli %parallel_loop3A_222, %parallel_loop3A_538 : i32
        %parallel_loop3A_540 = arith.constant 1 : i32
        %parallel_loop3A_541 = arith.addi %parallel_loop3A_539, %parallel_loop3A_540 : i32
        %parallel_loop3A_542 = arith.constant 16 : i32
        %parallel_loop3A_543 = arith.muli %parallel_loop3A_541, %parallel_loop3A_542 : i32
        %parallel_loop3A_544 = arith.index_cast %parallel_loop3A_517 : i32 to index
        %parallel_loop3A_545 = arith.index_cast %parallel_loop3A_543 : i32 to index
        %parallel_loop3A_546 = tpu.vector_load %arg8[%parallel_loop3A_544, %parallel_loop3A_545] {strides = array<i32>} : memref<400x128xf32, #tpu.memory_space<vmem>>, vector<1x16xf32>,
        %parallel_loop3A_547 = vector.shape_cast %parallel_loop3A_546 : vector<1x16xf32> to vector<16xf32>
        %parallel_loop3A_548 = arith.constant 16 : i32
        %parallel_loop3A_549 = arith.muli %parallel_loop3A_541, %parallel_loop3A_548 : i32
        %parallel_loop3A_550 = arith.index_cast %parallel_loop3A_520 : i32 to index
        %parallel_loop3A_551 = arith.index_cast %parallel_loop3A_549 : i32 to index
        %parallel_loop3A_552 = tpu.vector_load %arg12[%parallel_loop3A_550, %parallel_loop3A_551] {strides = array<i32>} : memref<384x128xf32, #tpu.memory_space<vmem>>, vector<1x16xf32>,
        %parallel_loop3A_553 = vector.shape_cast %parallel_loop3A_552 : vector<1x16xf32> to vector<16xf32>
        %parallel_loop3A_554 = vector.shape_cast %parallel_loop3A_547 : vector<16xf32> to vector<1x16xf32>
        tpu.vector_store %arg12[%parallel_loop3A_550, %parallel_loop3A_551], %parallel_loop3A_554 {add = true, strides = array<i32>} : memref<384x128xf32, #tpu.memory_space<vmem>>, vector<1x16xf32>,
        %parallel_loop3A_555 = arith.constant 4 : i32
        %parallel_loop3A_556 = arith.muli %parallel_loop3A_222, %parallel_loop3A_555 : i32
        %parallel_loop3A_557 = arith.constant 2 : i32
        %parallel_loop3A_558 = arith.addi %parallel_loop3A_556, %parallel_loop3A_557 : i32
        %parallel_loop3A_559 = arith.constant 16 : i32
        %parallel_loop3A_560 = arith.muli %parallel_loop3A_558, %parallel_loop3A_559 : i32
        %parallel_loop3A_561 = arith.index_cast %parallel_loop3A_517 : i32 to index
        %parallel_loop3A_562 = arith.index_cast %parallel_loop3A_560 : i32 to index
        %parallel_loop3A_563 = tpu.vector_load %arg8[%parallel_loop3A_561, %parallel_loop3A_562] {strides = array<i32>} : memref<400x128xf32, #tpu.memory_space<vmem>>, vector<1x16xf32>,
        %parallel_loop3A_564 = vector.shape_cast %parallel_loop3A_563 : vector<1x16xf32> to vector<16xf32>
        %parallel_loop3A_565 = arith.constant 16 : i32
        %parallel_loop3A_566 = arith.muli %parallel_loop3A_558, %parallel_loop3A_565 : i32
        %parallel_loop3A_567 = arith.index_cast %parallel_loop3A_520 : i32 to index
        %parallel_loop3A_568 = arith.index_cast %parallel_loop3A_566 : i32 to index
        %parallel_loop3A_569 = tpu.vector_load %arg12[%parallel_loop3A_567, %parallel_loop3A_568] {strides = array<i32>} : memref<384x128xf32, #tpu.memory_space<vmem>>, vector<1x16xf32>,
        %parallel_loop3A_570 = vector.shape_cast %parallel_loop3A_569 : vector<1x16xf32> to vector<16xf32>
        %parallel_loop3A_571 = vector.shape_cast %parallel_loop3A_564 : vector<16xf32> to vector<1x16xf32>
        tpu.vector_store %arg12[%parallel_loop3A_567, %parallel_loop3A_568], %parallel_loop3A_571 {add = true, strides = array<i32>} : memref<384x128xf32, #tpu.memory_space<vmem>>, vector<1x16xf32>,
        %parallel_loop3A_572 = arith.constant 4 : i32
        %parallel_loop3A_573 = arith.muli %parallel_loop3A_222, %parallel_loop3A_572 : i32
        %parallel_loop3A_574 = arith.constant 3 : i32
        %parallel_loop3A_575 = arith.addi %parallel_loop3A_573, %parallel_loop3A_574 : i32
        %parallel_loop3A_576 = arith.constant 16 : i32
        %parallel_loop3A_577 = arith.muli %parallel_loop3A_575, %parallel_loop3A_576 : i32
        %parallel_loop3A_578 = arith.index_cast %parallel_loop3A_517 : i32 to index
        %parallel_loop3A_579 = arith.index_cast %parallel_loop3A_577 : i32 to index
        %parallel_loop3A_580 = tpu.vector_load %arg8[%parallel_loop3A_578, %parallel_loop3A_579] {strides = array<i32>} : memref<400x128xf32, #tpu.memory_space<vmem>>, vector<1x16xf32>,
        %parallel_loop3A_581 = vector.shape_cast %parallel_loop3A_580 : vector<1x16xf32> to vector<16xf32>
        %parallel_loop3A_582 = arith.constant 16 : i32
        %parallel_loop3A_583 = arith.muli %parallel_loop3A_575, %parallel_loop3A_582 : i32
        %parallel_loop3A_584 = arith.index_cast %parallel_loop3A_520 : i32 to index
        %parallel_loop3A_585 = arith.index_cast %parallel_loop3A_583 : i32 to index
        %parallel_loop3A_586 = tpu.vector_load %arg12[%parallel_loop3A_584, %parallel_loop3A_585] {strides = array<i32>} : memref<384x128xf32, #tpu.memory_space<vmem>>, vector<1x16xf32>,
        %parallel_loop3A_587 = vector.shape_cast %parallel_loop3A_586 : vector<1x16xf32> to vector<16xf32>
        %parallel_loop3A_588 = vector.shape_cast %parallel_loop3A_581 : vector<16xf32> to vector<1x16xf32>
        tpu.vector_store %arg12[%parallel_loop3A_584, %parallel_loop3A_585], %parallel_loop3A_588 {add = true, strides = array<i32>} : memref<384x128xf32, #tpu.memory_space<vmem>>, vector<1x16xf32>,
        %parallel_loop3A_589 = arith.constant 16 : i32
        %parallel_loop3A_590 = arith.muli %parallel_loop3A_220, %parallel_loop3A_589 : i32
        %parallel_loop3A_591 = arith.constant 4 : i32
        %parallel_loop3A_592 = arith.addi %parallel_loop3A_590, %parallel_loop3A_591 : i32
        %parallel_loop3A_593 = arith.constant 16 : i32
        %parallel_loop3A_594 = arith.muli %parallel_loop3A_220, %parallel_loop3A_593 : i32
        %parallel_loop3A_595 = arith.addi %scan3A_177, %parallel_loop3A_594 : i32
        %parallel_loop3A_596 = arith.constant 4 : i32
        %parallel_loop3A_597 = arith.addi %parallel_loop3A_595, %parallel_loop3A_596 : i32
        %parallel_loop3A_598 = arith.constant 200 : i32
        %parallel_loop3A_599 = arith.cmpi sge, %parallel_loop3A_597, %parallel_loop3A_598 : i32
        %parallel_loop3A_600 = arith.constant 200 : i32
        %parallel_loop3A_601 = arith.subi %parallel_loop3A_597, %parallel_loop3A_600 : i32
        %parallel_loop3A_602 = arith.select %parallel_loop3A_599, %parallel_loop3A_601, %parallel_loop3A_597 : i32
        %parallel_loop3A_603 = vector.extract_strided_slice %parallel_loop3A_228 {offsets = [4], sizes = [1], strides = [1]} : vector<16xi32> to vector<1xi32>
        %parallel_loop3A_604 = vector.extract %parallel_loop3A_603[0] : i32 from vector<1xi32>
        %parallel_loop3A_605 = arith.constant 200 : i32
        %parallel_loop3A_606 = arith.muli %parallel_loop3A_604, %parallel_loop3A_605 : i32
        %parallel_loop3A_607 = arith.addi %parallel_loop3A_606, %parallel_loop3A_602 : i32
        %parallel_loop3A_608 = arith.constant 128 : i32
        %parallel_loop3A_609 = arith.muli %rem3A_179, %parallel_loop3A_608 : i32
        %parallel_loop3A_610 = arith.addi %parallel_loop3A_609, %parallel_loop3A_592 : i32
        %parallel_loop3A_611 = arith.constant 4 : i32
        %parallel_loop3A_612 = arith.muli %parallel_loop3A_222, %parallel_loop3A_611 : i32
        %parallel_loop3A_613 = arith.constant 0 : i32
        %parallel_loop3A_614 = arith.addi %parallel_loop3A_612, %parallel_loop3A_613 : i32
        %parallel_loop3A_615 = arith.constant 16 : i32
        %parallel_loop3A_616 = arith.muli %parallel_loop3A_614, %parallel_loop3A_615 : i32
        %parallel_loop3A_617 = arith.index_cast %parallel_loop3A_607 : i32 to index
        %parallel_loop3A_618 = arith.index_cast %parallel_loop3A_616 : i32 to index
        %parallel_loop3A_619 = tpu.vector_load %arg8[%parallel_loop3A_617, %parallel_loop3A_618] {strides = array<i32>} : memref<400x128xf32, #tpu.memory_space<vmem>>, vector<1x16xf32>,
        %parallel_loop3A_620 = vector.shape_cast %parallel_loop3A_619 : vector<1x16xf32> to vector<16xf32>
        %parallel_loop3A_621 = arith.constant 16 : i32
        %parallel_loop3A_622 = arith.muli %parallel_loop3A_614, %parallel_loop3A_621 : i32
        %parallel_loop3A_623 = arith.index_cast %parallel_loop3A_610 : i32 to index
        %parallel_loop3A_624 = arith.index_cast %parallel_loop3A_622 : i32 to index
        %parallel_loop3A_625 = tpu.vector_load %arg12[%parallel_loop3A_623, %parallel_loop3A_624] {strides = array<i32>} : memref<384x128xf32, #tpu.memory_space<vmem>>, vector<1x16xf32>,
        %parallel_loop3A_626 = vector.shape_cast %parallel_loop3A_625 : vector<1x16xf32> to vector<16xf32>
        %parallel_loop3A_627 = vector.shape_cast %parallel_loop3A_620 : vector<16xf32> to vector<1x16xf32>
        tpu.vector_store %arg12[%parallel_loop3A_623, %parallel_loop3A_624], %parallel_loop3A_627 {add = true, strides = array<i32>} : memref<384x128xf32, #tpu.memory_space<vmem>>, vector<1x16xf32>,
        %parallel_loop3A_628 = arith.constant 4 : i32
        %parallel_loop3A_629 = arith.muli %parallel_loop3A_222, %parallel_loop3A_628 : i32
        %parallel_loop3A_630 = arith.constant 1 : i32
        %parallel_loop3A_631 = arith.addi %parallel_loop3A_629, %parallel_loop3A_630 : i32
        %parallel_loop3A_632 = arith.constant 16 : i32
        %parallel_loop3A_633 = arith.muli %parallel_loop3A_631, %parallel_loop3A_632 : i32
        %parallel_loop3A_634 = arith.index_cast %parallel_loop3A_607 : i32 to index
        %parallel_loop3A_635 = arith.index_cast %parallel_loop3A_633 : i32 to index
        %parallel_loop3A_636 = tpu.vector_load %arg8[%parallel_loop3A_634, %parallel_loop3A_635] {strides = array<i32>} : memref<400x128xf32, #tpu.memory_space<vmem>>, vector<1x16xf32>,
        %parallel_loop3A_637 = vector.shape_cast %parallel_loop3A_636 : vector<1x16xf32> to vector<16xf32>
        %parallel_loop3A_638 = arith.constant 16 : i32
        %parallel_loop3A_639 = arith.muli %parallel_loop3A_631, %parallel_loop3A_638 : i32
        %parallel_loop3A_640 = arith.index_cast %parallel_loop3A_610 : i32 to index
        %parallel_loop3A_641 = arith.index_cast %parallel_loop3A_639 : i32 to index
        %parallel_loop3A_642 = tpu.vector_load %arg12[%parallel_loop3A_640, %parallel_loop3A_641] {strides = array<i32>} : memref<384x128xf32, #tpu.memory_space<vmem>>, vector<1x16xf32>,
        %parallel_loop3A_643 = vector.shape_cast %parallel_loop3A_642 : vector<1x16xf32> to vector<16xf32>
        %parallel_loop3A_644 = vector.shape_cast %parallel_loop3A_637 : vector<16xf32> to vector<1x16xf32>
        tpu.vector_store %arg12[%parallel_loop3A_640, %parallel_loop3A_641], %parallel_loop3A_644 {add = true, strides = array<i32>} : memref<384x128xf32, #tpu.memory_space<vmem>>, vector<1x16xf32>,
        %parallel_loop3A_645 = arith.constant 4 : i32
        %parallel_loop3A_646 = arith.muli %parallel_loop3A_222, %parallel_loop3A_645 : i32
        %parallel_loop3A_647 = arith.constant 2 : i32
        %parallel_loop3A_648 = arith.addi %parallel_loop3A_646, %parallel_loop3A_647 : i32
        %parallel_loop3A_649 = arith.constant 16 : i32
        %parallel_loop3A_650 = arith.muli %parallel_loop3A_648, %parallel_loop3A_649 : i32
        %parallel_loop3A_651 = arith.index_cast %parallel_loop3A_607 : i32 to index
        %parallel_loop3A_652 = arith.index_cast %parallel_loop3A_650 : i32 to index
        %parallel_loop3A_653 = tpu.vector_load %arg8[%parallel_loop3A_651, %parallel_loop3A_652] {strides = array<i32>} : memref<400x128xf32, #tpu.memory_space<vmem>>, vector<1x16xf32>,
        %parallel_loop3A_654 = vector.shape_cast %parallel_loop3A_653 : vector<1x16xf32> to vector<16xf32>
        %parallel_loop3A_655 = arith.constant 16 : i32
        %parallel_loop3A_656 = arith.muli %parallel_loop3A_648, %parallel_loop3A_655 : i32
        %parallel_loop3A_657 = arith.index_cast %parallel_loop3A_610 : i32 to index
        %parallel_loop3A_658 = arith.index_cast %parallel_loop3A_656 : i32 to index
        %parallel_loop3A_659 = tpu.vector_load %arg12[%parallel_loop3A_657, %parallel_loop3A_658] {strides = array<i32>} : memref<384x128xf32, #tpu.memory_space<vmem>>, vector<1x16xf32>,
        %parallel_loop3A_660 = vector.shape_cast %parallel_loop3A_659 : vector<1x16xf32> to vector<16xf32>
        %parallel_loop3A_661 = vector.shape_cast %parallel_loop3A_654 : vector<16xf32> to vector<1x16xf32>
        tpu.vector_store %arg12[%parallel_loop3A_657, %parallel_loop3A_658], %parallel_loop3A_661 {add = true, strides = array<i32>} : memref<384x128xf32, #tpu.memory_space<vmem>>, vector<1x16xf32>,
        %parallel_loop3A_662 = arith.constant 4 : i32
        %parallel_loop3A_663 = arith.muli %parallel_loop3A_222, %parallel_loop3A_662 : i32
        %parallel_loop3A_664 = arith.constant 3 : i32
        %parallel_loop3A_665 = arith.addi %parallel_loop3A_663, %parallel_loop3A_664 : i32
        %parallel_loop3A_666 = arith.constant 16 : i32
        %parallel_loop3A_667 = arith.muli %parallel_loop3A_665, %parallel_loop3A_666 : i32
        %parallel_loop3A_668 = arith.index_cast %parallel_loop3A_607 : i32 to index
        %parallel_loop3A_669 = arith.index_cast %parallel_loop3A_667 : i32 to index
        %parallel_loop3A_670 = tpu.vector_load %arg8[%parallel_loop3A_668, %parallel_loop3A_669] {strides = array<i32>} : memref<400x128xf32, #tpu.memory_space<vmem>>, vector<1x16xf32>,
        %parallel_loop3A_671 = vector.shape_cast %parallel_loop3A_670 : vector<1x16xf32> to vector<16xf32>
        %parallel_loop3A_672 = arith.constant 16 : i32
        %parallel_loop3A_673 = arith.muli %parallel_loop3A_665, %parallel_loop3A_672 : i32
        %parallel_loop3A_674 = arith.index_cast %parallel_loop3A_610 : i32 to index
        %parallel_loop3A_675 = arith.index_cast %parallel_loop3A_673 : i32 to index
        %parallel_loop3A_676 = tpu.vector_load %arg12[%parallel_loop3A_674, %parallel_loop3A_675] {strides = array<i32>} : memref<384x128xf32, #tpu.memory_space<vmem>>, vector<1x16xf32>,
        %parallel_loop3A_677 = vector.shape_cast %parallel_loop3A_676 : vector<1x16xf32> to vector<16xf32>
        %parallel_loop3A_678 = vector.shape_cast %parallel_loop3A_671 : vector<16xf32> to vector<1x16xf32>
        tpu.vector_store %arg12[%parallel_loop3A_674, %parallel_loop3A_675], %parallel_loop3A_678 {add = true, strides = array<i32>} : memref<384x128xf32, #tpu.memory_space<vmem>>, vector<1x16xf32>,
        %parallel_loop3A_679 = arith.constant 16 : i32
        %parallel_loop3A_680 = arith.muli %parallel_loop3A_220, %parallel_loop3A_679 : i32
        %parallel_loop3A_681 = arith.constant 5 : i32
        %parallel_loop3A_682 = arith.addi %parallel_loop3A_680, %parallel_loop3A_681 : i32
        %parallel_loop3A_683 = arith.constant 16 : i32
        %parallel_loop3A_684 = arith.muli %parallel_loop3A_220, %parallel_loop3A_683 : i32
        %parallel_loop3A_685 = arith.addi %scan3A_177, %parallel_loop3A_684 : i32
        %parallel_loop3A_686 = arith.constant 5 : i32
        %parallel_loop3A_687 = arith.addi %parallel_loop3A_685, %parallel_loop3A_686 : i32
        %parallel_loop3A_688 = arith.constant 200 : i32
        %parallel_loop3A_689 = arith.cmpi sge, %parallel_loop3A_687, %parallel_loop3A_688 : i32
        %parallel_loop3A_690 = arith.constant 200 : i32
        %parallel_loop3A_691 = arith.subi %parallel_loop3A_687, %parallel_loop3A_690 : i32
        %parallel_loop3A_692 = arith.select %parallel_loop3A_689, %parallel_loop3A_691, %parallel_loop3A_687 : i32
        %parallel_loop3A_693 = vector.extract_strided_slice %parallel_loop3A_228 {offsets = [5], sizes = [1], strides = [1]} : vector<16xi32> to vector<1xi32>
        %parallel_loop3A_694 = vector.extract %parallel_loop3A_693[0] : i32 from vector<1xi32>
        %parallel_loop3A_695 = arith.constant 200 : i32
        %parallel_loop3A_696 = arith.muli %parallel_loop3A_694, %parallel_loop3A_695 : i32
        %parallel_loop3A_697 = arith.addi %parallel_loop3A_696, %parallel_loop3A_692 : i32
        %parallel_loop3A_698 = arith.constant 128 : i32
        %parallel_loop3A_699 = arith.muli %rem3A_179, %parallel_loop3A_698 : i32
        %parallel_loop3A_700 = arith.addi %parallel_loop3A_699, %parallel_loop3A_682 : i32
        %parallel_loop3A_701 = arith.constant 4 : i32
        %parallel_loop3A_702 = arith.muli %parallel_loop3A_222, %parallel_loop3A_701 : i32
        %parallel_loop3A_703 = arith.constant 0 : i32
        %parallel_loop3A_704 = arith.addi %parallel_loop3A_702, %parallel_loop3A_703 : i32
        %parallel_loop3A_705 = arith.constant 16 : i32
        %parallel_loop3A_706 = arith.muli %parallel_loop3A_704, %parallel_loop3A_705 : i32
        %parallel_loop3A_707 = arith.index_cast %parallel_loop3A_697 : i32 to index
        %parallel_loop3A_708 = arith.index_cast %parallel_loop3A_706 : i32 to index
        %parallel_loop3A_709 = tpu.vector_load %arg8[%parallel_loop3A_707, %parallel_loop3A_708] {strides = array<i32>} : memref<400x128xf32, #tpu.memory_space<vmem>>, vector<1x16xf32>,
        %parallel_loop3A_710 = vector.shape_cast %parallel_loop3A_709 : vector<1x16xf32> to vector<16xf32>
        %parallel_loop3A_711 = arith.constant 16 : i32
        %parallel_loop3A_712 = arith.muli %parallel_loop3A_704, %parallel_loop3A_711 : i32
        %parallel_loop3A_713 = arith.index_cast %parallel_loop3A_700 : i32 to index
        %parallel_loop3A_714 = arith.index_cast %parallel_loop3A_712 : i32 to index
        %parallel_loop3A_715 = tpu.vector_load %arg12[%parallel_loop3A_713, %parallel_loop3A_714] {strides = array<i32>} : memref<384x128xf32, #tpu.memory_space<vmem>>, vector<1x16xf32>,
        %parallel_loop3A_716 = vector.shape_cast %parallel_loop3A_715 : vector<1x16xf32> to vector<16xf32>
        %parallel_loop3A_717 = vector.shape_cast %parallel_loop3A_710 : vector<16xf32> to vector<1x16xf32>
        tpu.vector_store %arg12[%parallel_loop3A_713, %parallel_loop3A_714], %parallel_loop3A_717 {add = true, strides = array<i32>} : memref<384x128xf32, #tpu.memory_space<vmem>>, vector<1x16xf32>,
        %parallel_loop3A_718 = arith.constant 4 : i32
        %parallel_loop3A_719 = arith.muli %parallel_loop3A_222, %parallel_loop3A_718 : i32
        %parallel_loop3A_720 = arith.constant 1 : i32
        %parallel_loop3A_721 = arith.addi %parallel_loop3A_719, %parallel_loop3A_720 : i32
        %parallel_loop3A_722 = arith.constant 16 : i32
        %parallel_loop3A_723 = arith.muli %parallel_loop3A_721, %parallel_loop3A_722 : i32
        %parallel_loop3A_724 = arith.index_cast %parallel_loop3A_697 : i32 to index
        %parallel_loop3A_725 = arith.index_cast %parallel_loop3A_723 : i32 to index
        %parallel_loop3A_726 = tpu.vector_load %arg8[%parallel_loop3A_724, %parallel_loop3A_725] {strides = array<i32>} : memref<400x128xf32, #tpu.memory_space<vmem>>, vector<1x16xf32>,
        %parallel_loop3A_727 = vector.shape_cast %parallel_loop3A_726 : vector<1x16xf32> to vector<16xf32>
        %parallel_loop3A_728 = arith.constant 16 : i32
        %parallel_loop3A_729 = arith.muli %parallel_loop3A_721, %parallel_loop3A_728 : i32
        %parallel_loop3A_730 = arith.index_cast %parallel_loop3A_700 : i32 to index
        %parallel_loop3A_731 = arith.index_cast %parallel_loop3A_729 : i32 to index
        %parallel_loop3A_732 = tpu.vector_load %arg12[%parallel_loop3A_730, %parallel_loop3A_731] {strides = array<i32>} : memref<384x128xf32, #tpu.memory_space<vmem>>, vector<1x16xf32>,
        %parallel_loop3A_733 = vector.shape_cast %parallel_loop3A_732 : vector<1x16xf32> to vector<16xf32>
        %parallel_loop3A_734 = vector.shape_cast %parallel_loop3A_727 : vector<16xf32> to vector<1x16xf32>
        tpu.vector_store %arg12[%parallel_loop3A_730, %parallel_loop3A_731], %parallel_loop3A_734 {add = true, strides = array<i32>} : memref<384x128xf32, #tpu.memory_space<vmem>>, vector<1x16xf32>,
        %parallel_loop3A_735 = arith.constant 4 : i32
        %parallel_loop3A_736 = arith.muli %parallel_loop3A_222, %parallel_loop3A_735 : i32
        %parallel_loop3A_737 = arith.constant 2 : i32
        %parallel_loop3A_738 = arith.addi %parallel_loop3A_736, %parallel_loop3A_737 : i32
        %parallel_loop3A_739 = arith.constant 16 : i32
        %parallel_loop3A_740 = arith.muli %parallel_loop3A_738, %parallel_loop3A_739 : i32
        %parallel_loop3A_741 = arith.index_cast %parallel_loop3A_697 : i32 to index
        %parallel_loop3A_742 = arith.index_cast %parallel_loop3A_740 : i32 to index
        %parallel_loop3A_743 = tpu.vector_load %arg8[%parallel_loop3A_741, %parallel_loop3A_742] {strides = array<i32>} : memref<400x128xf32, #tpu.memory_space<vmem>>, vector<1x16xf32>,
        %parallel_loop3A_744 = vector.shape_cast %parallel_loop3A_743 : vector<1x16xf32> to vector<16xf32>
        %parallel_loop3A_745 = arith.constant 16 : i32
        %parallel_loop3A_746 = arith.muli %parallel_loop3A_738, %parallel_loop3A_745 : i32
        %parallel_loop3A_747 = arith.index_cast %parallel_loop3A_700 : i32 to index
        %parallel_loop3A_748 = arith.index_cast %parallel_loop3A_746 : i32 to index
        %parallel_loop3A_749 = tpu.vector_load %arg12[%parallel_loop3A_747, %parallel_loop3A_748] {strides = array<i32>} : memref<384x128xf32, #tpu.memory_space<vmem>>, vector<1x16xf32>,
        %parallel_loop3A_750 = vector.shape_cast %parallel_loop3A_749 : vector<1x16xf32> to vector<16xf32>
        %parallel_loop3A_751 = vector.shape_cast %parallel_loop3A_744 : vector<16xf32> to vector<1x16xf32>
        tpu.vector_store %arg12[%parallel_loop3A_747, %parallel_loop3A_748], %parallel_loop3A_751 {add = true, strides = array<i32>} : memref<384x128xf32, #tpu.memory_space<vmem>>, vector<1x16xf32>,
        %parallel_loop3A_752 = arith.constant 4 : i32
        %parallel_loop3A_753 = arith.muli %parallel_loop3A_222, %parallel_loop3A_752 : i32
        %parallel_loop3A_754 = arith.constant 3 : i32
        %parallel_loop3A_755 = arith.addi %parallel_loop3A_753, %parallel_loop3A_754 : i32
        %parallel_loop3A_756 = arith.constant 16 : i32
        %parallel_loop3A_757 = arith.muli %parallel_loop3A_755, %parallel_loop3A_756 : i32
        %parallel_loop3A_758 = arith.index_cast %parallel_loop3A_697 : i32 to index
        %parallel_loop3A_759 = arith.index_cast %parallel_loop3A_757 : i32 to index
        %parallel_loop3A_760 = tpu.vector_load %arg8[%parallel_loop3A_758, %parallel_loop3A_759] {strides = array<i32>} : memref<400x128xf32, #tpu.memory_space<vmem>>, vector<1x16xf32>,
        %parallel_loop3A_761 = vector.shape_cast %parallel_loop3A_760 : vector<1x16xf32> to vector<16xf32>
        %parallel_loop3A_762 = arith.constant 16 : i32
        %parallel_loop3A_763 = arith.muli %parallel_loop3A_755, %parallel_loop3A_762 : i32
        %parallel_loop3A_764 = arith.index_cast %parallel_loop3A_700 : i32 to index
        %parallel_loop3A_765 = arith.index_cast %parallel_loop3A_763 : i32 to index
        %parallel_loop3A_766 = tpu.vector_load %arg12[%parallel_loop3A_764, %parallel_loop3A_765] {strides = array<i32>} : memref<384x128xf32, #tpu.memory_space<vmem>>, vector<1x16xf32>,
        %parallel_loop3A_767 = vector.shape_cast %parallel_loop3A_766 : vector<1x16xf32> to vector<16xf32>
        %parallel_loop3A_768 = vector.shape_cast %parallel_loop3A_761 : vector<16xf32> to vector<1x16xf32>
        tpu.vector_store %arg12[%parallel_loop3A_764, %parallel_loop3A_765], %parallel_loop3A_768 {add = true, strides = array<i32>} : memref<384x128xf32, #tpu.memory_space<vmem>>, vector<1x16xf32>,
        %parallel_loop3A_769 = arith.constant 16 : i32
        %parallel_loop3A_770 = arith.muli %parallel_loop3A_220, %parallel_loop3A_769 : i32
        %parallel_loop3A_771 = arith.constant 6 : i32
        %parallel_loop3A_772 = arith.addi %parallel_loop3A_770, %parallel_loop3A_771 : i32
        %parallel_loop3A_773 = arith.constant 16 : i32
        %parallel_loop3A_774 = arith.muli %parallel_loop3A_220, %parallel_loop3A_773 : i32
        %parallel_loop3A_775 = arith.addi %scan3A_177, %parallel_loop3A_774 : i32
        %parallel_loop3A_776 = arith.constant 6 : i32
        %parallel_loop3A_777 = arith.addi %parallel_loop3A_775, %parallel_loop3A_776 : i32
        %parallel_loop3A_778 = arith.constant 200 : i32
        %parallel_loop3A_779 = arith.cmpi sge, %parallel_loop3A_777, %parallel_loop3A_778 : i32
        %parallel_loop3A_780 = arith.constant 200 : i32
        %parallel_loop3A_781 = arith.subi %parallel_loop3A_777, %parallel_loop3A_780 : i32
        %parallel_loop3A_782 = arith.select %parallel_loop3A_779, %parallel_loop3A_781, %parallel_loop3A_777 : i32
        %parallel_loop3A_783 = vector.extract_strided_slice %parallel_loop3A_228 {offsets = [6], sizes = [1], strides = [1]} : vector<16xi32> to vector<1xi32>
        %parallel_loop3A_784 = vector.extract %parallel_loop3A_783[0] : i32 from vector<1xi32>
        %parallel_loop3A_785 = arith.constant 200 : i32
        %parallel_loop3A_786 = arith.muli %parallel_loop3A_784, %parallel_loop3A_785 : i32
        %parallel_loop3A_787 = arith.addi %parallel_loop3A_786, %parallel_loop3A_782 : i32
        %parallel_loop3A_788 = arith.constant 128 : i32
        %parallel_loop3A_789 = arith.muli %rem3A_179, %parallel_loop3A_788 : i32
        %parallel_loop3A_790 = arith.addi %parallel_loop3A_789, %parallel_loop3A_772 : i32
        %parallel_loop3A_791 = arith.constant 4 : i32
        %parallel_loop3A_792 = arith.muli %parallel_loop3A_222, %parallel_loop3A_791 : i32
        %parallel_loop3A_793 = arith.constant 0 : i32
        %parallel_loop3A_794 = arith.addi %parallel_loop3A_792, %parallel_loop3A_793 : i32
        %parallel_loop3A_795 = arith.constant 16 : i32
        %parallel_loop3A_796 = arith.muli %parallel_loop3A_794, %parallel_loop3A_795 : i32
        %parallel_loop3A_797 = arith.index_cast %parallel_loop3A_787 : i32 to index
        %parallel_loop3A_798 = arith.index_cast %parallel_loop3A_796 : i32 to index
        %parallel_loop3A_799 = tpu.vector_load %arg8[%parallel_loop3A_797, %parallel_loop3A_798] {strides = array<i32>} : memref<400x128xf32, #tpu.memory_space<vmem>>, vector<1x16xf32>,
        %parallel_loop3A_800 = vector.shape_cast %parallel_loop3A_799 : vector<1x16xf32> to vector<16xf32>
        %parallel_loop3A_801 = arith.constant 16 : i32
        %parallel_loop3A_802 = arith.muli %parallel_loop3A_794, %parallel_loop3A_801 : i32
        %parallel_loop3A_803 = arith.index_cast %parallel_loop3A_790 : i32 to index
        %parallel_loop3A_804 = arith.index_cast %parallel_loop3A_802 : i32 to index
        %parallel_loop3A_805 = tpu.vector_load %arg12[%parallel_loop3A_803, %parallel_loop3A_804] {strides = array<i32>} : memref<384x128xf32, #tpu.memory_space<vmem>>, vector<1x16xf32>,
        %parallel_loop3A_806 = vector.shape_cast %parallel_loop3A_805 : vector<1x16xf32> to vector<16xf32>
        %parallel_loop3A_807 = vector.shape_cast %parallel_loop3A_800 : vector<16xf32> to vector<1x16xf32>
        tpu.vector_store %arg12[%parallel_loop3A_803, %parallel_loop3A_804], %parallel_loop3A_807 {add = true, strides = array<i32>} : memref<384x128xf32, #tpu.memory_space<vmem>>, vector<1x16xf32>,
        %parallel_loop3A_808 = arith.constant 4 : i32
        %parallel_loop3A_809 = arith.muli %parallel_loop3A_222, %parallel_loop3A_808 : i32
        %parallel_loop3A_810 = arith.constant 1 : i32
        %parallel_loop3A_811 = arith.addi %parallel_loop3A_809, %parallel_loop3A_810 : i32
        %parallel_loop3A_812 = arith.constant 16 : i32
        %parallel_loop3A_813 = arith.muli %parallel_loop3A_811, %parallel_loop3A_812 : i32
        %parallel_loop3A_814 = arith.index_cast %parallel_loop3A_787 : i32 to index
        %parallel_loop3A_815 = arith.index_cast %parallel_loop3A_813 : i32 to index
        %parallel_loop3A_816 = tpu.vector_load %arg8[%parallel_loop3A_814, %parallel_loop3A_815] {strides = array<i32>} : memref<400x128xf32, #tpu.memory_space<vmem>>, vector<1x16xf32>,
        %parallel_loop3A_817 = vector.shape_cast %parallel_loop3A_816 : vector<1x16xf32> to vector<16xf32>
        %parallel_loop3A_818 = arith.constant 16 : i32
        %parallel_loop3A_819 = arith.muli %parallel_loop3A_811, %parallel_loop3A_818 : i32
        %parallel_loop3A_820 = arith.index_cast %parallel_loop3A_790 : i32 to index
        %parallel_loop3A_821 = arith.index_cast %parallel_loop3A_819 : i32 to index
        %parallel_loop3A_822 = tpu.vector_load %arg12[%parallel_loop3A_820, %parallel_loop3A_821] {strides = array<i32>} : memref<384x128xf32, #tpu.memory_space<vmem>>, vector<1x16xf32>,
        %parallel_loop3A_823 = vector.shape_cast %parallel_loop3A_822 : vector<1x16xf32> to vector<16xf32>
        %parallel_loop3A_824 = vector.shape_cast %parallel_loop3A_817 : vector<16xf32> to vector<1x16xf32>
        tpu.vector_store %arg12[%parallel_loop3A_820, %parallel_loop3A_821], %parallel_loop3A_824 {add = true, strides = array<i32>} : memref<384x128xf32, #tpu.memory_space<vmem>>, vector<1x16xf32>,
        %parallel_loop3A_825 = arith.constant 4 : i32
        %parallel_loop3A_826 = arith.muli %parallel_loop3A_222, %parallel_loop3A_825 : i32
        %parallel_loop3A_827 = arith.constant 2 : i32
        %parallel_loop3A_828 = arith.addi %parallel_loop3A_826, %parallel_loop3A_827 : i32
        %parallel_loop3A_829 = arith.constant 16 : i32
        %parallel_loop3A_830 = arith.muli %parallel_loop3A_828, %parallel_loop3A_829 : i32
        %parallel_loop3A_831 = arith.index_cast %parallel_loop3A_787 : i32 to index
        %parallel_loop3A_832 = arith.index_cast %parallel_loop3A_830 : i32 to index
        %parallel_loop3A_833 = tpu.vector_load %arg8[%parallel_loop3A_831, %parallel_loop3A_832] {strides = array<i32>} : memref<400x128xf32, #tpu.memory_space<vmem>>, vector<1x16xf32>,
        %parallel_loop3A_834 = vector.shape_cast %parallel_loop3A_833 : vector<1x16xf32> to vector<16xf32>
        %parallel_loop3A_835 = arith.constant 16 : i32
        %parallel_loop3A_836 = arith.muli %parallel_loop3A_828, %parallel_loop3A_835 : i32
        %parallel_loop3A_837 = arith.index_cast %parallel_loop3A_790 : i32 to index
        %parallel_loop3A_838 = arith.index_cast %parallel_loop3A_836 : i32 to index
        %parallel_loop3A_839 = tpu.vector_load %arg12[%parallel_loop3A_837, %parallel_loop3A_838] {strides = array<i32>} : memref<384x128xf32, #tpu.memory_space<vmem>>, vector<1x16xf32>,
        %parallel_loop3A_840 = vector.shape_cast %parallel_loop3A_839 : vector<1x16xf32> to vector<16xf32>
        %parallel_loop3A_841 = vector.shape_cast %parallel_loop3A_834 : vector<16xf32> to vector<1x16xf32>
        tpu.vector_store %arg12[%parallel_loop3A_837, %parallel_loop3A_838], %parallel_loop3A_841 {add = true, strides = array<i32>} : memref<384x128xf32, #tpu.memory_space<vmem>>, vector<1x16xf32>,
        %parallel_loop3A_842 = arith.constant 4 : i32
        %parallel_loop3A_843 = arith.muli %parallel_loop3A_222, %parallel_loop3A_842 : i32
        %parallel_loop3A_844 = arith.constant 3 : i32
        %parallel_loop3A_845 = arith.addi %parallel_loop3A_843, %parallel_loop3A_844 : i32
        %parallel_loop3A_846 = arith.constant 16 : i32
        %parallel_loop3A_847 = arith.muli %parallel_loop3A_845, %parallel_loop3A_846 : i32
        %parallel_loop3A_848 = arith.index_cast %parallel_loop3A_787 : i32 to index
        %parallel_loop3A_849 = arith.index_cast %parallel_loop3A_847 : i32 to index
        %parallel_loop3A_850 = tpu.vector_load %arg8[%parallel_loop3A_848, %parallel_loop3A_849] {strides = array<i32>} : memref<400x128xf32, #tpu.memory_space<vmem>>, vector<1x16xf32>,
        %parallel_loop3A_851 = vector.shape_cast %parallel_loop3A_850 : vector<1x16xf32> to vector<16xf32>
        %parallel_loop3A_852 = arith.constant 16 : i32
        %parallel_loop3A_853 = arith.muli %parallel_loop3A_845, %parallel_loop3A_852 : i32
        %parallel_loop3A_854 = arith.index_cast %parallel_loop3A_790 : i32 to index
        %parallel_loop3A_855 = arith.index_cast %parallel_loop3A_853 : i32 to index
        %parallel_loop3A_856 = tpu.vector_load %arg12[%parallel_loop3A_854, %parallel_loop3A_855] {strides = array<i32>} : memref<384x128xf32, #tpu.memory_space<vmem>>, vector<1x16xf32>,
        %parallel_loop3A_857 = vector.shape_cast %parallel_loop3A_856 : vector<1x16xf32> to vector<16xf32>
        %parallel_loop3A_858 = vector.shape_cast %parallel_loop3A_851 : vector<16xf32> to vector<1x16xf32>
        tpu.vector_store %arg12[%parallel_loop3A_854, %parallel_loop3A_855], %parallel_loop3A_858 {add = true, strides = array<i32>} : memref<384x128xf32, #tpu.memory_space<vmem>>, vector<1x16xf32>,
        %parallel_loop3A_859 = arith.constant 16 : i32
        %parallel_loop3A_860 = arith.muli %parallel_loop3A_220, %parallel_loop3A_859 : i32
        %parallel_loop3A_861 = arith.constant 7 : i32
        %parallel_loop3A_862 = arith.addi %parallel_loop3A_860, %parallel_loop3A_861 : i32
        %parallel_loop3A_863 = arith.constant 16 : i32
        %parallel_loop3A_864 = arith.muli %parallel_loop3A_220, %parallel_loop3A_863 : i32
        %parallel_loop3A_865 = arith.addi %scan3A_177, %parallel_loop3A_864 : i32
        %parallel_loop3A_866 = arith.constant 7 : i32
        %parallel_loop3A_867 = arith.addi %parallel_loop3A_865, %parallel_loop3A_866 : i32
        %parallel_loop3A_868 = arith.constant 200 : i32
        %parallel_loop3A_869 = arith.cmpi sge, %parallel_loop3A_867, %parallel_loop3A_868 : i32
        %parallel_loop3A_870 = arith.constant 200 : i32
        %parallel_loop3A_871 = arith.subi %parallel_loop3A_867, %parallel_loop3A_870 : i32
        %parallel_loop3A_872 = arith.select %parallel_loop3A_869, %parallel_loop3A_871, %parallel_loop3A_867 : i32
        %parallel_loop3A_873 = vector.extract_strided_slice %parallel_loop3A_228 {offsets = [7], sizes = [1], strides = [1]} : vector<16xi32> to vector<1xi32>
        %parallel_loop3A_874 = vector.extract %parallel_loop3A_873[0] : i32 from vector<1xi32>
        %parallel_loop3A_875 = arith.constant 200 : i32
        %parallel_loop3A_876 = arith.muli %parallel_loop3A_874, %parallel_loop3A_875 : i32
        %parallel_loop3A_877 = arith.addi %parallel_loop3A_876, %parallel_loop3A_872 : i32
        %parallel_loop3A_878 = arith.constant 128 : i32
        %parallel_loop3A_879 = arith.muli %rem3A_179, %parallel_loop3A_878 : i32
        %parallel_loop3A_880 = arith.addi %parallel_loop3A_879, %parallel_loop3A_862 : i32
        %parallel_loop3A_881 = arith.constant 4 : i32
        %parallel_loop3A_882 = arith.muli %parallel_loop3A_222, %parallel_loop3A_881 : i32
        %parallel_loop3A_883 = arith.constant 0 : i32
        %parallel_loop3A_884 = arith.addi %parallel_loop3A_882, %parallel_loop3A_883 : i32
        %parallel_loop3A_885 = arith.constant 16 : i32
        %parallel_loop3A_886 = arith.muli %parallel_loop3A_884, %parallel_loop3A_885 : i32
        %parallel_loop3A_887 = arith.index_cast %parallel_loop3A_877 : i32 to index
        %parallel_loop3A_888 = arith.index_cast %parallel_loop3A_886 : i32 to index
        %parallel_loop3A_889 = tpu.vector_load %arg8[%parallel_loop3A_887, %parallel_loop3A_888] {strides = array<i32>} : memref<400x128xf32, #tpu.memory_space<vmem>>, vector<1x16xf32>,
        %parallel_loop3A_890 = vector.shape_cast %parallel_loop3A_889 : vector<1x16xf32> to vector<16xf32>
        %parallel_loop3A_891 = arith.constant 16 : i32
        %parallel_loop3A_892 = arith.muli %parallel_loop3A_884, %parallel_loop3A_891 : i32
        %parallel_loop3A_893 = arith.index_cast %parallel_loop3A_880 : i32 to index
        %parallel_loop3A_894 = arith.index_cast %parallel_loop3A_892 : i32 to index
        %parallel_loop3A_895 = tpu.vector_load %arg12[%parallel_loop3A_893, %parallel_loop3A_894] {strides = array<i32>} : memref<384x128xf32, #tpu.memory_space<vmem>>, vector<1x16xf32>,
        %parallel_loop3A_896 = vector.shape_cast %parallel_loop3A_895 : vector<1x16xf32> to vector<16xf32>
        %parallel_loop3A_897 = vector.shape_cast %parallel_loop3A_890 : vector<16xf32> to vector<1x16xf32>
        tpu.vector_store %arg12[%parallel_loop3A_893, %parallel_loop3A_894], %parallel_loop3A_897 {add = true, strides = array<i32>} : memref<384x128xf32, #tpu.memory_space<vmem>>, vector<1x16xf32>,
        %parallel_loop3A_898 = arith.constant 4 : i32
        %parallel_loop3A_899 = arith.muli %parallel_loop3A_222, %parallel_loop3A_898 : i32
        %parallel_loop3A_900 = arith.constant 1 : i32
        %parallel_loop3A_901 = arith.addi %parallel_loop3A_899, %parallel_loop3A_900 : i32
        %parallel_loop3A_902 = arith.constant 16 : i32
        %parallel_loop3A_903 = arith.muli %parallel_loop3A_901, %parallel_loop3A_902 : i32
        %parallel_loop3A_904 = arith.index_cast %parallel_loop3A_877 : i32 to index
        %parallel_loop3A_905 = arith.index_cast %parallel_loop3A_903 : i32 to index
        %parallel_loop3A_906 = tpu.vector_load %arg8[%parallel_loop3A_904, %parallel_loop3A_905] {strides = array<i32>} : memref<400x128xf32, #tpu.memory_space<vmem>>, vector<1x16xf32>,
        %parallel_loop3A_907 = vector.shape_cast %parallel_loop3A_906 : vector<1x16xf32> to vector<16xf32>
        %parallel_loop3A_908 = arith.constant 16 : i32
        %parallel_loop3A_909 = arith.muli %parallel_loop3A_901, %parallel_loop3A_908 : i32
        %parallel_loop3A_910 = arith.index_cast %parallel_loop3A_880 : i32 to index
        %parallel_loop3A_911 = arith.index_cast %parallel_loop3A_909 : i32 to index
        %parallel_loop3A_912 = tpu.vector_load %arg12[%parallel_loop3A_910, %parallel_loop3A_911] {strides = array<i32>} : memref<384x128xf32, #tpu.memory_space<vmem>>, vector<1x16xf32>,
        %parallel_loop3A_913 = vector.shape_cast %parallel_loop3A_912 : vector<1x16xf32> to vector<16xf32>
        %parallel_loop3A_914 = vector.shape_cast %parallel_loop3A_907 : vector<16xf32> to vector<1x16xf32>
        tpu.vector_store %arg12[%parallel_loop3A_910, %parallel_loop3A_911], %parallel_loop3A_914 {add = true, strides = array<i32>} : memref<384x128xf32, #tpu.memory_space<vmem>>, vector<1x16xf32>,
        %parallel_loop3A_915 = arith.constant 4 : i32
        %parallel_loop3A_916 = arith.muli %parallel_loop3A_222, %parallel_loop3A_915 : i32
        %parallel_loop3A_917 = arith.constant 2 : i32
        %parallel_loop3A_918 = arith.addi %parallel_loop3A_916, %parallel_loop3A_917 : i32
        %parallel_loop3A_919 = arith.constant 16 : i32
        %parallel_loop3A_920 = arith.muli %parallel_loop3A_918, %parallel_loop3A_919 : i32
        %parallel_loop3A_921 = arith.index_cast %parallel_loop3A_877 : i32 to index
        %parallel_loop3A_922 = arith.index_cast %parallel_loop3A_920 : i32 to index
        %parallel_loop3A_923 = tpu.vector_load %arg8[%parallel_loop3A_921, %parallel_loop3A_922] {strides = array<i32>} : memref<400x128xf32, #tpu.memory_space<vmem>>, vector<1x16xf32>,
        %parallel_loop3A_924 = vector.shape_cast %parallel_loop3A_923 : vector<1x16xf32> to vector<16xf32>
        %parallel_loop3A_925 = arith.constant 16 : i32
        %parallel_loop3A_926 = arith.muli %parallel_loop3A_918, %parallel_loop3A_925 : i32
        %parallel_loop3A_927 = arith.index_cast %parallel_loop3A_880 : i32 to index
        %parallel_loop3A_928 = arith.index_cast %parallel_loop3A_926 : i32 to index
        %parallel_loop3A_929 = tpu.vector_load %arg12[%parallel_loop3A_927, %parallel_loop3A_928] {strides = array<i32>} : memref<384x128xf32, #tpu.memory_space<vmem>>, vector<1x16xf32>,
        %parallel_loop3A_930 = vector.shape_cast %parallel_loop3A_929 : vector<1x16xf32> to vector<16xf32>
        %parallel_loop3A_931 = vector.shape_cast %parallel_loop3A_924 : vector<16xf32> to vector<1x16xf32>
        tpu.vector_store %arg12[%parallel_loop3A_927, %parallel_loop3A_928], %parallel_loop3A_931 {add = true, strides = array<i32>} : memref<384x128xf32, #tpu.memory_space<vmem>>, vector<1x16xf32>,
        %parallel_loop3A_932 = arith.constant 4 : i32
        %parallel_loop3A_933 = arith.muli %parallel_loop3A_222, %parallel_loop3A_932 : i32
        %parallel_loop3A_934 = arith.constant 3 : i32
        %parallel_loop3A_935 = arith.addi %parallel_loop3A_933, %parallel_loop3A_934 : i32
        %parallel_loop3A_936 = arith.constant 16 : i32
        %parallel_loop3A_937 = arith.muli %parallel_loop3A_935, %parallel_loop3A_936 : i32
        %parallel_loop3A_938 = arith.index_cast %parallel_loop3A_877 : i32 to index
        %parallel_loop3A_939 = arith.index_cast %parallel_loop3A_937 : i32 to index
        %parallel_loop3A_940 = tpu.vector_load %arg8[%parallel_loop3A_938, %parallel_loop3A_939] {strides = array<i32>} : memref<400x128xf32, #tpu.memory_space<vmem>>, vector<1x16xf32>,
        %parallel_loop3A_941 = vector.shape_cast %parallel_loop3A_940 : vector<1x16xf32> to vector<16xf32>
        %parallel_loop3A_942 = arith.constant 16 : i32
        %parallel_loop3A_943 = arith.muli %parallel_loop3A_935, %parallel_loop3A_942 : i32
        %parallel_loop3A_944 = arith.index_cast %parallel_loop3A_880 : i32 to index
        %parallel_loop3A_945 = arith.index_cast %parallel_loop3A_943 : i32 to index
        %parallel_loop3A_946 = tpu.vector_load %arg12[%parallel_loop3A_944, %parallel_loop3A_945] {strides = array<i32>} : memref<384x128xf32, #tpu.memory_space<vmem>>, vector<1x16xf32>,
        %parallel_loop3A_947 = vector.shape_cast %parallel_loop3A_946 : vector<1x16xf32> to vector<16xf32>
        %parallel_loop3A_948 = vector.shape_cast %parallel_loop3A_941 : vector<16xf32> to vector<1x16xf32>
        tpu.vector_store %arg12[%parallel_loop3A_944, %parallel_loop3A_945], %parallel_loop3A_948 {add = true, strides = array<i32>} : memref<384x128xf32, #tpu.memory_space<vmem>>, vector<1x16xf32>,
        %parallel_loop3A_949 = arith.constant 16 : i32
        %parallel_loop3A_950 = arith.muli %parallel_loop3A_220, %parallel_loop3A_949 : i32
        %parallel_loop3A_951 = arith.constant 8 : i32
        %parallel_loop3A_952 = arith.addi %parallel_loop3A_950, %parallel_loop3A_951 : i32
        %parallel_loop3A_953 = arith.constant 16 : i32
        %parallel_loop3A_954 = arith.muli %parallel_loop3A_220, %parallel_loop3A_953 : i32
        %parallel_loop3A_955 = arith.addi %scan3A_177, %parallel_loop3A_954 : i32
        %parallel_loop3A_956 = arith.constant 8 : i32
        %parallel_loop3A_957 = arith.addi %parallel_loop3A_955, %parallel_loop3A_956 : i32
        %parallel_loop3A_958 = arith.constant 200 : i32
        %parallel_loop3A_959 = arith.cmpi sge, %parallel_loop3A_957, %parallel_loop3A_958 : i32
        %parallel_loop3A_960 = arith.constant 200 : i32
        %parallel_loop3A_961 = arith.subi %parallel_loop3A_957, %parallel_loop3A_960 : i32
        %parallel_loop3A_962 = arith.select %parallel_loop3A_959, %parallel_loop3A_961, %parallel_loop3A_957 : i32
        %parallel_loop3A_963 = vector.extract_strided_slice %parallel_loop3A_228 {offsets = [8], sizes = [1], strides = [1]} : vector<16xi32> to vector<1xi32>
        %parallel_loop3A_964 = vector.extract %parallel_loop3A_963[0] : i32 from vector<1xi32>
        %parallel_loop3A_965 = arith.constant 200 : i32
        %parallel_loop3A_966 = arith.muli %parallel_loop3A_964, %parallel_loop3A_965 : i32
        %parallel_loop3A_967 = arith.addi %parallel_loop3A_966, %parallel_loop3A_962 : i32
        %parallel_loop3A_968 = arith.constant 128 : i32
        %parallel_loop3A_969 = arith.muli %rem3A_179, %parallel_loop3A_968 : i32
        %parallel_loop3A_970 = arith.addi %parallel_loop3A_969, %parallel_loop3A_952 : i32
        %parallel_loop3A_971 = arith.constant 4 : i32
        %parallel_loop3A_972 = arith.muli %parallel_loop3A_222, %parallel_loop3A_971 : i32
        %parallel_loop3A_973 = arith.constant 0 : i32
        %parallel_loop3A_974 = arith.addi %parallel_loop3A_972, %parallel_loop3A_973 : i32
        %parallel_loop3A_975 = arith.constant 16 : i32
        %parallel_loop3A_976 = arith.muli %parallel_loop3A_974, %parallel_loop3A_975 : i32
        %parallel_loop3A_977 = arith.index_cast %parallel_loop3A_967 : i32 to index
        %parallel_loop3A_978 = arith.index_cast %parallel_loop3A_976 : i32 to index
        %parallel_loop3A_979 = tpu.vector_load %arg8[%parallel_loop3A_977, %parallel_loop3A_978] {strides = array<i32>} : memref<400x128xf32, #tpu.memory_space<vmem>>, vector<1x16xf32>,
        %parallel_loop3A_980 = vector.shape_cast %parallel_loop3A_979 : vector<1x16xf32> to vector<16xf32>
        %parallel_loop3A_981 = arith.constant 16 : i32
        %parallel_loop3A_982 = arith.muli %parallel_loop3A_974, %parallel_loop3A_981 : i32
        %parallel_loop3A_983 = arith.index_cast %parallel_loop3A_970 : i32 to index
        %parallel_loop3A_984 = arith.index_cast %parallel_loop3A_982 : i32 to index
        %parallel_loop3A_985 = tpu.vector_load %arg12[%parallel_loop3A_983, %parallel_loop3A_984] {strides = array<i32>} : memref<384x128xf32, #tpu.memory_space<vmem>>, vector<1x16xf32>,
        %parallel_loop3A_986 = vector.shape_cast %parallel_loop3A_985 : vector<1x16xf32> to vector<16xf32>
        %parallel_loop3A_987 = vector.shape_cast %parallel_loop3A_980 : vector<16xf32> to vector<1x16xf32>
        tpu.vector_store %arg12[%parallel_loop3A_983, %parallel_loop3A_984], %parallel_loop3A_987 {add = true, strides = array<i32>} : memref<384x128xf32, #tpu.memory_space<vmem>>, vector<1x16xf32>,
        %parallel_loop3A_988 = arith.constant 4 : i32
        %parallel_loop3A_989 = arith.muli %parallel_loop3A_222, %parallel_loop3A_988 : i32
        %parallel_loop3A_990 = arith.constant 1 : i32
        %parallel_loop3A_991 = arith.addi %parallel_loop3A_989, %parallel_loop3A_990 : i32
        %parallel_loop3A_992 = arith.constant 16 : i32
        %parallel_loop3A_993 = arith.muli %parallel_loop3A_991, %parallel_loop3A_992 : i32
        %parallel_loop3A_994 = arith.index_cast %parallel_loop3A_967 : i32 to index
        %parallel_loop3A_995 = arith.index_cast %parallel_loop3A_993 : i32 to index
        %parallel_loop3A_996 = tpu.vector_load %arg8[%parallel_loop3A_994, %parallel_loop3A_995] {strides = array<i32>} : memref<400x128xf32, #tpu.memory_space<vmem>>, vector<1x16xf32>,
        %parallel_loop3A_997 = vector.shape_cast %parallel_loop3A_996 : vector<1x16xf32> to vector<16xf32>
        %parallel_loop3A_998 = arith.constant 16 : i32
        %parallel_loop3A_999 = arith.muli %parallel_loop3A_991, %parallel_loop3A_998 : i32
        %parallel_loop3A_1000 = arith.index_cast %parallel_loop3A_970 : i32 to index
        %parallel_loop3A_1001 = arith.index_cast %parallel_loop3A_999 : i32 to index
        %parallel_loop3A_1002 = tpu.vector_load %arg12[%parallel_loop3A_1000, %parallel_loop3A_1001] {strides = array<i32>} : memref<384x128xf32, #tpu.memory_space<vmem>>, vector<1x16xf32>,
        %parallel_loop3A_1003 = vector.shape_cast %parallel_loop3A_1002 : vector<1x16xf32> to vector<16xf32>
        %parallel_loop3A_1004 = vector.shape_cast %parallel_loop3A_997 : vector<16xf32> to vector<1x16xf32>
        tpu.vector_store %arg12[%parallel_loop3A_1000, %parallel_loop3A_1001], %parallel_loop3A_1004 {add = true, strides = array<i32>} : memref<384x128xf32, #tpu.memory_space<vmem>>, vector<1x16xf32>,
        %parallel_loop3A_1005 = arith.constant 4 : i32
        %parallel_loop3A_1006 = arith.muli %parallel_loop3A_222, %parallel_loop3A_1005 : i32
        %parallel_loop3A_1007 = arith.constant 2 : i32
        %parallel_loop3A_1008 = arith.addi %parallel_loop3A_1006, %parallel_loop3A_1007 : i32
        %parallel_loop3A_1009 = arith.constant 16 : i32
        %parallel_loop3A_1010 = arith.muli %parallel_loop3A_1008, %parallel_loop3A_1009 : i32
        %parallel_loop3A_1011 = arith.index_cast %parallel_loop3A_967 : i32 to index
        %parallel_loop3A_1012 = arith.index_cast %parallel_loop3A_1010 : i32 to index
        %parallel_loop3A_1013 = tpu.vector_load %arg8[%parallel_loop3A_1011, %parallel_loop3A_1012] {strides = array<i32>} : memref<400x128xf32, #tpu.memory_space<vmem>>, vector<1x16xf32>,
        %parallel_loop3A_1014 = vector.shape_cast %parallel_loop3A_1013 : vector<1x16xf32> to vector<16xf32>
        %parallel_loop3A_1015 = arith.constant 16 : i32
        %parallel_loop3A_1016 = arith.muli %parallel_loop3A_1008, %parallel_loop3A_1015 : i32
        %parallel_loop3A_1017 = arith.index_cast %parallel_loop3A_970 : i32 to index
        %parallel_loop3A_1018 = arith.index_cast %parallel_loop3A_1016 : i32 to index
        %parallel_loop3A_1019 = tpu.vector_load %arg12[%parallel_loop3A_1017, %parallel_loop3A_1018] {strides = array<i32>} : memref<384x128xf32, #tpu.memory_space<vmem>>, vector<1x16xf32>,
        %parallel_loop3A_1020 = vector.shape_cast %parallel_loop3A_1019 : vector<1x16xf32> to vector<16xf32>
        %parallel_loop3A_1021 = vector.shape_cast %parallel_loop3A_1014 : vector<16xf32> to vector<1x16xf32>
        tpu.vector_store %arg12[%parallel_loop3A_1017, %parallel_loop3A_1018], %parallel_loop3A_1021 {add = true, strides = array<i32>} : memref<384x128xf32, #tpu.memory_space<vmem>>, vector<1x16xf32>,
        %parallel_loop3A_1022 = arith.constant 4 : i32
        %parallel_loop3A_1023 = arith.muli %parallel_loop3A_222, %parallel_loop3A_1022 : i32
        %parallel_loop3A_1024 = arith.constant 3 : i32
        %parallel_loop3A_1025 = arith.addi %parallel_loop3A_1023, %parallel_loop3A_1024 : i32
        %parallel_loop3A_1026 = arith.constant 16 : i32
        %parallel_loop3A_1027 = arith.muli %parallel_loop3A_1025, %parallel_loop3A_1026 : i32
        %parallel_loop3A_1028 = arith.index_cast %parallel_loop3A_967 : i32 to index
        %parallel_loop3A_1029 = arith.index_cast %parallel_loop3A_1027 : i32 to index
        %parallel_loop3A_1030 = tpu.vector_load %arg8[%parallel_loop3A_1028, %parallel_loop3A_1029] {strides = array<i32>} : memref<400x128xf32, #tpu.memory_space<vmem>>, vector<1x16xf32>,
        %parallel_loop3A_1031 = vector.shape_cast %parallel_loop3A_1030 : vector<1x16xf32> to vector<16xf32>
        %parallel_loop3A_1032 = arith.constant 16 : i32
        %parallel_loop3A_1033 = arith.muli %parallel_loop3A_1025, %parallel_loop3A_1032 : i32
        %parallel_loop3A_1034 = arith.index_cast %parallel_loop3A_970 : i32 to index
        %parallel_loop3A_1035 = arith.index_cast %parallel_loop3A_1033 : i32 to index
        %parallel_loop3A_1036 = tpu.vector_load %arg12[%parallel_loop3A_1034, %parallel_loop3A_1035] {strides = array<i32>} : memref<384x128xf32, #tpu.memory_space<vmem>>, vector<1x16xf32>,
        %parallel_loop3A_1037 = vector.shape_cast %parallel_loop3A_1036 : vector<1x16xf32> to vector<16xf32>
        %parallel_loop3A_1038 = vector.shape_cast %parallel_loop3A_1031 : vector<16xf32> to vector<1x16xf32>
        tpu.vector_store %arg12[%parallel_loop3A_1034, %parallel_loop3A_1035], %parallel_loop3A_1038 {add = true, strides = array<i32>} : memref<384x128xf32, #tpu.memory_space<vmem>>, vector<1x16xf32>,
        %parallel_loop3A_1039 = arith.constant 16 : i32
        %parallel_loop3A_1040 = arith.muli %parallel_loop3A_220, %parallel_loop3A_1039 : i32
        %parallel_loop3A_1041 = arith.constant 9 : i32
        %parallel_loop3A_1042 = arith.addi %parallel_loop3A_1040, %parallel_loop3A_1041 : i32
        %parallel_loop3A_1043 = arith.constant 16 : i32
        %parallel_loop3A_1044 = arith.muli %parallel_loop3A_220, %parallel_loop3A_1043 : i32
        %parallel_loop3A_1045 = arith.addi %scan3A_177, %parallel_loop3A_1044 : i32
        %parallel_loop3A_1046 = arith.constant 9 : i32
        %parallel_loop3A_1047 = arith.addi %parallel_loop3A_1045, %parallel_loop3A_1046 : i32
        %parallel_loop3A_1048 = arith.constant 200 : i32
        %parallel_loop3A_1049 = arith.cmpi sge, %parallel_loop3A_1047, %parallel_loop3A_1048 : i32
        %parallel_loop3A_1050 = arith.constant 200 : i32
        %parallel_loop3A_1051 = arith.subi %parallel_loop3A_1047, %parallel_loop3A_1050 : i32
        %parallel_loop3A_1052 = arith.select %parallel_loop3A_1049, %parallel_loop3A_1051, %parallel_loop3A_1047 : i32
        %parallel_loop3A_1053 = vector.extract_strided_slice %parallel_loop3A_228 {offsets = [9], sizes = [1], strides = [1]} : vector<16xi32> to vector<1xi32>
        %parallel_loop3A_1054 = vector.extract %parallel_loop3A_1053[0] : i32 from vector<1xi32>
        %parallel_loop3A_1055 = arith.constant 200 : i32
        %parallel_loop3A_1056 = arith.muli %parallel_loop3A_1054, %parallel_loop3A_1055 : i32
        %parallel_loop3A_1057 = arith.addi %parallel_loop3A_1056, %parallel_loop3A_1052 : i32
        %parallel_loop3A_1058 = arith.constant 128 : i32
        %parallel_loop3A_1059 = arith.muli %rem3A_179, %parallel_loop3A_1058 : i32
        %parallel_loop3A_1060 = arith.addi %parallel_loop3A_1059, %parallel_loop3A_1042 : i32
        %parallel_loop3A_1061 = arith.constant 4 : i32
        %parallel_loop3A_1062 = arith.muli %parallel_loop3A_222, %parallel_loop3A_1061 : i32
        %parallel_loop3A_1063 = arith.constant 0 : i32
        %parallel_loop3A_1064 = arith.addi %parallel_loop3A_1062, %parallel_loop3A_1063 : i32
        %parallel_loop3A_1065 = arith.constant 16 : i32
        %parallel_loop3A_1066 = arith.muli %parallel_loop3A_1064, %parallel_loop3A_1065 : i32
        %parallel_loop3A_1067 = arith.index_cast %parallel_loop3A_1057 : i32 to index
        %parallel_loop3A_1068 = arith.index_cast %parallel_loop3A_1066 : i32 to index
        %parallel_loop3A_1069 = tpu.vector_load %arg8[%parallel_loop3A_1067, %parallel_loop3A_1068] {strides = array<i32>} : memref<400x128xf32, #tpu.memory_space<vmem>>, vector<1x16xf32>,
        %parallel_loop3A_1070 = vector.shape_cast %parallel_loop3A_1069 : vector<1x16xf32> to vector<16xf32>
        %parallel_loop3A_1071 = arith.constant 16 : i32
        %parallel_loop3A_1072 = arith.muli %parallel_loop3A_1064, %parallel_loop3A_1071 : i32
        %parallel_loop3A_1073 = arith.index_cast %parallel_loop3A_1060 : i32 to index
        %parallel_loop3A_1074 = arith.index_cast %parallel_loop3A_1072 : i32 to index
        %parallel_loop3A_1075 = tpu.vector_load %arg12[%parallel_loop3A_1073, %parallel_loop3A_1074] {strides = array<i32>} : memref<384x128xf32, #tpu.memory_space<vmem>>, vector<1x16xf32>,
        %parallel_loop3A_1076 = vector.shape_cast %parallel_loop3A_1075 : vector<1x16xf32> to vector<16xf32>
        %parallel_loop3A_1077 = vector.shape_cast %parallel_loop3A_1070 : vector<16xf32> to vector<1x16xf32>
        tpu.vector_store %arg12[%parallel_loop3A_1073, %parallel_loop3A_1074], %parallel_loop3A_1077 {add = true, strides = array<i32>} : memref<384x128xf32, #tpu.memory_space<vmem>>, vector<1x16xf32>,
        %parallel_loop3A_1078 = arith.constant 4 : i32
        %parallel_loop3A_1079 = arith.muli %parallel_loop3A_222, %parallel_loop3A_1078 : i32
        %parallel_loop3A_1080 = arith.constant 1 : i32
        %parallel_loop3A_1081 = arith.addi %parallel_loop3A_1079, %parallel_loop3A_1080 : i32
        %parallel_loop3A_1082 = arith.constant 16 : i32
        %parallel_loop3A_1083 = arith.muli %parallel_loop3A_1081, %parallel_loop3A_1082 : i32
        %parallel_loop3A_1084 = arith.index_cast %parallel_loop3A_1057 : i32 to index
        %parallel_loop3A_1085 = arith.index_cast %parallel_loop3A_1083 : i32 to index
        %parallel_loop3A_1086 = tpu.vector_load %arg8[%parallel_loop3A_1084, %parallel_loop3A_1085] {strides = array<i32>} : memref<400x128xf32, #tpu.memory_space<vmem>>, vector<1x16xf32>,
        %parallel_loop3A_1087 = vector.shape_cast %parallel_loop3A_1086 : vector<1x16xf32> to vector<16xf32>
        %parallel_loop3A_1088 = arith.constant 16 : i32
        %parallel_loop3A_1089 = arith.muli %parallel_loop3A_1081, %parallel_loop3A_1088 : i32
        %parallel_loop3A_1090 = arith.index_cast %parallel_loop3A_1060 : i32 to index
        %parallel_loop3A_1091 = arith.index_cast %parallel_loop3A_1089 : i32 to index
        %parallel_loop3A_1092 = tpu.vector_load %arg12[%parallel_loop3A_1090, %parallel_loop3A_1091] {strides = array<i32>} : memref<384x128xf32, #tpu.memory_space<vmem>>, vector<1x16xf32>,
        %parallel_loop3A_1093 = vector.shape_cast %parallel_loop3A_1092 : vector<1x16xf32> to vector<16xf32>
        %parallel_loop3A_1094 = vector.shape_cast %parallel_loop3A_1087 : vector<16xf32> to vector<1x16xf32>
        tpu.vector_store %arg12[%parallel_loop3A_1090, %parallel_loop3A_1091], %parallel_loop3A_1094 {add = true, strides = array<i32>} : memref<384x128xf32, #tpu.memory_space<vmem>>, vector<1x16xf32>,
        %parallel_loop3A_1095 = arith.constant 4 : i32
        %parallel_loop3A_1096 = arith.muli %parallel_loop3A_222, %parallel_loop3A_1095 : i32
        %parallel_loop3A_1097 = arith.constant 2 : i32
        %parallel_loop3A_1098 = arith.addi %parallel_loop3A_1096, %parallel_loop3A_1097 : i32
        %parallel_loop3A_1099 = arith.constant 16 : i32
        %parallel_loop3A_1100 = arith.muli %parallel_loop3A_1098, %parallel_loop3A_1099 : i32
        %parallel_loop3A_1101 = arith.index_cast %parallel_loop3A_1057 : i32 to index
        %parallel_loop3A_1102 = arith.index_cast %parallel_loop3A_1100 : i32 to index
        %parallel_loop3A_1103 = tpu.vector_load %arg8[%parallel_loop3A_1101, %parallel_loop3A_1102] {strides = array<i32>} : memref<400x128xf32, #tpu.memory_space<vmem>>, vector<1x16xf32>,
        %parallel_loop3A_1104 = vector.shape_cast %parallel_loop3A_1103 : vector<1x16xf32> to vector<16xf32>
        %parallel_loop3A_1105 = arith.constant 16 : i32
        %parallel_loop3A_1106 = arith.muli %parallel_loop3A_1098, %parallel_loop3A_1105 : i32
        %parallel_loop3A_1107 = arith.index_cast %parallel_loop3A_1060 : i32 to index
        %parallel_loop3A_1108 = arith.index_cast %parallel_loop3A_1106 : i32 to index
        %parallel_loop3A_1109 = tpu.vector_load %arg12[%parallel_loop3A_1107, %parallel_loop3A_1108] {strides = array<i32>} : memref<384x128xf32, #tpu.memory_space<vmem>>, vector<1x16xf32>,
        %parallel_loop3A_1110 = vector.shape_cast %parallel_loop3A_1109 : vector<1x16xf32> to vector<16xf32>
        %parallel_loop3A_1111 = vector.shape_cast %parallel_loop3A_1104 : vector<16xf32> to vector<1x16xf32>
        tpu.vector_store %arg12[%parallel_loop3A_1107, %parallel_loop3A_1108], %parallel_loop3A_1111 {add = true, strides = array<i32>} : memref<384x128xf32, #tpu.memory_space<vmem>>, vector<1x16xf32>,
        %parallel_loop3A_1112 = arith.constant 4 : i32
        %parallel_loop3A_1113 = arith.muli %parallel_loop3A_222, %parallel_loop3A_1112 : i32
        %parallel_loop3A_1114 = arith.constant 3 : i32
        %parallel_loop3A_1115 = arith.addi %parallel_loop3A_1113, %parallel_loop3A_1114 : i32
        %parallel_loop3A_1116 = arith.constant 16 : i32
        %parallel_loop3A_1117 = arith.muli %parallel_loop3A_1115, %parallel_loop3A_1116 : i32
        %parallel_loop3A_1118 = arith.index_cast %parallel_loop3A_1057 : i32 to index
        %parallel_loop3A_1119 = arith.index_cast %parallel_loop3A_1117 : i32 to index
        %parallel_loop3A_1120 = tpu.vector_load %arg8[%parallel_loop3A_1118, %parallel_loop3A_1119] {strides = array<i32>} : memref<400x128xf32, #tpu.memory_space<vmem>>, vector<1x16xf32>,
        %parallel_loop3A_1121 = vector.shape_cast %parallel_loop3A_1120 : vector<1x16xf32> to vector<16xf32>
        %parallel_loop3A_1122 = arith.constant 16 : i32
        %parallel_loop3A_1123 = arith.muli %parallel_loop3A_1115, %parallel_loop3A_1122 : i32
        %parallel_loop3A_1124 = arith.index_cast %parallel_loop3A_1060 : i32 to index
        %parallel_loop3A_1125 = arith.index_cast %parallel_loop3A_1123 : i32 to index
        %parallel_loop3A_1126 = tpu.vector_load %arg12[%parallel_loop3A_1124, %parallel_loop3A_1125] {strides = array<i32>} : memref<384x128xf32, #tpu.memory_space<vmem>>, vector<1x16xf32>,
        %parallel_loop3A_1127 = vector.shape_cast %parallel_loop3A_1126 : vector<1x16xf32> to vector<16xf32>
        %parallel_loop3A_1128 = vector.shape_cast %parallel_loop3A_1121 : vector<16xf32> to vector<1x16xf32>
        tpu.vector_store %arg12[%parallel_loop3A_1124, %parallel_loop3A_1125], %parallel_loop3A_1128 {add = true, strides = array<i32>} : memref<384x128xf32, #tpu.memory_space<vmem>>, vector<1x16xf32>,
        %parallel_loop3A_1129 = arith.constant 16 : i32
        %parallel_loop3A_1130 = arith.muli %parallel_loop3A_220, %parallel_loop3A_1129 : i32
        %parallel_loop3A_1131 = arith.constant 10 : i32
        %parallel_loop3A_1132 = arith.addi %parallel_loop3A_1130, %parallel_loop3A_1131 : i32
        %parallel_loop3A_1133 = arith.constant 16 : i32
        %parallel_loop3A_1134 = arith.muli %parallel_loop3A_220, %parallel_loop3A_1133 : i32
        %parallel_loop3A_1135 = arith.addi %scan3A_177, %parallel_loop3A_1134 : i32
        %parallel_loop3A_1136 = arith.constant 10 : i32
        %parallel_loop3A_1137 = arith.addi %parallel_loop3A_1135, %parallel_loop3A_1136 : i32
        %parallel_loop3A_1138 = arith.constant 200 : i32
        %parallel_loop3A_1139 = arith.cmpi sge, %parallel_loop3A_1137, %parallel_loop3A_1138 : i32
        %parallel_loop3A_1140 = arith.constant 200 : i32
        %parallel_loop3A_1141 = arith.subi %parallel_loop3A_1137, %parallel_loop3A_1140 : i32
        %parallel_loop3A_1142 = arith.select %parallel_loop3A_1139, %parallel_loop3A_1141, %parallel_loop3A_1137 : i32
        %parallel_loop3A_1143 = vector.extract_strided_slice %parallel_loop3A_228 {offsets = [10], sizes = [1], strides = [1]} : vector<16xi32> to vector<1xi32>
        %parallel_loop3A_1144 = vector.extract %parallel_loop3A_1143[0] : i32 from vector<1xi32>
        %parallel_loop3A_1145 = arith.constant 200 : i32
        %parallel_loop3A_1146 = arith.muli %parallel_loop3A_1144, %parallel_loop3A_1145 : i32
        %parallel_loop3A_1147 = arith.addi %parallel_loop3A_1146, %parallel_loop3A_1142 : i32
        %parallel_loop3A_1148 = arith.constant 128 : i32
        %parallel_loop3A_1149 = arith.muli %rem3A_179, %parallel_loop3A_1148 : i32
        %parallel_loop3A_1150 = arith.addi %parallel_loop3A_1149, %parallel_loop3A_1132 : i32
        %parallel_loop3A_1151 = arith.constant 4 : i32
        %parallel_loop3A_1152 = arith.muli %parallel_loop3A_222, %parallel_loop3A_1151 : i32
        %parallel_loop3A_1153 = arith.constant 0 : i32
        %parallel_loop3A_1154 = arith.addi %parallel_loop3A_1152, %parallel_loop3A_1153 : i32
        %parallel_loop3A_1155 = arith.constant 16 : i32
        %parallel_loop3A_1156 = arith.muli %parallel_loop3A_1154, %parallel_loop3A_1155 : i32
        %parallel_loop3A_1157 = arith.index_cast %parallel_loop3A_1147 : i32 to index
        %parallel_loop3A_1158 = arith.index_cast %parallel_loop3A_1156 : i32 to index
        %parallel_loop3A_1159 = tpu.vector_load %arg8[%parallel_loop3A_1157, %parallel_loop3A_1158] {strides = array<i32>} : memref<400x128xf32, #tpu.memory_space<vmem>>, vector<1x16xf32>,
        %parallel_loop3A_1160 = vector.shape_cast %parallel_loop3A_1159 : vector<1x16xf32> to vector<16xf32>
        %parallel_loop3A_1161 = arith.constant 16 : i32
        %parallel_loop3A_1162 = arith.muli %parallel_loop3A_1154, %parallel_loop3A_1161 : i32
        %parallel_loop3A_1163 = arith.index_cast %parallel_loop3A_1150 : i32 to index
        %parallel_loop3A_1164 = arith.index_cast %parallel_loop3A_1162 : i32 to index
        %parallel_loop3A_1165 = tpu.vector_load %arg12[%parallel_loop3A_1163, %parallel_loop3A_1164] {strides = array<i32>} : memref<384x128xf32, #tpu.memory_space<vmem>>, vector<1x16xf32>,
        %parallel_loop3A_1166 = vector.shape_cast %parallel_loop3A_1165 : vector<1x16xf32> to vector<16xf32>
        %parallel_loop3A_1167 = vector.shape_cast %parallel_loop3A_1160 : vector<16xf32> to vector<1x16xf32>
        tpu.vector_store %arg12[%parallel_loop3A_1163, %parallel_loop3A_1164], %parallel_loop3A_1167 {add = true, strides = array<i32>} : memref<384x128xf32, #tpu.memory_space<vmem>>, vector<1x16xf32>,
        %parallel_loop3A_1168 = arith.constant 4 : i32
        %parallel_loop3A_1169 = arith.muli %parallel_loop3A_222, %parallel_loop3A_1168 : i32
        %parallel_loop3A_1170 = arith.constant 1 : i32
        %parallel_loop3A_1171 = arith.addi %parallel_loop3A_1169, %parallel_loop3A_1170 : i32
        %parallel_loop3A_1172 = arith.constant 16 : i32
        %parallel_loop3A_1173 = arith.muli %parallel_loop3A_1171, %parallel_loop3A_1172 : i32
        %parallel_loop3A_1174 = arith.index_cast %parallel_loop3A_1147 : i32 to index
        %parallel_loop3A_1175 = arith.index_cast %parallel_loop3A_1173 : i32 to index
        %parallel_loop3A_1176 = tpu.vector_load %arg8[%parallel_loop3A_1174, %parallel_loop3A_1175] {strides = array<i32>} : memref<400x128xf32, #tpu.memory_space<vmem>>, vector<1x16xf32>,
        %parallel_loop3A_1177 = vector.shape_cast %parallel_loop3A_1176 : vector<1x16xf32> to vector<16xf32>
        %parallel_loop3A_1178 = arith.constant 16 : i32
        %parallel_loop3A_1179 = arith.muli %parallel_loop3A_1171, %parallel_loop3A_1178 : i32
        %parallel_loop3A_1180 = arith.index_cast %parallel_loop3A_1150 : i32 to index
        %parallel_loop3A_1181 = arith.index_cast %parallel_loop3A_1179 : i32 to index
        %parallel_loop3A_1182 = tpu.vector_load %arg12[%parallel_loop3A_1180, %parallel_loop3A_1181] {strides = array<i32>} : memref<384x128xf32, #tpu.memory_space<vmem>>, vector<1x16xf32>,
        %parallel_loop3A_1183 = vector.shape_cast %parallel_loop3A_1182 : vector<1x16xf32> to vector<16xf32>
        %parallel_loop3A_1184 = vector.shape_cast %parallel_loop3A_1177 : vector<16xf32> to vector<1x16xf32>
        tpu.vector_store %arg12[%parallel_loop3A_1180, %parallel_loop3A_1181], %parallel_loop3A_1184 {add = true, strides = array<i32>} : memref<384x128xf32, #tpu.memory_space<vmem>>, vector<1x16xf32>,
        %parallel_loop3A_1185 = arith.constant 4 : i32
        %parallel_loop3A_1186 = arith.muli %parallel_loop3A_222, %parallel_loop3A_1185 : i32
        %parallel_loop3A_1187 = arith.constant 2 : i32
        %parallel_loop3A_1188 = arith.addi %parallel_loop3A_1186, %parallel_loop3A_1187 : i32
        %parallel_loop3A_1189 = arith.constant 16 : i32
        %parallel_loop3A_1190 = arith.muli %parallel_loop3A_1188, %parallel_loop3A_1189 : i32
        %parallel_loop3A_1191 = arith.index_cast %parallel_loop3A_1147 : i32 to index
        %parallel_loop3A_1192 = arith.index_cast %parallel_loop3A_1190 : i32 to index
        %parallel_loop3A_1193 = tpu.vector_load %arg8[%parallel_loop3A_1191, %parallel_loop3A_1192] {strides = array<i32>} : memref<400x128xf32, #tpu.memory_space<vmem>>, vector<1x16xf32>,
        %parallel_loop3A_1194 = vector.shape_cast %parallel_loop3A_1193 : vector<1x16xf32> to vector<16xf32>
        %parallel_loop3A_1195 = arith.constant 16 : i32
        %parallel_loop3A_1196 = arith.muli %parallel_loop3A_1188, %parallel_loop3A_1195 : i32
        %parallel_loop3A_1197 = arith.index_cast %parallel_loop3A_1150 : i32 to index
        %parallel_loop3A_1198 = arith.index_cast %parallel_loop3A_1196 : i32 to index
        %parallel_loop3A_1199 = tpu.vector_load %arg12[%parallel_loop3A_1197, %parallel_loop3A_1198] {strides = array<i32>} : memref<384x128xf32, #tpu.memory_space<vmem>>, vector<1x16xf32>,
        %parallel_loop3A_1200 = vector.shape_cast %parallel_loop3A_1199 : vector<1x16xf32> to vector<16xf32>
        %parallel_loop3A_1201 = vector.shape_cast %parallel_loop3A_1194 : vector<16xf32> to vector<1x16xf32>
        tpu.vector_store %arg12[%parallel_loop3A_1197, %parallel_loop3A_1198], %parallel_loop3A_1201 {add = true, strides = array<i32>} : memref<384x128xf32, #tpu.memory_space<vmem>>, vector<1x16xf32>,
        %parallel_loop3A_1202 = arith.constant 4 : i32
        %parallel_loop3A_1203 = arith.muli %parallel_loop3A_222, %parallel_loop3A_1202 : i32
        %parallel_loop3A_1204 = arith.constant 3 : i32
        %parallel_loop3A_1205 = arith.addi %parallel_loop3A_1203, %parallel_loop3A_1204 : i32
        %parallel_loop3A_1206 = arith.constant 16 : i32
        %parallel_loop3A_1207 = arith.muli %parallel_loop3A_1205, %parallel_loop3A_1206 : i32
        %parallel_loop3A_1208 = arith.index_cast %parallel_loop3A_1147 : i32 to index
        %parallel_loop3A_1209 = arith.index_cast %parallel_loop3A_1207 : i32 to index
        %parallel_loop3A_1210 = tpu.vector_load %arg8[%parallel_loop3A_1208, %parallel_loop3A_1209] {strides = array<i32>} : memref<400x128xf32, #tpu.memory_space<vmem>>, vector<1x16xf32>,
        %parallel_loop3A_1211 = vector.shape_cast %parallel_loop3A_1210 : vector<1x16xf32> to vector<16xf32>
        %parallel_loop3A_1212 = arith.constant 16 : i32
        %parallel_loop3A_1213 = arith.muli %parallel_loop3A_1205, %parallel_loop3A_1212 : i32
        %parallel_loop3A_1214 = arith.index_cast %parallel_loop3A_1150 : i32 to index
        %parallel_loop3A_1215 = arith.index_cast %parallel_loop3A_1213 : i32 to index
        %parallel_loop3A_1216 = tpu.vector_load %arg12[%parallel_loop3A_1214, %parallel_loop3A_1215] {strides = array<i32>} : memref<384x128xf32, #tpu.memory_space<vmem>>, vector<1x16xf32>,
        %parallel_loop3A_1217 = vector.shape_cast %parallel_loop3A_1216 : vector<1x16xf32> to vector<16xf32>
        %parallel_loop3A_1218 = vector.shape_cast %parallel_loop3A_1211 : vector<16xf32> to vector<1x16xf32>
        tpu.vector_store %arg12[%parallel_loop3A_1214, %parallel_loop3A_1215], %parallel_loop3A_1218 {add = true, strides = array<i32>} : memref<384x128xf32, #tpu.memory_space<vmem>>, vector<1x16xf32>,
        %parallel_loop3A_1219 = arith.constant 16 : i32
        %parallel_loop3A_1220 = arith.muli %parallel_loop3A_220, %parallel_loop3A_1219 : i32
        %parallel_loop3A_1221 = arith.constant 11 : i32
        %parallel_loop3A_1222 = arith.addi %parallel_loop3A_1220, %parallel_loop3A_1221 : i32
        %parallel_loop3A_1223 = arith.constant 16 : i32
        %parallel_loop3A_1224 = arith.muli %parallel_loop3A_220, %parallel_loop3A_1223 : i32
        %parallel_loop3A_1225 = arith.addi %scan3A_177, %parallel_loop3A_1224 : i32
        %parallel_loop3A_1226 = arith.constant 11 : i32
        %parallel_loop3A_1227 = arith.addi %parallel_loop3A_1225, %parallel_loop3A_1226 : i32
        %parallel_loop3A_1228 = arith.constant 200 : i32
        %parallel_loop3A_1229 = arith.cmpi sge, %parallel_loop3A_1227, %parallel_loop3A_1228 : i32
        %parallel_loop3A_1230 = arith.constant 200 : i32
        %parallel_loop3A_1231 = arith.subi %parallel_loop3A_1227, %parallel_loop3A_1230 : i32
        %parallel_loop3A_1232 = arith.select %parallel_loop3A_1229, %parallel_loop3A_1231, %parallel_loop3A_1227 : i32
        %parallel_loop3A_1233 = vector.extract_strided_slice %parallel_loop3A_228 {offsets = [11], sizes = [1], strides = [1]} : vector<16xi32> to vector<1xi32>
        %parallel_loop3A_1234 = vector.extract %parallel_loop3A_1233[0] : i32 from vector<1xi32>
        %parallel_loop3A_1235 = arith.constant 200 : i32
        %parallel_loop3A_1236 = arith.muli %parallel_loop3A_1234, %parallel_loop3A_1235 : i32
        %parallel_loop3A_1237 = arith.addi %parallel_loop3A_1236, %parallel_loop3A_1232 : i32
        %parallel_loop3A_1238 = arith.constant 128 : i32
        %parallel_loop3A_1239 = arith.muli %rem3A_179, %parallel_loop3A_1238 : i32
        %parallel_loop3A_1240 = arith.addi %parallel_loop3A_1239, %parallel_loop3A_1222 : i32
        %parallel_loop3A_1241 = arith.constant 4 : i32
        %parallel_loop3A_1242 = arith.muli %parallel_loop3A_222, %parallel_loop3A_1241 : i32
        %parallel_loop3A_1243 = arith.constant 0 : i32
        %parallel_loop3A_1244 = arith.addi %parallel_loop3A_1242, %parallel_loop3A_1243 : i32
        %parallel_loop3A_1245 = arith.constant 16 : i32
        %parallel_loop3A_1246 = arith.muli %parallel_loop3A_1244, %parallel_loop3A_1245 : i32
        %parallel_loop3A_1247 = arith.index_cast %parallel_loop3A_1237 : i32 to index
        %parallel_loop3A_1248 = arith.index_cast %parallel_loop3A_1246 : i32 to index
        %parallel_loop3A_1249 = tpu.vector_load %arg8[%parallel_loop3A_1247, %parallel_loop3A_1248] {strides = array<i32>} : memref<400x128xf32, #tpu.memory_space<vmem>>, vector<1x16xf32>,
        %parallel_loop3A_1250 = vector.shape_cast %parallel_loop3A_1249 : vector<1x16xf32> to vector<16xf32>
        %parallel_loop3A_1251 = arith.constant 16 : i32
        %parallel_loop3A_1252 = arith.muli %parallel_loop3A_1244, %parallel_loop3A_1251 : i32
        %parallel_loop3A_1253 = arith.index_cast %parallel_loop3A_1240 : i32 to index
        %parallel_loop3A_1254 = arith.index_cast %parallel_loop3A_1252 : i32 to index
        %parallel_loop3A_1255 = tpu.vector_load %arg12[%parallel_loop3A_1253, %parallel_loop3A_1254] {strides = array<i32>} : memref<384x128xf32, #tpu.memory_space<vmem>>, vector<1x16xf32>,
        %parallel_loop3A_1256 = vector.shape_cast %parallel_loop3A_1255 : vector<1x16xf32> to vector<16xf32>
        %parallel_loop3A_1257 = vector.shape_cast %parallel_loop3A_1250 : vector<16xf32> to vector<1x16xf32>
        tpu.vector_store %arg12[%parallel_loop3A_1253, %parallel_loop3A_1254], %parallel_loop3A_1257 {add = true, strides = array<i32>} : memref<384x128xf32, #tpu.memory_space<vmem>>, vector<1x16xf32>,
        %parallel_loop3A_1258 = arith.constant 4 : i32
        %parallel_loop3A_1259 = arith.muli %parallel_loop3A_222, %parallel_loop3A_1258 : i32
        %parallel_loop3A_1260 = arith.constant 1 : i32
        %parallel_loop3A_1261 = arith.addi %parallel_loop3A_1259, %parallel_loop3A_1260 : i32
        %parallel_loop3A_1262 = arith.constant 16 : i32
        %parallel_loop3A_1263 = arith.muli %parallel_loop3A_1261, %parallel_loop3A_1262 : i32
        %parallel_loop3A_1264 = arith.index_cast %parallel_loop3A_1237 : i32 to index
        %parallel_loop3A_1265 = arith.index_cast %parallel_loop3A_1263 : i32 to index
        %parallel_loop3A_1266 = tpu.vector_load %arg8[%parallel_loop3A_1264, %parallel_loop3A_1265] {strides = array<i32>} : memref<400x128xf32, #tpu.memory_space<vmem>>, vector<1x16xf32>,
        %parallel_loop3A_1267 = vector.shape_cast %parallel_loop3A_1266 : vector<1x16xf32> to vector<16xf32>
        %parallel_loop3A_1268 = arith.constant 16 : i32
        %parallel_loop3A_1269 = arith.muli %parallel_loop3A_1261, %parallel_loop3A_1268 : i32
        %parallel_loop3A_1270 = arith.index_cast %parallel_loop3A_1240 : i32 to index
        %parallel_loop3A_1271 = arith.index_cast %parallel_loop3A_1269 : i32 to index
        %parallel_loop3A_1272 = tpu.vector_load %arg12[%parallel_loop3A_1270, %parallel_loop3A_1271] {strides = array<i32>} : memref<384x128xf32, #tpu.memory_space<vmem>>, vector<1x16xf32>,
        %parallel_loop3A_1273 = vector.shape_cast %parallel_loop3A_1272 : vector<1x16xf32> to vector<16xf32>
        %parallel_loop3A_1274 = vector.shape_cast %parallel_loop3A_1267 : vector<16xf32> to vector<1x16xf32>
        tpu.vector_store %arg12[%parallel_loop3A_1270, %parallel_loop3A_1271], %parallel_loop3A_1274 {add = true, strides = array<i32>} : memref<384x128xf32, #tpu.memory_space<vmem>>, vector<1x16xf32>,
        %parallel_loop3A_1275 = arith.constant 4 : i32
        %parallel_loop3A_1276 = arith.muli %parallel_loop3A_222, %parallel_loop3A_1275 : i32
        %parallel_loop3A_1277 = arith.constant 2 : i32
        %parallel_loop3A_1278 = arith.addi %parallel_loop3A_1276, %parallel_loop3A_1277 : i32
        %parallel_loop3A_1279 = arith.constant 16 : i32
        %parallel_loop3A_1280 = arith.muli %parallel_loop3A_1278, %parallel_loop3A_1279 : i32
        %parallel_loop3A_1281 = arith.index_cast %parallel_loop3A_1237 : i32 to index
        %parallel_loop3A_1282 = arith.index_cast %parallel_loop3A_1280 : i32 to index
        %parallel_loop3A_1283 = tpu.vector_load %arg8[%parallel_loop3A_1281, %parallel_loop3A_1282] {strides = array<i32>} : memref<400x128xf32, #tpu.memory_space<vmem>>, vector<1x16xf32>,
        %parallel_loop3A_1284 = vector.shape_cast %parallel_loop3A_1283 : vector<1x16xf32> to vector<16xf32>
        %parallel_loop3A_1285 = arith.constant 16 : i32
        %parallel_loop3A_1286 = arith.muli %parallel_loop3A_1278, %parallel_loop3A_1285 : i32
        %parallel_loop3A_1287 = arith.index_cast %parallel_loop3A_1240 : i32 to index
        %parallel_loop3A_1288 = arith.index_cast %parallel_loop3A_1286 : i32 to index
        %parallel_loop3A_1289 = tpu.vector_load %arg12[%parallel_loop3A_1287, %parallel_loop3A_1288] {strides = array<i32>} : memref<384x128xf32, #tpu.memory_space<vmem>>, vector<1x16xf32>,
        %parallel_loop3A_1290 = vector.shape_cast %parallel_loop3A_1289 : vector<1x16xf32> to vector<16xf32>
        %parallel_loop3A_1291 = vector.shape_cast %parallel_loop3A_1284 : vector<16xf32> to vector<1x16xf32>
        tpu.vector_store %arg12[%parallel_loop3A_1287, %parallel_loop3A_1288], %parallel_loop3A_1291 {add = true, strides = array<i32>} : memref<384x128xf32, #tpu.memory_space<vmem>>, vector<1x16xf32>,
        %parallel_loop3A_1292 = arith.constant 4 : i32
        %parallel_loop3A_1293 = arith.muli %parallel_loop3A_222, %parallel_loop3A_1292 : i32
        %parallel_loop3A_1294 = arith.constant 3 : i32
        %parallel_loop3A_1295 = arith.addi %parallel_loop3A_1293, %parallel_loop3A_1294 : i32
        %parallel_loop3A_1296 = arith.constant 16 : i32
        %parallel_loop3A_1297 = arith.muli %parallel_loop3A_1295, %parallel_loop3A_1296 : i32
        %parallel_loop3A_1298 = arith.index_cast %parallel_loop3A_1237 : i32 to index
        %parallel_loop3A_1299 = arith.index_cast %parallel_loop3A_1297 : i32 to index
        %parallel_loop3A_1300 = tpu.vector_load %arg8[%parallel_loop3A_1298, %parallel_loop3A_1299] {strides = array<i32>} : memref<400x128xf32, #tpu.memory_space<vmem>>, vector<1x16xf32>,
        %parallel_loop3A_1301 = vector.shape_cast %parallel_loop3A_1300 : vector<1x16xf32> to vector<16xf32>
        %parallel_loop3A_1302 = arith.constant 16 : i32
        %parallel_loop3A_1303 = arith.muli %parallel_loop3A_1295, %parallel_loop3A_1302 : i32
        %parallel_loop3A_1304 = arith.index_cast %parallel_loop3A_1240 : i32 to index
        %parallel_loop3A_1305 = arith.index_cast %parallel_loop3A_1303 : i32 to index
        %parallel_loop3A_1306 = tpu.vector_load %arg12[%parallel_loop3A_1304, %parallel_loop3A_1305] {strides = array<i32>} : memref<384x128xf32, #tpu.memory_space<vmem>>, vector<1x16xf32>,
        %parallel_loop3A_1307 = vector.shape_cast %parallel_loop3A_1306 : vector<1x16xf32> to vector<16xf32>
        %parallel_loop3A_1308 = vector.shape_cast %parallel_loop3A_1301 : vector<16xf32> to vector<1x16xf32>
        tpu.vector_store %arg12[%parallel_loop3A_1304, %parallel_loop3A_1305], %parallel_loop3A_1308 {add = true, strides = array<i32>} : memref<384x128xf32, #tpu.memory_space<vmem>>, vector<1x16xf32>,
        %parallel_loop3A_1309 = arith.constant 16 : i32
        %parallel_loop3A_1310 = arith.muli %parallel_loop3A_220, %parallel_loop3A_1309 : i32
        %parallel_loop3A_1311 = arith.constant 12 : i32
        %parallel_loop3A_1312 = arith.addi %parallel_loop3A_1310, %parallel_loop3A_1311 : i32
        %parallel_loop3A_1313 = arith.constant 16 : i32
        %parallel_loop3A_1314 = arith.muli %parallel_loop3A_220, %parallel_loop3A_1313 : i32
        %parallel_loop3A_1315 = arith.addi %scan3A_177, %parallel_loop3A_1314 : i32
        %parallel_loop3A_1316 = arith.constant 12 : i32
        %parallel_loop3A_1317 = arith.addi %parallel_loop3A_1315, %parallel_loop3A_1316 : i32
        %parallel_loop3A_1318 = arith.constant 200 : i32
        %parallel_loop3A_1319 = arith.cmpi sge, %parallel_loop3A_1317, %parallel_loop3A_1318 : i32
        %parallel_loop3A_1320 = arith.constant 200 : i32
        %parallel_loop3A_1321 = arith.subi %parallel_loop3A_1317, %parallel_loop3A_1320 : i32
        %parallel_loop3A_1322 = arith.select %parallel_loop3A_1319, %parallel_loop3A_1321, %parallel_loop3A_1317 : i32
        %parallel_loop3A_1323 = vector.extract_strided_slice %parallel_loop3A_228 {offsets = [12], sizes = [1], strides = [1]} : vector<16xi32> to vector<1xi32>
        %parallel_loop3A_1324 = vector.extract %parallel_loop3A_1323[0] : i32 from vector<1xi32>
        %parallel_loop3A_1325 = arith.constant 200 : i32
        %parallel_loop3A_1326 = arith.muli %parallel_loop3A_1324, %parallel_loop3A_1325 : i32
        %parallel_loop3A_1327 = arith.addi %parallel_loop3A_1326, %parallel_loop3A_1322 : i32
        %parallel_loop3A_1328 = arith.constant 128 : i32
        %parallel_loop3A_1329 = arith.muli %rem3A_179, %parallel_loop3A_1328 : i32
        %parallel_loop3A_1330 = arith.addi %parallel_loop3A_1329, %parallel_loop3A_1312 : i32
        %parallel_loop3A_1331 = arith.constant 4 : i32
        %parallel_loop3A_1332 = arith.muli %parallel_loop3A_222, %parallel_loop3A_1331 : i32
        %parallel_loop3A_1333 = arith.constant 0 : i32
        %parallel_loop3A_1334 = arith.addi %parallel_loop3A_1332, %parallel_loop3A_1333 : i32
        %parallel_loop3A_1335 = arith.constant 16 : i32
        %parallel_loop3A_1336 = arith.muli %parallel_loop3A_1334, %parallel_loop3A_1335 : i32
        %parallel_loop3A_1337 = arith.index_cast %parallel_loop3A_1327 : i32 to index
        %parallel_loop3A_1338 = arith.index_cast %parallel_loop3A_1336 : i32 to index
        %parallel_loop3A_1339 = tpu.vector_load %arg8[%parallel_loop3A_1337, %parallel_loop3A_1338] {strides = array<i32>} : memref<400x128xf32, #tpu.memory_space<vmem>>, vector<1x16xf32>,
        %parallel_loop3A_1340 = vector.shape_cast %parallel_loop3A_1339 : vector<1x16xf32> to vector<16xf32>
        %parallel_loop3A_1341 = arith.constant 16 : i32
        %parallel_loop3A_1342 = arith.muli %parallel_loop3A_1334, %parallel_loop3A_1341 : i32
        %parallel_loop3A_1343 = arith.index_cast %parallel_loop3A_1330 : i32 to index
        %parallel_loop3A_1344 = arith.index_cast %parallel_loop3A_1342 : i32 to index
        %parallel_loop3A_1345 = tpu.vector_load %arg12[%parallel_loop3A_1343, %parallel_loop3A_1344] {strides = array<i32>} : memref<384x128xf32, #tpu.memory_space<vmem>>, vector<1x16xf32>,
        %parallel_loop3A_1346 = vector.shape_cast %parallel_loop3A_1345 : vector<1x16xf32> to vector<16xf32>
        %parallel_loop3A_1347 = vector.shape_cast %parallel_loop3A_1340 : vector<16xf32> to vector<1x16xf32>
        tpu.vector_store %arg12[%parallel_loop3A_1343, %parallel_loop3A_1344], %parallel_loop3A_1347 {add = true, strides = array<i32>} : memref<384x128xf32, #tpu.memory_space<vmem>>, vector<1x16xf32>,
        %parallel_loop3A_1348 = arith.constant 4 : i32
        %parallel_loop3A_1349 = arith.muli %parallel_loop3A_222, %parallel_loop3A_1348 : i32
        %parallel_loop3A_1350 = arith.constant 1 : i32
        %parallel_loop3A_1351 = arith.addi %parallel_loop3A_1349, %parallel_loop3A_1350 : i32
        %parallel_loop3A_1352 = arith.constant 16 : i32
        %parallel_loop3A_1353 = arith.muli %parallel_loop3A_1351, %parallel_loop3A_1352 : i32
        %parallel_loop3A_1354 = arith.index_cast %parallel_loop3A_1327 : i32 to index
        %parallel_loop3A_1355 = arith.index_cast %parallel_loop3A_1353 : i32 to index
        %parallel_loop3A_1356 = tpu.vector_load %arg8[%parallel_loop3A_1354, %parallel_loop3A_1355] {strides = array<i32>} : memref<400x128xf32, #tpu.memory_space<vmem>>, vector<1x16xf32>,
        %parallel_loop3A_1357 = vector.shape_cast %parallel_loop3A_1356 : vector<1x16xf32> to vector<16xf32>
        %parallel_loop3A_1358 = arith.constant 16 : i32
        %parallel_loop3A_1359 = arith.muli %parallel_loop3A_1351, %parallel_loop3A_1358 : i32
        %parallel_loop3A_1360 = arith.index_cast %parallel_loop3A_1330 : i32 to index
        %parallel_loop3A_1361 = arith.index_cast %parallel_loop3A_1359 : i32 to index
        %parallel_loop3A_1362 = tpu.vector_load %arg12[%parallel_loop3A_1360, %parallel_loop3A_1361] {strides = array<i32>} : memref<384x128xf32, #tpu.memory_space<vmem>>, vector<1x16xf32>,
        %parallel_loop3A_1363 = vector.shape_cast %parallel_loop3A_1362 : vector<1x16xf32> to vector<16xf32>
        %parallel_loop3A_1364 = vector.shape_cast %parallel_loop3A_1357 : vector<16xf32> to vector<1x16xf32>
        tpu.vector_store %arg12[%parallel_loop3A_1360, %parallel_loop3A_1361], %parallel_loop3A_1364 {add = true, strides = array<i32>} : memref<384x128xf32, #tpu.memory_space<vmem>>, vector<1x16xf32>,
        %parallel_loop3A_1365 = arith.constant 4 : i32
        %parallel_loop3A_1366 = arith.muli %parallel_loop3A_222, %parallel_loop3A_1365 : i32
        %parallel_loop3A_1367 = arith.constant 2 : i32
        %parallel_loop3A_1368 = arith.addi %parallel_loop3A_1366, %parallel_loop3A_1367 : i32
        %parallel_loop3A_1369 = arith.constant 16 : i32
        %parallel_loop3A_1370 = arith.muli %parallel_loop3A_1368, %parallel_loop3A_1369 : i32
        %parallel_loop3A_1371 = arith.index_cast %parallel_loop3A_1327 : i32 to index
        %parallel_loop3A_1372 = arith.index_cast %parallel_loop3A_1370 : i32 to index
        %parallel_loop3A_1373 = tpu.vector_load %arg8[%parallel_loop3A_1371, %parallel_loop3A_1372] {strides = array<i32>} : memref<400x128xf32, #tpu.memory_space<vmem>>, vector<1x16xf32>,
        %parallel_loop3A_1374 = vector.shape_cast %parallel_loop3A_1373 : vector<1x16xf32> to vector<16xf32>
        %parallel_loop3A_1375 = arith.constant 16 : i32
        %parallel_loop3A_1376 = arith.muli %parallel_loop3A_1368, %parallel_loop3A_1375 : i32
        %parallel_loop3A_1377 = arith.index_cast %parallel_loop3A_1330 : i32 to index
        %parallel_loop3A_1378 = arith.index_cast %parallel_loop3A_1376 : i32 to index
        %parallel_loop3A_1379 = tpu.vector_load %arg12[%parallel_loop3A_1377, %parallel_loop3A_1378] {strides = array<i32>} : memref<384x128xf32, #tpu.memory_space<vmem>>, vector<1x16xf32>,
        %parallel_loop3A_1380 = vector.shape_cast %parallel_loop3A_1379 : vector<1x16xf32> to vector<16xf32>
        %parallel_loop3A_1381 = vector.shape_cast %parallel_loop3A_1374 : vector<16xf32> to vector<1x16xf32>
        tpu.vector_store %arg12[%parallel_loop3A_1377, %parallel_loop3A_1378], %parallel_loop3A_1381 {add = true, strides = array<i32>} : memref<384x128xf32, #tpu.memory_space<vmem>>, vector<1x16xf32>,
        %parallel_loop3A_1382 = arith.constant 4 : i32
        %parallel_loop3A_1383 = arith.muli %parallel_loop3A_222, %parallel_loop3A_1382 : i32
        %parallel_loop3A_1384 = arith.constant 3 : i32
        %parallel_loop3A_1385 = arith.addi %parallel_loop3A_1383, %parallel_loop3A_1384 : i32
        %parallel_loop3A_1386 = arith.constant 16 : i32
        %parallel_loop3A_1387 = arith.muli %parallel_loop3A_1385, %parallel_loop3A_1386 : i32
        %parallel_loop3A_1388 = arith.index_cast %parallel_loop3A_1327 : i32 to index
        %parallel_loop3A_1389 = arith.index_cast %parallel_loop3A_1387 : i32 to index
        %parallel_loop3A_1390 = tpu.vector_load %arg8[%parallel_loop3A_1388, %parallel_loop3A_1389] {strides = array<i32>} : memref<400x128xf32, #tpu.memory_space<vmem>>, vector<1x16xf32>,
        %parallel_loop3A_1391 = vector.shape_cast %parallel_loop3A_1390 : vector<1x16xf32> to vector<16xf32>
        %parallel_loop3A_1392 = arith.constant 16 : i32
        %parallel_loop3A_1393 = arith.muli %parallel_loop3A_1385, %parallel_loop3A_1392 : i32
        %parallel_loop3A_1394 = arith.index_cast %parallel_loop3A_1330 : i32 to index
        %parallel_loop3A_1395 = arith.index_cast %parallel_loop3A_1393 : i32 to index
        %parallel_loop3A_1396 = tpu.vector_load %arg12[%parallel_loop3A_1394, %parallel_loop3A_1395] {strides = array<i32>} : memref<384x128xf32, #tpu.memory_space<vmem>>, vector<1x16xf32>,
        %parallel_loop3A_1397 = vector.shape_cast %parallel_loop3A_1396 : vector<1x16xf32> to vector<16xf32>
        %parallel_loop3A_1398 = vector.shape_cast %parallel_loop3A_1391 : vector<16xf32> to vector<1x16xf32>
        tpu.vector_store %arg12[%parallel_loop3A_1394, %parallel_loop3A_1395], %parallel_loop3A_1398 {add = true, strides = array<i32>} : memref<384x128xf32, #tpu.memory_space<vmem>>, vector<1x16xf32>,
        %parallel_loop3A_1399 = arith.constant 16 : i32
        %parallel_loop3A_1400 = arith.muli %parallel_loop3A_220, %parallel_loop3A_1399 : i32
        %parallel_loop3A_1401 = arith.constant 13 : i32
        %parallel_loop3A_1402 = arith.addi %parallel_loop3A_1400, %parallel_loop3A_1401 : i32
        %parallel_loop3A_1403 = arith.constant 16 : i32
        %parallel_loop3A_1404 = arith.muli %parallel_loop3A_220, %parallel_loop3A_1403 : i32
        %parallel_loop3A_1405 = arith.addi %scan3A_177, %parallel_loop3A_1404 : i32
        %parallel_loop3A_1406 = arith.constant 13 : i32
        %parallel_loop3A_1407 = arith.addi %parallel_loop3A_1405, %parallel_loop3A_1406 : i32
        %parallel_loop3A_1408 = arith.constant 200 : i32
        %parallel_loop3A_1409 = arith.cmpi sge, %parallel_loop3A_1407, %parallel_loop3A_1408 : i32
        %parallel_loop3A_1410 = arith.constant 200 : i32
        %parallel_loop3A_1411 = arith.subi %parallel_loop3A_1407, %parallel_loop3A_1410 : i32
        %parallel_loop3A_1412 = arith.select %parallel_loop3A_1409, %parallel_loop3A_1411, %parallel_loop3A_1407 : i32
        %parallel_loop3A_1413 = vector.extract_strided_slice %parallel_loop3A_228 {offsets = [13], sizes = [1], strides = [1]} : vector<16xi32> to vector<1xi32>
        %parallel_loop3A_1414 = vector.extract %parallel_loop3A_1413[0] : i32 from vector<1xi32>
        %parallel_loop3A_1415 = arith.constant 200 : i32
        %parallel_loop3A_1416 = arith.muli %parallel_loop3A_1414, %parallel_loop3A_1415 : i32
        %parallel_loop3A_1417 = arith.addi %parallel_loop3A_1416, %parallel_loop3A_1412 : i32
        %parallel_loop3A_1418 = arith.constant 128 : i32
        %parallel_loop3A_1419 = arith.muli %rem3A_179, %parallel_loop3A_1418 : i32
        %parallel_loop3A_1420 = arith.addi %parallel_loop3A_1419, %parallel_loop3A_1402 : i32
        %parallel_loop3A_1421 = arith.constant 4 : i32
        %parallel_loop3A_1422 = arith.muli %parallel_loop3A_222, %parallel_loop3A_1421 : i32
        %parallel_loop3A_1423 = arith.constant 0 : i32
        %parallel_loop3A_1424 = arith.addi %parallel_loop3A_1422, %parallel_loop3A_1423 : i32
        %parallel_loop3A_1425 = arith.constant 16 : i32
        %parallel_loop3A_1426 = arith.muli %parallel_loop3A_1424, %parallel_loop3A_1425 : i32
        %parallel_loop3A_1427 = arith.index_cast %parallel_loop3A_1417 : i32 to index
        %parallel_loop3A_1428 = arith.index_cast %parallel_loop3A_1426 : i32 to index
        %parallel_loop3A_1429 = tpu.vector_load %arg8[%parallel_loop3A_1427, %parallel_loop3A_1428] {strides = array<i32>} : memref<400x128xf32, #tpu.memory_space<vmem>>, vector<1x16xf32>,
        %parallel_loop3A_1430 = vector.shape_cast %parallel_loop3A_1429 : vector<1x16xf32> to vector<16xf32>
        %parallel_loop3A_1431 = arith.constant 16 : i32
        %parallel_loop3A_1432 = arith.muli %parallel_loop3A_1424, %parallel_loop3A_1431 : i32
        %parallel_loop3A_1433 = arith.index_cast %parallel_loop3A_1420 : i32 to index
        %parallel_loop3A_1434 = arith.index_cast %parallel_loop3A_1432 : i32 to index
        %parallel_loop3A_1435 = tpu.vector_load %arg12[%parallel_loop3A_1433, %parallel_loop3A_1434] {strides = array<i32>} : memref<384x128xf32, #tpu.memory_space<vmem>>, vector<1x16xf32>,
        %parallel_loop3A_1436 = vector.shape_cast %parallel_loop3A_1435 : vector<1x16xf32> to vector<16xf32>
        %parallel_loop3A_1437 = vector.shape_cast %parallel_loop3A_1430 : vector<16xf32> to vector<1x16xf32>
        tpu.vector_store %arg12[%parallel_loop3A_1433, %parallel_loop3A_1434], %parallel_loop3A_1437 {add = true, strides = array<i32>} : memref<384x128xf32, #tpu.memory_space<vmem>>, vector<1x16xf32>,
        %parallel_loop3A_1438 = arith.constant 4 : i32
        %parallel_loop3A_1439 = arith.muli %parallel_loop3A_222, %parallel_loop3A_1438 : i32
        %parallel_loop3A_1440 = arith.constant 1 : i32
        %parallel_loop3A_1441 = arith.addi %parallel_loop3A_1439, %parallel_loop3A_1440 : i32
        %parallel_loop3A_1442 = arith.constant 16 : i32
        %parallel_loop3A_1443 = arith.muli %parallel_loop3A_1441, %parallel_loop3A_1442 : i32
        %parallel_loop3A_1444 = arith.index_cast %parallel_loop3A_1417 : i32 to index
        %parallel_loop3A_1445 = arith.index_cast %parallel_loop3A_1443 : i32 to index
        %parallel_loop3A_1446 = tpu.vector_load %arg8[%parallel_loop3A_1444, %parallel_loop3A_1445] {strides = array<i32>} : memref<400x128xf32, #tpu.memory_space<vmem>>, vector<1x16xf32>,
        %parallel_loop3A_1447 = vector.shape_cast %parallel_loop3A_1446 : vector<1x16xf32> to vector<16xf32>
        %parallel_loop3A_1448 = arith.constant 16 : i32
        %parallel_loop3A_1449 = arith.muli %parallel_loop3A_1441, %parallel_loop3A_1448 : i32
        %parallel_loop3A_1450 = arith.index_cast %parallel_loop3A_1420 : i32 to index
        %parallel_loop3A_1451 = arith.index_cast %parallel_loop3A_1449 : i32 to index
        %parallel_loop3A_1452 = tpu.vector_load %arg12[%parallel_loop3A_1450, %parallel_loop3A_1451] {strides = array<i32>} : memref<384x128xf32, #tpu.memory_space<vmem>>, vector<1x16xf32>,
        %parallel_loop3A_1453 = vector.shape_cast %parallel_loop3A_1452 : vector<1x16xf32> to vector<16xf32>
        %parallel_loop3A_1454 = vector.shape_cast %parallel_loop3A_1447 : vector<16xf32> to vector<1x16xf32>
        tpu.vector_store %arg12[%parallel_loop3A_1450, %parallel_loop3A_1451], %parallel_loop3A_1454 {add = true, strides = array<i32>} : memref<384x128xf32, #tpu.memory_space<vmem>>, vector<1x16xf32>,
        %parallel_loop3A_1455 = arith.constant 4 : i32
        %parallel_loop3A_1456 = arith.muli %parallel_loop3A_222, %parallel_loop3A_1455 : i32
        %parallel_loop3A_1457 = arith.constant 2 : i32
        %parallel_loop3A_1458 = arith.addi %parallel_loop3A_1456, %parallel_loop3A_1457 : i32
        %parallel_loop3A_1459 = arith.constant 16 : i32
        %parallel_loop3A_1460 = arith.muli %parallel_loop3A_1458, %parallel_loop3A_1459 : i32
        %parallel_loop3A_1461 = arith.index_cast %parallel_loop3A_1417 : i32 to index
        %parallel_loop3A_1462 = arith.index_cast %parallel_loop3A_1460 : i32 to index
        %parallel_loop3A_1463 = tpu.vector_load %arg8[%parallel_loop3A_1461, %parallel_loop3A_1462] {strides = array<i32>} : memref<400x128xf32, #tpu.memory_space<vmem>>, vector<1x16xf32>,
        %parallel_loop3A_1464 = vector.shape_cast %parallel_loop3A_1463 : vector<1x16xf32> to vector<16xf32>
        %parallel_loop3A_1465 = arith.constant 16 : i32
        %parallel_loop3A_1466 = arith.muli %parallel_loop3A_1458, %parallel_loop3A_1465 : i32
        %parallel_loop3A_1467 = arith.index_cast %parallel_loop3A_1420 : i32 to index
        %parallel_loop3A_1468 = arith.index_cast %parallel_loop3A_1466 : i32 to index
        %parallel_loop3A_1469 = tpu.vector_load %arg12[%parallel_loop3A_1467, %parallel_loop3A_1468] {strides = array<i32>} : memref<384x128xf32, #tpu.memory_space<vmem>>, vector<1x16xf32>,
        %parallel_loop3A_1470 = vector.shape_cast %parallel_loop3A_1469 : vector<1x16xf32> to vector<16xf32>
        %parallel_loop3A_1471 = vector.shape_cast %parallel_loop3A_1464 : vector<16xf32> to vector<1x16xf32>
        tpu.vector_store %arg12[%parallel_loop3A_1467, %parallel_loop3A_1468], %parallel_loop3A_1471 {add = true, strides = array<i32>} : memref<384x128xf32, #tpu.memory_space<vmem>>, vector<1x16xf32>,
        %parallel_loop3A_1472 = arith.constant 4 : i32
        %parallel_loop3A_1473 = arith.muli %parallel_loop3A_222, %parallel_loop3A_1472 : i32
        %parallel_loop3A_1474 = arith.constant 3 : i32
        %parallel_loop3A_1475 = arith.addi %parallel_loop3A_1473, %parallel_loop3A_1474 : i32
        %parallel_loop3A_1476 = arith.constant 16 : i32
        %parallel_loop3A_1477 = arith.muli %parallel_loop3A_1475, %parallel_loop3A_1476 : i32
        %parallel_loop3A_1478 = arith.index_cast %parallel_loop3A_1417 : i32 to index
        %parallel_loop3A_1479 = arith.index_cast %parallel_loop3A_1477 : i32 to index
        %parallel_loop3A_1480 = tpu.vector_load %arg8[%parallel_loop3A_1478, %parallel_loop3A_1479] {strides = array<i32>} : memref<400x128xf32, #tpu.memory_space<vmem>>, vector<1x16xf32>,
        %parallel_loop3A_1481 = vector.shape_cast %parallel_loop3A_1480 : vector<1x16xf32> to vector<16xf32>
        %parallel_loop3A_1482 = arith.constant 16 : i32
        %parallel_loop3A_1483 = arith.muli %parallel_loop3A_1475, %parallel_loop3A_1482 : i32
        %parallel_loop3A_1484 = arith.index_cast %parallel_loop3A_1420 : i32 to index
        %parallel_loop3A_1485 = arith.index_cast %parallel_loop3A_1483 : i32 to index
        %parallel_loop3A_1486 = tpu.vector_load %arg12[%parallel_loop3A_1484, %parallel_loop3A_1485] {strides = array<i32>} : memref<384x128xf32, #tpu.memory_space<vmem>>, vector<1x16xf32>,
        %parallel_loop3A_1487 = vector.shape_cast %parallel_loop3A_1486 : vector<1x16xf32> to vector<16xf32>
        %parallel_loop3A_1488 = vector.shape_cast %parallel_loop3A_1481 : vector<16xf32> to vector<1x16xf32>
        tpu.vector_store %arg12[%parallel_loop3A_1484, %parallel_loop3A_1485], %parallel_loop3A_1488 {add = true, strides = array<i32>} : memref<384x128xf32, #tpu.memory_space<vmem>>, vector<1x16xf32>,
        %parallel_loop3A_1489 = arith.constant 16 : i32
        %parallel_loop3A_1490 = arith.muli %parallel_loop3A_220, %parallel_loop3A_1489 : i32
        %parallel_loop3A_1491 = arith.constant 14 : i32
        %parallel_loop3A_1492 = arith.addi %parallel_loop3A_1490, %parallel_loop3A_1491 : i32
        %parallel_loop3A_1493 = arith.constant 16 : i32
        %parallel_loop3A_1494 = arith.muli %parallel_loop3A_220, %parallel_loop3A_1493 : i32
        %parallel_loop3A_1495 = arith.addi %scan3A_177, %parallel_loop3A_1494 : i32
        %parallel_loop3A_1496 = arith.constant 14 : i32
        %parallel_loop3A_1497 = arith.addi %parallel_loop3A_1495, %parallel_loop3A_1496 : i32
        %parallel_loop3A_1498 = arith.constant 200 : i32
        %parallel_loop3A_1499 = arith.cmpi sge, %parallel_loop3A_1497, %parallel_loop3A_1498 : i32
        %parallel_loop3A_1500 = arith.constant 200 : i32
        %parallel_loop3A_1501 = arith.subi %parallel_loop3A_1497, %parallel_loop3A_1500 : i32
        %parallel_loop3A_1502 = arith.select %parallel_loop3A_1499, %parallel_loop3A_1501, %parallel_loop3A_1497 : i32
        %parallel_loop3A_1503 = vector.extract_strided_slice %parallel_loop3A_228 {offsets = [14], sizes = [1], strides = [1]} : vector<16xi32> to vector<1xi32>
        %parallel_loop3A_1504 = vector.extract %parallel_loop3A_1503[0] : i32 from vector<1xi32>
        %parallel_loop3A_1505 = arith.constant 200 : i32
        %parallel_loop3A_1506 = arith.muli %parallel_loop3A_1504, %parallel_loop3A_1505 : i32
        %parallel_loop3A_1507 = arith.addi %parallel_loop3A_1506, %parallel_loop3A_1502 : i32
        %parallel_loop3A_1508 = arith.constant 128 : i32
        %parallel_loop3A_1509 = arith.muli %rem3A_179, %parallel_loop3A_1508 : i32
        %parallel_loop3A_1510 = arith.addi %parallel_loop3A_1509, %parallel_loop3A_1492 : i32
        %parallel_loop3A_1511 = arith.constant 4 : i32
        %parallel_loop3A_1512 = arith.muli %parallel_loop3A_222, %parallel_loop3A_1511 : i32
        %parallel_loop3A_1513 = arith.constant 0 : i32
        %parallel_loop3A_1514 = arith.addi %parallel_loop3A_1512, %parallel_loop3A_1513 : i32
        %parallel_loop3A_1515 = arith.constant 16 : i32
        %parallel_loop3A_1516 = arith.muli %parallel_loop3A_1514, %parallel_loop3A_1515 : i32
        %parallel_loop3A_1517 = arith.index_cast %parallel_loop3A_1507 : i32 to index
        %parallel_loop3A_1518 = arith.index_cast %parallel_loop3A_1516 : i32 to index
        %parallel_loop3A_1519 = tpu.vector_load %arg8[%parallel_loop3A_1517, %parallel_loop3A_1518] {strides = array<i32>} : memref<400x128xf32, #tpu.memory_space<vmem>>, vector<1x16xf32>,
        %parallel_loop3A_1520 = vector.shape_cast %parallel_loop3A_1519 : vector<1x16xf32> to vector<16xf32>
        %parallel_loop3A_1521 = arith.constant 16 : i32
        %parallel_loop3A_1522 = arith.muli %parallel_loop3A_1514, %parallel_loop3A_1521 : i32
        %parallel_loop3A_1523 = arith.index_cast %parallel_loop3A_1510 : i32 to index
        %parallel_loop3A_1524 = arith.index_cast %parallel_loop3A_1522 : i32 to index
        %parallel_loop3A_1525 = tpu.vector_load %arg12[%parallel_loop3A_1523, %parallel_loop3A_1524] {strides = array<i32>} : memref<384x128xf32, #tpu.memory_space<vmem>>, vector<1x16xf32>,
        %parallel_loop3A_1526 = vector.shape_cast %parallel_loop3A_1525 : vector<1x16xf32> to vector<16xf32>
        %parallel_loop3A_1527 = vector.shape_cast %parallel_loop3A_1520 : vector<16xf32> to vector<1x16xf32>
        tpu.vector_store %arg12[%parallel_loop3A_1523, %parallel_loop3A_1524], %parallel_loop3A_1527 {add = true, strides = array<i32>} : memref<384x128xf32, #tpu.memory_space<vmem>>, vector<1x16xf32>,
        %parallel_loop3A_1528 = arith.constant 4 : i32
        %parallel_loop3A_1529 = arith.muli %parallel_loop3A_222, %parallel_loop3A_1528 : i32
        %parallel_loop3A_1530 = arith.constant 1 : i32
        %parallel_loop3A_1531 = arith.addi %parallel_loop3A_1529, %parallel_loop3A_1530 : i32
        %parallel_loop3A_1532 = arith.constant 16 : i32
        %parallel_loop3A_1533 = arith.muli %parallel_loop3A_1531, %parallel_loop3A_1532 : i32
        %parallel_loop3A_1534 = arith.index_cast %parallel_loop3A_1507 : i32 to index
        %parallel_loop3A_1535 = arith.index_cast %parallel_loop3A_1533 : i32 to index
        %parallel_loop3A_1536 = tpu.vector_load %arg8[%parallel_loop3A_1534, %parallel_loop3A_1535] {strides = array<i32>} : memref<400x128xf32, #tpu.memory_space<vmem>>, vector<1x16xf32>,
        %parallel_loop3A_1537 = vector.shape_cast %parallel_loop3A_1536 : vector<1x16xf32> to vector<16xf32>
        %parallel_loop3A_1538 = arith.constant 16 : i32
        %parallel_loop3A_1539 = arith.muli %parallel_loop3A_1531, %parallel_loop3A_1538 : i32
        %parallel_loop3A_1540 = arith.index_cast %parallel_loop3A_1510 : i32 to index
        %parallel_loop3A_1541 = arith.index_cast %parallel_loop3A_1539 : i32 to index
        %parallel_loop3A_1542 = tpu.vector_load %arg12[%parallel_loop3A_1540, %parallel_loop3A_1541] {strides = array<i32>} : memref<384x128xf32, #tpu.memory_space<vmem>>, vector<1x16xf32>,
        %parallel_loop3A_1543 = vector.shape_cast %parallel_loop3A_1542 : vector<1x16xf32> to vector<16xf32>
        %parallel_loop3A_1544 = vector.shape_cast %parallel_loop3A_1537 : vector<16xf32> to vector<1x16xf32>
        tpu.vector_store %arg12[%parallel_loop3A_1540, %parallel_loop3A_1541], %parallel_loop3A_1544 {add = true, strides = array<i32>} : memref<384x128xf32, #tpu.memory_space<vmem>>, vector<1x16xf32>,
        %parallel_loop3A_1545 = arith.constant 4 : i32
        %parallel_loop3A_1546 = arith.muli %parallel_loop3A_222, %parallel_loop3A_1545 : i32
        %parallel_loop3A_1547 = arith.constant 2 : i32
        %parallel_loop3A_1548 = arith.addi %parallel_loop3A_1546, %parallel_loop3A_1547 : i32
        %parallel_loop3A_1549 = arith.constant 16 : i32
        %parallel_loop3A_1550 = arith.muli %parallel_loop3A_1548, %parallel_loop3A_1549 : i32
        %parallel_loop3A_1551 = arith.index_cast %parallel_loop3A_1507 : i32 to index
        %parallel_loop3A_1552 = arith.index_cast %parallel_loop3A_1550 : i32 to index
        %parallel_loop3A_1553 = tpu.vector_load %arg8[%parallel_loop3A_1551, %parallel_loop3A_1552] {strides = array<i32>} : memref<400x128xf32, #tpu.memory_space<vmem>>, vector<1x16xf32>,
        %parallel_loop3A_1554 = vector.shape_cast %parallel_loop3A_1553 : vector<1x16xf32> to vector<16xf32>
        %parallel_loop3A_1555 = arith.constant 16 : i32
        %parallel_loop3A_1556 = arith.muli %parallel_loop3A_1548, %parallel_loop3A_1555 : i32
        %parallel_loop3A_1557 = arith.index_cast %parallel_loop3A_1510 : i32 to index
        %parallel_loop3A_1558 = arith.index_cast %parallel_loop3A_1556 : i32 to index
        %parallel_loop3A_1559 = tpu.vector_load %arg12[%parallel_loop3A_1557, %parallel_loop3A_1558] {strides = array<i32>} : memref<384x128xf32, #tpu.memory_space<vmem>>, vector<1x16xf32>,
        %parallel_loop3A_1560 = vector.shape_cast %parallel_loop3A_1559 : vector<1x16xf32> to vector<16xf32>
        %parallel_loop3A_1561 = vector.shape_cast %parallel_loop3A_1554 : vector<16xf32> to vector<1x16xf32>
        tpu.vector_store %arg12[%parallel_loop3A_1557, %parallel_loop3A_1558], %parallel_loop3A_1561 {add = true, strides = array<i32>} : memref<384x128xf32, #tpu.memory_space<vmem>>, vector<1x16xf32>,
        %parallel_loop3A_1562 = arith.constant 4 : i32
        %parallel_loop3A_1563 = arith.muli %parallel_loop3A_222, %parallel_loop3A_1562 : i32
        %parallel_loop3A_1564 = arith.constant 3 : i32
        %parallel_loop3A_1565 = arith.addi %parallel_loop3A_1563, %parallel_loop3A_1564 : i32
        %parallel_loop3A_1566 = arith.constant 16 : i32
        %parallel_loop3A_1567 = arith.muli %parallel_loop3A_1565, %parallel_loop3A_1566 : i32
        %parallel_loop3A_1568 = arith.index_cast %parallel_loop3A_1507 : i32 to index
        %parallel_loop3A_1569 = arith.index_cast %parallel_loop3A_1567 : i32 to index
        %parallel_loop3A_1570 = tpu.vector_load %arg8[%parallel_loop3A_1568, %parallel_loop3A_1569] {strides = array<i32>} : memref<400x128xf32, #tpu.memory_space<vmem>>, vector<1x16xf32>,
        %parallel_loop3A_1571 = vector.shape_cast %parallel_loop3A_1570 : vector<1x16xf32> to vector<16xf32>
        %parallel_loop3A_1572 = arith.constant 16 : i32
        %parallel_loop3A_1573 = arith.muli %parallel_loop3A_1565, %parallel_loop3A_1572 : i32
        %parallel_loop3A_1574 = arith.index_cast %parallel_loop3A_1510 : i32 to index
        %parallel_loop3A_1575 = arith.index_cast %parallel_loop3A_1573 : i32 to index
        %parallel_loop3A_1576 = tpu.vector_load %arg12[%parallel_loop3A_1574, %parallel_loop3A_1575] {strides = array<i32>} : memref<384x128xf32, #tpu.memory_space<vmem>>, vector<1x16xf32>,
        %parallel_loop3A_1577 = vector.shape_cast %parallel_loop3A_1576 : vector<1x16xf32> to vector<16xf32>
        %parallel_loop3A_1578 = vector.shape_cast %parallel_loop3A_1571 : vector<16xf32> to vector<1x16xf32>
        tpu.vector_store %arg12[%parallel_loop3A_1574, %parallel_loop3A_1575], %parallel_loop3A_1578 {add = true, strides = array<i32>} : memref<384x128xf32, #tpu.memory_space<vmem>>, vector<1x16xf32>,
        %parallel_loop3A_1579 = arith.constant 16 : i32
        %parallel_loop3A_1580 = arith.muli %parallel_loop3A_220, %parallel_loop3A_1579 : i32
        %parallel_loop3A_1581 = arith.constant 15 : i32
        %parallel_loop3A_1582 = arith.addi %parallel_loop3A_1580, %parallel_loop3A_1581 : i32
        %parallel_loop3A_1583 = arith.constant 16 : i32
        %parallel_loop3A_1584 = arith.muli %parallel_loop3A_220, %parallel_loop3A_1583 : i32
        %parallel_loop3A_1585 = arith.addi %scan3A_177, %parallel_loop3A_1584 : i32
        %parallel_loop3A_1586 = arith.constant 15 : i32
        %parallel_loop3A_1587 = arith.addi %parallel_loop3A_1585, %parallel_loop3A_1586 : i32
        %parallel_loop3A_1588 = arith.constant 200 : i32
        %parallel_loop3A_1589 = arith.cmpi sge, %parallel_loop3A_1587, %parallel_loop3A_1588 : i32
        %parallel_loop3A_1590 = arith.constant 200 : i32
        %parallel_loop3A_1591 = arith.subi %parallel_loop3A_1587, %parallel_loop3A_1590 : i32
        %parallel_loop3A_1592 = arith.select %parallel_loop3A_1589, %parallel_loop3A_1591, %parallel_loop3A_1587 : i32
        %parallel_loop3A_1593 = vector.extract_strided_slice %parallel_loop3A_228 {offsets = [15], sizes = [1], strides = [1]} : vector<16xi32> to vector<1xi32>
        %parallel_loop3A_1594 = vector.extract %parallel_loop3A_1593[0] : i32 from vector<1xi32>
        %parallel_loop3A_1595 = arith.constant 200 : i32
        %parallel_loop3A_1596 = arith.muli %parallel_loop3A_1594, %parallel_loop3A_1595 : i32
        %parallel_loop3A_1597 = arith.addi %parallel_loop3A_1596, %parallel_loop3A_1592 : i32
        %parallel_loop3A_1598 = arith.constant 128 : i32
        %parallel_loop3A_1599 = arith.muli %rem3A_179, %parallel_loop3A_1598 : i32
        %parallel_loop3A_1600 = arith.addi %parallel_loop3A_1599, %parallel_loop3A_1582 : i32
        %parallel_loop3A_1601 = arith.constant 4 : i32
        %parallel_loop3A_1602 = arith.muli %parallel_loop3A_222, %parallel_loop3A_1601 : i32
        %parallel_loop3A_1603 = arith.constant 0 : i32
        %parallel_loop3A_1604 = arith.addi %parallel_loop3A_1602, %parallel_loop3A_1603 : i32
        %parallel_loop3A_1605 = arith.constant 16 : i32
        %parallel_loop3A_1606 = arith.muli %parallel_loop3A_1604, %parallel_loop3A_1605 : i32
        %parallel_loop3A_1607 = arith.index_cast %parallel_loop3A_1597 : i32 to index
        %parallel_loop3A_1608 = arith.index_cast %parallel_loop3A_1606 : i32 to index
        %parallel_loop3A_1609 = tpu.vector_load %arg8[%parallel_loop3A_1607, %parallel_loop3A_1608] {strides = array<i32>} : memref<400x128xf32, #tpu.memory_space<vmem>>, vector<1x16xf32>,
        %parallel_loop3A_1610 = vector.shape_cast %parallel_loop3A_1609 : vector<1x16xf32> to vector<16xf32>
        %parallel_loop3A_1611 = arith.constant 16 : i32
        %parallel_loop3A_1612 = arith.muli %parallel_loop3A_1604, %parallel_loop3A_1611 : i32
        %parallel_loop3A_1613 = arith.index_cast %parallel_loop3A_1600 : i32 to index
        %parallel_loop3A_1614 = arith.index_cast %parallel_loop3A_1612 : i32 to index
        %parallel_loop3A_1615 = tpu.vector_load %arg12[%parallel_loop3A_1613, %parallel_loop3A_1614] {strides = array<i32>} : memref<384x128xf32, #tpu.memory_space<vmem>>, vector<1x16xf32>,
        %parallel_loop3A_1616 = vector.shape_cast %parallel_loop3A_1615 : vector<1x16xf32> to vector<16xf32>
        %parallel_loop3A_1617 = vector.shape_cast %parallel_loop3A_1610 : vector<16xf32> to vector<1x16xf32>
        tpu.vector_store %arg12[%parallel_loop3A_1613, %parallel_loop3A_1614], %parallel_loop3A_1617 {add = true, strides = array<i32>} : memref<384x128xf32, #tpu.memory_space<vmem>>, vector<1x16xf32>,
        %parallel_loop3A_1618 = arith.constant 4 : i32
        %parallel_loop3A_1619 = arith.muli %parallel_loop3A_222, %parallel_loop3A_1618 : i32
        %parallel_loop3A_1620 = arith.constant 1 : i32
        %parallel_loop3A_1621 = arith.addi %parallel_loop3A_1619, %parallel_loop3A_1620 : i32
        %parallel_loop3A_1622 = arith.constant 16 : i32
        %parallel_loop3A_1623 = arith.muli %parallel_loop3A_1621, %parallel_loop3A_1622 : i32
        %parallel_loop3A_1624 = arith.index_cast %parallel_loop3A_1597 : i32 to index
        %parallel_loop3A_1625 = arith.index_cast %parallel_loop3A_1623 : i32 to index
        %parallel_loop3A_1626 = tpu.vector_load %arg8[%parallel_loop3A_1624, %parallel_loop3A_1625] {strides = array<i32>} : memref<400x128xf32, #tpu.memory_space<vmem>>, vector<1x16xf32>,
        %parallel_loop3A_1627 = vector.shape_cast %parallel_loop3A_1626 : vector<1x16xf32> to vector<16xf32>
        %parallel_loop3A_1628 = arith.constant 16 : i32
        %parallel_loop3A_1629 = arith.muli %parallel_loop3A_1621, %parallel_loop3A_1628 : i32
        %parallel_loop3A_1630 = arith.index_cast %parallel_loop3A_1600 : i32 to index
        %parallel_loop3A_1631 = arith.index_cast %parallel_loop3A_1629 : i32 to index
        %parallel_loop3A_1632 = tpu.vector_load %arg12[%parallel_loop3A_1630, %parallel_loop3A_1631] {strides = array<i32>} : memref<384x128xf32, #tpu.memory_space<vmem>>, vector<1x16xf32>,
        %parallel_loop3A_1633 = vector.shape_cast %parallel_loop3A_1632 : vector<1x16xf32> to vector<16xf32>
        %parallel_loop3A_1634 = vector.shape_cast %parallel_loop3A_1627 : vector<16xf32> to vector<1x16xf32>
        tpu.vector_store %arg12[%parallel_loop3A_1630, %parallel_loop3A_1631], %parallel_loop3A_1634 {add = true, strides = array<i32>} : memref<384x128xf32, #tpu.memory_space<vmem>>, vector<1x16xf32>,
        %parallel_loop3A_1635 = arith.constant 4 : i32
        %parallel_loop3A_1636 = arith.muli %parallel_loop3A_222, %parallel_loop3A_1635 : i32
        %parallel_loop3A_1637 = arith.constant 2 : i32
        %parallel_loop3A_1638 = arith.addi %parallel_loop3A_1636, %parallel_loop3A_1637 : i32
        %parallel_loop3A_1639 = arith.constant 16 : i32
        %parallel_loop3A_1640 = arith.muli %parallel_loop3A_1638, %parallel_loop3A_1639 : i32
        %parallel_loop3A_1641 = arith.index_cast %parallel_loop3A_1597 : i32 to index
        %parallel_loop3A_1642 = arith.index_cast %parallel_loop3A_1640 : i32 to index
        %parallel_loop3A_1643 = tpu.vector_load %arg8[%parallel_loop3A_1641, %parallel_loop3A_1642] {strides = array<i32>} : memref<400x128xf32, #tpu.memory_space<vmem>>, vector<1x16xf32>,
        %parallel_loop3A_1644 = vector.shape_cast %parallel_loop3A_1643 : vector<1x16xf32> to vector<16xf32>
        %parallel_loop3A_1645 = arith.constant 16 : i32
        %parallel_loop3A_1646 = arith.muli %parallel_loop3A_1638, %parallel_loop3A_1645 : i32
        %parallel_loop3A_1647 = arith.index_cast %parallel_loop3A_1600 : i32 to index
        %parallel_loop3A_1648 = arith.index_cast %parallel_loop3A_1646 : i32 to index
        %parallel_loop3A_1649 = tpu.vector_load %arg12[%parallel_loop3A_1647, %parallel_loop3A_1648] {strides = array<i32>} : memref<384x128xf32, #tpu.memory_space<vmem>>, vector<1x16xf32>,
        %parallel_loop3A_1650 = vector.shape_cast %parallel_loop3A_1649 : vector<1x16xf32> to vector<16xf32>
        %parallel_loop3A_1651 = vector.shape_cast %parallel_loop3A_1644 : vector<16xf32> to vector<1x16xf32>
        tpu.vector_store %arg12[%parallel_loop3A_1647, %parallel_loop3A_1648], %parallel_loop3A_1651 {add = true, strides = array<i32>} : memref<384x128xf32, #tpu.memory_space<vmem>>, vector<1x16xf32>,
        %parallel_loop3A_1652 = arith.constant 4 : i32
        %parallel_loop3A_1653 = arith.muli %parallel_loop3A_222, %parallel_loop3A_1652 : i32
        %parallel_loop3A_1654 = arith.constant 3 : i32
        %parallel_loop3A_1655 = arith.addi %parallel_loop3A_1653, %parallel_loop3A_1654 : i32
        %parallel_loop3A_1656 = arith.constant 16 : i32
        %parallel_loop3A_1657 = arith.muli %parallel_loop3A_1655, %parallel_loop3A_1656 : i32
        %parallel_loop3A_1658 = arith.index_cast %parallel_loop3A_1597 : i32 to index
        %parallel_loop3A_1659 = arith.index_cast %parallel_loop3A_1657 : i32 to index
        %parallel_loop3A_1660 = tpu.vector_load %arg8[%parallel_loop3A_1658, %parallel_loop3A_1659] {strides = array<i32>} : memref<400x128xf32, #tpu.memory_space<vmem>>, vector<1x16xf32>,
        %parallel_loop3A_1661 = vector.shape_cast %parallel_loop3A_1660 : vector<1x16xf32> to vector<16xf32>
        %parallel_loop3A_1662 = arith.constant 16 : i32
        %parallel_loop3A_1663 = arith.muli %parallel_loop3A_1655, %parallel_loop3A_1662 : i32
        %parallel_loop3A_1664 = arith.index_cast %parallel_loop3A_1600 : i32 to index
        %parallel_loop3A_1665 = arith.index_cast %parallel_loop3A_1663 : i32 to index
        %parallel_loop3A_1666 = tpu.vector_load %arg12[%parallel_loop3A_1664, %parallel_loop3A_1665] {strides = array<i32>} : memref<384x128xf32, #tpu.memory_space<vmem>>, vector<1x16xf32>,
        %parallel_loop3A_1667 = vector.shape_cast %parallel_loop3A_1666 : vector<1x16xf32> to vector<16xf32>
        %parallel_loop3A_1668 = vector.shape_cast %parallel_loop3A_1661 : vector<16xf32> to vector<1x16xf32>
        tpu.vector_store %arg12[%parallel_loop3A_1664, %parallel_loop3A_1665], %parallel_loop3A_1668 {add = true, strides = array<i32>} : memref<384x128xf32, #tpu.memory_space<vmem>>, vector<1x16xf32>,
      } {sc.loop_unroll_factor = 1 : i64, sc.parallel_access}
      %mul3A_198 = arith.constant 128 : i32
      %mul3A_199 = arith.muli %rem3A_179, %mul3A_198 : i32
      %dma_start3A_200 = arith.constant 0 : i32
      %dma_start3A_201 = tpu.memref_slice %arg12[%mul3A_199, %dma_start3A_200] : memref<384x128xf32, #tpu.memory_space<vmem>> -> memref<128x128xf32, #tpu.memory_space<vmem>>
      %dma_start3A_202 = arith.constant 0 : i32
      %dma_start3A_203 = tpu.memref_slice %arg7[%add3A_182, %dma_start3A_202] : memref<204800x128xf32, #tpu.memory_space<hbm>> -> memref<128x128xf32, #tpu.memory_space<hbm>>
      %dma_start3A_204 = tpu.memref_slice %arg14[%rem3A_179] : memref<3x!tpu.dma_semaphore, #tpu.memory_space<semaphore_mem>> -> memref<1x!tpu.dma_semaphore, #tpu.memory_space<semaphore_mem>>
      %dma_start3A_205 = tpu.memref_squeeze %dma_start3A_204 : memref<1x!tpu.dma_semaphore, #tpu.memory_space<semaphore_mem>> -> memref<!tpu.dma_semaphore, #tpu.memory_space<semaphore_mem>>
      %dma_start3A_206 = arith.constant 0 : i32
      %dma_start3A_207 = tpu.memref_slice %arg7[%add3A_182, %dma_start3A_206] : memref<204800x128xf32, #tpu.memory_space<hbm>> -> memref<128x128xf32, #tpu.memory_space<hbm>>
      %dma_start3A_208 = arith.constant 0 : i32
      %dma_start3A_209 = tpu.memref_slice %arg12[%mul3A_199, %dma_start3A_208] : memref<384x128xf32, #tpu.memory_space<vmem>> -> memref<128x128xf32, #tpu.memory_space<vmem>>
      tpu.enqueue_dma source(%dma_start3A_209 : memref<128x128xf32, #tpu.memory_space<vmem>>) target(%dma_start3A_207 : memref<128x128xf32, #tpu.memory_space<hbm>>) target_semaphore(%dma_start3A_205 : memref<!tpu.dma_semaphore, #tpu.memory_space<semaphore_mem>>)
      %add3A_210 = arith.constant 128 : i32
      %add3A_211 = arith.addi %scan3A_177, %add3A_210 : i32
      %ge3A = arith.constant 200 : i32
      %ge3A_212 = arith.cmpi sge, %add3A_211, %ge3A : i32
      %sub3A = arith.constant 200 : i32
      %sub3A_213 = arith.subi %add3A_211, %sub3A : i32
      %select_n3A = arith.select %ge3A_212, %sub3A_213, %add3A_211 : i32
      %add3A_214 = arith.constant 2 : i32
      %add3A_215 = arith.addi %scan3A_176, %add3A_214 : i32
      %lt3A = arith.constant 50 : i32
      %lt3A_216 = arith.cmpi slt, %add3A_215, %lt3A : i32
      %convert_element_type3A = arith.extui %lt3A_216 : i1 to i32
      %cond3A = arith.constant 0 : i32
      %cond3A_217 = arith.cmpi ne, %convert_element_type3A, %cond3A : i32
      scf.if %cond3A_217 {
        %ge3A_218 = arith.constant 1 : i32
        %ge3A_219 = arith.cmpi sge, %scan3A_176, %ge3A_218 : i32
        %convert_element_type3A_220 = arith.extui %ge3A_219 : i1 to i32
        %cond3A_221 = arith.constant 0 : i32
        %cond3A_222 = arith.cmpi ne, %convert_element_type3A_220, %cond3A_221 : i32
        scf.if %cond3A_222 {
          %sub3A_239 = arith.constant 1 : i32
          %sub3A_240 = arith.subi %scan3A_176, %sub3A_239 : i32
          %rem3A_241 = arith.constant 3 : i32
          %rem3A_242 = arith.remsi %sub3A_240, %rem3A_241 : i32
          %mul3A_243 = arith.constant 128 : i32
          %mul3A_244 = arith.muli %sub3A_240, %mul3A_243 : i32
          %add3A_245 = arith.addi %mul3A_2, %mul3A_244 : i32
          %mul3A_246 = arith.constant 128 : i32
          %mul3A_247 = arith.muli %rem3A_242, %mul3A_246 : i32
          %dma_wait3A_248 = arith.constant 0 : i32
          %dma_wait3A_249 = tpu.memref_slice %arg12[%mul3A_247, %dma_wait3A_248] : memref<384x128xf32, #tpu.memory_space<vmem>> -> memref<128x128xf32, #tpu.memory_space<vmem>>
          %dma_wait3A_250 = arith.constant 0 : i32
          %dma_wait3A_251 = tpu.memref_slice %arg7[%add3A_245, %dma_wait3A_250] : memref<204800x128xf32, #tpu.memory_space<hbm>> -> memref<128x128xf32, #tpu.memory_space<hbm>>
          %dma_wait3A_252 = tpu.memref_slice %arg14[%rem3A_242] : memref<3x!tpu.dma_semaphore, #tpu.memory_space<semaphore_mem>> -> memref<1x!tpu.dma_semaphore, #tpu.memory_space<semaphore_mem>>
          %dma_wait3A_253 = tpu.memref_squeeze %dma_wait3A_252 : memref<1x!tpu.dma_semaphore, #tpu.memory_space<semaphore_mem>> -> memref<!tpu.dma_semaphore, #tpu.memory_space<semaphore_mem>>
          %dma_wait3A_254 = arith.constant 0 : i32
          %dma_wait3A_255 = tpu.memref_slice %arg7[%add3A_245, %dma_wait3A_254] : memref<204800x128xf32, #tpu.memory_space<hbm>> -> memref<128x128xf32, #tpu.memory_space<hbm>>
          %dma_wait3A_256 = arith.constant 0 : i32
          %dma_wait3A_257 = tpu.memref_slice %arg12[%mul3A_247, %dma_wait3A_256] : memref<384x128xf32, #tpu.memory_space<vmem>> -> memref<128x128xf32, #tpu.memory_space<vmem>>
          tpu.wait_dma2 semaphore(%dma_wait3A_253 : memref<!tpu.dma_semaphore, #tpu.memory_space<semaphore_mem>>) src(%dma_wait3A_257 : memref<128x128xf32, #tpu.memory_space<vmem>>) dst(%dma_wait3A_255 : memref<128x128xf32, #tpu.memory_space<hbm>>)
        } else {
        }
        %add3A_223 = arith.constant 2 : i32
        %add3A_224 = arith.addi %scan3A_176, %add3A_223 : i32
        %rem3A_225 = arith.constant 3 : i32
        %rem3A_226 = arith.remsi %add3A_224, %rem3A_225 : i32
        %mul3A_227 = arith.constant 128 : i32
        %mul3A_228 = arith.muli %rem3A_226, %mul3A_227 : i32
        %dma_start3A_229 = arith.constant 0 : i32
        %dma_start3A_230 = tpu.memref_slice %arg12[%mul3A_228, %dma_start3A_229] : memref<384x128xf32, #tpu.memory_space<vmem>> -> memref<128x128xf32, #tpu.memory_space<vmem>>
        %dma_start3A_231 = arith.constant 0 : i32
        %dma_start3A_232 = tpu.memref_slice %arg10[%add3A_224, %dma_start3A_231] : memref<50x128xi32, #tpu.memory_space<vmem>> -> memref<1x128xi32, #tpu.memory_space<vmem>>
        %dma_start3A_233 = tpu.memref_squeeze %dma_start3A_232 : memref<1x128xi32, #tpu.memory_space<vmem>> -> memref<128xi32, #tpu.memory_space<vmem>>
        %dma_start3A_234 = arith.constant 0 : i32
        %dma_start3A_235 = arith.constant 0 : i32
        %dma_start3A_236 = tpu.memref_slice %arg2[%dma_start3A_234, %dma_start3A_235] : memref<100000x128xf32, #tpu.memory_space<hbm>> -> memref<100000x128xf32, #tpu.memory_space<hbm>>
        %dma_start3A_237 = tpu.memref_slice %arg13[%rem3A_226] : memref<3x!tpu.dma_semaphore, #tpu.memory_space<semaphore_mem>> -> memref<1x!tpu.dma_semaphore, #tpu.memory_space<semaphore_mem>>
        %dma_start3A_238 = tpu.memref_squeeze %dma_start3A_237 : memref<1x!tpu.dma_semaphore, #tpu.memory_space<semaphore_mem>> -> memref<!tpu.dma_semaphore, #tpu.memory_space<semaphore_mem>>
        tpu.enqueue_indirect_dma source(%dma_start3A_236 : memref<100000x128xf32, #tpu.memory_space<hbm>>) target(%dma_start3A_230 : memref<128x128xf32, #tpu.memory_space<vmem>>) offsets(%dma_start3A_233 : memref<128xi32, #tpu.memory_space<vmem>>) semaphore(%dma_start3A_238 : memref<!tpu.dma_semaphore, #tpu.memory_space<semaphore_mem>>)
      } else {
      }
      scf.yield %select_n3A : i32
    }
    %scan3A_119 = arith.constant 50 : i32
    %rem3A_120 = arith.constant 47 : i32
    %rem3A_121 = arith.constant 3 : i32
    %rem3A_122 = arith.remsi %rem3A_120, %rem3A_121 : i32
    %mul3A_123 = arith.constant 47 : i32
    %mul3A_124 = arith.constant 128 : i32
    %mul3A_125 = arith.muli %mul3A_123, %mul3A_124 : i32
    %add3A_126 = arith.addi %mul3A_2, %mul3A_125 : i32
    %mul3A_127 = arith.constant 128 : i32
    %mul3A_128 = arith.muli %rem3A_122, %mul3A_127 : i32
    %dma_wait3A = arith.constant 0 : i32
    %dma_wait3A_129 = tpu.memref_slice %arg12[%mul3A_128, %dma_wait3A] : memref<384x128xf32, #tpu.memory_space<vmem>> -> memref<128x128xf32, #tpu.memory_space<vmem>>
    %dma_wait3A_130 = arith.constant 0 : i32
    %dma_wait3A_131 = tpu.memref_slice %arg7[%add3A_126, %dma_wait3A_130] : memref<204800x128xf32, #tpu.memory_space<hbm>> -> memref<128x128xf32, #tpu.memory_space<hbm>>
    %dma_wait3A_132 = tpu.memref_slice %arg14[%rem3A_122] : memref<3x!tpu.dma_semaphore, #tpu.memory_space<semaphore_mem>> -> memref<1x!tpu.dma_semaphore, #tpu.memory_space<semaphore_mem>>
    %dma_wait3A_133 = tpu.memref_squeeze %dma_wait3A_132 : memref<1x!tpu.dma_semaphore, #tpu.memory_space<semaphore_mem>> -> memref<!tpu.dma_semaphore, #tpu.memory_space<semaphore_mem>>
    %dma_wait3A_134 = arith.constant 0 : i32
    %dma_wait3A_135 = tpu.memref_slice %arg7[%add3A_126, %dma_wait3A_134] : memref<204800x128xf32, #tpu.memory_space<hbm>> -> memref<128x128xf32, #tpu.memory_space<hbm>>
    %dma_wait3A_136 = arith.constant 0 : i32
    %dma_wait3A_137 = tpu.memref_slice %arg12[%mul3A_128, %dma_wait3A_136] : memref<384x128xf32, #tpu.memory_space<vmem>> -> memref<128x128xf32, #tpu.memory_space<vmem>>
    tpu.wait_dma2 semaphore(%dma_wait3A_133 : memref<!tpu.dma_semaphore, #tpu.memory_space<semaphore_mem>>) src(%dma_wait3A_137 : memref<128x128xf32, #tpu.memory_space<vmem>>) dst(%dma_wait3A_135 : memref<128x128xf32, #tpu.memory_space<hbm>>)
    %rem3A_138 = arith.constant 48 : i32
    %rem3A_139 = arith.constant 3 : i32
    %rem3A_140 = arith.remsi %rem3A_138, %rem3A_139 : i32
    %mul3A_141 = arith.constant 48 : i32
    %mul3A_142 = arith.constant 128 : i32
    %mul3A_143 = arith.muli %mul3A_141, %mul3A_142 : i32
    %add3A_144 = arith.addi %mul3A_2, %mul3A_143 : i32
    %mul3A_145 = arith.constant 128 : i32
    %mul3A_146 = arith.muli %rem3A_140, %mul3A_145 : i32
    %dma_wait3A_147 = arith.constant 0 : i32
    %dma_wait3A_148 = tpu.memref_slice %arg12[%mul3A_146, %dma_wait3A_147] : memref<384x128xf32, #tpu.memory_space<vmem>> -> memref<128x128xf32, #tpu.memory_space<vmem>>
    %dma_wait3A_149 = arith.constant 0 : i32
    %dma_wait3A_150 = tpu.memref_slice %arg7[%add3A_144, %dma_wait3A_149] : memref<204800x128xf32, #tpu.memory_space<hbm>> -> memref<128x128xf32, #tpu.memory_space<hbm>>
    %dma_wait3A_151 = tpu.memref_slice %arg14[%rem3A_140] : memref<3x!tpu.dma_semaphore, #tpu.memory_space<semaphore_mem>> -> memref<1x!tpu.dma_semaphore, #tpu.memory_space<semaphore_mem>>
    %dma_wait3A_152 = tpu.memref_squeeze %dma_wait3A_151 : memref<1x!tpu.dma_semaphore, #tpu.memory_space<semaphore_mem>> -> memref<!tpu.dma_semaphore, #tpu.memory_space<semaphore_mem>>
    %dma_wait3A_153 = arith.constant 0 : i32
    %dma_wait3A_154 = tpu.memref_slice %arg7[%add3A_144, %dma_wait3A_153] : memref<204800x128xf32, #tpu.memory_space<hbm>> -> memref<128x128xf32, #tpu.memory_space<hbm>>
    %dma_wait3A_155 = arith.constant 0 : i32
    %dma_wait3A_156 = tpu.memref_slice %arg12[%mul3A_146, %dma_wait3A_155] : memref<384x128xf32, #tpu.memory_space<vmem>> -> memref<128x128xf32, #tpu.memory_space<vmem>>
    tpu.wait_dma2 semaphore(%dma_wait3A_152 : memref<!tpu.dma_semaphore, #tpu.memory_space<semaphore_mem>>) src(%dma_wait3A_156 : memref<128x128xf32, #tpu.memory_space<vmem>>) dst(%dma_wait3A_154 : memref<128x128xf32, #tpu.memory_space<hbm>>)
    %rem3A_157 = arith.constant 49 : i32
    %rem3A_158 = arith.constant 3 : i32
    %rem3A_159 = arith.remsi %rem3A_157, %rem3A_158 : i32
    %mul3A_160 = arith.constant 49 : i32
    %mul3A_161 = arith.constant 128 : i32
    %mul3A_162 = arith.muli %mul3A_160, %mul3A_161 : i32
    %add3A_163 = arith.addi %mul3A_2, %mul3A_162 : i32
    %mul3A_164 = arith.constant 128 : i32
    %mul3A_165 = arith.muli %rem3A_159, %mul3A_164 : i32
    %dma_wait3A_166 = arith.constant 0 : i32
    %dma_wait3A_167 = tpu.memref_slice %arg12[%mul3A_165, %dma_wait3A_166] : memref<384x128xf32, #tpu.memory_space<vmem>> -> memref<128x128xf32, #tpu.memory_space<vmem>>
    %dma_wait3A_168 = arith.constant 0 : i32
    %dma_wait3A_169 = tpu.memref_slice %arg7[%add3A_163, %dma_wait3A_168] : memref<204800x128xf32, #tpu.memory_space<hbm>> -> memref<128x128xf32, #tpu.memory_space<hbm>>
    %dma_wait3A_170 = tpu.memref_slice %arg14[%rem3A_159] : memref<3x!tpu.dma_semaphore, #tpu.memory_space<semaphore_mem>> -> memref<1x!tpu.dma_semaphore, #tpu.memory_space<semaphore_mem>>
    %dma_wait3A_171 = tpu.memref_squeeze %dma_wait3A_170 : memref<1x!tpu.dma_semaphore, #tpu.memory_space<semaphore_mem>> -> memref<!tpu.dma_semaphore, #tpu.memory_space<semaphore_mem>>
    %dma_wait3A_172 = arith.constant 0 : i32
    %dma_wait3A_173 = tpu.memref_slice %arg7[%add3A_163, %dma_wait3A_172] : memref<204800x128xf32, #tpu.memory_space<hbm>> -> memref<128x128xf32, #tpu.memory_space<hbm>>
    %dma_wait3A_174 = arith.constant 0 : i32
    %dma_wait3A_175 = tpu.memref_slice %arg12[%mul3A_165, %dma_wait3A_174] : memref<384x128xf32, #tpu.memory_space<vmem>> -> memref<128x128xf32, #tpu.memory_space<vmem>>
    tpu.wait_dma2 semaphore(%dma_wait3A_171 : memref<!tpu.dma_semaphore, #tpu.memory_space<semaphore_mem>>) src(%dma_wait3A_175 : memref<128x128xf32, #tpu.memory_space<vmem>>) dst(%dma_wait3A_173 : memref<128x128xf32, #tpu.memory_space<hbm>>)
    return
  }
}

</mosaic_0001>

<sc_bundles>
// kernel: _run.3.cloned.1.call-start
scs
__scs_entry_jumppad:
0x0: {  	(pc) =	sbr.rel $0x88, $3  }
0x1: {  	(tag) =	ssettag $0x0;
	lr =	simm.s32 $0x1  }
0x2: {  	[smem:$0x3F9C] =	sst lr;
	_ =	strace $0xD0000000  }
0x3: {  	_ = 	snop  }
0x4: {  	_ = 	snop  }
0x5: {  	_ = 	snop  }
0x6: {  	_ = 	snop  }
0x7: {  	_ = 	snop  }
__scs_overlays_trampoline_lowered:
0x8: {  	[smem:$0x3FAB] =	sst s0  }
0x9: {  	[smem:$0x3FAC] =	sst s1  }
0xa: {  	[smem:$0x3FAD] =	sst s2  }
0xb: {  	[smem:$0x3FAE] =	sst s3  }
0xc: {  	[smem:$0x3FAF] =	sst s4  }
0xd: {  	[smem:$0x3FB0] =	sst s5  }
0xe: {  	[smem:$0x3FB1] =	sst s6  }
0xf: {  	[smem:$0x3FB2] =	sst s7  }
0x10: {  	[smem:$0x3FB3] =	sst s8  }
0x11: {  	[smem:$0x3FB4] =	sst s9;
	s0 =	simm.s32 @!p0 $0x0  }
0x12: {  	s1 =	sld [smem:$0x3F9A];
	s0 =	simm.s32 @p0 $0x1  }
0x13: {  	[smem:$0x3FB5] =	sst s0;
	s0 =	simm.s32 @!p1 $0x0  }
0x14: {  	s2 =	sld [smem:$0x3F99];
	s0 =	simm.s32 @p1 $0x1  }
0x15: {  	[smem:$0x3FB6] =	sst s0;
	s0 =	simm.s32 @!p2 $0x0  }
0x16: {  	s3 =	sld [smem:$0x3FDB];
	s0 =	simm.s32 @p2 $0x1  }
0x17: {  	s4 =	simm.s32 $0x1BF5;
	[smem:$0x3FB8] =	sst s0  }
0x18: {  	s0 =	sld [smem:$0x3F9B];
	_ =	swait.ge [sflag:s4], $0x0  }
0x19: {  	s7 =	sld [smem:$0x3F9C]  }
0x1a: {  	s8 =	sadd.s32 $0xFFFFE003, lr  }
0x1b: {  	s9 =	sadd.s32 $0xFFFFFEF7, lr;
	s5 =	simm.s32 $0xFFFFFFFF;
	p2 =	slt.u32 s8, $0xFFFFF086  }
0x1c: {  	p1 =	slt.u32 s9, $0xF7A;
	s5 =	simm.s32 @!p2 $0x0  }
0x1d: {  	s5 =	simm.s32 @p1 $0x1;
	p0 =	seq.s32 s7, s2  }
0x1e: {  	s7 =	smul.u32 @!p0 $0xF7A, s2;
	p2 =	seq.s32 @!p0 s5, $0x0  }
0x1f: {  	s9 =	smul.u32 $0xF7A, s1;
	s8 =	simm.s32 @!p0 $0x1BF5;
	p2 =	por !p2, p0  }
0x20: {  	[sflag:s8] =	ssyncset.s32 @!p0 $0xFFFFF086;
	s6 =	sadd.s32 @!p0 s3, s7;
	s7 =	simm.s32 @!p0 $0x108  }
0x21: {  	s3 =	sadd.s32 s3, s9;
	s6 =	sadd.s32 @!p0 $0x88, s6;
	s7 =	simm.s32 @p2 $0x1082  }
0x22: {  	[simem:s7], [sflag:s8] =	dma.local @!p0 [hbm:s6], $0xF7A  }
0x23: {  	s9 =	sor.u32 $0xD0000000, s2;
	s6 =	simm.s32 $0x108;
	_ =	swait.ge @!p0 [sflag:s8], $0x0  }
0x24: {  	s3 =	sadd.s32 $0x88, s3;
	s6 =	simm.s32 @!p1 $0x1082;
	[sflag:s4] =	ssyncset.s32 $0xFFFFF086  }
0x25: {  	[simem:s6], [sflag:s4] =	dma.local [hbm:s3], $0xF7A  }
0x26: {  	[smem:$0x3F9C] =	sst s1;
	(tag) =	ssettag s2;
	_ =	strace s9  }
0x27: {  	s1 =	sld [smem:$0x3FAC]  }
0x28: {  	s2 =	sld [smem:$0x3FAD]  }
0x29: {  	s4 =	sld [smem:$0x3FAF]  }
0x2a: {  	p0 =	seq.s32 s5, $0x0;
	s5 =	sld [smem:$0x3FB0]  }
0x2b: {  	s6 =	sld [smem:$0x3FB1]  }
0x2c: {  	s7 =	sld [smem:$0x3FB2]  }
0x2d: {  	s3 =	simm.s32 $0x108;
	s8 =	sld [smem:$0x3FB3]  }
0x2e: {  	s3 =	simm.s32 @!p0 $0x1082;
	s9 =	sld [smem:$0x3FB4]  }
0x2f: {  	lr =	sadd.s32 s0, s3;
	s0 =	sld [smem:$0x3FAB]  }
0x30: {  	s3 =	sld [smem:$0x3FAE]  }
0x31: {  	[smem:$0x3FB7] =	sst s10  }
0x32: {  	s10 =	sld [smem:$0x3FB5];
	_ =	sdelay $0x3  }
0x33: {  	p0 =	seq.s32 s10, $0x1;
	s10 =	sld [smem:$0x3FB7];
	_ =	sdelay $0x3  }
0x34: {  	[smem:$0x3FB7] =	sst s10  }
0x35: {  	s10 =	sld [smem:$0x3FB6];
	_ =	sdelay $0x3  }
0x36: {  	p1 =	seq.s32 s10, $0x1;
	s10 =	sld [smem:$0x3FB7];
	_ =	sdelay $0x3  }
0x37: {  	[smem:$0x3FB7] =	sst s10  }
0x38: {  	s10 =	sld [smem:$0x3FB8]  }
0x39: {  	_ = 	snop;
	(pc) =	sbr.ind lr, $3  }
0x3a: {  	_ = 	snop  }
0x3b: {  	_ = 	snop  }
0x3c: {  	p2 =	seq.s32 s10, $0x1;
	s10 =	sld [smem:$0x3FB7]  }
0x3d: {  	_ =	shalt  }
0x3e: {  	_ =	shalt  }
0x3f: {  	_ =	shalt  }
0x40: {  	_ =	shalt  }
0x41: {  	_ =	shalt  }
0x42: {  	_ =	shalt  }
0x43: {  	_ =	shalt  }
0x44: {  	_ =	shalt  }
0x45: {  	_ =	shalt  }
0x46: {  	_ =	shalt  }
0x47: {  	_ =	shalt  }
0x48: {  	_ =	shalt  }
0x49: {  	_ =	shalt  }
0x4a: {  	_ =	shalt  }
0x4b: {  	_ =	shalt  }
0x4c: {  	_ =	shalt  }
0x4d: {  	_ =	shalt  }
0x4e: {  	_ =	shalt  }
0x4f: {  	_ =	shalt  }
0x50: {  	_ =	shalt  }
0x51: {  	_ =	shalt  }
0x52: {  	_ =	shalt  }
0x53: {  	_ =	shalt  }
0x54: {  	_ =	shalt  }
0x55: {  	_ =	shalt  }
0x56: {  	_ =	shalt  }
0x57: {  	_ =	shalt  }
0x58: {  	_ =	shalt  }
0x59: {  	_ =	shalt  }
0x5a: {  	_ =	shalt  }
0x5b: {  	_ =	shalt  }
0x5c: {  	_ =	shalt  }
0x5d: {  	_ =	shalt  }
0x5e: {  	_ =	shalt  }
0x5f: {  	_ =	shalt  }
0x60: {  	_ =	shalt  }
0x61: {  	_ =	shalt  }
0x62: {  	_ =	shalt  }
0x63: {  	_ =	shalt  }
0x64: {  	_ =	shalt  }
0x65: {  	_ =	shalt  }
0x66: {  	_ =	shalt  }
0x67: {  	_ =	shalt  }
0x68: {  	_ =	shalt  }
0x69: {  	_ =	shalt  }
0x6a: {  	_ =	shalt  }
0x6b: {  	_ =	shalt  }
0x6c: {  	_ =	shalt  }
0x6d: {  	_ =	shalt  }
0x6e: {  	_ =	shalt  }
0x6f: {  	_ =	shalt  }
0x70: {  	_ =	shalt  }
0x71: {  	_ =	shalt  }
0x72: {  	_ =	shalt  }
0x73: {  	_ =	shalt  }
0x74: {  	_ =	shalt  }
0x75: {  	_ =	shalt  }
0x76: {  	_ =	shalt  }
0x77: {  	_ =	shalt  }
0x78: {  	_ =	shalt  }
0x79: {  	_ =	shalt  }
0x7a: {  	_ =	shalt  }
0x7b: {  	_ =	shalt  }
0x7c: {  	_ =	shalt  }
0x7d: {  	_ =	shalt  }
0x7e: {  	_ =	shalt  }
0x7f: {  	_ =	shalt  }
0x80: {  	_ =	shalt  }
0x81: {  	_ =	shalt  }
0x82: {  	_ =	shalt  }
0x83: {  	_ =	shalt  }
0x84: {  	_ =	shalt  }
0x85: {  	_ =	shalt  }
0x86: {  	_ =	shalt  }
0x87: {  	_ =	shalt  }
.Lfunc_end0:
.L_simem_size_0:
called_computation_lowered:
.L_overlay_start_0:
0x88: {  	s2 =	sld [smem:$0x3FD9]  }
0x89: {  	s3 =	sld [smem:$0x3FFE];
	_ =	sdelay $0x1  }
0x8a: {  	s1 =	srdreg.scid  }
0x8b: {  	s0 =	sand.u32 $0x1, s1  }
0x8c: {  	s17 =	sshll.u32 s0, $0xA;
	s2 =	sadd.s32 s3, s2  }
0x8d: {  	s2 =	sadd.s32 s2, s17  }
0x8e: {  	[smem:$0x3FC3] =	sst s2  }
0x8f: {  	_ = 	snop  }
0x90: {  	s2 =	sld [smem:$0x3FC9]  }
0x91: {  	s18 =	sld [smem:$0x3FC8]  }
0x92: {  	s4 =	sld [smem:$0x3FC7]  }
0x93: {  	s5 =	sld [smem:$0x3FD0];
	(tm) =	ssettm $0x1  }
0x94: {  	s6 =	sld [smem:$0x3FFB];
	_ =	sdelay $0x3  }
0x95: {  	_ =	strace s6  }
0x96: {  	s6 =	sld [smem:$0x3FFC];
	_ =	sdelay $0x3  }
0x97: {  	_ =	strace s6  }
0x98: {  	s6 =	sld [smem:$0x3FFD];
	_ =	sdelay $0x3  }
0x99: {  	_ =	strace s6  }
0x9a: {  	_ =	strace $0x8FFFFFFF  }
0x9b: {  	s19 =	sld [smem:$0x3FDB];
	_ =	sdelay $0x1  }
0x9c: {  	s7 =	simm.s32 $_scs_section_size  }
0x9d: {  	s8 =	simm.s32 $_size__tile_overlayer_lowered;
	s9 =	simm.s32 $_tile_overlayer_lowered  }
0x9e: {  	s22 =	simm.s32 $0x1BFF;
	s21 =	sshll.u32 s9, $0x1;
	s6 =	sadd.s32 s7, s19  }
0x9f: {  	s10 =	simm.s32 $0x0;
	s20 =	sshll.u32 s8, $0x1;
	s8 =	sadd.s32 s21, s6  }
0xa0: {  	[timem:s10], [sflag:s22] =	dma.local [hbm:s8], s20  }
0xa1: {  	_ =	swait.ge [sflag:s22], s20  }
0xa2: {  	s7 =	ssub.s32 $0x0, s20;
	[sflag:s22] =	ssyncset.done $0x0  }
0xa3: {  	[sflag:s22] =	ssyncadd.s32 s7;
	_ =	sdelay $0x1  }
0xa4: {  	s23 =	simm.s32 $0x1B8B  }
0xa5: {  	_ =	swait.ge [sflag:s23], $0x1  }
0xa6: {  	[sflag:s23] =	ssyncset.done $0x0  }
0xa7: {  	s25 =	simm.s32 $0x1B8E;
	s24 =	sld [smem:$0x3FFE];
	[sflag:s23] =	ssyncadd.s32 $0xFFFFFFFF  }
0xa8: {  	s26 =	simm.s32 $execute0_lowered;
	[smem:$0x3FD2] =	sst s25  }
0xa9: {  	s8 =	sshll.u32 s26, $0x1;
	_ =	strace $0x80000046;
	[dreg:$0x1] =	wrdreg $0xFFFFFFFF  }
0xaa: {  	s28 =	simm.s32 $_size_execute0_lowered;
	s6 =	sadd.s32 s6, s8;
	[dreg:$0x0] =	wrdreg $0x0  }
0xab: {  	s8 =	sshll.u32 s28, $0x1;
	[dreg:$0x2] =	wrdreg s6  }
0xac: {  	[dreg:$0x3] =	wrdreg s8  }
0xad: {  	[dreg:$0x4] =	wrdreg $0xC0  }
0xae: {  	_ =	task [dreg:s10], $0x5FFFF  }
0xaf: {  	[dreg:$0x1] =	wrdreg $0xFFFFFFFF  }
0xb0: {  	[dreg:$0x0] =	wrdreg $0x60  }
0xb1: {  	[dreg:$0x2] =	wrdreg s2  }
0xb2: {  	[dreg:$0x3] =	wrdreg s18  }
0xb3: {  	[dreg:$0x4] =	wrdreg s4  }
0xb4: {  	[dreg:$0x5] =	wrdreg s24  }
0xb5: {  	[dreg:$0x6] =	wrdreg s5  }
0xb6: {  	[dreg:$0x7] =	wrdreg $0x9  }
0xb7: {  	_ =	task.clear_ibuf [dreg:s10], $0x8FFFF;
	_ =	strace $0x90000046  }
0xb8: {  	s29 =	simm.s32 $0x9;
	_ =	strace $0x80000048  }
0xb9: {  	_ =	swait.ge [sflag:s29], $0x1  }
0xba: {  	[sflag:s29] =	ssyncadd.s32 $0xFFFFFFFF  }
0xbb: {  	_ =	strace $0x90000048  }
0xbc: {  	_ =	sfence  }
0xbd: {  	s30 =	sld [smem:$0x0];
	_ =	sdelay $0x2  }
0xbe: {  	s31 =	sshll.u32 s1, $0xD;
	s1 =	sshrl.u32 s1, $0x2  }
0xbf: {  	s3 =	sand.u32 $0x4000, s31;
	s1 =	sadd.s32 s1, s30  }
0xc0: {  	s0 =	sor.u32 s3, s0;
	s1 =	sshll.u32 s1, $0x11  }
0xc1: {  	s0 =	sor.u32 s1, s0  }
0xc2: {  	s0 =	sadd.s32 $0x8F2B, s0  }
0xc3: {  	[sflag:s0] =	ssyncadd.remote.s32 $0x1  }
0xc4: {  	_ =	sfence.sel $0xFFFF  }
0xc5: {  	[dreg:$0x0] =	wrdreg $0xFFFFFFFF;
	(pc) =	sbr.abs _section_cstart, $3  }
0xc6: {  	[dreg:$0x1] =	wrdreg $0xFFFFFFFF  }
0xc7: {  	_ =	task.clear_ibuf [dreg:s10], $0x2FFFF;
	_ =	strace $0x9FFFFFFF  }
0xc8: {  	(tm) =	ssettm $0x7FFFFFFF  }
0xc9: {  	_ =	shalt  }
tec
execute0_lowered:
.L_overlay_start_1:
0x0: {  	(tag) =	ssettag $0x1  }
0x1: {  	s1 =	srdreg.scid;
	s2 =	stileid.u32  }
0x2: {  	s1 =	sand.u32 $0x1, s1;
	s2 =	sshll.u32 s2, $0x1  }
0x3: {  	s0 =	rddreg [dreg:$0x3];
	s2 =	sor.u32 s1, s2  }
0x4: {  	s3 =	simm.s32 $0x0;
	s1 =	ssub.s32 $0x2, s1;
	s29 =	smul.u32 $0x380, s2  }
0x5: {  	[smem:$0x7FF] =	sst s3;
	s4 =	sshrl.u32 s1, $0x1;
	s2 =	smul.u32 $0x1900, s2  }
.Ltmp0:
0x6: {  	_ =	strace $0x80000047;
	s1 =	ssub.s32 s1, s4;
	(pc) =	sbr.rel .LBB2_1-.Ltmp0, $4  }
0x7: {  	s0 =	sadd.s32 s29, s0;
	[dreg:$0xa] =	wrdreg s2;
	s31 =	smax.u32 s1, $0x1  }
0x8: {  	s30 =	sadd.s32 $0x400, s0;
	[dreg:$0xd] =	wrdreg s31  }
0x9: {  	s0 =	sadd.s32 $0x7400, s0;
	[dreg:$0xb] =	wrdreg s30  }
0xa: {  	s2 =	simm.s32 $0x0;
	[dreg:$0xc] =	wrdreg s0  }
.LBB2_15:
0xb: {  	s0 =	simm.s32 $0x6  }
0xc: {  	_ =	swait.ge [sflag:s0], $0x4000  }
0xd: {  	[sflag:s0] =	ssyncset.done $0x0  }
0xe: {  	s30 =	simm.s32 $0x4;
	[sflag:s0] =	ssyncadd.s32 $0xFFFFC000  }
0xf: {  	_ =	swait.ge [sflag:s30], $0x4000  }
0x10: {  	[sflag:s30] =	ssyncset.done $0x0  }
0x11: {  	s1 =	simm.s32 $0x5;
	[sflag:s30] =	ssyncadd.s32 $0xFFFFC000  }
0x12: {  	_ =	swait.ge [sflag:s1], $0x4000  }
0x13: {  	s2 =	rddreg [dreg:$0xe]  }
0x14: {  	s31 =	rddreg [dreg:$0xd];
	s2 =	sadd.s32 $0x1, s2  }
0x15: {  	p0 =	sne.s32 s2, s31  }
.Ltmp1:
0x16: {  	_ = 	snop;
	(pc) =	sbr.rel @!p0 .LBB2_16-.Ltmp1, $3  }
0x17: {  	_ =	sdelay $0x1  }
0x18: {  	[sflag:s1] =	ssyncset.done $0x0  }
0x19: {  	[sflag:s1] =	ssyncadd.s32 $0xFFFFC000  }
.LBB2_1:
0x1a: {  	[dreg:$0xe] =	wrdreg s2;
	s1 =	simm.s32 $0x0  }
0x1b: {  	s0 =	rddreg [dreg:$0xb];
	s22 =	simm.s32 $0xC900;
	s3 =	simm.s32 $0x7  }
0x1c: {  	[tilespmem:s22], [sflag:$0x7] =	stream.linear.gather [hbm4b:s0+s1], $0x1900, $0x38;
	[tilespmem:$0x1C100] =	vst v63  }
0x1d: {  	_ =	swait.ge [sflag:s3], $0x1900  }
0x1e: {  	[sflag:s3] =	ssyncset.done $0x0  }
0x1f: {  	s4 =	simm.s32 $0xE500;
	s23 =	rddreg [dreg:$0xc];
	[sflag:s3] =	ssyncadd.s32 $0xFFFFE700  }
0x20: {  	[tilespmem:s4], [sflag:$0x7] =	stream.linear.gather [hbm4b:s23+s1], $0x1900, $0x38;
	[tilespmem:$0x1C100] =	vst v63  }
0x21: {  	_ =	swait.ge [sflag:s3], $0x1900  }
0x22: {  	[sflag:s3] =	ssyncset.done $0x0  }
0x23: {  	[sflag:s3] =	ssyncadd.s32 $0xFFFFE700  }
0x24: {  	s25 =	simm.s32 $0x80;
	s5 =	simm.s32 $0x10100;
	s24 =	rddreg [dreg:$0x0]  }
0x25: {  	[tilespmem:s5], [sflag:$0x1] =	stream.indirect.gather [hbm4b:s24+s25], $0x80, s22, s25, $0xb8;
	[tilespmem:$0x1C100] =	vst v63  }
0x26: {  	s26 =	simm.s32 $0xC980;
	s28 =	simm.s32 $0x14100  }
0x27: {  	[tilespmem:s28], [sflag:$0x2] =	stream.indirect.gather [hbm4b:s24+s25], $0x80, s26, s25, $0xb8;
	[tilespmem:$0x1C100] =	vst v63  }
0x28: {  	s29 =	rddreg [dreg:$0x1]  }
0x29: {  	[tilespmem:s1], [sflag:$0x7] =	stream.linear.gather [hbm4b:s29+s1], $0x6400, $0x38;
	[tilespmem:$0x1C100] =	vst v63  }
0x2a: {  	_ =	swait.ge [sflag:s3], $0x6400  }
0x2b: {  	[sflag:s3] =	ssyncset.done $0x0  }
0x2c: {  	[sflag:s3] =	ssyncadd.s32 $0xFFFF9C00  }
0x2d: {  	s31 =	simm.s32 $0xC800;
	s30 =	rddreg [dreg:$0x2]  }
0x2e: {  	[tilespmem:s31], [sflag:$0x7] =	stream.linear.gather [hbm4b:s30+s1], $0x100, $0x38;
	[tilespmem:$0x1C100] =	vst v63  }
0x2f: {  	_ =	swait.ge [sflag:s3], $0x100  }
0x30: {  	[sflag:s3] =	ssyncset.done $0x0  }
0x31: {  	[sflag:s3] =	ssyncadd.s32 $0xFFFFFF00  }
0x32: {  	v10 =	vld [tilespmem:$0xC800]  }
0x33: {  	v8 =	vld [tilespmem:$0xC810]  }
0x34: {  	v6 =	vld [tilespmem:$0xC820]  }
0x35: {  	v4 =	vld [tilespmem:$0xC830]  }
0x36: {  	v2 =	vld [tilespmem:$0xC840]  }
0x37: {  	v1 =	vld [tilespmem:$0xC850]  }
0x38: {  	v0 =	vld [tilespmem:$0xC860]  }
0x39: {  	v15 =	vld [tilespmem:$0xC870]  }
0x3a: {  	v14 =	vld [tilespmem:$0xC880]  }
0x3b: {  	v13 =	vld [tilespmem:$0xC890]  }
0x3c: {  	v12 =	vld [tilespmem:$0xC8A0]  }
0x3d: {  	v11 =	vld [tilespmem:$0xC8B0]  }
0x3e: {  	v9 =	vld [tilespmem:$0xC8C0]  }
0x3f: {  	s0 =	simm.s32 $0x0;
	v7 =	vld [tilespmem:$0xC8D0]  }
0x40: {  	v16 =	vld [tilespmem:s0+$0x70]  }
0x41: {  	v17 =	vld [tilespmem:s0+$0x0]  }
0x42: {  	v5 =	vld [tilespmem:$0xC8E0]  }
0x43: {  	v20 =	vld [tilespmem:s0+$0x30]  }
0x44: {  	v3 =	vld [tilespmem:$0xC8F0]  }
0x45: {  	v18 =	vld [tilespmem:s0+$0x10];
	v22 =	vadd.f32 v16, v15  }
0x46: {  	v19 =	vld [tilespmem:s0+$0x20];
	v24 =	vadd.f32 v17, v14  }
0x47: {  	v21 =	vld [tilespmem:s0+$0x40];
	v17 =	vadd.f32 v17, v10;
	[tilespmem:s0+$0x70] =	vst v22  }
0x48: {  	v63 =	vadd.f32 v20, v11;
	[tilespmem:s0+$0x6400] =	vst v24  }
0x49: {  	v23 =	vld [tilespmem:s0+$0x50];
	v26 =	vadd.f32 v20, v4;
	[tilespmem:s0+$0x0] =	vst v17  }
0x4a: {  	v25 =	vld [tilespmem:s0+$0x60];
	v22 =	vadd.f32 v18, v13;
	[tilespmem:s0+$0x6430] =	vst v63  }
0x4b: {  	v16 =	vadd.f32 v16, v3;
	v18 =	vadd.f32 v18, v8;
	[tilespmem:s0+$0x30] =	vst v26  }
0x4c: {  	v20 =	vadd.f32 v21, v2;
	v17 =	vadd.f32 v19, v12;
	[tilespmem:s0+$0x6410] =	vst v22  }
0x4d: {  	v19 =	vadd.f32 v19, v6;
	[tilespmem:s0+$0x10] =	vst v18;
	v22 =	vadd.f32 v21, v9  }
0x4e: {  	[tilespmem:s0+$0x6420] =	vst v17;
	v21 =	vadd.f32 v23, v7;
	v18 =	vadd.f32 v23, v1  }
0x4f: {  	s2 =	simm.s32 $0x400;
	s1 =	simm.s32 $0x80;
	[tilespmem:s0+$0x20] =	vst v19;
	v19 =	vadd.f32 v25, v5;
	v17 =	vadd.f32 v25, v0  }
.LBB2_2:
0x50: {  	p0 =	sne.s32 s2, $0x18E00;
	v23 =	vld [tilespmem:s1+$0x70];
	[tilespmem:s0+$0x6440] =	vst v22  }
0x51: {  	v22 =	vld [tilespmem:s1+$0x0];
	[tilespmem:s0+$0x40] =	vst v20  }
0x52: {  	v20 =	vld [tilespmem:s1+$0x10];
	[tilespmem:s0+$0x6450] =	vst v21  }
0x53: {  	v21 =	vld [tilespmem:s1+$0x20];
	[tilespmem:s0+$0x50] =	vst v18  }
0x54: {  	v18 =	vld [tilespmem:s1+$0x30];
	[tilespmem:s0+$0x6460] =	vst v19  }
0x55: {  	v19 =	vld [tilespmem:s1+$0x40];
	v24 =	vadd.f32 v23, v3;
	v23 =	vadd.f32 v23, v15;
	[tilespmem:s0+$0x60] =	vst v17  }
0x56: {  	v17 =	vadd.f32 v22, v14;
	v22 =	vadd.f32 v22, v10;
	v25 =	vld [tilespmem:s1+$0x50];
	[tilespmem:s0+$0x6470] =	vst v16;
	s0 =	smov.u32 s1  }
0x57: {  	v26 =	vadd.f32 v20, v13;
	v27 =	vadd.f32 v20, v8;
	v28 =	vld [tilespmem:s0+$0x60];
	[tilespmem:s0+$0x70] =	vst v23;
	v16 =	vmov v24  }
0x58: {  	[tilespmem:s0+$0x6400] =	vst v17;
	v17 =	vadd.f32 v21, v12;
	v23 =	vadd.f32 v21, v6  }
0x59: {  	[tilespmem:s0+$0x0] =	vst v22;
	v24 =	vadd.f32 v18, v11;
	v29 =	vadd.f32 v18, v4  }
0x5a: {  	[tilespmem:s0+$0x6410] =	vst v26;
	v22 =	vadd.f32 v19, v9;
	v20 =	vadd.f32 v19, v2  }
.Ltmp2:
0x5b: {  	[tilespmem:s0+$0x10] =	vst v27;
	v21 =	vadd.f32 v25, v7;
	v18 =	vadd.f32 v25, v1;
	(pc) =	sbr.rel @p0 .LBB2_2-.Ltmp2, $4  }
0x5c: {  	[tilespmem:s0+$0x6420] =	vst v17;
	v19 =	vadd.f32 v28, v5;
	v17 =	vadd.f32 v28, v0  }
0x5d: {  	[tilespmem:s0+$0x20] =	vst v23  }
0x5e: {  	[tilespmem:s0+$0x6430] =	vst v24  }
0x5f: {  	s1 =	sshra.s32 s2, $0x2;
	s2 =	sadd.s32 $0x200, s2;
	[tilespmem:s0+$0x30] =	vst v29  }
0x60: {  	v23 =	vld [tilespmem:s1+$0x70];
	[tilespmem:s0+$0x6440] =	vst v22  }
0x61: {  	v51 =	vld [tilespmem:s1+$0x0];
	[tilespmem:s0+$0x40] =	vst v20  }
0x62: {  	[tilespmem:s0+$0x6450] =	vst v21  }
0x63: {  	v52 =	vld [tilespmem:s1+$0x10];
	[tilespmem:s0+$0x50] =	vst v18  }
0x64: {  	[tilespmem:s0+$0x6460] =	vst v19  }
0x65: {  	v53 =	vld [tilespmem:s1+$0x20];
	[tilespmem:s0+$0x60] =	vst v17;
	v15 =	vadd.f32 v23, v15  }
0x66: {  	[tilespmem:s0+$0x6470] =	vst v16;
	v14 =	vadd.f32 v51, v14  }
0x67: {  	v54 =	vld [tilespmem:s1+$0x30];
	v10 =	vadd.f32 v51, v10;
	[tilespmem:s1+$0x70] =	vst v15  }
0x68: {  	v13 =	vadd.f32 v52, v13;
	[tilespmem:s1+$0x6400] =	vst v14  }
0x69: {  	v55 =	vld [tilespmem:s1+$0x40];
	v8 =	vadd.f32 v52, v8;
	[tilespmem:s1+$0x0] =	vst v10  }
0x6a: {  	v58 =	vadd.f32 v53, v12;
	[tilespmem:s1+$0x6410] =	vst v13  }
0x6b: {  	v56 =	vld [tilespmem:s1+$0x50];
	v6 =	vadd.f32 v53, v6;
	[tilespmem:s1+$0x10] =	vst v8  }
0x6c: {  	v59 =	vadd.f32 v54, v11;
	[tilespmem:s1+$0x6420] =	vst v58  }
0x6d: {  	v57 =	vld [tilespmem:s1+$0x60];
	v4 =	vadd.f32 v54, v4;
	[tilespmem:s1+$0x20] =	vst v6  }
0x6e: {  	v60 =	vadd.f32 v55, v9;
	[tilespmem:s1+$0x6430] =	vst v59  }
0x6f: {  	v2 =	vadd.f32 v55, v2;
	[tilespmem:s1+$0x30] =	vst v4  }
0x70: {  	v61 =	vadd.f32 v56, v7;
	[tilespmem:s1+$0x6440] =	vst v60  }
0x71: {  	v1 =	vadd.f32 v56, v1;
	[tilespmem:s1+$0x40] =	vst v2  }
0x72: {  	v62 =	vadd.f32 v57, v5;
	[tilespmem:s1+$0x6450] =	vst v61  }
0x73: {  	v0 =	vadd.f32 v57, v0;
	[tilespmem:s1+$0x50] =	vst v1  }
0x74: {  	v63 =	vadd.f32 v23, v3;
	[tilespmem:s1+$0x6460] =	vst v62  }
0x75: {  	[tilespmem:s1+$0x60] =	vst v0  }
0x76: {  	s12 =	simm.s32 $0x0;
	s5 =	simm.s32 $0x0;
	[tilespmem:s1+$0x6470] =	vst v63  }
.LBB2_4:
0x77: {  	s0 =	smul.u32 $0xAB, s5;
	_ =	sdelay $0x1  }
0x78: {  	s0 =	sshrl.u32 s0, $0x9  }
0x79: {  	s0 =	sand.u32 $0x7F, s0  }
0x7a: {  	s0 =	smul.u32 $0x3, s0  }
0x7b: {  	s1 =	sshll.u32 s5, $0x7  }
0x7c: {  	s26 =	sadd.s32 $0xE500, s1;
	s0 =	ssub.s32 s5, s0  }
0x7d: {  	v3 =	vmov s26;
	s10 =	sand.u32 $0xFF, s0  }
0x7e: {  	[dreg:$0x11] =	wrdreg s1;
	s28 =	sadd.s32 $0x1, s10  }
0x7f: {  	p3 =	por $0x1, $0x1;
	_ =	swait.ge [sflag:s28], $0x4000  }
.Ltmp3:
0x80: {  	s29 =	simm.s32 $0x0;
	[sflag:s28] =	ssyncset.done $0x0;
	(pc) =	sbr.rel @!p3 .LBB2_5-.Ltmp3, $4  }
0x81: {  	s0 =	sand.u32 $0x70, s29;
	[sflag:s28] =	ssyncadd.s32 $0xFFFFC000  }
0x82: {  	s30 =	simm.s32 $0x40;
	v5 =	vld.idx.msk [tilespmem:v3+s0+$0x0 ss:$0x1], $0xffff;
	[dreg:$0xf] =	wrdreg s5  }
0x83: {  	p0 =	por $0x0, $0x0;
	p1 =	por $0x0, $0x0;
	[dreg:$0x10] =	wrdreg s10  }
0x84: {  	p2 =	por $0x0, $0x0;
	s31 =	sshll.u32 s10, $0x7;
	[dreg:$0x6] =	wrdreg s12  }
0x85: {  	_ =	sdelay $0x1  }
0x86: {  	v0 =	vmul.u32 $0xC8, v5;
	_ =	sdelay $0x1  }
0x87: {  	(v2sf) =	vpush v0, $0x0;
	_ =	sdelay $0xc  }
0x88: {  	s25 =	sadd.s32 s12, s0  }
0x89: {  	p0 =	sgt.s32 s25, $0xC7;
	s1 =	sadd.s32 $0x7FFF38, s25;
	s2 =	smov.u32 s25  }
0x8a: {  	s2 =	smov.u32 @p0 s1;
	s8 =	spop (v2sf)  }
0x8b: {  	s1 =	sadd.s32 s2, s8  }
0x8c: {  	s9 =	simm.s32 $0x0;
	s1 =	sshll.u32 s1, $0x9  }
0x8d: {  	s23 =	sand.u32 $0x40, s9;
	s1 =	sshra.s32 s1, $0x2  }
0x8e: {  	s2 =	sor.u32 s23, s1  }
0x8f: {  	v1 =	vld [tilespmem:s2+$0x0]  }
0x90: {  	s10 =	sor.u32 s31, s0  }
0x91: {  	s9 =	sshll.u32 s10, $0x7  }
0x92: {  	s0 =	sadd.s32 $0x10100, s9  }
0x93: {  	s14 =	sor.u32 $0x10, s23;
	s11 =	sor.u32 s23, s0;
	(v2sf) =	vpush v0, $0x1  }
0x94: {  	s13 =	sor.u32 s14, s1;
	[tilespmem:s11+$0x0] =	vst.add.f32.msk $0xffff, v1  }
0x95: {  	v1 =	vld [tilespmem:s13+$0x0];
	_ =	sdelay $0x3  }
0x96: {  	s15 =	sor.u32 s14, s0;
	s13 =	sor.u32 $0x20, s23  }
0x97: {  	s16 =	sor.u32 s13, s1;
	[tilespmem:s15+$0x0] =	vst.add.f32.msk $0xffff, v1  }
0x98: {  	v1 =	vld [tilespmem:s16+$0x0];
	_ =	sdelay $0x3  }
0x99: {  	s11 =	sor.u32 $0x30, s23;
	s17 =	sor.u32 s13, s0  }
0x9a: {  	s2 =	sadd.s32 $0x1, s25;
	s1 =	sor.u32 s11, s1;
	[tilespmem:s17+$0x0] =	vst.add.f32.msk $0xffff, v1  }
0x9b: {  	p0 =	sgt.s32 s2, $0xC7;
	v1 =	vld [tilespmem:s1+$0x0];
	s1 =	sadd.s32 $0x7FFF39, s25  }
0x9c: {  	s18 =	spop (v2sf);
	s2 =	smov.u32 @p0 s1  }
0x9d: {  	s1 =	sadd.s32 s2, s18  }
0x9e: {  	s1 =	sshll.u32 s1, $0x9  }
0x9f: {  	s0 =	sor.u32 s11, s0;
	s1 =	sshra.s32 s1, $0x2  }
0xa0: {  	[tilespmem:s0+$0x0] =	vst.add.f32.msk $0xffff, v1;
	s19 =	sor.u32 s23, s1  }
0xa1: {  	v1 =	vld [tilespmem:s19+$0x0];
	_ =	sdelay $0x2  }
0xa2: {  	s20 =	sadd.s32 $0x10180, s9  }
0xa3: {  	s21 =	sor.u32 s23, s20;
	(v2sf) =	vpush v0, $0x2  }
0xa4: {  	s22 =	sor.u32 s14, s1;
	[tilespmem:s21+$0x0] =	vst.add.f32.msk $0xffff, v1  }
0xa5: {  	v1 =	vld [tilespmem:s22+$0x0];
	_ =	sdelay $0x3  }
0xa6: {  	s24 =	sor.u32 s14, s20  }
0xa7: {  	s26 =	sor.u32 s13, s1;
	[tilespmem:s24+$0x0] =	vst.add.f32.msk $0xffff, v1  }
0xa8: {  	v1 =	vld [tilespmem:s26+$0x0];
	_ =	sdelay $0x3  }
0xa9: {  	s28 =	sor.u32 s13, s20  }
0xaa: {  	s2 =	sadd.s32 $0x2, s25;
	s1 =	sor.u32 s11, s1;
	[tilespmem:s28+$0x0] =	vst.add.f32.msk $0xffff, v1  }
0xab: {  	p0 =	sgt.s32 s2, $0xC7;
	v1 =	vld [tilespmem:s1+$0x0];
	s1 =	sadd.s32 $0x7FFF3A, s25  }
0xac: {  	s29 =	spop (v2sf);
	s2 =	smov.u32 @p0 s1  }
0xad: {  	s1 =	sadd.s32 s2, s29  }
0xae: {  	s1 =	sshll.u32 s1, $0x9  }
0xaf: {  	s0 =	sor.u32 s11, s20;
	s1 =	sshra.s32 s1, $0x2  }
0xb0: {  	[tilespmem:s0+$0x0] =	vst.add.f32.msk $0xffff, v1;
	s3 =	sor.u32 s23, s1  }
0xb1: {  	v1 =	vld [tilespmem:s3+$0x0];
	_ =	sdelay $0x2  }
0xb2: {  	s4 =	sadd.s32 $0x10200, s9  }
0xb3: {  	s5 =	sor.u32 s23, s4;
	(v2sf) =	vpush v0, $0x3  }
0xb4: {  	s6 =	sor.u32 s14, s1;
	[tilespmem:s5+$0x0] =	vst.add.f32.msk $0xffff, v1  }
0xb5: {  	v1 =	vld [tilespmem:s6+$0x0];
	_ =	sdelay $0x3  }
0xb6: {  	s7 =	sor.u32 s14, s4  }
0xb7: {  	s8 =	sor.u32 s13, s1;
	[tilespmem:s7+$0x0] =	vst.add.f32.msk $0xffff, v1  }
0xb8: {  	v1 =	vld [tilespmem:s8+$0x0];
	_ =	sdelay $0x3  }
0xb9: {  	s10 =	sor.u32 s13, s4  }
0xba: {  	s2 =	sadd.s32 $0x3, s25;
	s1 =	sor.u32 s11, s1;
	[tilespmem:s10+$0x0] =	vst.add.f32.msk $0xffff, v1  }
0xbb: {  	p0 =	sgt.s32 s2, $0xC7;
	v1 =	vld [tilespmem:s1+$0x0];
	s1 =	sadd.s32 $0x7FFF3B, s25  }
0xbc: {  	s15 =	spop (v2sf);
	s2 =	smov.u32 @p0 s1  }
0xbd: {  	s1 =	sadd.s32 s2, s15  }
0xbe: {  	s1 =	sshll.u32 s1, $0x9  }
0xbf: {  	s0 =	sor.u32 s11, s4;
	s1 =	sshra.s32 s1, $0x2  }
0xc0: {  	[tilespmem:s0+$0x0] =	vst.add.f32.msk $0xffff, v1;
	s16 =	sor.u32 s23, s1  }
0xc1: {  	v1 =	vld [tilespmem:s16+$0x0];
	_ =	sdelay $0x2  }
0xc2: {  	s17 =	sadd.s32 $0x10280, s9  }
0xc3: {  	s18 =	sor.u32 s23, s17;
	(v2sf) =	vpush v0, $0x4  }
0xc4: {  	s19 =	sor.u32 s14, s1;
	[tilespmem:s18+$0x0] =	vst.add.f32.msk $0xffff, v1  }
0xc5: {  	v1 =	vld [tilespmem:s19+$0x0];
	_ =	sdelay $0x3  }
0xc6: {  	s20 =	sor.u32 s14, s17  }
0xc7: {  	s21 =	sor.u32 s13, s1;
	[tilespmem:s20+$0x0] =	vst.add.f32.msk $0xffff, v1  }
0xc8: {  	v1 =	vld [tilespmem:s21+$0x0];
	_ =	sdelay $0x3  }
0xc9: {  	s22 =	sor.u32 s13, s17  }
0xca: {  	s2 =	sadd.s32 $0x4, s25;
	s1 =	sor.u32 s11, s1;
	[tilespmem:s22+$0x0] =	vst.add.f32.msk $0xffff, v1  }
0xcb: {  	p0 =	sgt.s32 s2, $0xC7;
	v1 =	vld [tilespmem:s1+$0x0];
	s1 =	sadd.s32 $0x7FFF3C, s25  }
0xcc: {  	s24 =	spop (v2sf);
	s2 =	smov.u32 @p0 s1  }
0xcd: {  	s1 =	sadd.s32 s2, s24  }
0xce: {  	s1 =	sshll.u32 s1, $0x9  }
0xcf: {  	s0 =	sor.u32 s11, s17;
	s18 =	sshra.s32 s1, $0x2  }
0xd0: {  	[tilespmem:s0+$0x0] =	vst.add.f32.msk $0xffff, v1;
	s26 =	sor.u32 s23, s18  }
0xd1: {  	p3 =	por $0x1, $0x1;
	v1 =	vld [tilespmem:s26+$0x0]  }
.Ltmp4:
0xd2: {  	_ = 	snop;
	(pc) =	sbr.rel @!p3 .LBB2_7-.Ltmp4, $4  }
0xd3: {  	s28 =	simm.s32 $0x8  }
0xd4: {  	s22 =	sand.u32 $0x70, s28;
	s24 =	sadd.s32 $0x10300, s9  }
0xd5: {  	v5 =	vld.idx.msk [tilespmem:v3+s22+$0x0 ss:$0x1], $0xffff;
	s29 =	sor.u32 s23, s24  }
0xd6: {  	(v2sf) =	vpush v0, $0x5;
	p0 =	por $0x1, $0x1;
	s1 =	simm.s32 $0x80;
	s26 =	sor.u32 s14, s18;
	[tilespmem:s29+$0x0] =	vst.add.f32.msk $0xffff, v1  }
0xd7: {  	_ = 	snop  }
0xd8: {  	v1 =	vld [tilespmem:s26+$0x0];
	_ =	sdelay $0x3  }
0xd9: {  	s2 =	sor.u32 s14, s24;
	v2 =	vmul.u32 $0xC8, v5  }
0xda: {  	s5 =	sor.u32 s13, s18;
	[tilespmem:s2+$0x0] =	vst.add.f32.msk $0xffff, v1  }
0xdb: {  	(v2sf) =	vpush v2, $0x0;
	v1 =	vld [tilespmem:s5+$0x0];
	_ =	sdelay $0x3  }
0xdc: {  	s6 =	sor.u32 s13, s24  }
0xdd: {  	s7 =	sor.u32 s11, s18;
	s3 =	sadd.s32 $0x5, s25;
	[tilespmem:s6+$0x0] =	vst.add.f32.msk $0xffff, v1  }
0xde: {  	p1 =	sgt.s32 s3, $0xC7;
	s2 =	sadd.s32 $0x7FFF3D, s25;
	v1 =	vld [tilespmem:s7+$0x0]  }
0xdf: {  	s3 =	smov.u32 @p1 s2;
	s8 =	spop (v2sf)  }
0xe0: {  	s2 =	sadd.s32 s3, s8  }
0xe1: {  	s2 =	sshll.u32 s2, $0x9  }
0xe2: {  	s10 =	sor.u32 s11, s24;
	s2 =	sshra.s32 s2, $0x2  }
0xe3: {  	[tilespmem:s10+$0x0] =	vst.add.f32.msk $0xffff, v1;
	s15 =	sor.u32 s23, s2  }
0xe4: {  	v1 =	vld [tilespmem:s15+$0x0]  }
0xe5: {  	s15 =	sadd.s32 s12, s22  }
0xe6: {  	p1 =	sgt.s32 s15, $0xC7;
	s3 =	sadd.s32 $0x7FFF38, s15;
	s5 =	smov.u32 s15  }
0xe7: {  	s6 =	sadd.s32 $0x10380, s9;
	s16 =	spop (v2sf);
	s5 =	smov.u32 @p1 s3  }
0xe8: {  	s7 =	sor.u32 s23, s6;
	(v2sf) =	vpush v0, $0x6;
	s3 =	sadd.s32 s5, s16  }
0xe9: {  	s17 =	sor.u32 s14, s2;
	s3 =	sshll.u32 s3, $0x9;
	[tilespmem:s7+$0x0] =	vst.add.f32.msk $0xffff, v1  }
0xea: {  	s21 =	sand.u32 $0x40, s30;
	s4 =	sshra.s32 s3, $0x2;
	v1 =	vld [tilespmem:s17+$0x0]  }
0xeb: {  	s3 =	sor.u32 s21, s4  }
0xec: {  	v4 =	vld [tilespmem:s3+$0x0]  }
0xed: {  	s0 =	sor.u32 s31, s22  }
0xee: {  	s18 =	sor.u32 s14, s6;
	s22 =	sshll.u32 s0, $0x7  }
0xef: {  	s19 =	sor.u32 s13, s2;
	s5 =	sadd.s32 $0x10100, s22;
	[tilespmem:s18+$0x0] =	vst.add.f32.msk $0xffff, v1  }
0xf0: {  	(v2sf) =	vpush v2, $0x1;
	s20 =	sor.u32 s21, s5;
	s3 =	sor.u32 $0x10, s21;
	v1 =	vld [tilespmem:s19+$0x0]  }
0xf1: {  	s24 =	sor.u32 s3, s4;
	[tilespmem:s20+$0x0] =	vst.add.f32.msk $0xffff, v4  }
0xf2: {  	v4 =	vld [tilespmem:s24+$0x0];
	_ =	sdelay $0x1  }
0xf3: {  	s26 =	sor.u32 s13, s6  }
0xf4: {  	s8 =	sor.u32 $0x20, s21;
	s29 =	sor.u32 s11, s2;
	s7 =	sadd.s32 $0x6, s25;
	[tilespmem:s26+$0x0] =	vst.add.f32.msk $0xffff, v1  }
0xf5: {  	s0 =	sadd.s32 $0x7FFF3E, s25;
	p1 =	sgt.s32 s7, $0xC7;
	s30 =	sor.u32 s3, s5;
	v1 =	vld [tilespmem:s29+$0x0]  }
0xf6: {  	s16 =	sor.u32 s8, s4;
	s7 =	smov.u32 @p1 s0;
	s10 =	spop (v2sf);
	[tilespmem:s30+$0x0] =	vst.add.f32.msk $0xffff, v4  }
0xf7: {  	s0 =	sadd.s32 s7, s10;
	v4 =	vld [tilespmem:s16+$0x0]  }
0xf8: {  	s0 =	sshll.u32 s0, $0x9  }
0xf9: {  	s17 =	sor.u32 s11, s6;
	s0 =	sshra.s32 s0, $0x2  }
0xfa: {  	s18 =	sor.u32 s23, s0;
	[tilespmem:s17+$0x0] =	vst.add.f32.msk $0xffff, v1  }
0xfb: {  	s19 =	sor.u32 s8, s5;
	s20 =	sor.u32 $0x30, s21;
	v1 =	vld [tilespmem:s18+$0x0]  }
0xfc: {  	s24 =	sor.u32 s20, s4;
	s4 =	sadd.s32 $0x1, s15;
	[tilespmem:s19+$0x0] =	vst.add.f32.msk $0xffff, v4  }
0xfd: {  	s2 =	sadd.s32 $0x7FFF39, s15;
	p1 =	sgt.s32 s4, $0xC7;
	v4 =	vld [tilespmem:s24+$0x0]  }
0xfe: {  	s6 =	sadd.s32 $0x10400, s9;
	s4 =	smov.u32 @p1 s2;
	s26 =	spop (v2sf)  }
0xff: {  	(v2sf) =	vpush v0, $0x7;
	s29 =	sor.u32 s23, s6;
	s2 =	sadd.s32 s4, s26  }
0x100: {  	s30 =	sor.u32 s14, s0;
	s2 =	sshll.u32 s2, $0x9;
	[tilespmem:s29+$0x0] =	vst.add.f32.msk $0xffff, v1  }
0x101: {  	s5 =	sor.u32 s20, s5;
	s2 =	sshra.s32 s2, $0x2;
	v1 =	vld [tilespmem:s30+$0x0]  }
0x102: {  	s7 =	sor.u32 s21, s2;
	[tilespmem:s5+$0x0] =	vst.add.f32.msk $0xffff, v4  }
0x103: {  	v4 =	vld [tilespmem:s7+$0x0];
	_ =	sdelay $0x1  }
0x104: {  	s10 =	sor.u32 s14, s6  }
0x105: {  	s16 =	sor.u32 s13, s0;
	s5 =	sadd.s32 $0x10180, s22;
	[tilespmem:s10+$0x0] =	vst.add.f32.msk $0xffff, v1  }
0x106: {  	(v2sf) =	vpush v2, $0x2;
	s17 =	sor.u32 s21, s5;
	v1 =	vld [tilespmem:s16+$0x0]  }
0x107: {  	s18 =	sor.u32 s3, s2;
	[tilespmem:s17+$0x0] =	vst.add.f32.msk $0xffff, v4  }
0x108: {  	v4 =	vld [tilespmem:s18+$0x0];
	_ =	sdelay $0x1  }
0x109: {  	s19 =	sor.u32 s13, s6  }
0x10a: {  	s4 =	sadd.s32 $0x7, s25;
	s0 =	sor.u32 s11, s0;
	[tilespmem:s19+$0x0] =	vst.add.f32.msk $0xffff, v1  }
0x10b: {  	p1 =	sgt.s32 s4, $0xC7;
	s24 =	sor.u32 s3, s5;
	v1 =	vld [tilespmem:s0+$0x0];
	s0 =	sadd.s32 $0x7FFF3F, s25  }
0x10c: {  	s26 =	spop (v2sf);
	s29 =	sor.u32 s8, s2;
	[tilespmem:s24+$0x0] =	vst.add.f32.msk $0xffff, v4;
	s4 =	smov.u32 @p1 s0  }
0x10d: {  	v4 =	vld [tilespmem:s29+$0x0];
	s0 =	sadd.s32 s4, s26  }
0x10e: {  	s0 =	sshll.u32 s0, $0x9  }
0x10f: {  	s30 =	sor.u32 s11, s6;
	s0 =	sshra.s32 s0, $0x2  }
0x110: {  	[tilespmem:s30+$0x0] =	vst.add.f32.msk $0xffff, v1;
	s6 =	sor.u32 s23, s0  }
0x111: {  	s7 =	sor.u32 s8, s5;
	v1 =	vld [tilespmem:s6+$0x0]  }
0x112: {  	s2 =	sor.u32 s20, s2;
	s4 =	sadd.s32 $0x2, s15;
	[tilespmem:s7+$0x0] =	vst.add.f32.msk $0xffff, v4  }
0x113: {  	p1 =	sgt.s32 s4, $0xC7;
	v4 =	vld [tilespmem:s2+$0x0];
	s2 =	sadd.s32 $0x7FFF3A, s15  }
0x114: {  	s10 =	spop (v2sf);
	s6 =	sadd.s32 $0x10480, s9;
	s4 =	smov.u32 @p1 s2  }
0x115: {  	(v2sf) =	vpush v0, $0x8;
	s16 =	sor.u32 s23, s6;
	s2 =	sadd.s32 s4, s10  }
0x116: {  	s17 =	sor.u32 s14, s0;
	s2 =	sshll.u32 s2, $0x9;
	[tilespmem:s16+$0x0] =	vst.add.f32.msk $0xffff, v1  }
0x117: {  	s18 =	sor.u32 s20, s5;
	s2 =	sshra.s32 s2, $0x2;
	v1 =	vld [tilespmem:s17+$0x0]  }
0x118: {  	[tilespmem:s18+$0x0] =	vst.add.f32.msk $0xffff, v4;
	s19 =	sor.u32 s21, s2  }
0x119: {  	v4 =	vld [tilespmem:s19+$0x0];
	_ =	sdelay $0x1  }
0x11a: {  	s24 =	sor.u32 s14, s6  }
0x11b: {  	s5 =	sadd.s32 $0x10200, s22;
	s26 =	sor.u32 s13, s0;
	[tilespmem:s24+$0x0] =	vst.add.f32.msk $0xffff, v1  }
0x11c: {  	(v2sf) =	vpush v2, $0x3;
	s29 =	sor.u32 s21, s5;
	v1 =	vld [tilespmem:s26+$0x0]  }
0x11d: {  	s30 =	sor.u32 s3, s2;
	[tilespmem:s29+$0x0] =	vst.add.f32.msk $0xffff, v4  }
0x11e: {  	v4 =	vld [tilespmem:s30+$0x0];
	_ =	sdelay $0x1  }
0x11f: {  	s7 =	sor.u32 s13, s6  }
0x120: {  	s0 =	sor.u32 s11, s0;
	s4 =	sadd.s32 $0x8, s25;
	[tilespmem:s7+$0x0] =	vst.add.f32.msk $0xffff, v1  }
0x121: {  	s9 =	sor.u32 s3, s5;
	p1 =	sgt.s32 s4, $0xC7;
	v1 =	vld [tilespmem:s0+$0x0];
	s0 =	sadd.s32 $0x7FFF40, s25  }
0x122: {  	s10 =	spop (v2sf);
	s16 =	sor.u32 s8, s2;
	[tilespmem:s9+$0x0] =	vst.add.f32.msk $0xffff, v4;
	s4 =	smov.u32 @p1 s0  }
0x123: {  	v4 =	vld [tilespmem:s16+$0x0];
	s0 =	sadd.s32 s4, s10  }
0x124: {  	s9 =	simm.s32 $0x0;
	s0 =	sshll.u32 s0, $0x9  }
0x125: {  	s17 =	sor.u32 s11, s6;
	s18 =	sor.u32 $0x8, s9;
	s0 =	sshra.s32 s0, $0x2  }
0x126: {  	s6 =	sadd.s32 s31, s18;
	[tilespmem:s17+$0x0] =	vst.add.f32.msk $0xffff, v1;
	s19 =	sor.u32 s23, s0  }
0x127: {  	s26 =	sor.u32 s8, s5;
	s24 =	sshll.u32 s6, $0x7;
	v1 =	vld [tilespmem:s19+$0x0]  }
0x128: {  	s2 =	sor.u32 s20, s2;
	s6 =	sadd.s32 $0x3, s15;
	s4 =	sand.u32 $0x3FFFFF80, s24;
	[tilespmem:s26+$0x0] =	vst.add.f32.msk $0xffff, v4  }
0x129: {  	p1 =	sgt.s32 s6, $0xC7;
	v4 =	vld [tilespmem:s2+$0x0];
	s2 =	sadd.s32 $0x7FFF3B, s15  }
0x12a: {  	s29 =	spop (v2sf);
	s4 =	sadd.s32 $0x10100, s4;
	s6 =	smov.u32 @p1 s2  }
0x12b: {  	(v2sf) =	vpush v0, $0x9;
	s30 =	sor.u32 s23, s4;
	s2 =	sadd.s32 s6, s29  }
0x12c: {  	s7 =	sor.u32 s14, s0;
	s2 =	sshll.u32 s2, $0x9;
	[tilespmem:s30+$0x0] =	vst.add.f32.msk $0xffff, v1  }
0x12d: {  	s5 =	sor.u32 s20, s5;
	s2 =	sshra.s32 s2, $0x2;
	v1 =	vld [tilespmem:s7+$0x0]  }
0x12e: {  	[tilespmem:s5+$0x0] =	vst.add.f32.msk $0xffff, v4;
	s10 =	sor.u32 s21, s2  }
0x12f: {  	v4 =	vld [tilespmem:s10+$0x0];
	_ =	sdelay $0x1  }
0x130: {  	s16 =	sor.u32 s14, s4  }
0x131: {  	s17 =	sor.u32 s13, s0;
	s6 =	sadd.s32 $0x10280, s22;
	[tilespmem:s16+$0x0] =	vst.add.f32.msk $0xffff, v1  }
0x132: {  	(v2sf) =	vpush v2, $0x4;
	s18 =	sor.u32 s21, s6;
	v1 =	vld [tilespmem:s17+$0x0]  }
0x133: {  	s19 =	sor.u32 s3, s2;
	[tilespmem:s18+$0x0] =	vst.add.f32.msk $0xffff, v4  }
0x134: {  	v4 =	vld [tilespmem:s19+$0x0];
	_ =	sdelay $0x1  }
0x135: {  	s24 =	sor.u32 s13, s4  }
0x136: {  	s0 =	sor.u32 s11, s0;
	s5 =	sadd.s32 $0x9, s25;
	[tilespmem:s24+$0x0] =	vst.add.f32.msk $0xffff, v1  }
0x137: {  	s26 =	sor.u32 s3, s6;
	p1 =	sgt.s32 s5, $0xC7;
	v1 =	vld [tilespmem:s0+$0x0];
	s0 =	sadd.s32 $0x7FFF41, s25  }
0x138: {  	s29 =	spop (v2sf);
	s30 =	sor.u32 s8, s2;
	[tilespmem:s26+$0x0] =	vst.add.f32.msk $0xffff, v4;
	s5 =	smov.u32 @p1 s0  }
0x139: {  	v4 =	vld [tilespmem:s30+$0x0];
	s0 =	sadd.s32 s5, s29  }
0x13a: {  	s0 =	sshll.u32 s0, $0x9  }
0x13b: {  	s4 =	sor.u32 s11, s4;
	s7 =	sor.u32 $0x9, s9;
	s28 =	sshra.s32 s0, $0x2  }
0x13c: {  	s0 =	sadd.s32 s31, s7;
	[tilespmem:s4+$0x0] =	vst.add.f32.msk $0xffff, v1;
	s9 =	sor.u32 s23, s28  }
0x13d: {  	s10 =	sor.u32 s8, s6;
	s0 =	sshll.u32 s0, $0x7;
	v1 =	vld [tilespmem:s9+$0x0]  }
0x13e: {  	s2 =	sor.u32 s20, s2;
	s4 =	sadd.s32 $0x4, s15;
	s0 =	sand.u32 $0x3FFFFF80, s0;
	[tilespmem:s10+$0x0] =	vst.add.f32.msk $0xffff, v4  }
0x13f: {  	p1 =	sgt.s32 s4, $0xC7;
	v4 =	vld [tilespmem:s2+$0x0];
	s2 =	sadd.s32 $0x7FFF3C, s15  }
0x140: {  	s16 =	spop (v2sf);
	s17 =	sadd.s32 $0x10100, s0;
	s4 =	smov.u32 @p1 s2  }
0x141: {  	s18 =	sor.u32 s23, s17;
	s0 =	sadd.s32 s4, s16  }
0x142: {  	s19 =	sor.u32 s14, s28;
	s0 =	sshll.u32 s0, $0x9;
	[tilespmem:s18+$0x0] =	vst.add.f32.msk $0xffff, v1  }
0x143: {  	s24 =	sor.u32 s20, s6;
	s18 =	sshra.s32 s0, $0x2;
	v1 =	vld [tilespmem:s19+$0x0]  }
0x144: {  	[tilespmem:s24+$0x0] =	vst.add.f32.msk $0xffff, v4;
	s0 =	sor.u32 s21, s18  }
0x145: {  	v4 =	vld [tilespmem:s0+$0x0]  }
0x146: {  	s4 =	simm.s32 $0x10  }
0x147: {  	s6 =	sand.u32 $0x70, s4  }
0x148: {  	s26 =	sor.u32 s14, s17;
	v5 =	vld.idx.msk [tilespmem:v3+s6+$0x0 ss:$0x1], $0xffff;
	s24 =	sadd.s32 $0x10300, s22  }
0x149: {  	s30 =	sor.u32 s21, s24;
	[tilespmem:s26+$0x0] =	vst.add.f32.msk $0xffff, v1  }
0x14a: {  	s29 =	sor.u32 s13, s28;
	[tilespmem:s30+$0x0] =	vst.add.f32.msk $0xffff, v4  }
0x14b: {  	v1 =	vld [tilespmem:s29+$0x0];
	[dreg:$0x12] =	wrdreg s25  }
0x14c: {  	p3 =	por $0x1, $0x1;
	[dreg:$0x14] =	wrdreg s11  }
.Ltmp5:
0x14d: {  	[dreg:$0x15] =	wrdreg s13;
	(pc) =	sbr.rel @!p3 .LBB2_9-.Ltmp5, $4  }
0x14e: {  	[dreg:$0x16] =	wrdreg s14  }
0x14f: {  	[dreg:$0x17] =	wrdreg s23  }
0x150: {  	(v2sf) =	vpush v0, $0xA;
	[dreg:$0x18] =	wrdreg s17  }
0x151: {  	(v2sf) =	vpush v2, $0x5;
	p1 =	por $0x1, $0x1;
	s26 =	sor.u32 s3, s18;
	[dreg:$0x19] =	wrdreg s28  }
0x152: {  	_ =	sdelay $0x8  }
0x153: {  	v4 =	vld [tilespmem:s26+$0x0]  }
0x154: {  	s0 =	sor.u32 s13, s17  }
0x155: {  	s9 =	sor.u32 s11, s28;
	s2 =	sadd.s32 $0xA, s25;
	[tilespmem:s0+$0x0] =	vst.add.f32.msk $0xffff, v1  }
0x156: {  	p2 =	sgt.s32 s2, $0xC7;
	s0 =	sadd.s32 $0x7FFF42, s25;
	v6 =	vld [tilespmem:s9+$0x0]  }
0x157: {  	s5 =	sor.u32 s3, s24;
	s2 =	smov.u32 @p2 s0;
	s10 =	spop (v2sf)  }
0x158: {  	[tilespmem:s5+$0x0] =	vst.add.f32.msk $0xffff, v4;
	v4 =	vmul.u32 $0xC8, v5;
	s0 =	sadd.s32 s2, s10  }
0x159: {  	s16 =	sor.u32 s8, s18;
	s0 =	sshll.u32 s0, $0x9  }
0x15a: {  	s17 =	sor.u32 s11, s17;
	s19 =	simm.s32 $0x0;
	v5 =	vld [tilespmem:s16+$0x0];
	(v2sf) =	vpush v4, $0x0;
	s5 =	sshra.s32 s0, $0x2  }
0x15b: {  	[tilespmem:s17+$0x0] =	vst.add.f32.msk $0xffff, v6;
	s0 =	sor.u32 $0xA, s19;
	s26 =	sor.u32 s23, s5  }
0x15c: {  	s0 =	sadd.s32 s31, s0;
	v6 =	vld [tilespmem:s26+$0x0]  }
0x15d: {  	s0 =	sshll.u32 s0, $0x7  }
0x15e: {  	s7 =	sor.u32 s8, s24;
	s0 =	sand.u32 $0x3FFFFF80, s0  }
0x15f: {  	s9 =	sor.u32 s20, s18;
	[tilespmem:s7+$0x0] =	vst.add.f32.msk $0xffff, v5;
	s7 =	sadd.s32 $0x5, s15;
	s10 =	sadd.s32 $0x10100, s0  }
0x160: {  	v5 =	vld [tilespmem:s9+$0x0];
	p2 =	sgt.s32 s7, $0xC7;
	(v2sf) =	vpush v0, $0xB;
	s0 =	sadd.s32 $0x7FFF3D, s15;
	s16 =	sor.u32 s23, s10  }
0x161: {  	s18 =	spop (v2sf);
	s19 =	sor.u32 s14, s5;
	s7 =	smov.u32 @p2 s0;
	[tilespmem:s16+$0x0] =	vst.add.f32.msk $0xffff, v6  }
0x162: {  	s0 =	sadd.s32 s7, s18;
	v6 =	vld [tilespmem:s19+$0x0]  }
0x163: {  	s0 =	sshll.u32 s0, $0x9  }
0x164: {  	s24 =	sor.u32 s20, s24;
	s7 =	sshra.s32 s0, $0x2  }
0x165: {  	s30 =	sadd.s32 s12, s6;
	[tilespmem:s24+$0x0] =	vst.add.f32.msk $0xffff, v5;
	s0 =	sor.u32 s21, s7  }
0x166: {  	s9 =	simm.s32 $0xC0;
	s2 =	sor.u32 s13, s5;
	s26 =	sor.u32 s14, s10;
	v5 =	vld [tilespmem:s0+$0x0]  }
0x167: {  	s24 =	smov.u32 s13;
	s13 =	sand.u32 $0x40, s1;
	s1 =	sadd.s32 $0x10380, s22;
	[tilespmem:s26+$0x0] =	vst.add.f32.msk $0xffff, v6  }
0x168: {  	p2 =	sgt.s32 s30, $0xC7;
	s16 =	sor.u32 s21, s1;
	s19 =	sor.u32 s3, s7;
	v6 =	vld [tilespmem:s2+$0x0]  }
0x169: {  	s0 =	sadd.s32 $0x7FFF38, s30;
	s18 =	spop (v2sf);
	s26 =	smov.u32 s23  }
0x16a: {  	(v2sf) =	vpush v2, $0x6;
	s23 =	simm.s32 $0x18;
	[dreg:$0x9] =	wrdreg s9;
	s9 =	smov.u32 s30  }
0x16b: {  	s2 =	sadd.s32 $0x7FFF43, s25;
	s9 =	smov.u32 @p2 s0;
	s0 =	smov.u32 s11;
	[tilespmem:s16+$0x0] =	vst.add.f32.msk $0xffff, v5  }
0x16c: {  	s16 =	sand.u32 $0x70, s23;
	s11 =	sor.u32 s24, s10;
	s9 =	sadd.s32 s9, s18;
	v7 =	vld [tilespmem:s19+$0x0]  }
0x16d: {  	s18 =	sor.u32 s0, s5;
	s9 =	sshll.u32 s9, $0x9;
	[tilespmem:s11+$0x0] =	vst.add.f32.msk $0xffff, v6;
	s11 =	sadd.s32 $0xB, s25  }
0x16e: {  	s5 =	sshra.s32 s9, $0x2;
	v6 =	vld [tilespmem:s18+$0x0];
	p2 =	sgt.s32 s11, $0xC7;
	[dreg:$0x8] =	wrdreg s16  }
0x16f: {  	s19 =	spop (v2sf);
	s9 =	sor.u32 s13, s5;
	v5 =	vld.idx.msk [tilespmem:v3+s16+$0x0 ss:$0x1], $0xffff;
	s11 =	smov.u32 @p2 s2  }
0x170: {  	s17 =	simm.s32 $0x0;
	v8 =	vld [tilespmem:s9+$0x0];
	s16 =	sor.u32 s3, s1;
	s2 =	sadd.s32 s11, s19  }
0x171: {  	s18 =	sor.u32 s31, s6;
	[tilespmem:s16+$0x0] =	vst.add.f32.msk $0xffff, v7;
	s19 =	sor.u32 s8, s7;
	s2 =	sshll.u32 s2, $0x9  }
0x172: {  	s10 =	sor.u32 s0, s10;
	s9 =	sshll.u32 s18, $0x7;
	v7 =	vld [tilespmem:s19+$0x0];
	s6 =	sshra.s32 s2, $0x2  }
0x173: {  	s11 =	sor.u32 $0xB, s17;
	s2 =	sadd.s32 $0x10100, s9;
	[tilespmem:s10+$0x0] =	vst.add.f32.msk $0xffff, v6;
	s16 =	sor.u32 s26, s6  }
0x174: {  	(v2sf) =	vpush v4, $0x1;
	s19 =	sor.u32 $0x10, s13;
	s17 =	sor.u32 s13, s2;
	s10 =	sadd.s32 s31, s11;
	v6 =	vld [tilespmem:s16+$0x0]  }
0x175: {  	s18 =	smov.u32 s14;
	s14 =	sor.u32 s19, s5;
	[tilespmem:s17+$0x0] =	vst.add.f32.msk $0xffff, v8;
	s10 =	sshll.u32 s10, $0x7  }
0x176: {  	s16 =	sor.u32 s8, s1;
	v8 =	vld [tilespmem:s14+$0x0];
	s10 =	sand.u32 $0x3FFFFF80, s10  }
0x177: {  	s17 =	sor.u32 s20, s7;
	[tilespmem:s16+$0x0] =	vst.add.f32.msk $0xffff, v7;
	s16 =	sadd.s32 $0x6, s15;
	s7 =	sadd.s32 $0x10100, s10  }
0x178: {  	(v2sf) =	vpush v0, $0xC;
	s10 =	sadd.s32 $0x7FFF3E, s15;
	v7 =	vld [tilespmem:s17+$0x0];
	p2 =	sgt.s32 s16, $0xC7;
	s14 =	sor.u32 s26, s7  }
0x179: {  	s11 =	sor.u32 s18, s6;
	s16 =	smov.u32 @p2 s10;
	s10 =	spop (v2sf);
	[tilespmem:s14+$0x0] =	vst.add.f32.msk $0xffff, v6  }
0x17a: {  	s17 =	sor.u32 s19, s2;
	s14 =	sor.u32 $0x20, s13;
	s10 =	sadd.s32 s16, s10;
	v6 =	vld [tilespmem:s11+$0x0]  }
0x17b: {  	[tilespmem:s17+$0x0] =	vst.add.f32.msk $0xffff, v8;
	s16 =	sor.u32 s14, s5;
	s10 =	sshll.u32 s10, $0x9  }
0x17c: {  	s1 =	sor.u32 s20, s1;
	v8 =	vld [tilespmem:s16+$0x0];
	s10 =	sshra.s32 s10, $0x2  }
0x17d: {  	[tilespmem:s1+$0x0] =	vst.add.f32.msk $0xffff, v7;
	s17 =	sor.u32 s21, s10  }
0x17e: {  	s11 =	sor.u32 s18, s7;
	v7 =	vld [tilespmem:s17+$0x0]  }
0x17f: {  	s16 =	sor.u32 s24, s6;
	[tilespmem:s11+$0x0] =	vst.add.f32.msk $0xffff, v6  }
0x180: {  	s28 =	smov.u32 s18;
	s17 =	sor.u32 s14, s2;
	s11 =	sor.u32 $0x30, s13;
	v6 =	vld [tilespmem:s16+$0x0]  }
0x181: {  	s1 =	sadd.s32 $0x10400, s22;
	[tilespmem:s17+$0x0] =	vst.add.f32.msk $0xffff, v8;
	s5 =	sor.u32 s11, s5;
	s16 =	sadd.s32 $0x1, s30  }
0x182: {  	(v2sf) =	vpush v2, $0x7;
	s18 =	sor.u32 s21, s1;
	v8 =	vld [tilespmem:s5+$0x0];
	p2 =	sgt.s32 s16, $0xC7;
	s5 =	sadd.s32 $0x7FFF39, s30  }
0x183: {  	s16 =	smov.u32 @p2 s5;
	s5 =	spop (v2sf);
	[tilespmem:s18+$0x0] =	vst.add.f32.msk $0xffff, v7;
	s18 =	sor.u32 s3, s10  }
0x184: {  	s6 =	sor.u32 s0, s6;
	s5 =	sadd.s32 s16, s5;
	v7 =	vld [tilespmem:s18+$0x0];
	s18 =	sor.u32 s24, s7  }
0x185: {  	s17 =	sadd.s32 $0x7FFF44, s25;
	s16 =	sadd.s32 $0xC, s25;
	s5 =	sshll.u32 s5, $0x9;
	[tilespmem:s18+$0x0] =	vst.add.f32.msk $0xffff, v6  }
0x186: {  	s2 =	sor.u32 s11, s2;
	p2 =	sgt.s32 s16, $0xC7;
	s18 =	sshra.s32 s5, $0x2;
	v6 =	vld [tilespmem:s6+$0x0]  }
0x187: {  	s16 =	smov.u32 @p2 s17;
	s17 =	spop (v2sf);
	[tilespmem:s2+$0x0] =	vst.add.f32.msk $0xffff, v8;
	s6 =	sor.u32 s13, s18  }
0x188: {  	s5 =	sadd.s32 s16, s17;
	v8 =	vld [tilespmem:s6+$0x0];
	s6 =	sor.u32 s3, s1  }
0x189: {  	s16 =	sor.u32 s8, s10;
	s5 =	sshll.u32 s5, $0x9;
	[tilespmem:s6+$0x0] =	vst.add.f32.msk $0xffff, v7  }
0x18a: {  	s29 =	simm.s32 $0x0;
	s17 =	sor.u32 s0, s7;
	s5 =	sshra.s32 s5, $0x2;
	v7 =	vld [tilespmem:s16+$0x0]  }
0x18b: {  	s2 =	sadd.s32 $0x10180, s9;
	s7 =	sor.u32 $0xC, s29;
	s16 =	sor.u32 s26, s5;
	[tilespmem:s17+$0x0] =	vst.add.f32.msk $0xffff, v6  }
0x18c: {  	(v2sf) =	vpush v4, $0x2;
	s6 =	sadd.s32 s31, s7;
	s17 =	sor.u32 s13, s2;
	v6 =	vld [tilespmem:s16+$0x0]  }
0x18d: {  	s6 =	sshll.u32 s6, $0x7;
	[tilespmem:s17+$0x0] =	vst.add.f32.msk $0xffff, v8;
	s16 =	sor.u32 s19, s18  }
0x18e: {  	s6 =	sand.u32 $0x3FFFFF80, s6;
	s17 =	sor.u32 s8, s1;
	v8 =	vld [tilespmem:s16+$0x0]  }
0x18f: {  	s6 =	sadd.s32 $0x10100, s6;
	s16 =	sor.u32 s20, s10;
	s10 =	sadd.s32 $0x7, s15;
	[tilespmem:s17+$0x0] =	vst.add.f32.msk $0xffff, v7  }
0x190: {  	(v2sf) =	vpush v0, $0xD;
	s7 =	sadd.s32 $0x7FFF3F, s15;
	p2 =	sgt.s32 s10, $0xC7;
	s17 =	sor.u32 s26, s6;
	v7 =	vld [tilespmem:s16+$0x0]  }
0x191: {  	s10 =	smov.u32 @p2 s7;
	s7 =	spop (v2sf);
	s16 =	sor.u32 s28, s5;
	[tilespmem:s17+$0x0] =	vst.add.f32.msk $0xffff, v6  }
0x192: {  	s7 =	sadd.s32 s10, s7;
	s17 =	sor.u32 s19, s2;
	v6 =	vld [tilespmem:s16+$0x0]  }
0x193: {  	s7 =	sshll.u32 s7, $0x9;
	[tilespmem:s17+$0x0] =	vst.add.f32.msk $0xffff, v8;
	s17 =	sor.u32 s14, s18  }
0x194: {  	s1 =	sor.u32 s20, s1;
	s7 =	sshra.s32 s7, $0x2;
	v8 =	vld [tilespmem:s17+$0x0]  }
0x195: {  	s16 =	sor.u32 s21, s7;
	[tilespmem:s1+$0x0] =	vst.add.f32.msk $0xffff, v7  }
0x196: {  	s17 =	sor.u32 s28, s6;
	v7 =	vld [tilespmem:s16+$0x0]  }
0x197: {  	s10 =	sor.u32 s24, s5;
	[tilespmem:s17+$0x0] =	vst.add.f32.msk $0xffff, v6  }
0x198: {  	s16 =	sor.u32 s14, s2;
	v6 =	vld [tilespmem:s10+$0x0]  }
0x199: {  	s1 =	sadd.s32 $0x10480, s22;
	s17 =	sor.u32 s11, s18;
	[tilespmem:s16+$0x0] =	vst.add.f32.msk $0xffff, v8;
	s16 =	sadd.s32 $0x2, s30  }
0x19a: {  	(v2sf) =	vpush v2, $0x8;
	s18 =	sor.u32 s21, s1;
	s10 =	sadd.s32 $0x7FFF3A, s30;
	v8 =	vld [tilespmem:s17+$0x0];
	p2 =	sgt.s32 s16, $0xC7  }
0x19b: {  	s22 =	spop (v2sf);
	s16 =	smov.u32 @p2 s10;
	[tilespmem:s18+$0x0] =	vst.add.f32.msk $0xffff, v7;
	s18 =	sor.u32 s3, s7  }
0x19c: {  	s5 =	sor.u32 s0, s5;
	s10 =	sadd.s32 s16, s22;
	v7 =	vld [tilespmem:s18+$0x0];
	s22 =	sor.u32 s24, s6  }
0x19d: {  	s2 =	sor.u32 s11, s2;
	s16 =	sadd.s32 $0xD, s25;
	s10 =	sshll.u32 s10, $0x9;
	[tilespmem:s22+$0x0] =	vst.add.f32.msk $0xffff, v6  }
0x19e: {  	s17 =	sadd.s32 $0x7FFF45, s25;
	p2 =	sgt.s32 s16, $0xC7;
	s10 =	sshra.s32 s10, $0x2;
	v6 =	vld [tilespmem:s5+$0x0]  }
0x19f: {  	s18 =	spop (v2sf);
	s16 =	smov.u32 @p2 s17;
	[tilespmem:s2+$0x0] =	vst.add.f32.msk $0xffff, v8;
	s5 =	sor.u32 s13, s10  }
0x1a0: {  	s22 =	sor.u32 s3, s1;
	v8 =	vld [tilespmem:s5+$0x0];
	s5 =	sadd.s32 s16, s18  }
0x1a1: {  	s16 =	sor.u32 s8, s7;
	[tilespmem:s22+$0x0] =	vst.add.f32.msk $0xffff, v7;
	s5 =	sshll.u32 s5, $0x9  }
0x1a2: {  	s29 =	simm.s32 $0x0;
	s6 =	sor.u32 s0, s6;
	v7 =	vld [tilespmem:s16+$0x0];
	s5 =	sshra.s32 s5, $0x2  }
0x1a3: {  	s17 =	sor.u32 $0xD, s29;
	s2 =	sadd.s32 $0x10200, s9;
	s18 =	sor.u32 s26, s5;
	[tilespmem:s6+$0x0] =	vst.add.f32.msk $0xffff, v6  }
0x1a4: {  	(v2sf) =	vpush v4, $0x3;
	s22 =	sor.u32 s13, s2;
	s6 =	sadd.s32 s31, s17;
	v6 =	vld [tilespmem:s18+$0x0]  }
0x1a5: {  	s17 =	sor.u32 s19, s10;
	[tilespmem:s22+$0x0] =	vst.add.f32.msk $0xffff, v8;
	s6 =	sshll.u32 s6, $0x7  }
0x1a6: {  	s18 =	sor.u32 s8, s1;
	v8 =	vld [tilespmem:s17+$0x0];
	s6 =	sand.u32 $0x3FFFFF80, s6  }
0x1a7: {  	s7 =	sor.u32 s20, s7;
	s16 =	sadd.s32 $0x8, s15;
	[tilespmem:s18+$0x0] =	vst.add.f32.msk $0xffff, v7;
	s6 =	sadd.s32 $0x10100, s6  }
0x1a8: {  	(v2sf) =	vpush v0, $0xE;
	p2 =	sgt.s32 s16, $0xC7;
	v7 =	vld [tilespmem:s7+$0x0];
	s7 =	sadd.s32 $0x7FFF40, s15;
	s22 =	sor.u32 s26, s6  }
0x1a9: {  	s18 =	sor.u32 s28, s5;
	s16 =	smov.u32 @p2 s7;
	s7 =	spop (v2sf);
	[tilespmem:s22+$0x0] =	vst.add.f32.msk $0xffff, v6  }
0x1aa: {  	s22 =	sor.u32 s19, s2;
	s7 =	sadd.s32 s16, s7;
	v6 =	vld [tilespmem:s18+$0x0]  }
0x1ab: {  	s17 =	sor.u32 s14, s10;
	[tilespmem:s22+$0x0] =	vst.add.f32.msk $0xffff, v8;
	s7 =	sshll.u32 s7, $0x9  }
0x1ac: {  	s29 =	simm.s32 $0x8;
	s1 =	sor.u32 s20, s1;
	v8 =	vld [tilespmem:s17+$0x0];
	s7 =	sshra.s32 s7, $0x2  }
0x1ad: {  	s18 =	sor.u32 $0x8, s29;
	[tilespmem:s1+$0x0] =	vst.add.f32.msk $0xffff, v7;
	s22 =	sor.u32 s21, s7  }
0x1ae: {  	s17 =	sor.u32 s28, s6;
	s1 =	sadd.s32 s31, s18;
	v7 =	vld [tilespmem:s22+$0x0]  }
0x1af: {  	s18 =	sor.u32 s24, s5;
	s1 =	sshll.u32 s1, $0x7;
	[tilespmem:s17+$0x0] =	vst.add.f32.msk $0xffff, v6  }
0x1b0: {  	s22 =	sor.u32 s14, s2;
	s1 =	sand.u32 $0x3FFFFF80, s1;
	v6 =	vld [tilespmem:s18+$0x0]  }
0x1b1: {  	s10 =	sor.u32 s11, s10;
	s16 =	sadd.s32 $0x3, s30;
	s1 =	sadd.s32 $0x10100, s1;
	[tilespmem:s22+$0x0] =	vst.add.f32.msk $0xffff, v8  }
0x1b2: {  	(v2sf) =	vpush v2, $0x9;
	p2 =	sgt.s32 s16, $0xC7;
	s18 =	sor.u32 s21, s1;
	v8 =	vld [tilespmem:s10+$0x0];
	s10 =	sadd.s32 $0x7FFF3B, s30  }
0x1b3: {  	s22 =	spop (v2sf);
	s16 =	smov.u32 @p2 s10;
	[tilespmem:s18+$0x0] =	vst.add.f32.msk $0xffff, v7;
	s18 =	sor.u32 s3, s7  }
0x1b4: {  	s5 =	sor.u32 s0, s5;
	s10 =	sadd.s32 s16, s22;
	v7 =	vld [tilespmem:s18+$0x0];
	s22 =	sor.u32 s24, s6  }
0x1b5: {  	s2 =	sor.u32 s11, s2;
	s16 =	sadd.s32 $0xE, s25;
	s10 =	sshll.u32 s10, $0x9;
	[tilespmem:s22+$0x0] =	vst.add.f32.msk $0xffff, v6  }
0x1b6: {  	s17 =	sadd.s32 $0x7FFF46, s25;
	p2 =	sgt.s32 s16, $0xC7;
	s10 =	sshra.s32 s10, $0x2;
	v6 =	vld [tilespmem:s5+$0x0]  }
0x1b7: {  	s18 =	spop (v2sf);
	s16 =	smov.u32 @p2 s17;
	[tilespmem:s2+$0x0] =	vst.add.f32.msk $0xffff, v8;
	s5 =	sor.u32 s13, s10  }
0x1b8: {  	s17 =	sor.u32 s3, s1;
	v8 =	vld [tilespmem:s5+$0x0];
	s5 =	sadd.s32 s16, s18  }
0x1b9: {  	s18 =	sor.u32 s8, s7;
	[tilespmem:s17+$0x0] =	vst.add.f32.msk $0xffff, v7;
	s5 =	sshll.u32 s5, $0x9  }
0x1ba: {  	s6 =	sor.u32 s0, s6;
	s16 =	simm.s32 $0x0;
	v7 =	vld [tilespmem:s18+$0x0];
	s5 =	sshra.s32 s5, $0x2  }
0x1bb: {  	s2 =	sadd.s32 $0x10280, s9;
	s17 =	sor.u32 $0xE, s16;
	s18 =	sor.u32 s26, s5;
	[tilespmem:s6+$0x0] =	vst.add.f32.msk $0xffff, v6  }
0x1bc: {  	(v2sf) =	vpush v4, $0x4;
	s22 =	smov.u32 s0;
	s0 =	sor.u32 s13, s2;
	s6 =	sadd.s32 s31, s17;
	v6 =	vld [tilespmem:s18+$0x0]  }
0x1bd: {  	s17 =	sor.u32 s19, s10;
	[tilespmem:s0+$0x0] =	vst.add.f32.msk $0xffff, v8;
	s6 =	sshll.u32 s6, $0x7  }
0x1be: {  	s18 =	sor.u32 s8, s1;
	v8 =	vld [tilespmem:s17+$0x0];
	s6 =	sand.u32 $0x3FFFFF80, s6  }
0x1bf: {  	s7 =	sor.u32 s20, s7;
	s16 =	sadd.s32 $0x9, s15;
	[tilespmem:s18+$0x0] =	vst.add.f32.msk $0xffff, v7;
	s6 =	sadd.s32 $0x10100, s6  }
0x1c0: {  	p2 =	sgt.s32 s16, $0xC7;
	v7 =	vld [tilespmem:s7+$0x0];
	s7 =	sadd.s32 $0x7FFF41, s15;
	s0 =	sor.u32 s26, s6  }
0x1c1: {  	(v2sf) =	vpush v0, $0xF;
	s17 =	sor.u32 s28, s5;
	s16 =	smov.u32 @p2 s7;
	s7 =	spop (v2sf);
	[tilespmem:s0+$0x0] =	vst.add.f32.msk $0xffff, v6  }
0x1c2: {  	s18 =	sor.u32 s19, s2;
	s7 =	sadd.s32 s16, s7;
	v6 =	vld [tilespmem:s17+$0x0]  }
0x1c3: {  	[tilespmem:s18+$0x0] =	vst.add.f32.msk $0xffff, v8;
	s17 =	sor.u32 s14, s10;
	s7 =	sshll.u32 s7, $0x9  }
0x1c4: {  	s1 =	sor.u32 s20, s1;
	s0 =	smov.u32 s28;
	v8 =	vld [tilespmem:s17+$0x0];
	s28 =	sshra.s32 s7, $0x2  }
0x1c5: {  	s18 =	sor.u32 $0x9, s29;
	[tilespmem:s1+$0x0] =	vst.add.f32.msk $0xffff, v7;
	s7 =	sor.u32 s21, s28  }
0x1c6: {  	s0 =	sor.u32 s0, s6;
	s1 =	sadd.s32 s31, s18;
	v7 =	vld [tilespmem:s7+$0x0]  }
0x1c7: {  	s16 =	sor.u32 s24, s5;
	s1 =	sshll.u32 s1, $0x7;
	[tilespmem:s0+$0x0] =	vst.add.f32.msk $0xffff, v6  }
0x1c8: {  	s17 =	sor.u32 s14, s2;
	s1 =	sand.u32 $0x3FFFFF80, s1;
	v6 =	vld [tilespmem:s16+$0x0]  }
0x1c9: {  	s18 =	sor.u32 s11, s10;
	s10 =	sadd.s32 $0x4, s30;
	[tilespmem:s17+$0x0] =	vst.add.f32.msk $0xffff, v8;
	s17 =	sadd.s32 $0x10100, s1  }
0x1ca: {  	p2 =	sgt.s32 s10, $0xC7;
	s1 =	sadd.s32 $0x7FFF3C, s30;
	v8 =	vld [tilespmem:s18+$0x0];
	s0 =	sor.u32 s21, s17  }
0x1cb: {  	s16 =	spop (v2sf);
	s10 =	smov.u32 @p2 s1;
	s18 =	sor.u32 s3, s28;
	[tilespmem:s0+$0x0] =	vst.add.f32.msk $0xffff, v7  }
0x1cc: {  	p3 =	por $0x1, $0x1;
	s24 =	sor.u32 s24, s6;
	s1 =	sadd.s32 s10, s16;
	v7 =	vld [tilespmem:s18+$0x0]  }
0x1cd: {  	s5 =	sor.u32 s22, s5;
	s29 =	simm.s32 $0x8;
	s1 =	sshll.u32 s1, $0x9;
	[tilespmem:s24+$0x0] =	vst.add.f32.msk $0xffff, v6  }
0x1ce: {  	s2 =	sor.u32 s11, s2;
	s7 =	sadd.s32 $0xF, s25;
	s18 =	sshra.s32 s1, $0x2;
	v6 =	vld [tilespmem:s5+$0x0]  }
0x1cf: {  	p2 =	sgt.s32 s7, $0xC7;
	s10 =	sadd.s32 $0x7FFF47, s25;
	s1 =	sor.u32 s13, s18;
	[tilespmem:s2+$0x0] =	vst.add.f32.msk $0xffff, v8  }
0x1d0: {  	s0 =	spop (v2sf);
	s16 =	sor.u32 s22, s6;
	s7 =	smov.u32 @p2 s10;
	v8 =	vld [tilespmem:s1+$0x0]  }
0x1d1: {  	s25 =	simm.s32 $0x0;
	s5 =	sor.u32 s3, s17;
	s2 =	sadd.s32 s7, s0  }
0x1d2: {  	s10 =	sor.u32 s8, s28;
	s24 =	sadd.s32 $0x10300, s9;
	s2 =	sshll.u32 s2, $0x9;
	[tilespmem:s5+$0x0] =	vst.add.f32.msk $0xffff, v7  }
.Ltmp6:
0x1d3: {  	s1 =	sor.u32 $0xF, s25;
	s5 =	sshra.s32 s2, $0x2;
	v7 =	vld [tilespmem:s10+$0x0];
	(pc) =	sbr.rel @!p3 .LBB2_11-.Ltmp6, $4  }
0x1d4: {  	s10 =	smov.u32 s26;
	s2 =	sor.u32 s26, s5;
	s26 =	sor.u32 s13, s24;
	[tilespmem:s16+$0x0] =	vst.add.f32.msk $0xffff, v6  }
0x1d5: {  	p2 =	por $0x1, $0x1;
	s0 =	smov.u32 s22;
	s1 =	sadd.s32 s31, s1;
	[tilespmem:s26+$0x0] =	vst.add.f32.msk $0xffff, v8  }
0x1d6: {  	(v2sf) =	vpush v2, $0xA;
	s22 =	simm.s32 $0x100;
	s7 =	sshll.u32 s1, $0x7;
	s16 =	rddreg [dreg:$0x16]  }
0x1d7: {  	(v2sf) =	vpush v4, $0x5;
	s1 =	smov.u32 s0;
	v6 =	vld [tilespmem:s2+$0x0];
	s26 =	sor.u32 s19, s18;
	s2 =	rddreg [dreg:$0x15]  }
.LBB2_12:
0x1d8: {  	_ =	sdelay $0x9  }
0x1d9: {  	v8 =	vld [tilespmem:s26+$0x0];
	s6 =	sor.u32 s8, s17;
	s7 =	sand.u32 $0x3FFFFF80, s7  }
0x1da: {  	s25 =	sor.u32 s20, s28;
	s26 =	sadd.s32 $0xA, s15;
	[tilespmem:s6+$0x0] =	vst.add.f32.msk $0xffff, v7;
	s6 =	sadd.s32 $0x10100, s7  }
0x1db: {  	p4 =	sgt.s32 s26, $0xC7;
	s7 =	sadd.s32 $0x7FFF42, s15;
	v7 =	vld [tilespmem:s25+$0x0];
	s10 =	sor.u32 s10, s6  }
0x1dc: {  	s26 =	smov.u32 @p4 s7;
	s25 =	sor.u32 s16, s5;
	[tilespmem:s10+$0x0] =	vst.add.f32.msk $0xffff, v6;
	s7 =	spop (v2sf)  }
0x1dd: {  	s0 =	sor.u32 s19, s24;
	s10 =	smov.u32 s21;
	v9 =	vld [tilespmem:s25+$0x0];
	s26 =	sadd.s32 s26, s7  }
0x1de: {  	v6 =	vmul.u32 $0xC8, v5;
	[tilespmem:s0+$0x0] =	vst.add.f32.msk $0xffff, v8;
	s25 =	sor.u32 s14, s18;
	s0 =	smov.u32 s23;
	s26 =	sshll.u32 s26, $0x9  }
0x1df: {  	v5 =	vld [tilespmem:s25+$0x0];
	s7 =	smov.u32 s4;
	s4 =	sor.u32 s20, s17;
	s17 =	sshra.s32 s26, $0x2  }
0x1e0: {  	[dreg:$0x7] =	wrdreg s0;
	s0 =	sor.u32 $0xA, s29;
	(v2sf) =	vpush v6, $0x0;
	[tilespmem:s4+$0x0] =	vst.add.f32.msk $0xffff, v7;
	s4 =	sor.u32 s10, s17  }
0x1e1: {  	s25 =	sadd.s32 s31, s0;
	s0 =	sor.u32 s16, s6;
	v7 =	vld [tilespmem:s4+$0x0]  }
0x1e2: {  	s21 =	smov.u32 s13;
	s13 =	sshll.u32 s25, $0x7;
	[tilespmem:s0+$0x0] =	vst.add.f32.msk $0xffff, v9;
	s4 =	sor.u32 s2, s5  }
0x1e3: {  	s16 =	smov.u32 s3;
	s13 =	sand.u32 $0x3FFFFF80, s13;
	s26 =	sor.u32 s14, s24;
	v8 =	vld [tilespmem:s4+$0x0]  }
0x1e4: {  	s25 =	sadd.s32 $0x5, s30;
	s0 =	sor.u32 s11, s18;
	s18 =	sadd.s32 $0x10100, s13;
	[tilespmem:s26+$0x0] =	vst.add.f32.msk $0xffff, v5  }
0x1e5: {  	p4 =	sgt.s32 s25, $0xC7;
	(v2sf) =	vpush v2, $0xB;
	s13 =	sadd.s32 $0x7FFF3D, s30;
	s4 =	sor.u32 s10, s18;
	v5 =	vld [tilespmem:s0+$0x0]  }
0x1e6: {  	s25 =	smov.u32 @p4 s13;
	s26 =	spop (v2sf);
	s0 =	sor.u32 s16, s17;
	[tilespmem:s4+$0x0] =	vst.add.f32.msk $0xffff, v7  }
0x1e7: {  	s13 =	sadd.s32 s25, s26;
	s4 =	sor.u32 s2, s6;
	v7 =	vld [tilespmem:s0+$0x0]  }
0x1e8: {  	s25 =	sor.u32 s1, s5;
	s26 =	sor.u32 s11, s24;
	s13 =	sshll.u32 s13, $0x9;
	[tilespmem:s4+$0x0] =	vst.add.f32.msk $0xffff, v8  }
0x1e9: {  	s2 =	smov.u32 s8;
	s8 =	smov.u32 s14;
	s14 =	sshra.s32 s13, $0x2;
	v8 =	vld [tilespmem:s25+$0x0]  }
0x1ea: {  	s23 =	sadd.s32 $0x8, s23;
	s3 =	smov.u32 s19;
	s0 =	sor.u32 s21, s14;
	[tilespmem:s26+$0x0] =	vst.add.f32.msk $0xffff, v5  }
0x1eb: {  	s19 =	sor.u32 s1, s6;
	s1 =	smov.u32 s20;
	s4 =	sor.u32 s16, s18;
	v5 =	vld [tilespmem:s0+$0x0]  }
0x1ec: {  	s6 =	sadd.s32 $0x10380, s9;
	s13 =	sor.u32 s2, s17;
	s0 =	rddreg [dreg:$0x8];
	[tilespmem:s4+$0x0] =	vst.add.f32.msk $0xffff, v7  }
0x1ed: {  	s20 =	rddreg [dreg:$0x9];
	s25 =	sor.u32 s21, s6;
	s24 =	sadd.s32 s12, s0;
	v7 =	vld [tilespmem:s13+$0x0]  }
0x1ee: {  	s12 =	sor.u32 s3, s14;
	s0 =	sor.u32 s31, s0;
	p4 =	sgt.s32 s24, $0xC7  }
0x1ef: {  	(v2sf) =	vpush v4, $0x6;
	s26 =	spop (v2sf);
	s4 =	sadd.s32 $0x7FFF38, s24;
	[tilespmem:s19+$0x0] =	vst.add.f32.msk $0xffff, v8;
	s19 =	smov.u32 s24  }
0x1f0: {  	s5 =	sshll.u32 s0, $0x7;
	s13 =	sand.u32 $0x40, s20;
	s19 =	smov.u32 @p4 s4;
	[tilespmem:s25+$0x0] =	vst.add.f32.msk $0xffff, v5  }
0x1f1: {  	s20 =	sor.u32 s2, s18;
	s25 =	sand.u32 $0x70, s23;
	s4 =	sadd.s32 s19, s26;
	v8 =	vld [tilespmem:s12+$0x0]  }
0x1f2: {  	s26 =	sor.u32 s1, s17;
	s19 =	sadd.s32 $0xB, s15;
	s4 =	sshll.u32 s4, $0x9;
	[tilespmem:s20+$0x0] =	vst.add.f32.msk $0xffff, v7  }
0x1f3: {  	p4 =	sgt.s32 s19, $0xC7;
	s17 =	sshra.s32 s4, $0x2;
	s4 =	sadd.s32 $0x7FFF43, s15;
	v7 =	vld [tilespmem:s26+$0x0]  }
0x1f4: {  	s12 =	sor.u32 s13, s17;
	s19 =	smov.u32 @p4 s4;
	s20 =	spop (v2sf);
	v5 =	vld.idx.msk [tilespmem:v3+s25+$0x0 ss:$0x1], $0xffff  }
0x1f5: {  	v9 =	vld [tilespmem:s12+$0x0];
	s26 =	sor.u32 s3, s6;
	s4 =	sadd.s32 s19, s20;
	s20 =	smov.u32 s11  }
0x1f6: {  	s12 =	sor.u32 s8, s14;
	s11 =	sor.u32 $0xB, s29;
	[tilespmem:s26+$0x0] =	vst.add.f32.msk $0xffff, v8;
	s4 =	sshll.u32 s4, $0x9  }
0x1f7: {  	s19 =	sor.u32 s1, s18;
	s0 =	sadd.s32 s31, s11;
	v8 =	vld [tilespmem:s12+$0x0];
	s26 =	sshra.s32 s4, $0x2  }
0x1f8: {  	s18 =	sadd.s32 $0x10100, s5;
	s11 =	sshll.u32 s0, $0x7;
	s4 =	sor.u32 s10, s26;
	[tilespmem:s19+$0x0] =	vst.add.f32.msk $0xffff, v7  }
0x1f9: {  	(v2sf) =	vpush v6, $0x1;
	s12 =	sor.u32 s13, s18;
	s11 =	sand.u32 $0x3FFFFF80, s11;
	s19 =	sor.u32 $0x10, s13;
	v7 =	vld [tilespmem:s4+$0x0]  }
0x1fa: {  	s14 =	sor.u32 s20, s14;
	s28 =	sadd.s32 $0x10100, s11;
	[tilespmem:s12+$0x0] =	vst.add.f32.msk $0xffff, v9;
	s4 =	sor.u32 s19, s17  }
0x1fb: {  	s11 =	sadd.s32 $0x7FFF3E, s30;
	s12 =	smov.u32 s25;
	v9 =	vld [tilespmem:s4+$0x0];
	s4 =	sor.u32 s8, s6  }
0x1fc: {  	s25 =	sadd.s32 $0x6, s30;
	[dreg:$0x8] =	wrdreg s12;
	s12 =	smov.u32 s22;
	[tilespmem:s4+$0x0] =	vst.add.f32.msk $0xffff, v8  }
0x1fd: {  	(v2sf) =	vpush v2, $0xC;
	p4 =	sgt.s32 s25, $0xC7;
	[dreg:$0x9] =	wrdreg s12;
	s4 =	sor.u32 s10, s28;
	v8 =	vld [tilespmem:s14+$0x0]  }
0x1fe: {  	s25 =	smov.u32 @p4 s11;
	s12 =	spop (v2sf);
	[tilespmem:s4+$0x0] =	vst.add.f32.msk $0xffff, v7;
	s4 =	sor.u32 s16, s26  }
0x1ff: {  	s0 =	sor.u32 s19, s18;
	s14 =	sor.u32 $0x20, s13;
	s11 =	sadd.s32 s25, s12;
	v7 =	vld [tilespmem:s4+$0x0]  }
0x200: {  	s11 =	sshll.u32 s11, $0x9;
	[tilespmem:s0+$0x0] =	vst.add.f32.msk $0xffff, v9;
	s0 =	sor.u32 s14, s17  }
0x201: {  	s6 =	sor.u32 s20, s6;
	s25 =	sshra.s32 s11, $0x2;
	v9 =	vld [tilespmem:s0+$0x0]  }
0x202: {  	s12 =	sor.u32 s21, s25;
	[tilespmem:s6+$0x0] =	vst.add.f32.msk $0xffff, v8  }
0x203: {  	s0 =	sor.u32 s16, s28;
	v8 =	vld [tilespmem:s12+$0x0]  }
0x204: {  	s11 =	sor.u32 $0x30, s13;
	s6 =	sor.u32 s2, s26;
	[tilespmem:s0+$0x0] =	vst.add.f32.msk $0xffff, v7  }
0x205: {  	s17 =	sor.u32 s11, s17;
	s12 =	sor.u32 s14, s18;
	v7 =	vld [tilespmem:s6+$0x0]  }
0x206: {  	s4 =	sadd.s32 $0x7FFF39, s24;
	[tilespmem:s12+$0x0] =	vst.add.f32.msk $0xffff, v9;
	s12 =	sadd.s32 $0x1, s24;
	s6 =	sadd.s32 $0x10400, s9  }
0x207: {  	(v2sf) =	vpush v4, $0x7;
	s18 =	sor.u32 s11, s18;
	v9 =	vld [tilespmem:s17+$0x0];
	p4 =	sgt.s32 s12, $0xC7;
	s0 =	sor.u32 s21, s6  }
0x208: {  	s12 =	smov.u32 @p4 s4;
	s4 =	spop (v2sf);
	[tilespmem:s0+$0x0] =	vst.add.f32.msk $0xffff, v8;
	s0 =	sor.u32 s3, s25  }
0x209: {  	s4 =	sadd.s32 s12, s4;
	v8 =	vld [tilespmem:s0+$0x0];
	s0 =	sor.u32 s2, s28;
	s12 =	sor.u32 s1, s26  }
0x20a: {  	s4 =	sshll.u32 s4, $0x9;
	[tilespmem:s0+$0x0] =	vst.add.f32.msk $0xffff, v7;
	s0 =	smov.u32 s29;
	s29 =	sadd.s32 $0xC, s15  }
0x20b: {  	s17 =	sadd.s32 $0x7FFF44, s15;
	s26 =	sshra.s32 s4, $0x2;
	v7 =	vld [tilespmem:s12+$0x0];
	p4 =	sgt.s32 s29, $0xC7  }
0x20c: {  	[tilespmem:s18+$0x0] =	vst.add.f32.msk $0xffff, v9;
	s4 =	sor.u32 s13, s26;
	s18 =	spop (v2sf);
	s29 =	smov.u32 @p4 s17  }
0x20d: {  	v9 =	vld [tilespmem:s4+$0x0];
	s17 =	sor.u32 s3, s6;
	s12 =	sadd.s32 s29, s18  }
0x20e: {  	[tilespmem:s17+$0x0] =	vst.add.f32.msk $0xffff, v8;
	s18 =	sor.u32 s8, s25;
	s12 =	sshll.u32 s12, $0x9  }
0x20f: {  	s4 =	sor.u32 s1, s28;
	v8 =	vld [tilespmem:s18+$0x0];
	s18 =	sshra.s32 s12, $0x2  }
0x210: {  	s17 =	sadd.s32 $0x10180, s5;
	[tilespmem:s4+$0x0] =	vst.add.f32.msk $0xffff, v7;
	s4 =	sor.u32 $0xC, s0;
	s12 =	sor.u32 s10, s18  }
0x211: {  	(v2sf) =	vpush v6, $0x2;
	s28 =	sor.u32 s13, s17;
	s4 =	sadd.s32 s31, s4;
	v7 =	vld [tilespmem:s12+$0x0]  }
0x212: {  	[tilespmem:s28+$0x0] =	vst.add.f32.msk $0xffff, v9;
	s12 =	sor.u32 s19, s26;
	s4 =	sshll.u32 s4, $0x7  }
0x213: {  	v9 =	vld [tilespmem:s12+$0x0];
	s12 =	sor.u32 s8, s6;
	s4 =	sand.u32 $0x3FFFFF80, s4  }
0x214: {  	[tilespmem:s12+$0x0] =	vst.add.f32.msk $0xffff, v8;
	s12 =	sor.u32 s20, s25;
	s25 =	sadd.s32 $0x7, s30;
	s28 =	sadd.s32 $0x10100, s4  }
0x215: {  	(v2sf) =	vpush v2, $0xD;
	v8 =	vld [tilespmem:s12+$0x0];
	p4 =	sgt.s32 s25, $0xC7;
	s4 =	sadd.s32 $0x7FFF3F, s30;
	s12 =	sor.u32 s10, s28  }
0x216: {  	s25 =	smov.u32 @p4 s4;
	s4 =	spop (v2sf);
	[tilespmem:s12+$0x0] =	vst.add.f32.msk $0xffff, v7;
	s12 =	sor.u32 s16, s18  }
0x217: {  	s29 =	sor.u32 s19, s17;
	s4 =	sadd.s32 s25, s4;
	v7 =	vld [tilespmem:s12+$0x0]  }
0x218: {  	s25 =	sor.u32 s14, s26;
	[tilespmem:s29+$0x0] =	vst.add.f32.msk $0xffff, v9;
	s4 =	sshll.u32 s4, $0x9  }
0x219: {  	s6 =	sor.u32 s20, s6;
	v9 =	vld [tilespmem:s25+$0x0];
	s25 =	sshra.s32 s4, $0x2  }
0x21a: {  	[tilespmem:s6+$0x0] =	vst.add.f32.msk $0xffff, v8;
	s4 =	sor.u32 s21, s25  }
0x21b: {  	s12 =	sor.u32 s16, s28;
	v8 =	vld [tilespmem:s4+$0x0]  }
0x21c: {  	s6 =	sor.u32 s2, s18;
	[tilespmem:s12+$0x0] =	vst.add.f32.msk $0xffff, v7  }
0x21d: {  	s12 =	sor.u32 s14, s17;
	v7 =	vld [tilespmem:s6+$0x0]  }
0x21e: {  	s26 =	sor.u32 s11, s26;
	[tilespmem:s12+$0x0] =	vst.add.f32.msk $0xffff, v9;
	s12 =	sadd.s32 $0x2, s24;
	s6 =	sadd.s32 $0x10480, s9  }
0x21f: {  	(v2sf) =	vpush v4, $0x8;
	s4 =	sadd.s32 $0x7FFF3A, s24;
	v9 =	vld [tilespmem:s26+$0x0];
	p4 =	sgt.s32 s12, $0xC7;
	s9 =	sor.u32 s21, s6  }
0x220: {  	s26 =	sor.u32 s3, s25;
	s12 =	smov.u32 @p4 s4;
	s4 =	spop (v2sf);
	[tilespmem:s9+$0x0] =	vst.add.f32.msk $0xffff, v8  }
0x221: {  	s17 =	sor.u32 s11, s17;
	s4 =	sadd.s32 s12, s4;
	v8 =	vld [tilespmem:s26+$0x0];
	s26 =	sor.u32 s2, s28  }
0x222: {  	s9 =	sor.u32 s1, s18;
	s18 =	sadd.s32 $0xD, s15;
	s4 =	sshll.u32 s4, $0x9;
	[tilespmem:s26+$0x0] =	vst.add.f32.msk $0xffff, v7  }
0x223: {  	s12 =	sadd.s32 $0x7FFF45, s15;
	p4 =	sgt.s32 s18, $0xC7;
	s26 =	sshra.s32 s4, $0x2;
	v7 =	vld [tilespmem:s9+$0x0]  }
0x224: {  	s18 =	smov.u32 @p4 s12;
	s12 =	spop (v2sf);
	[tilespmem:s17+$0x0] =	vst.add.f32.msk $0xffff, v9;
	s4 =	sor.u32 s13, s26  }
0x225: {  	s12 =	sadd.s32 s18, s12;
	s17 =	sor.u32 s3, s6;
	v9 =	vld [tilespmem:s4+$0x0]  }
0x226: {  	s18 =	sshll.u32 s12, $0x9;
	[tilespmem:s17+$0x0] =	vst.add.f32.msk $0xffff, v8;
	s17 =	sor.u32 s8, s25  }
0x227: {  	s9 =	smov.u32 s5;
	s12 =	sor.u32 s1, s28;
	v8 =	vld [tilespmem:s17+$0x0];
	s17 =	sshra.s32 s18, $0x2  }
0x228: {  	s5 =	sadd.s32 $0x10200, s9;
	s4 =	sor.u32 $0xD, s0;
	[tilespmem:s12+$0x0] =	vst.add.f32.msk $0xffff, v7;
	s12 =	sor.u32 s10, s17  }
0x229: {  	(v2sf) =	vpush v6, $0x3;
	s4 =	sadd.s32 s31, s4;
	s18 =	sor.u32 s13, s5;
	v7 =	vld [tilespmem:s12+$0x0]  }
0x22a: {  	s4 =	sshll.u32 s4, $0x7;
	[tilespmem:s18+$0x0] =	vst.add.f32.msk $0xffff, v9;
	s18 =	sor.u32 s19, s26  }
0x22b: {  	s4 =	sand.u32 $0x3FFFFF80, s4;
	v9 =	vld [tilespmem:s18+$0x0];
	s18 =	sor.u32 s8, s6  }
0x22c: {  	s12 =	sor.u32 s20, s25;
	s25 =	sadd.s32 $0x8, s30;
	[tilespmem:s18+$0x0] =	vst.add.f32.msk $0xffff, v8;
	s18 =	sadd.s32 $0x10100, s4  }
0x22d: {  	(v2sf) =	vpush v2, $0xE;
	p4 =	sgt.s32 s25, $0xC7;
	s4 =	sadd.s32 $0x7FFF40, s30;
	v8 =	vld [tilespmem:s12+$0x0];
	s12 =	sor.u32 s10, s18  }
0x22e: {  	s25 =	smov.u32 @p4 s4;
	s4 =	spop (v2sf);
	[tilespmem:s12+$0x0] =	vst.add.f32.msk $0xffff, v7;
	s12 =	sor.u32 s16, s17  }
0x22f: {  	s28 =	sor.u32 s19, s5;
	s4 =	sadd.s32 s25, s4;
	v7 =	vld [tilespmem:s12+$0x0]  }
0x230: {  	s25 =	sor.u32 s14, s26;
	s4 =	sshll.u32 s4, $0x9;
	[tilespmem:s28+$0x0] =	vst.add.f32.msk $0xffff, v9  }
0x231: {  	s6 =	sor.u32 s20, s6;
	s28 =	sshra.s32 s4, $0x2;
	v9 =	vld [tilespmem:s25+$0x0]  }
0x232: {  	s12 =	sor.u32 s21, s28;
	[tilespmem:s6+$0x0] =	vst.add.f32.msk $0xffff, v8;
	s6 =	sor.u32 $0x8, s7  }
0x233: {  	s25 =	sor.u32 s16, s18;
	s4 =	sadd.s32 s31, s6;
	v8 =	vld [tilespmem:s12+$0x0]  }
0x234: {  	s12 =	sor.u32 s2, s17;
	s4 =	sshll.u32 s4, $0x7;
	[tilespmem:s25+$0x0] =	vst.add.f32.msk $0xffff, v7  }
0x235: {  	s25 =	sor.u32 s14, s5;
	s4 =	sand.u32 $0x3FFFFF80, s4;
	v7 =	vld [tilespmem:s12+$0x0]  }
0x236: {  	s26 =	sor.u32 s11, s26;
	[tilespmem:s25+$0x0] =	vst.add.f32.msk $0xffff, v9;
	s25 =	sadd.s32 $0x3, s24;
	s6 =	sadd.s32 $0x10100, s4  }
0x237: {  	(v2sf) =	vpush v4, $0x9;
	s4 =	sadd.s32 $0x7FFF3B, s24;
	v9 =	vld [tilespmem:s26+$0x0];
	p4 =	sgt.s32 s25, $0xC7;
	s26 =	sor.u32 s21, s6  }
0x238: {  	s25 =	smov.u32 @p4 s4;
	s4 =	spop (v2sf);
	[tilespmem:s26+$0x0] =	vst.add.f32.msk $0xffff, v8;
	s26 =	sor.u32 s3, s28  }
0x239: {  	s5 =	sor.u32 s11, s5;
	s4 =	sadd.s32 s25, s4;
	v8 =	vld [tilespmem:s26+$0x0];
	s26 =	sor.u32 s2, s18  }
0x23a: {  	s12 =	sor.u32 s1, s17;
	s4 =	sshll.u32 s4, $0x9;
	[tilespmem:s26+$0x0] =	vst.add.f32.msk $0xffff, v7;
	s26 =	sadd.s32 $0xE, s15  }
0x23b: {  	s25 =	sadd.s32 $0x7FFF46, s15;
	s17 =	sshra.s32 s4, $0x2;
	v7 =	vld [tilespmem:s12+$0x0];
	p4 =	sgt.s32 s26, $0xC7  }
0x23c: {  	[tilespmem:s5+$0x0] =	vst.add.f32.msk $0xffff, v9;
	s4 =	sor.u32 s13, s17;
	s26 =	smov.u32 @p4 s25;
	s25 =	spop (v2sf)  }
0x23d: {  	s12 =	sor.u32 s3, s6;
	v9 =	vld [tilespmem:s4+$0x0];
	s5 =	sadd.s32 s26, s25  }
0x23e: {  	[tilespmem:s12+$0x0] =	vst.add.f32.msk $0xffff, v8;
	s25 =	sor.u32 s8, s28;
	s5 =	sshll.u32 s5, $0x9  }
0x23f: {  	s26 =	sor.u32 s1, s18;
	v8 =	vld [tilespmem:s25+$0x0];
	s18 =	sshra.s32 s5, $0x2  }
0x240: {  	s12 =	sor.u32 $0xE, s0;
	s5 =	sadd.s32 $0x10280, s9;
	[tilespmem:s26+$0x0] =	vst.add.f32.msk $0xffff, v7;
	s25 =	sor.u32 s10, s18  }
0x241: {  	(v2sf) =	vpush v6, $0x4;
	s4 =	sadd.s32 s31, s12;
	s26 =	sor.u32 s13, s5;
	v7 =	vld [tilespmem:s25+$0x0]  }
0x242: {  	s4 =	sshll.u32 s4, $0x7;
	[tilespmem:s26+$0x0] =	vst.add.f32.msk $0xffff, v9;
	s25 =	sor.u32 s19, s17  }
0x243: {  	s4 =	sand.u32 $0x3FFFFF80, s4;
	s26 =	sor.u32 s8, s6;
	v9 =	vld [tilespmem:s25+$0x0]  }
0x244: {  	s12 =	sor.u32 s20, s28;
	s25 =	sadd.s32 $0x9, s30;
	[tilespmem:s26+$0x0] =	vst.add.f32.msk $0xffff, v8;
	s26 =	sadd.s32 $0x10100, s4  }
0x245: {  	(v2sf) =	vpush v2, $0xF;
	p4 =	sgt.s32 s25, $0xC7;
	s4 =	sadd.s32 $0x7FFF41, s30;
	v8 =	vld [tilespmem:s12+$0x0];
	s12 =	sor.u32 s10, s26  }
0x246: {  	s25 =	smov.u32 @p4 s4;
	s4 =	spop (v2sf);
	[tilespmem:s12+$0x0] =	vst.add.f32.msk $0xffff, v7;
	s12 =	sor.u32 s16, s18  }
0x247: {  	v2 =	vmov v4;
	v4 =	vmov v6;
	s28 =	sor.u32 s19, s5;
	s4 =	sadd.s32 s25, s4;
	v6 =	vld [tilespmem:s12+$0x0]  }
0x248: {  	s25 =	sor.u32 s14, s17;
	s4 =	sshll.u32 s4, $0x9;
	[tilespmem:s28+$0x0] =	vst.add.f32.msk $0xffff, v9  }
0x249: {  	s6 =	sor.u32 s20, s6;
	s28 =	sshra.s32 s4, $0x2;
	v7 =	vld [tilespmem:s25+$0x0]  }
0x24a: {  	s12 =	sor.u32 s21, s28;
	[tilespmem:s6+$0x0] =	vst.add.f32.msk $0xffff, v8;
	s6 =	sor.u32 $0x9, s7  }
0x24b: {  	p3 =	sne.s32 s22, $0x3C0;
	s25 =	sor.u32 s16, s26;
	s4 =	sadd.s32 s31, s6;
	v8 =	vld [tilespmem:s12+$0x0]  }
0x24c: {  	s22 =	sadd.s32 $0x40, s22;
	s12 =	sor.u32 s2, s18;
	s4 =	sshll.u32 s4, $0x7;
	[tilespmem:s25+$0x0] =	vst.add.f32.msk $0xffff, v6  }
0x24d: {  	s29 =	smov.u32 s7;
	s25 =	sor.u32 s14, s5;
	s4 =	sand.u32 $0x3FFFFF80, s4;
	v6 =	vld [tilespmem:s12+$0x0]  }
0x24e: {  	[tilespmem:s25+$0x0] =	vst.add.f32.msk $0xffff, v7;
	s25 =	sor.u32 s11, s17;
	s12 =	sadd.s32 $0x4, s24;
	s17 =	sadd.s32 $0x10100, s4  }
0x24f: {  	s4 =	sadd.s32 $0x7FFF3C, s24;
	v7 =	vld [tilespmem:s25+$0x0];
	p4 =	sgt.s32 s12, $0xC7;
	s25 =	sor.u32 s21, s17  }
0x250: {  	s12 =	smov.u32 @p4 s4;
	s4 =	spop (v2sf);
	[tilespmem:s25+$0x0] =	vst.add.f32.msk $0xffff, v8;
	s25 =	sor.u32 s3, s28  }
0x251: {  	s4 =	sadd.s32 s12, s4;
	v8 =	vld [tilespmem:s25+$0x0];
	s25 =	sor.u32 s2, s26;
	s12 =	sadd.s32 $0x7FFF47, s15  }
0x252: {  	s15 =	sadd.s32 $0xF, s15;
	s4 =	sshll.u32 s4, $0x9;
	[tilespmem:s25+$0x0] =	vst.add.f32.msk $0xffff, v6;
	s25 =	sor.u32 s1, s18  }
0x253: {  	s5 =	sor.u32 s11, s5;
	p4 =	sgt.s32 s15, $0xC7;
	s18 =	sshra.s32 s4, $0x2;
	v6 =	vld [tilespmem:s25+$0x0]  }
0x254: {  	s6 =	spop (v2sf);
	s15 =	smov.u32 @p4 s12;
	[tilespmem:s5+$0x0] =	vst.add.f32.msk $0xffff, v7;
	s4 =	sor.u32 s13, s18  }
0x255: {  	s12 =	sor.u32 s3, s17;
	s5 =	sadd.s32 s15, s6;
	s15 =	smov.u32 s30;
	v9 =	vld [tilespmem:s4+$0x0]  }
.Ltmp7:
0x256: {  	s25 =	sor.u32 s8, s28;
	s5 =	sshll.u32 s5, $0x9;
	[tilespmem:s12+$0x0] =	vst.add.f32.msk $0xffff, v8;
	(pc) =	sbr.rel @p3 .LBB2_12-.Ltmp7, $4  }
0x257: {  	s6 =	sor.u32 s1, s26;
	s30 =	smov.u32 s24;
	s5 =	sshra.s32 s5, $0x2;
	v7 =	vld [tilespmem:s25+$0x0]  }
0x258: {  	s24 =	sadd.s32 $0x10300, s9;
	s12 =	sor.u32 $0xF, s0;
	s25 =	sor.u32 s10, s5;
	[tilespmem:s6+$0x0] =	vst.add.f32.msk $0xffff, v6  }
0x259: {  	(v2sf) =	vpush v2, $0xA;
	s26 =	sor.u32 s13, s24;
	s4 =	sadd.s32 s31, s12;
	s12 =	rddreg [dreg:$0x6];
	v6 =	vld [tilespmem:s25+$0x0]  }
0x25a: {  	(v2sf) =	vpush v4, $0x5;
	s7 =	sshll.u32 s4, $0x7;
	s4 =	rddreg [dreg:$0x7];
	[tilespmem:s26+$0x0] =	vst.add.f32.msk $0xffff, v9;
	s26 =	sor.u32 s19, s18  }
0x25b: {  	[dreg:$0x13] =	wrdreg s29  }
0x25c: {  	[dreg:$0x1f] =	wrdreg s8  }
0x25d: {  	[dreg:$0x1e] =	wrdreg s20  }
0x25e: {  	[dreg:$0x1a] =	wrdreg s15  }
0x25f: {  	[smem:$0x7FD] =	sst s4  }
0x260: {  	[smem:$0x7FC] =	sst s21  }
0x261: {  	[dreg:$0x7] =	wrdreg s23  }
0x262: {  	s8 =	smov.u32 s14;
	s15 =	smov.u32 s30;
	s30 =	rddreg [dreg:$0x9]  }
0x263: {  	v8 =	vmov v2;
	s21 =	smov.u32 s13;
	s20 =	smov.u32 s11;
	v2 =	vmov v4;
	s22 =	rddreg [dreg:$0x8]  }
.LBB2_14:
0x264: {  	v3 =	vmul.u32 $0xC8, v5;
	_ =	sdelay $0x1  }
0x265: {  	(v2sf) =	vpush v3, $0x0;
	_ =	sdelay $0xb  }
0x266: {  	s13 =	sadd.s32 s12, s22  }
0x267: {  	p3 =	sgt.s32 s13, $0xC7;
	s0 =	spop @p1 (v2sf)  }
0x268: {  	s4 =	sadd.s32 $0x7FFF38, s13;
	s11 =	smov.u32 s13;
	s6 =	spop @p0 (v2sf)  }
0x269: {  	s11 =	smov.u32 @p3 s4;
	[smem:$0x7E5] =	sst s0;
	s0 =	spop (v2sf)  }
0x26a: {  	s4 =	sadd.s32 s11, s0  }
0x26b: {  	s4 =	sshll.u32 s4, $0x9  }
0x26c: {  	s30 =	sand.u32 $0x40, s30;
	s12 =	sshra.s32 s4, $0x2  }
0x26d: {  	s4 =	sor.u32 s30, s12  }
0x26e: {  	v4 =	vld [tilespmem:s4+$0x0]  }
0x26f: {  	s11 =	sor.u32 s31, s22  }
0x270: {  	(v2sf) =	vpush @p1 v8, $0xB;
	s29 =	sshll.u32 s11, $0x7  }
0x271: {  	s22 =	sadd.s32 $0x10100, s29  }
0x272: {  	s23 =	sor.u32 $0x10, s30;
	(v2sf) =	vpush @p0 v2, $0x6;
	s14 =	sor.u32 s30, s22;
	[smem:$0x7E7] =	sst s31  }
0x273: {  	(v2sf) =	vpush v3, $0x1;
	s25 =	sor.u32 s23, s12;
	[tilespmem:s14+$0x0] =	vst.add.f32.msk $0xffff, v4  }
0x274: {  	v4 =	vld [tilespmem:s25+$0x0];
	_ =	sdelay $0x3  }
0x275: {  	s0 =	sor.u32 $0x20, s30;
	s31 =	sor.u32 s23, s22  }
0x276: {  	s4 =	sor.u32 s0, s12;
	[tilespmem:s31+$0x0] =	vst.add.f32.msk $0xffff, v4  }
0x277: {  	v4 =	vld [tilespmem:s4+$0x0];
	_ =	sdelay $0x3  }
0x278: {  	s14 =	sor.u32 s0, s22  }
0x279: {  	s31 =	sor.u32 $0x30, s30;
	s4 =	spop @p1 (v2sf);
	[tilespmem:s14+$0x0] =	vst.add.f32.msk $0xffff, v4  }
0x27a: {  	s25 =	sadd.s32 $0x1, s13;
	s12 =	sor.u32 s31, s12;
	[smem:$0x7E8] =	sst s4  }
0x27b: {  	p3 =	sgt.s32 s25, $0xC7;
	s4 =	spop @p0 (v2sf);
	v4 =	vld [tilespmem:s12+$0x0];
	s12 =	sadd.s32 $0x7FFF39, s13  }
0x27c: {  	s14 =	spop (v2sf);
	s25 =	smov.u32 @p3 s12  }
0x27d: {  	s12 =	sadd.s32 s25, s14  }
0x27e: {  	s12 =	sshll.u32 s12, $0x9  }
0x27f: {  	s22 =	sor.u32 s31, s22;
	[smem:$0x7E4] =	sst s4;
	s12 =	sshra.s32 s12, $0x2  }
0x280: {  	[tilespmem:s22+$0x0] =	vst.add.f32.msk $0xffff, v4;
	s25 =	sor.u32 s30, s12  }
0x281: {  	v4 =	vld [tilespmem:s25+$0x0];
	_ =	sdelay $0x1  }
0x282: {  	(v2sf) =	vpush @p1 v8, $0xC  }
0x283: {  	s25 =	sadd.s32 $0x10180, s29  }
0x284: {  	(v2sf) =	vpush @p0 v2, $0x7;
	s14 =	smov.u32 s29;
	s29 =	sor.u32 s30, s25  }
0x285: {  	(v2sf) =	vpush v3, $0x2;
	s4 =	sor.u32 s23, s12;
	[tilespmem:s29+$0x0] =	vst.add.f32.msk $0xffff, v4  }
0x286: {  	v4 =	vld [tilespmem:s4+$0x0];
	_ =	sdelay $0x3  }
0x287: {  	s11 =	sor.u32 s23, s25  }
0x288: {  	s29 =	sor.u32 s0, s12;
	[tilespmem:s11+$0x0] =	vst.add.f32.msk $0xffff, v4  }
0x289: {  	v4 =	vld [tilespmem:s29+$0x0];
	_ =	sdelay $0x3  }
0x28a: {  	s4 =	sor.u32 s0, s25  }
0x28b: {  	[tilespmem:s4+$0x0] =	vst.add.f32.msk $0xffff, v4;
	s4 =	spop @p1 (v2sf)  }
0x28c: {  	s12 =	sor.u32 s31, s12;
	s29 =	sadd.s32 $0x2, s13;
	[smem:$0x7EE] =	sst s4  }
0x28d: {  	p3 =	sgt.s32 s29, $0xC7;
	s22 =	spop @p0 (v2sf);
	v4 =	vld [tilespmem:s12+$0x0];
	s12 =	sadd.s32 $0x7FFF3A, s13  }
0x28e: {  	s11 =	spop (v2sf);
	s29 =	smov.u32 @p3 s12  }
0x28f: {  	s12 =	sadd.s32 s29, s11  }
0x290: {  	s12 =	sshll.u32 s12, $0x9  }
0x291: {  	s25 =	sor.u32 s31, s25;
	s12 =	sshra.s32 s12, $0x2  }
0x292: {  	[tilespmem:s25+$0x0] =	vst.add.f32.msk $0xffff, v4;
	s4 =	sor.u32 s30, s12  }
0x293: {  	v4 =	vld [tilespmem:s4+$0x0];
	_ =	sdelay $0x1  }
0x294: {  	(v2sf) =	vpush @p1 v8, $0xD  }
0x295: {  	s25 =	sadd.s32 $0x10200, s14  }
0x296: {  	(v2sf) =	vpush @p0 v2, $0x8;
	s11 =	sor.u32 s30, s25  }
0x297: {  	(v2sf) =	vpush v3, $0x3;
	s4 =	sor.u32 s23, s12;
	[tilespmem:s11+$0x0] =	vst.add.f32.msk $0xffff, v4  }
0x298: {  	v4 =	vld [tilespmem:s4+$0x0];
	_ =	sdelay $0x3  }
0x299: {  	s11 =	sor.u32 s23, s25  }
0x29a: {  	s4 =	sor.u32 s0, s12;
	[tilespmem:s11+$0x0] =	vst.add.f32.msk $0xffff, v4  }
0x29b: {  	v4 =	vld [tilespmem:s4+$0x0];
	_ =	sdelay $0x3  }
0x29c: {  	s11 =	sor.u32 s0, s25  }
0x29d: {  	s4 =	smov.u32 s0;
	s0 =	spop @p1 (v2sf);
	[tilespmem:s11+$0x0] =	vst.add.f32.msk $0xffff, v4  }
0x29e: {  	s29 =	sadd.s32 $0x3, s13;
	s12 =	sor.u32 s31, s12;
	[dreg:$0x1d] =	wrdreg s0  }
0x29f: {  	p3 =	sgt.s32 s29, $0xC7;
	s0 =	spop @p0 (v2sf);
	v4 =	vld [tilespmem:s12+$0x0];
	s12 =	sadd.s32 $0x7FFF3B, s13  }
0x2a0: {  	s11 =	spop (v2sf);
	s29 =	smov.u32 @p3 s12  }
0x2a1: {  	s12 =	sadd.s32 s29, s11  }
0x2a2: {  	s12 =	sshll.u32 s12, $0x9  }
0x2a3: {  	s25 =	sor.u32 s31, s25;
	[smem:$0x7E6] =	sst s0;
	s12 =	sshra.s32 s12, $0x2  }
0x2a4: {  	[tilespmem:s25+$0x0] =	vst.add.f32.msk $0xffff, v4;
	s29 =	sor.u32 s30, s12  }
0x2a5: {  	v4 =	vld [tilespmem:s29+$0x0];
	_ =	sdelay $0x1  }
0x2a6: {  	(v2sf) =	vpush @p1 v8, $0xE  }
0x2a7: {  	s25 =	sadd.s32 $0x10280, s14  }
0x2a8: {  	(v2sf) =	vpush @p0 v2, $0x9;
	s0 =	sor.u32 s30, s25  }
0x2a9: {  	(v2sf) =	vpush v3, $0x4;
	s11 =	sor.u32 s23, s12;
	[tilespmem:s0+$0x0] =	vst.add.f32.msk $0xffff, v4  }
0x2aa: {  	v4 =	vld [tilespmem:s11+$0x0];
	_ =	sdelay $0x3  }
0x2ab: {  	s0 =	sor.u32 s23, s25  }
0x2ac: {  	s11 =	sor.u32 s4, s12;
	[tilespmem:s0+$0x0] =	vst.add.f32.msk $0xffff, v4  }
0x2ad: {  	v4 =	vld [tilespmem:s11+$0x0];
	_ =	sdelay $0x3  }
0x2ae: {  	s0 =	sor.u32 s4, s25  }
0x2af: {  	[tilespmem:s0+$0x0] =	vst.add.f32.msk $0xffff, v4;
	s0 =	spop @p1 (v2sf)  }
0x2b0: {  	s29 =	sadd.s32 $0x4, s13;
	s12 =	sor.u32 s31, s12;
	[dreg:$0x1c] =	wrdreg s0  }
0x2b1: {  	p3 =	sgt.s32 s29, $0xC7;
	s0 =	spop @p0 (v2sf);
	v4 =	vld [tilespmem:s12+$0x0];
	s12 =	sadd.s32 $0x7FFF3C, s13  }
0x2b2: {  	s11 =	spop (v2sf);
	s29 =	smov.u32 @p3 s12  }
0x2b3: {  	s12 =	sadd.s32 s29, s11  }
0x2b4: {  	s12 =	sshll.u32 s12, $0x9  }
0x2b5: {  	s25 =	sor.u32 s31, s25;
	[smem:$0x7EA] =	sst s0;
	s12 =	sshra.s32 s12, $0x2  }
0x2b6: {  	[tilespmem:s25+$0x0] =	vst.add.f32.msk $0xffff, v4;
	s0 =	sor.u32 s30, s12  }
0x2b7: {  	v4 =	vld [tilespmem:s0+$0x0]  }
0x2b8: {  	(v2sf) =	vpush @p1 v8, $0xF;
	_ =	sdelay $0x1  }
0x2b9: {  	(v2sf) =	vpush @p0 v2, $0xA;
	v5 =	vld @p0 [tilespmem:s26+$0x0];
	s25 =	sadd.s32 $0x10300, s14  }
0x2ba: {  	s11 =	sor.u32 s30, s25  }
0x2bb: {  	(v2sf) =	vpush v3, $0x5;
	s29 =	sor.u32 s23, s12;
	[tilespmem:s11+$0x0] =	vst.add.f32.msk $0xffff, v4  }
0x2bc: {  	v4 =	vld [tilespmem:s29+$0x0]  }
0x2bd: {  	s26 =	sor.u32 @p0 s19, s24  }
0x2be: {  	[tilespmem:s26+$0x0] =	vst.add.f32.msk @p0 $0xffff, v5;
	s26 =	sor.u32 @p0 s8, s18  }
0x2bf: {  	v5 =	vld @p0 [tilespmem:s26+$0x0]  }
0x2c0: {  	s0 =	sor.u32 s23, s25  }
0x2c1: {  	s11 =	sor.u32 s4, s12;
	[tilespmem:s0+$0x0] =	vst.add.f32.msk $0xffff, v4  }
0x2c2: {  	s26 =	sadd.s32 @p0 $0x5, s15;
	v4 =	vld [tilespmem:s11+$0x0]  }
0x2c3: {  	p3 =	sgt.s32 @p0 s26, $0xC7;
	s29 =	sor.u32 @p0 s8, s24  }
0x2c4: {  	s18 =	sor.u32 @p0 s20, s18;
	p3 =	por !p3, !p0;
	s12 =	sor.u32 s31, s12;
	[tilespmem:s29+$0x0] =	vst.add.f32.msk @p0 $0xffff, v5  }
0x2c5: {  	s29 =	smov.u32 @p0 s21;
	s21 =	sadd.s32 $0x5, s13;
	v5 =	vld @p0 [tilespmem:s18+$0x0];
	s0 =	sadd.s32 @p0 $0x7FFF3D, s15  }
0x2c6: {  	s0 =	smov.u32 @p3 s26;
	s26 =	sor.u32 s4, s25;
	s11 =	spop @p1 (v2sf)  }
0x2c7: {  	p3 =	sgt.s32 s21, $0xC7;
	s0 =	sadd.s32 @p0 s0, s6;
	s6 =	sor.u32 @p0 s20, s24;
	[tilespmem:s26+$0x0] =	vst.add.f32.msk $0xffff, v4  }
0x2c8: {  	s0 =	sshll.u32 @p0 s0, $0x9;
	[dreg:$0x1b] =	wrdreg s11;
	s11 =	spop @p0 (v2sf)  }
0x2c9: {  	s0 =	sshra.s32 @p0 s0, $0x2;
	v4 =	vld [tilespmem:s12+$0x0];
	[smem:$0x7EC] =	sst s11;
	s12 =	sadd.s32 $0x7FFF3D, s13  }
0x2ca: {  	s11 =	spop (v2sf);
	[tilespmem:s6+$0x0] =	vst.add.f32.msk @p0 $0xffff, v5;
	s21 =	smov.u32 @p3 s12;
	s6 =	sor.u32 @p0 s29, s0  }
0x2cb: {  	v5 =	vld @p0 [tilespmem:s6+$0x0];
	s12 =	sadd.s32 s21, s11  }
0x2cc: {  	s6 =	sshll.u32 s12, $0x9  }
0x2cd: {  	s18 =	sor.u32 s31, s25;
	s21 =	sshra.s32 s6, $0x2  }
0x2ce: {  	s12 =	sadd.s32 @p0 $0x10380, s9;
	[tilespmem:s18+$0x0] =	vst.add.f32.msk $0xffff, v4;
	s6 =	sor.u32 s30, s21  }
0x2cf: {  	v0 =	vpsel p0, v2, v0;
	s26 =	smov.u32 @p0 s19;
	v4 =	vld [tilespmem:s6+$0x0];
	s6 =	sor.u32 @p0 s29, s12  }
0x2d0: {  	(v2sf) =	vpush @p0 v0, $0xB;
	[tilespmem:s6+$0x0] =	vst.add.f32.msk @p0 $0xffff, v5;
	s6 =	sor.u32 @p0 s26, s0  }
0x2d1: {  	v5 =	vld @p0 [tilespmem:s6+$0x0]  }
0x2d2: {  	s19 =	sadd.s32 $0x10380, s14  }
0x2d3: {  	s24 =	sor.u32 s30, s19  }
0x2d4: {  	(v2sf) =	vpush v3, $0x6;
	s25 =	sor.u32 s23, s21;
	[tilespmem:s24+$0x0] =	vst.add.f32.msk $0xffff, v4  }
0x2d5: {  	s18 =	smov.u32 @p0 s8;
	s8 =	sor.u32 @p0 s26, s12;
	v61 =	vld [tilespmem:s25+$0x0]  }
0x2d6: {  	[tilespmem:s8+$0x0] =	vst.add.f32.msk @p0 $0xffff, v5;
	s8 =	sor.u32 @p0 s18, s0  }
0x2d7: {  	v4 =	vld @p0 [tilespmem:s8+$0x0];
	_ =	sdelay $0x1  }
0x2d8: {  	s6 =	sor.u32 s23, s19  }
0x2d9: {  	s11 =	smov.u32 s14;
	s14 =	sor.u32 s4, s21;
	[tilespmem:s6+$0x0] =	vst.add.f32.msk $0xffff, v61  }
0x2da: {  	s25 =	sor.u32 @p0 s18, s12;
	v2 =	vld [tilespmem:s14+$0x0]  }
0x2db: {  	s0 =	sor.u32 @p0 s20, s0;
	s8 =	sadd.s32 @p0 $0x6, s15;
	[tilespmem:s25+$0x0] =	vst.add.f32.msk @p0 $0xffff, v4  }
0x2dc: {  	p3 =	sgt.s32 @p0 s8, $0xC7;
	v4 =	vld @p0 [tilespmem:s0+$0x0];
	s0 =	sld [smem:$0x7E4]  }
0x2dd: {  	p3 =	por !p3, !p0;
	s25 =	sadd.s32 @p0 $0x7FFF3E, s15  }
0x2de: {  	s24 =	sor.u32 s4, s19;
	s6 =	spop @p0 (v2sf);
	s25 =	smov.u32 @p3 s8  }
0x2df: {  	s14 =	sadd.s32 $0x6, s13;
	s8 =	sor.u32 @p0 s20, s12;
	s0 =	sadd.s32 @p0 s25, s0  }
0x2e0: {  	p3 =	sgt.s32 s14, $0xC7;
	[tilespmem:s24+$0x0] =	vst.add.f32.msk $0xffff, v2;
	s25 =	sor.u32 s31, s21;
	s0 =	sshll.u32 @p0 s0, $0x9  }
0x2e1: {  	s12 =	sadd.s32 $0x7FFF3E, s13;
	v2 =	vld [tilespmem:s25+$0x0];
	[smem:$0x7EF] =	sst s6;
	s0 =	sshra.s32 @p0 s0, $0x2  }
0x2e2: {  	s14 =	smov.u32 @p3 s12;
	s6 =	spop (v2sf);
	[tilespmem:s8+$0x0] =	vst.add.f32.msk @p0 $0xffff, v4;
	s8 =	sor.u32 @p0 s29, s0  }
0x2e3: {  	s14 =	sadd.s32 s14, s6;
	v4 =	vld @p0 [tilespmem:s8+$0x0]  }
0x2e4: {  	s8 =	sshll.u32 s14, $0x9  }
0x2e5: {  	s19 =	sor.u32 s31, s19;
	s8 =	sshra.s32 s8, $0x2  }
0x2e6: {  	s12 =	sadd.s32 @p0 $0x10400, s9;
	[tilespmem:s19+$0x0] =	vst.add.f32.msk $0xffff, v2;
	s21 =	sor.u32 s30, s8  }
0x2e7: {  	s14 =	sor.u32 @p0 s29, s12;
	v2 =	vld [tilespmem:s21+$0x0]  }
0x2e8: {  	[tilespmem:s14+$0x0] =	vst.add.f32.msk @p0 $0xffff, v4;
	s14 =	sor.u32 @p0 s26, s0  }
0x2e9: {  	(v2sf) =	vpush @p0 v0, $0xC;
	v4 =	vld @p0 [tilespmem:s14+$0x0]  }
0x2ea: {  	s14 =	sadd.s32 $0x10400, s11  }
0x2eb: {  	(v2sf) =	vpush v3, $0x7;
	s24 =	sor.u32 s30, s14  }
0x2ec: {  	s25 =	sor.u32 s23, s8;
	[tilespmem:s24+$0x0] =	vst.add.f32.msk $0xffff, v2  }
0x2ed: {  	s19 =	sor.u32 @p0 s26, s12;
	v2 =	vld [tilespmem:s25+$0x0]  }
0x2ee: {  	[tilespmem:s19+$0x0] =	vst.add.f32.msk @p0 $0xffff, v4;
	s19 =	sor.u32 @p0 s18, s0  }
0x2ef: {  	v4 =	vld @p0 [tilespmem:s19+$0x0];
	_ =	sdelay $0x1  }
0x2f0: {  	s21 =	sor.u32 s23, s14  }
0x2f1: {  	s24 =	sor.u32 s4, s8;
	s19 =	sadd.s32 @p0 $0x7, s15;
	[tilespmem:s21+$0x0] =	vst.add.f32.msk $0xffff, v2  }
0x2f2: {  	s25 =	sor.u32 @p0 s18, s12;
	p3 =	sgt.s32 @p0 s19, $0xC7;
	v2 =	vld [tilespmem:s24+$0x0]  }
0x2f3: {  	p3 =	por !p3, !p0;
	[tilespmem:s25+$0x0] =	vst.add.f32.msk @p0 $0xffff, v4;
	s25 =	sadd.s32 @p0 $0x7FFF3F, s15  }
0x2f4: {  	s0 =	sor.u32 @p0 s20, s0;
	s25 =	smov.u32 @p3 s19  }
0x2f5: {  	s6 =	smov.u32 s31;
	v4 =	vld @p0 [tilespmem:s0+$0x0];
	s0 =	sadd.s32 @p0 s25, s22  }
0x2f6: {  	s19 =	sor.u32 s6, s8;
	s25 =	sor.u32 s4, s14;
	s0 =	sshll.u32 @p0 s0, $0x9  }
0x2f7: {  	s8 =	sadd.s32 $0x7, s13;
	[tilespmem:s25+$0x0] =	vst.add.f32.msk $0xffff, v2;
	s22 =	sshra.s32 @p0 s0, $0x2;
	s0 =	spop @p0 (v2sf)  }
0x2f8: {  	p3 =	sgt.s32 s8, $0xC7;
	v2 =	vld [tilespmem:s19+$0x0];
	[smem:$0x7F0] =	sst s0;
	s0 =	sadd.s32 $0x7FFF3F, s13  }
0x2f9: {  	s12 =	sor.u32 @p0 s20, s12;
	s21 =	spop (v2sf);
	s8 =	smov.u32 @p3 s0  }
0x2fa: {  	[tilespmem:s12+$0x0] =	vst.add.f32.msk @p0 $0xffff, v4;
	s0 =	sor.u32 @p0 s29, s22;
	s25 =	sadd.s32 s8, s21  }
0x2fb: {  	v4 =	vld @p0 [tilespmem:s0+$0x0];
	s0 =	sshll.u32 s25, $0x9  }
0x2fc: {  	s24 =	smov.u32 s4;
	s4 =	sor.u32 s6, s14;
	s12 =	sshra.s32 s0, $0x2  }
0x2fd: {  	[tilespmem:s4+$0x0] =	vst.add.f32.msk $0xffff, v2;
	s0 =	sor.u32 s30, s12  }
0x2fe: {  	s9 =	sadd.s32 @p0 $0x10480, s9;
	v2 =	vld [tilespmem:s0+$0x0]  }
0x2ff: {  	(v2sf) =	vpush @p0 v0, $0xD;
	s0 =	sor.u32 @p0 s29, s9  }
0x300: {  	[tilespmem:s0+$0x0] =	vst.add.f32.msk @p0 $0xffff, v4;
	s0 =	sor.u32 @p0 s26, s22  }
0x301: {  	v4 =	vld @p0 [tilespmem:s0+$0x0];
	s0 =	sadd.s32 $0x10480, s11  }
0x302: {  	s21 =	smov.u32 s6;
	s6 =	sor.u32 s30, s0  }
0x303: {  	[tilespmem:s6+$0x0] =	vst.add.f32.msk $0xffff, v2  }
0x304: {  	s14 =	sor.u32 s23, s12;
	[smem:$0x7F1] =	sst s23  }
0x305: {  	(v2sf) =	vpush v3, $0x8;
	s11 =	smov.u32 s23;
	s23 =	rddreg [dreg:$0x1a];
	v2 =	vld [tilespmem:s14+$0x0];
	s14 =	sor.u32 @p0 s26, s9  }
0x306: {  	s31 =	smov.u32 s29;
	s25 =	sadd.s32 @p0 $0x8, s15;
	s8 =	sadd.s32 @p1 $0xA, s23;
	[tilespmem:s14+$0x0] =	vst.add.f32.msk @p0 $0xffff, v4  }
0x307: {  	p3 =	sgt.s32 @p1 s8, $0xC7;
	s14 =	sor.u32 @p0 s18, s22;
	s4 =	sld [smem:$0x7E5]  }
0x308: {  	p4 =	sgt.s32 @p0 s25, $0xC7;
	v4 =	vld @p0 [tilespmem:s14+$0x0];
	p3 =	por !p3, !p1;
	s14 =	sadd.s32 @p1 $0x7FFF42, s23  }
0x309: {  	p4 =	por !p4, !p0;
	s29 =	sadd.s32 @p0 $0x7FFF40, s15;
	s14 =	smov.u32 @p3 s8  }
0x30a: {  	s19 =	sor.u32 s11, s0;
	s14 =	sadd.s32 @p1 s14, s4;
	s4 =	sld [smem:$0x7E6]  }
0x30b: {  	s29 =	smov.u32 @p4 s25;
	[tilespmem:s19+$0x0] =	vst.add.f32.msk $0xffff, v2  }
0x30c: {  	s8 =	sor.u32 @p0 s20, s22;
	s22 =	sor.u32 @p0 s18, s9;
	[smem:$0x7E9] =	sst s24  }
0x30d: {  	[tilespmem:s22+$0x0] =	vst.add.f32.msk @p0 $0xffff, v4;
	s25 =	sadd.s32 @p0 s29, s4;
	s4 =	sor.u32 s24, s12  }
0x30e: {  	s19 =	rddreg [dreg:$0x1f];
	v2 =	vld [tilespmem:s4+$0x0];
	s4 =	spop @p0 (v2sf)  }
0x30f: {  	[smem:$0x7F2] =	sst s4  }
0x310: {  	v4 =	vld @p0 [tilespmem:s8+$0x0];
	s8 =	sor.u32 @p1 s19, s17  }
0x311: {  	[tilespmem:s8+$0x0] =	vst.add.f32.msk @p1 $0xffff, v7  }
0x312: {  	s29 =	sadd.s32 $0x8, s13;
	s4 =	sld [smem:$0x7FD]  }
0x313: {  	s22 =	sadd.s32 $0x7FFF40, s13;
	p3 =	sgt.s32 s29, $0xC7  }
0x314: {  	s29 =	smov.u32 @p3 s22;
	s6 =	spop (v2sf)  }
0x315: {  	s29 =	sadd.s32 s29, s6;
	s11 =	rddreg [dreg:$0x1e];
	s6 =	smov.u32 @p0 s4  }
0x316: {  	s8 =	sor.u32 s24, s0;
	[smem:$0x7EB] =	sst s6  }
0x317: {  	s22 =	sor.u32 @p1 s11, s28;
	[tilespmem:s8+$0x0] =	vst.add.f32.msk $0xffff, v2  }
0x318: {  	v5 =	vld @p1 [tilespmem:s22+$0x0];
	[smem:$0x7ED] =	sst s21  }
0x319: {  	s12 =	sor.u32 s21, s12;
	s4 =	rddreg [dreg:$0x13]  }
0x31a: {  	s9 =	sor.u32 @p0 s20, s9;
	v2 =	vld [tilespmem:s12+$0x0];
	[dreg:$0x13] =	wrdreg s4  }
0x31b: {  	[tilespmem:s9+$0x0] =	vst.add.f32.msk @p0 $0xffff, v4  }
0x31c: {  	s14 =	sshll.u32 @p1 s14, $0x9;
	s12 =	sor.u32 @p1 $0xA, s4;
	s4 =	sld [smem:$0x7FC]  }
0x31d: {  	s22 =	sshll.u32 @p0 s25, $0x9;
	s8 =	smov.u32 s21;
	s21 =	sld [smem:$0x7E7]  }
0x31e: {  	s14 =	sshra.s32 @p1 s14, $0x2;
	s17 =	sor.u32 @p1 s11, s17;
	s22 =	sshra.s32 @p0 s22, $0x2  }
0x31f: {  	s25 =	sor.u32 @p0 $0x8, s6;
	s9 =	sor.u32 @p0 s31, s22;
	[tilespmem:s17+$0x0] =	vst.add.f32.msk @p1 $0xffff, v5;
	s6 =	smov.u32 @p1 s4  }
0x320: {  	s0 =	sor.u32 s8, s0;
	v4 =	vld @p0 [tilespmem:s9+$0x0];
	s25 =	sadd.s32 @p0 s21, s25;
	[smem:$0x7FA] =	sst s6  }
0x321: {  	s24 =	sshll.u32 s29, $0x9;
	s12 =	sadd.s32 @p1 s21, s12;
	s17 =	sshll.u32 @p0 s25, $0x7;
	[tilespmem:s0+$0x0] =	vst.add.f32.msk $0xffff, v2  }
0x322: {  	s28 =	sor.u32 @p1 s6, s14;
	s25 =	sshra.s32 s24, $0x2;
	s0 =	rddreg [dreg:$0x7]  }
0x323: {  	v5 =	vld @p1 [tilespmem:s28+$0x0];
	s29 =	sor.u32 s30, s25;
	[dreg:$0x7] =	wrdreg s0;
	s0 =	sor.u32 $0x8, s0  }
0x324: {  	s12 =	sshll.u32 @p1 s12, $0x7;
	s17 =	sand.u32 @p0 $0x3FFFFF80, s17;
	v2 =	vld [tilespmem:s29+$0x0];
	s0 =	sadd.s32 s21, s0  }
0x325: {  	s12 =	sand.u32 @p1 $0x3FFFFF80, s12;
	s28 =	sadd.s32 @p0 $0x10100, s17;
	s0 =	sshll.u32 s0, $0x7  }
0x326: {  	s12 =	sadd.s32 @p1 $0x10100, s12;
	s17 =	sor.u32 @p0 s31, s28;
	s0 =	sand.u32 $0x3FFFFF80, s0  }
0x327: {  	s24 =	smov.u32 @p1 s3;
	s3 =	sor.u32 @p1 s6, s12;
	[tilespmem:s17+$0x0] =	vst.add.f32.msk @p0 $0xffff, v4;
	s6 =	sadd.s32 $0x10100, s0  }
0x328: {  	[tilespmem:s3+$0x0] =	vst.add.f32.msk @p1 $0xffff, v5;
	s4 =	sor.u32 s30, s6  }
0x329: {  	s17 =	sor.u32 @p0 s26, s22;
	[tilespmem:s4+$0x0] =	vst.add.f32.msk $0xffff, v2  }
0x32a: {  	v4 =	vld @p0 [tilespmem:s17+$0x0];
	s8 =	sld [smem:$0x7F1]  }
0x32b: {  	(v2sf) =	vpush @p0 v0, $0xE;
	s3 =	sor.u32 @p1 s24, s14  }
0x32c: {  	v5 =	vld @p1 [tilespmem:s3+$0x0]  }
0x32d: {  	[dreg:$0x1a] =	wrdreg s23;
	s17 =	sor.u32 s8, s25  }
0x32e: {  	(v2sf) =	vpush v3, $0x9;
	s29 =	sor.u32 @p0 s26, s28;
	v2 =	vld [tilespmem:s17+$0x0]  }
0x32f: {  	[tilespmem:s29+$0x0] =	vst.add.f32.msk @p0 $0xffff, v4;
	s29 =	sor.u32 @p0 s18, s22  }
0x330: {  	v4 =	vld @p0 [tilespmem:s29+$0x0];
	s29 =	sor.u32 @p1 s24, s12  }
0x331: {  	s0 =	sadd.s32 @p1 $0x7FFF43, s23;
	[tilespmem:s29+$0x0] =	vst.add.f32.msk @p1 $0xffff, v5;
	s17 =	smov.u32 @p1 s19  }
0x332: {  	s4 =	sadd.s32 @p1 $0xB, s23;
	s19 =	sor.u32 s8, s6;
	[smem:$0x7F7] =	sst s17  }
0x333: {  	p3 =	sgt.s32 @p1 s4, $0xC7;
	s23 =	smov.u32 s8;
	s8 =	sld [smem:$0x7E8];
	[tilespmem:s19+$0x0] =	vst.add.f32.msk $0xffff, v2  }
0x334: {  	s3 =	sadd.s32 @p0 $0x9, s15;
	p3 =	por !p3, !p1;
	s19 =	sld [smem:$0x7E9]  }
0x335: {  	s0 =	smov.u32 @p3 s4;
	p3 =	sgt.s32 @p0 s3, $0xC7;
	s4 =	sor.u32 @p1 s17, s14  }
0x336: {  	p3 =	por !p3, !p0;
	v5 =	vld @p1 [tilespmem:s4+$0x0];
	s4 =	sadd.s32 @p0 $0x7FFF41, s15  }
0x337: {  	s8 =	sadd.s32 @p1 s0, s8;
	s0 =	sld [smem:$0x7EA];
	s9 =	sor.u32 s19, s25  }
0x338: {  	s4 =	smov.u32 @p3 s3;
	s3 =	sor.u32 @p0 s18, s28;
	v2 =	vld [tilespmem:s9+$0x0]  }
0x339: {  	s22 =	sor.u32 @p0 s20, s22;
	[tilespmem:s3+$0x0] =	vst.add.f32.msk @p0 $0xffff, v4;
	s9 =	smov.u32 @p1 s11  }
0x33a: {  	s4 =	sadd.s32 @p0 s4, s0;
	s0 =	spop @p0 (v2sf);
	[smem:$0x7F8] =	sst s9  }
0x33b: {  	s29 =	sadd.s32 $0x9, s13;
	s3 =	sor.u32 @p1 s17, s12;
	v4 =	vld @p0 [tilespmem:s22+$0x0];
	[smem:$0x7F5] =	sst s0  }
0x33c: {  	p3 =	sgt.s32 s29, $0xC7;
	s17 =	sor.u32 s19, s6;
	s0 =	sadd.s32 $0x7FFF41, s13;
	[tilespmem:s3+$0x0] =	vst.add.f32.msk @p1 $0xffff, v5  }
0x33d: {  	s22 =	spop (v2sf);
	s29 =	smov.u32 @p3 s0;
	s0 =	sor.u32 @p1 s9, s14;
	[tilespmem:s17+$0x0] =	vst.add.f32.msk $0xffff, v2  }
0x33e: {  	v5 =	vld @p1 [tilespmem:s0+$0x0];
	s29 =	sadd.s32 s29, s22;
	s22 =	sld [smem:$0x7ED]  }
0x33f: {  	s3 =	sshll.u32 @p1 s8, $0x9  }
0x340: {  	s8 =	sor.u32 @p1 s9, s12;
	s12 =	sor.u32 @p0 s20, s28;
	s11 =	rddreg [dreg:$0x13]  }
0x341: {  	s14 =	sor.u32 @p1 $0xB, s11;
	[tilespmem:s12+$0x0] =	vst.add.f32.msk @p0 $0xffff, v4;
	s25 =	sor.u32 s22, s25  }
0x342: {  	s17 =	smov.u32 s21;
	s12 =	sadd.s32 @p1 s21, s14;
	s21 =	sld [smem:$0x7EB];
	v2 =	vld [tilespmem:s25+$0x0]  }
0x343: {  	s4 =	sshll.u32 @p0 s4, $0x9;
	[tilespmem:s8+$0x0] =	vst.add.f32.msk @p1 $0xffff, v5  }
0x344: {  	s4 =	sshra.s32 @p0 s4, $0x2;
	s11 =	sld [smem:$0x7FA]  }
0x345: {  	s6 =	sor.u32 s22, s6;
	s25 =	sor.u32 @p0 s31, s4;
	s14 =	sor.u32 @p0 $0x9, s21  }
0x346: {  	v4 =	vld @p0 [tilespmem:s25+$0x0];
	s25 =	sshra.s32 @p1 s3, $0x2;
	s3 =	sshll.u32 @p1 s12, $0x7;
	s12 =	sadd.s32 @p0 s17, s14  }
0x347: {  	s0 =	sshll.u32 s29, $0x9;
	s8 =	sshll.u32 @p0 s12, $0x7;
	s12 =	sor.u32 @p1 s11, s25;
	[tilespmem:s6+$0x0] =	vst.add.f32.msk $0xffff, v2  }
0x348: {  	s0 =	sshra.s32 s0, $0x2;
	v5 =	vld @p1 [tilespmem:s12+$0x0];
	s8 =	sand.u32 @p0 $0x3FFFFF80, s8;
	s29 =	rddreg [dreg:$0x7]  }
0x349: {  	s9 =	sor.u32 s30, s0;
	s6 =	sadd.s32 @p0 $0x10100, s8;
	s8 =	sor.u32 $0x9, s29  }
0x34a: {  	s3 =	sand.u32 @p1 $0x3FFFFF80, s3;
	v2 =	vld [tilespmem:s9+$0x0];
	s12 =	sor.u32 @p0 s31, s6;
	s8 =	sadd.s32 s17, s8  }
0x34b: {  	s14 =	sadd.s32 @p1 $0x10100, s3;
	[tilespmem:s12+$0x0] =	vst.add.f32.msk @p0 $0xffff, v4;
	s12 =	sshll.u32 s8, $0x7;
	s8 =	sor.u32 @p0 s26, s4  }
0x34c: {  	(v2sf) =	vpush @p0 v0, $0xF;
	v0 =	vld @p0 [tilespmem:s8+$0x0];
	s8 =	sor.u32 @p1 s11, s14  }
0x34d: {  	s3 =	sand.u32 $0x3FFFFF80, s12;
	[tilespmem:s8+$0x0] =	vst.add.f32.msk @p1 $0xffff, v5  }
0x34e: {  	s28 =	sadd.s32 $0x10100, s3;
	s3 =	sor.u32 @p1 s24, s25;
	[smem:$0x7F4] =	sst s24  }
0x34f: {  	s22 =	sor.u32 s30, s28;
	v4 =	vld @p1 [tilespmem:s3+$0x0]  }
0x350: {  	[tilespmem:s22+$0x0] =	vst.add.f32.msk $0xffff, v2;
	s3 =	sor.u32 @p0 s26, s6  }
0x351: {  	[tilespmem:s3+$0x0] =	vst.add.f32.msk @p0 $0xffff, v0  }
0x352: {  	s8 =	rddreg [dreg:$0x18]  }
0x353: {  	s29 =	sor.u32 s23, s0;
	s9 =	rddreg [dreg:$0x15]  }
0x354: {  	v2 =	vld [tilespmem:s29+$0x0];
	s3 =	sor.u32 @p0 s18, s4;
	s11 =	rddreg [dreg:$0x19]  }
0x355: {  	s22 =	simm.s32 $0x0;
	v0 =	vld @p0 [tilespmem:s3+$0x0];
	s3 =	smov.u32 @p0 s15;
	s15 =	rddreg [dreg:$0x12]  }
0x356: {  	s29 =	rddreg [dreg:$0x14];
	s15 =	smov.u32 @p0 s3;
	s3 =	sor.u32 @p1 s24, s14  }
0x357: {  	(v2sf) =	vpush v3, $0xA;
	s29 =	smov.u32 @p0 s20;
	s20 =	rddreg [dreg:$0x17];
	[tilespmem:s3+$0x0] =	vst.add.f32.msk @p1 $0xffff, v4;
	s3 =	smov.u32 @p0 s21  }
0x358: {  	s22 =	smov.u32 @p0 s3  }
0x359: {  	s20 =	smov.u32 @p0 s31;
	s31 =	sor.u32 s23, s28;
	[smem:$0x7FB] =	sst s22  }
0x35a: {  	[tilespmem:s31+$0x0] =	vst.add.f32.msk $0xffff, v2  }
0x35b: {  	s9 =	smov.u32 @p0 s18;
	s18 =	sld [smem:$0x7F7];
	_ =	sdelay $0x1  }
0x35c: {  	s8 =	smov.u32 @p0 s6;
	s6 =	sor.u32 s19, s0  }
0x35d: {  	s11 =	smov.u32 @p0 s4;
	s4 =	sadd.s32 @p0 $0xA, s15;
	v2 =	vld [tilespmem:s6+$0x0];
	s3 =	sor.u32 @p1 s18, s25  }
0x35e: {  	p3 =	sgt.s32 @p0 s4, $0xC7;
	v0 =	vpsel p0, v0, v1;
	v4 =	vld @p1 [tilespmem:s3+$0x0];
	s3 =	sor.u32 @p0 s9, s8  }
0x35f: {  	p3 =	por !p3, !p0;
	s6 =	sadd.s32 @p0 $0x7FFF42, s15;
	s12 =	rddreg [dreg:$0x16];
	[tilespmem:s3+$0x0] =	vst.add.f32.msk @p0 $0xffff, v0  }
0x360: {  	s6 =	smov.u32 @p3 s4;
	s4 =	sor.u32 @p0 s29, s11;
	s3 =	sld [smem:$0x7EC]  }
0x361: {  	v0 =	vld @p0 [tilespmem:s4+$0x0];
	s4 =	spop @p0 (v2sf)  }
0x362: {  	s11 =	sor.u32 s19, s28;
	[smem:$0x7F9] =	sst s4  }
0x363: {  	[tilespmem:s11+$0x0] =	vst.add.f32.msk $0xffff, v2;
	s3 =	sadd.s32 @p0 s6, s3;
	s6 =	sadd.s32 $0xA, s13  }
0x364: {  	s4 =	sadd.s32 $0x7FFF42, s13;
	s31 =	sld [smem:$0x7ED];
	p3 =	sgt.s32 s6, $0xC7  }
0x365: {  	s24 =	spop (v2sf);
	s6 =	smov.u32 @p3 s4  }
0x366: {  	s12 =	smov.u32 @p0 s26;
	s26 =	sadd.s32 s6, s24;
	s24 =	sld [smem:$0x7F8]  }
0x367: {  	s0 =	sor.u32 s31, s0  }
0x368: {  	s21 =	smov.u32 s19;
	s11 =	sor.u32 @p1 s18, s14;
	v62 =	vld [tilespmem:s0+$0x0];
	s0 =	sshll.u32 @p0 s3, $0x9  }
0x369: {  	[tilespmem:s11+$0x0] =	vst.add.f32.msk @p1 $0xffff, v4;
	s3 =	sor.u32 @p0 s29, s8;
	s6 =	sor.u32 @p1 s24, s25;
	s25 =	sshra.s32 @p0 s0, $0x2  }
0x36a: {  	s19 =	rddreg [dreg:$0x1a];
	[tilespmem:s3+$0x0] =	vst.add.f32.msk @p0 $0xffff, v0;
	s3 =	sor.u32 @p0 $0xA, s22;
	s11 =	sor.u32 @p0 s20, s25  }
0x36b: {  	s3 =	sadd.s32 @p0 s17, s3;
	v0 =	vld @p0 [tilespmem:s11+$0x0]  }
0x36c: {  	s4 =	sshll.u32 s26, $0x9;
	s3 =	sshll.u32 @p0 s3, $0x7  }
0x36d: {  	s26 =	sor.u32 s31, s28;
	s4 =	sshra.s32 s4, $0x2;
	v2 =	vld @p1 [tilespmem:s6+$0x0];
	s3 =	sand.u32 @p0 $0x3FFFFF80, s3  }
0x36e: {  	s18 =	sor.u32 s30, s4;
	[tilespmem:s26+$0x0] =	vst.add.f32.msk $0xffff, v62;
	s3 =	sadd.s32 @p0 $0x10100, s3  }
0x36f: {  	s8 =	rddreg [dreg:$0x7];
	v1 =	vld [tilespmem:s18+$0x0];
	s18 =	smov.u32 @p0 s12;
	s12 =	sor.u32 @p0 s20, s3  }
0x370: {  	s0 =	sadd.s32 @p1 $0xC, s19;
	s28 =	sor.u32 $0xA, s8;
	[tilespmem:s12+$0x0] =	vst.add.f32.msk @p0 $0xffff, v0  }
0x371: {  	p3 =	sgt.s32 @p1 s0, $0xC7;
	s6 =	sadd.s32 s17, s28;
	s12 =	sld [smem:$0x7EE]  }
0x372: {  	p3 =	por !p3, !p1;
	s11 =	sadd.s32 @p1 $0x7FFF44, s19;
	s6 =	sshll.u32 s6, $0x7  }
0x373: {  	(v2sf) =	vpush v3, $0xB;
	s11 =	smov.u32 @p3 s0;
	s19 =	sand.u32 $0x3FFFFF80, s6;
	s6 =	sor.u32 @p0 s18, s25  }
0x374: {  	v0 =	vld @p0 [tilespmem:s6+$0x0];
	s6 =	sor.u32 @p1 s24, s14;
	s11 =	sadd.s32 @p1 s11, s12;
	s12 =	sadd.s32 $0x10100, s19  }
0x375: {  	[tilespmem:s6+$0x0] =	vst.add.f32.msk @p1 $0xffff, v2;
	s22 =	sor.u32 s30, s12  }
0x376: {  	[tilespmem:s22+$0x0] =	vst.add.f32.msk $0xffff, v1  }
0x377: {  	s19 =	sld [smem:$0x7FA]  }
0x378: {  	s24 =	sor.u32 s23, s4;
	s0 =	sshll.u32 @p1 s11, $0x9  }
0x379: {  	s14 =	sshra.s32 @p1 s0, $0x2;
	v1 =	vld [tilespmem:s24+$0x0]  }
0x37a: {  	s28 =	rddreg [dreg:$0x13];
	s0 =	sor.u32 @p1 s19, s14  }
0x37b: {  	s11 =	sor.u32 @p0 s18, s3;
	s6 =	sor.u32 @p1 $0xC, s28;
	v2 =	vld @p1 [tilespmem:s0+$0x0];
	s0 =	smov.u32 @p0 s9  }
0x37c: {  	[tilespmem:s11+$0x0] =	vst.add.f32.msk @p0 $0xffff, v0;
	s6 =	sadd.s32 @p1 s17, s6;
	s11 =	sor.u32 @p0 s0, s25  }
0x37d: {  	s26 =	sor.u32 s23, s12;
	s6 =	sshll.u32 @p1 s6, $0x7;
	v0 =	vld @p0 [tilespmem:s11+$0x0]  }
0x37e: {  	s6 =	sand.u32 @p1 $0x3FFFFF80, s6;
	s9 =	sor.u32 s21, s4;
	[tilespmem:s26+$0x0] =	vst.add.f32.msk $0xffff, v1  }
0x37f: {  	s6 =	sadd.s32 @p1 $0x10100, s6;
	v1 =	vld [tilespmem:s9+$0x0]  }
0x380: {  	s11 =	sor.u32 @p1 s19, s6  }
0x381: {  	s24 =	smov.u32 @p0 s29;
	[tilespmem:s11+$0x0] =	vst.add.f32.msk @p1 $0xffff, v2;
	s11 =	sor.u32 @p0 s0, s3  }
0x382: {  	s23 =	spop (v2sf);
	s22 =	sor.u32 s21, s12;
	[tilespmem:s11+$0x0] =	vst.add.f32.msk @p0 $0xffff, v0;
	s11 =	sor.u32 @p0 s24, s25  }
0x383: {  	s29 =	smov.u32 s21;
	s19 =	sadd.s32 @p0 $0xB, s15;
	v0 =	vld @p0 [tilespmem:s11+$0x0];
	s26 =	sld [smem:$0x7F4]  }
0x384: {  	s4 =	sor.u32 s31, s4;
	p3 =	sgt.s32 @p0 s19, $0xC7;
	s9 =	sld [smem:$0x7EF];
	[tilespmem:s22+$0x0] =	vst.add.f32.msk $0xffff, v1  }
0x385: {  	s21 =	sadd.s32 $0xB, s13;
	p3 =	por !p3, !p0;
	s25 =	sadd.s32 @p0 $0x7FFF43, s15;
	v1 =	vld [tilespmem:s4+$0x0]  }
0x386: {  	s3 =	sor.u32 @p0 s24, s3;
	s25 =	smov.u32 @p3 s19;
	s11 =	sor.u32 @p1 s26, s14  }
0x387: {  	p3 =	sgt.s32 s21, $0xC7;
	s19 =	sadd.s32 $0x7FFF43, s13;
	v2 =	vld @p1 [tilespmem:s11+$0x0];
	s11 =	sadd.s32 @p0 s25, s9  }
0x388: {  	s12 =	sor.u32 s31, s12;
	s21 =	smov.u32 @p3 s19;
	s4 =	sshll.u32 @p0 s11, $0x9;
	[tilespmem:s3+$0x0] =	vst.add.f32.msk @p0 $0xffff, v0  }
0x389: {  	s25 =	sadd.s32 s21, s23;
	s4 =	sshra.s32 @p0 s4, $0x2;
	s23 =	sld [smem:$0x7FB]  }
0x38a: {  	s3 =	sshll.u32 s25, $0x9;
	[tilespmem:s12+$0x0] =	vst.add.f32.msk $0xffff, v1;
	s19 =	sor.u32 @p0 s20, s4  }
0x38b: {  	s3 =	sshra.s32 s3, $0x2;
	v0 =	vld @p0 [tilespmem:s19+$0x0];
	s19 =	sor.u32 @p1 s26, s6  }
0x38c: {  	s9 =	sor.u32 s30, s3;
	s11 =	sor.u32 @p0 $0xB, s23;
	[tilespmem:s19+$0x0] =	vst.add.f32.msk @p1 $0xffff, v2  }
0x38d: {  	v1 =	vld [tilespmem:s9+$0x0];
	s11 =	sadd.s32 @p0 s17, s11;
	s9 =	sld [smem:$0x7F7]  }
0x38e: {  	s8 =	sor.u32 $0xB, s8;
	s11 =	sshll.u32 @p0 s11, $0x7  }
0x38f: {  	s21 =	sadd.s32 s17, s8;
	s11 =	sand.u32 @p0 $0x3FFFFF80, s11  }
0x390: {  	s25 =	sadd.s32 @p0 $0x10100, s11;
	s12 =	sor.u32 @p1 s9, s14;
	s11 =	sshll.u32 s21, $0x7  }
0x391: {  	v2 =	vld @p1 [tilespmem:s12+$0x0];
	s12 =	sor.u32 @p0 s20, s25;
	s11 =	sand.u32 $0x3FFFFF80, s11  }
0x392: {  	[tilespmem:s12+$0x0] =	vst.add.f32.msk @p0 $0xffff, v0;
	s12 =	sor.u32 @p0 s18, s4;
	s21 =	sadd.s32 $0x10100, s11  }
0x393: {  	v0 =	vld @p0 [tilespmem:s12+$0x0];
	s11 =	sor.u32 s30, s21  }
0x394: {  	[tilespmem:s11+$0x0] =	vst.add.f32.msk $0xffff, v1  }
0x395: {  	s22 =	sld [smem:$0x7F1]  }
0x396: {  	s11 =	sor.u32 @p1 s9, s6  }
0x397: {  	s12 =	sor.u32 @p0 s18, s25;
	[tilespmem:s11+$0x0] =	vst.add.f32.msk @p1 $0xffff, v2  }
0x398: {  	(v2sf) =	vpush v3, $0xC;
	s9 =	rddreg [dreg:$0x1a];
	s26 =	sor.u32 s22, s3;
	[tilespmem:s12+$0x0] =	vst.add.f32.msk @p0 $0xffff, v0  }
0x399: {  	v1 =	vld [tilespmem:s26+$0x0];
	s26 =	sld [smem:$0x7F8];
	_ =	sdelay $0x2  }
0x39a: {  	s12 =	sor.u32 @p1 s26, s14;
	s14 =	sor.u32 @p0 s0, s4  }
0x39b: {  	v0 =	vld @p0 [tilespmem:s14+$0x0]  }
0x39c: {  	s11 =	sadd.s32 @p1 $0xD, s9;
	s8 =	sor.u32 s22, s21;
	v2 =	vld @p1 [tilespmem:s12+$0x0]  }
0x39d: {  	p3 =	sgt.s32 @p1 s11, $0xC7;
	s14 =	sadd.s32 @p1 $0x7FFF45, s9;
	s9 =	sor.u32 s29, s3;
	[tilespmem:s8+$0x0] =	vst.add.f32.msk $0xffff, v1  }
0x39e: {  	s19 =	sadd.s32 @p0 $0xC, s15;
	p3 =	por !p3, !p1;
	s4 =	sor.u32 @p0 s24, s4;
	v1 =	vld [tilespmem:s9+$0x0]  }
0x39f: {  	s12 =	sor.u32 @p0 s0, s25;
	s14 =	smov.u32 @p3 s11;
	s8 =	rddreg [dreg:$0x1d]  }
0x3a0: {  	p3 =	sgt.s32 @p0 s19, $0xC7;
	s14 =	sadd.s32 @p1 s14, s8;
	s8 =	sld [smem:$0x7F0];
	[tilespmem:s12+$0x0] =	vst.add.f32.msk @p0 $0xffff, v0  }
0x3a1: {  	s11 =	sadd.s32 @p0 $0x7FFF44, s15;
	p3 =	por !p3, !p0;
	v0 =	vld @p0 [tilespmem:s4+$0x0];
	s4 =	sor.u32 @p1 s26, s6  }
0x3a2: {  	s22 =	sor.u32 s29, s21;
	s11 =	smov.u32 @p3 s19;
	s19 =	sadd.s32 $0xC, s13;
	[tilespmem:s4+$0x0] =	vst.add.f32.msk @p1 $0xffff, v2  }
0x3a3: {  	s3 =	sor.u32 s31, s3;
	p3 =	sgt.s32 s19, $0xC7;
	s12 =	sadd.s32 $0x7FFF44, s13;
	[tilespmem:s22+$0x0] =	vst.add.f32.msk $0xffff, v1  }
0x3a4: {  	s11 =	sadd.s32 @p0 s11, s8;
	s19 =	smov.u32 @p3 s12;
	s9 =	sld [smem:$0x7FA]  }
0x3a5: {  	s12 =	spop (v2sf);
	s6 =	sshll.u32 @p1 s14, $0x9;
	s8 =	smov.u32 s23;
	v1 =	vld [tilespmem:s3+$0x0]  }
0x3a6: {  	s4 =	sadd.s32 s19, s12;
	s19 =	sshra.s32 @p1 s6, $0x2;
	s6 =	sor.u32 @p1 $0xD, s28  }
0x3a7: {  	s3 =	sadd.s32 @p1 s17, s6;
	s6 =	sshll.u32 @p0 s11, $0x9;
	s11 =	sor.u32 @p1 s9, s19  }
0x3a8: {  	s4 =	sshll.u32 s4, $0x9;
	s3 =	sshll.u32 @p1 s3, $0x7;
	v2 =	vld @p1 [tilespmem:s11+$0x0];
	s11 =	sor.u32 @p0 s24, s25  }
0x3a9: {  	s6 =	sshra.s32 @p0 s6, $0x2;
	[tilespmem:s11+$0x0] =	vst.add.f32.msk @p0 $0xffff, v0;
	s11 =	sor.u32 @p0 $0xC, s23;
	s23 =	sor.u32 s31, s21  }
0x3aa: {  	s4 =	sshra.s32 s4, $0x2;
	s3 =	sand.u32 @p1 $0x3FFFFF80, s3;
	s12 =	sor.u32 @p0 s20, s6;
	[tilespmem:s23+$0x0] =	vst.add.f32.msk $0xffff, v1  }
0x3ab: {  	s14 =	sadd.s32 @p1 $0x10100, s3;
	v0 =	vld @p0 [tilespmem:s12+$0x0];
	s3 =	sadd.s32 @p0 s17, s11;
	s28 =	rddreg [dreg:$0x7]  }
0x3ac: {  	s21 =	sor.u32 s30, s4;
	s3 =	sshll.u32 @p0 s3, $0x7;
	s25 =	sor.u32 $0xC, s28  }
0x3ad: {  	v1 =	vld [tilespmem:s21+$0x0];
	s3 =	sand.u32 @p0 $0x3FFFFF80, s3;
	s11 =	sadd.s32 s17, s25  }
0x3ae: {  	s12 =	sor.u32 @p1 s9, s14;
	s3 =	sadd.s32 @p0 $0x10100, s3;
	s11 =	sshll.u32 s11, $0x7  }
0x3af: {  	[tilespmem:s12+$0x0] =	vst.add.f32.msk @p1 $0xffff, v2;
	s12 =	sor.u32 @p0 s20, s3;
	s11 =	sand.u32 $0x3FFFFF80, s11  }
0x3b0: {  	[tilespmem:s12+$0x0] =	vst.add.f32.msk @p0 $0xffff, v0;
	s11 =	sadd.s32 $0x10100, s11  }
0x3b1: {  	[smem:$0x7F3] =	sst s18;
	s22 =	sor.u32 s30, s11  }
0x3b2: {  	s9 =	sld [smem:$0x7F4];
	[tilespmem:s22+$0x0] =	vst.add.f32.msk $0xffff, v1  }
0x3b3: {  	(v2sf) =	vpush v3, $0xD;
	s12 =	sor.u32 @p0 s18, s6;
	s22 =	sld [smem:$0x7F1]  }
0x3b4: {  	v0 =	vld @p0 [tilespmem:s12+$0x0]  }
0x3b5: {  	s12 =	sor.u32 @p1 s9, s19  }
0x3b6: {  	v2 =	vld @p1 [tilespmem:s12+$0x0];
	s23 =	sor.u32 s22, s4  }
0x3b7: {  	v1 =	vld [tilespmem:s23+$0x0]  }
0x3b8: {  	s12 =	sor.u32 @p0 s18, s3  }
0x3b9: {  	[tilespmem:s12+$0x0] =	vst.add.f32.msk @p0 $0xffff, v0;
	s12 =	sor.u32 @p0 s0, s6  }
0x3ba: {  	v0 =	vld @p0 [tilespmem:s12+$0x0];
	s12 =	sor.u32 @p1 s9, s14  }
0x3bb: {  	s25 =	sor.u32 s22, s11;
	[tilespmem:s12+$0x0] =	vst.add.f32.msk @p1 $0xffff, v2;
	s12 =	sadd.s32 @p0 $0xD, s15  }
0x3bc: {  	s9 =	sor.u32 s29, s4;
	p3 =	sgt.s32 @p0 s12, $0xC7;
	[tilespmem:s25+$0x0] =	vst.add.f32.msk $0xffff, v1  }
0x3bd: {  	p3 =	por !p3, !p0;
	s25 =	sadd.s32 @p0 $0x7FFF45, s15;
	v1 =	vld [tilespmem:s9+$0x0];
	s9 =	sld [smem:$0x7F7]  }
0x3be: {  	s25 =	smov.u32 @p3 s12;
	s12 =	sor.u32 @p0 s0, s3  }
0x3bf: {  	s6 =	sor.u32 @p0 s24, s6;
	[tilespmem:s12+$0x0] =	vst.add.f32.msk @p0 $0xffff, v0  }
0x3c0: {  	v0 =	vld @p0 [tilespmem:s6+$0x0];
	s6 =	sld [smem:$0x7F2];
	s21 =	sor.u32 @p1 s9, s19  }
0x3c1: {  	s18 =	sor.u32 s29, s11;
	s23 =	smov.u32 s0;
	v2 =	vld @p1 [tilespmem:s21+$0x0];
	s21 =	sadd.s32 $0xD, s13  }
0x3c2: {  	s0 =	spop (v2sf);
	s12 =	sadd.s32 $0x7FFF45, s13;
	p3 =	sgt.s32 s21, $0xC7  }
0x3c3: {  	s25 =	sadd.s32 @p0 s25, s6;
	s6 =	sand.u32 @p2 $0x3FFFFF80, s7;
	s21 =	smov.u32 @p3 s12  }
0x3c4: {  	[tilespmem:s18+$0x0] =	vst.add.f32.msk $0xffff, v1;
	s7 =	sadd.s32 s21, s0;
	s0 =	sadd.s32 @p2 $0x10100, s6  }
0x3c5: {  	s4 =	sor.u32 s31, s4;
	[smem:$0x7F6] =	sst s0  }
0x3c6: {  	s12 =	sor.u32 @p1 s9, s14;
	v1 =	vld [tilespmem:s4+$0x0];
	s4 =	sor.u32 @p2 s10, s0;
	s10 =	sshll.u32 @p0 s25, $0x9  }
0x3c7: {  	s3 =	sor.u32 @p0 s24, s3;
	[tilespmem:s12+$0x0] =	vst.add.f32.msk @p1 $0xffff, v2;
	s12 =	sor.u32 @p1 s26, s19;
	s19 =	sshra.s32 @p0 s10, $0x2  }
0x3c8: {  	[tilespmem:s3+$0x0] =	vst.add.f32.msk @p0 $0xffff, v0;
	s10 =	sor.u32 @p0 $0xD, s8;
	s21 =	sor.u32 @p0 s20, s19  }
0x3c9: {  	s7 =	sshll.u32 s7, $0x9;
	s10 =	sadd.s32 @p0 s17, s10;
	v0 =	vld @p0 [tilespmem:s21+$0x0]  }
0x3ca: {  	s11 =	sor.u32 s31, s11;
	s25 =	sshra.s32 s7, $0x2;
	v2 =	vld @p1 [tilespmem:s12+$0x0];
	s10 =	sshll.u32 @p0 s10, $0x7  }
0x3cb: {  	s6 =	rddreg [dreg:$0x1a];
	s21 =	sor.u32 s30, s25;
	s7 =	sand.u32 @p0 $0x3FFFFF80, s10;
	[tilespmem:s11+$0x0] =	vst.add.f32.msk $0xffff, v1  }
0x3cc: {  	v1 =	vld [tilespmem:s21+$0x0];
	s21 =	sadd.s32 @p0 $0x10100, s7  }
0x3cd: {  	s12 =	sor.u32 $0xD, s28;
	[tilespmem:s4+$0x0] =	vst.add.f32.msk @p2 $0xffff, v6;
	s10 =	sor.u32 @p0 s20, s21  }
0x3ce: {  	s9 =	smov.u32 s28;
	s0 =	smov.u32 s26;
	s26 =	sadd.s32 s17, s12;
	[tilespmem:s10+$0x0] =	vst.add.f32.msk @p0 $0xffff, v0  }
0x3cf: {  	s3 =	sadd.s32 @p1 $0xE, s6;
	s28 =	sshll.u32 s26, $0x7;
	s26 =	sld [smem:$0x7F3]  }
0x3d0: {  	s18 =	smov.u32 s8;
	p3 =	sgt.s32 @p1 s3, $0xC7  }
0x3d1: {  	p3 =	por !p3, !p1;
	s7 =	sadd.s32 @p1 $0x7FFF46, s6;
	s6 =	sand.u32 $0x3FFFFF80, s28  }
0x3d2: {  	s7 =	smov.u32 @p3 s3;
	s8 =	rddreg [dreg:$0x1c];
	s4 =	sor.u32 @p0 s26, s19  }
0x3d3: {  	s7 =	sadd.s32 @p1 s7, s8;
	v0 =	vld @p0 [tilespmem:s4+$0x0];
	s4 =	sor.u32 @p1 s0, s14;
	s14 =	sadd.s32 $0x10100, s6  }
0x3d4: {  	s3 =	sshll.u32 @p1 s7, $0x9;
	[tilespmem:s4+$0x0] =	vst.add.f32.msk @p1 $0xffff, v2;
	s7 =	sor.u32 s30, s14  }
0x3d5: {  	[tilespmem:s7+$0x0] =	vst.add.f32.msk $0xffff, v1  }
0x3d6: {  	s0 =	sld [smem:$0x7FA];
	_ =	sdelay $0x1  }
0x3d7: {  	s8 =	sor.u32 s22, s25;
	s10 =	sshra.s32 @p1 s3, $0x2  }
0x3d8: {  	v1 =	vld [tilespmem:s8+$0x0];
	s6 =	rddreg [dreg:$0x13];
	s3 =	sor.u32 @p1 s0, s10  }
0x3d9: {  	s4 =	sor.u32 @p0 s26, s21;
	v2 =	vld @p1 [tilespmem:s3+$0x0];
	s3 =	sor.u32 @p1 $0xE, s6  }
0x3da: {  	[tilespmem:s4+$0x0] =	vst.add.f32.msk @p0 $0xffff, v0;
	s4 =	sor.u32 @p0 s23, s19;
	s3 =	sadd.s32 @p1 s17, s3  }
0x3db: {  	v0 =	vld @p0 [tilespmem:s4+$0x0];
	s3 =	sshll.u32 @p1 s3, $0x7  }
0x3dc: {  	(v2sf) =	vpush v3, $0xE;
	s3 =	sand.u32 @p1 $0x3FFFFF80, s3  }
0x3dd: {  	s11 =	sor.u32 s22, s14;
	s7 =	sadd.s32 @p1 $0x10100, s3  }
0x3de: {  	[tilespmem:s11+$0x0] =	vst.add.f32.msk $0xffff, v1;
	s3 =	sor.u32 @p1 s0, s7  }
0x3df: {  	[tilespmem:s3+$0x0] =	vst.add.f32.msk @p1 $0xffff, v2;
	s3 =	sor.u32 @p0 s23, s21  }
0x3e0: {  	s12 =	sor.u32 s29, s25;
	[tilespmem:s3+$0x0] =	vst.add.f32.msk @p0 $0xffff, v0  }
0x3e1: {  	s8 =	smov.u32 s26;
	s26 =	smov.u32 s23;
	v1 =	vld [tilespmem:s12+$0x0];
	s23 =	sld [smem:$0x7F4]  }
0x3e2: {  	s4 =	sor.u32 @p2 s16, s5  }
0x3e3: {  	v4 =	vld @p2 [tilespmem:s4+$0x0];
	s3 =	sor.u32 @p0 s24, s19  }
0x3e4: {  	v0 =	vld @p0 [tilespmem:s3+$0x0];
	s3 =	sor.u32 @p1 s23, s10  }
0x3e5: {  	s4 =	sadd.s32 @p0 $0xE, s15;
	s19 =	sor.u32 s29, s14;
	v2 =	vld @p1 [tilespmem:s3+$0x0]  }
0x3e6: {  	p3 =	sgt.s32 @p0 s4, $0xC7;
	s0 =	sor.u32 s31, s25;
	s3 =	sld [smem:$0x7F5];
	[tilespmem:s19+$0x0] =	vst.add.f32.msk $0xffff, v1  }
0x3e7: {  	s11 =	sadd.s32 @p0 $0x7FFF46, s15;
	p3 =	por !p3, !p0;
	v1 =	vld [tilespmem:s0+$0x0];
	s0 =	sld [smem:$0x7F6]  }
0x3e8: {  	s11 =	smov.u32 @p3 s4  }
0x3e9: {  	s12 =	sadd.s32 $0x7FFF46, s13;
	s3 =	sadd.s32 @p0 s11, s3;
	s11 =	sadd.s32 $0xE, s13  }
0x3ea: {  	p3 =	sgt.s32 s11, $0xC7;
	s4 =	sor.u32 @p2 s16, s0;
	s3 =	sshll.u32 @p0 s3, $0x9  }
0x3eb: {  	s11 =	smov.u32 @p3 s12;
	[tilespmem:s4+$0x0] =	vst.add.f32.msk @p2 $0xffff, v4;
	s4 =	sor.u32 @p0 s24, s21;
	s12 =	spop (v2sf)  }
0x3ec: {  	s14 =	sor.u32 s31, s14;
	s16 =	sshra.s32 @p0 s3, $0x2;
	[tilespmem:s4+$0x0] =	vst.add.f32.msk @p0 $0xffff, v0;
	s3 =	sadd.s32 s11, s12  }
0x3ed: {  	s11 =	sor.u32 @p0 s20, s16;
	[tilespmem:s14+$0x0] =	vst.add.f32.msk $0xffff, v1;
	s3 =	sshll.u32 s3, $0x9  }
0x3ee: {  	v0 =	vld @p0 [tilespmem:s11+$0x0];
	s11 =	sor.u32 @p1 s23, s7;
	s19 =	sshra.s32 s3, $0x2  }
0x3ef: {  	s4 =	sor.u32 @p0 $0xE, s18;
	[tilespmem:s11+$0x0] =	vst.add.f32.msk @p1 $0xffff, v2;
	s25 =	sor.u32 s30, s19  }
0x3f0: {  	s4 =	sadd.s32 @p0 s17, s4;
	v1 =	vld [tilespmem:s25+$0x0];
	s25 =	sld [smem:$0x7F7]  }
0x3f1: {  	s4 =	sshll.u32 @p0 s4, $0x7  }
0x3f2: {  	s3 =	sand.u32 @p0 $0x3FFFFF80, s4  }
0x3f3: {  	s21 =	sadd.s32 @p0 $0x10100, s3;
	s4 =	sor.u32 @p1 s25, s10  }
0x3f4: {  	s18 =	sor.u32 $0xE, s9;
	v2 =	vld @p1 [tilespmem:s4+$0x0];
	s4 =	sor.u32 @p0 s20, s21  }
0x3f5: {  	s28 =	smov.u32 s29;
	s29 =	smov.u32 s9;
	s9 =	sadd.s32 s17, s18;
	[tilespmem:s4+$0x0] =	vst.add.f32.msk @p0 $0xffff, v0  }
0x3f6: {  	s3 =	sshll.u32 s9, $0x7;
	s4 =	sor.u32 @p0 s8, s16;
	s9 =	rddreg [dreg:$0x1a]  }
0x3f7: {  	s3 =	sand.u32 $0x3FFFFF80, s3;
	v0 =	vld @p0 [tilespmem:s4+$0x0];
	s4 =	sadd.s32 @p1 $0xF, s9  }
0x3f8: {  	s14 =	sadd.s32 $0x10100, s3;
	s3 =	sor.u32 @p2 s2, s5;
	p3 =	sgt.s32 @p1 s4, $0xC7  }
0x3f9: {  	(v2sf) =	vpush v3, $0xF;
	v3 =	vld @p2 [tilespmem:s3+$0x0];
	s11 =	sor.u32 s30, s14;
	s3 =	sadd.s32 @p1 $0x7FFF47, s9;
	p3 =	por !p3, !p1  }
0x3fa: {  	[tilespmem:s11+$0x0] =	vst.add.f32.msk $0xffff, v1;
	s3 =	smov.u32 @p3 s4;
	s4 =	sor.u32 @p1 s25, s7  }
0x3fb: {  	[tilespmem:s4+$0x0] =	vst.add.f32.msk @p1 $0xffff, v2  }
0x3fc: {  	s4 =	rddreg [dreg:$0x1b]  }
0x3fd: {  	s3 =	sadd.s32 @p1 s3, s4;
	s4 =	sor.u32 @p0 s8, s21  }
0x3fe: {  	s12 =	sor.u32 s22, s19;
	[tilespmem:s4+$0x0] =	vst.add.f32.msk @p0 $0xffff, v0  }
0x3ff: {  	s11 =	sadd.s32 @p0 $0xF, s15;
	v1 =	vld [tilespmem:s12+$0x0];
	s9 =	sld [smem:$0x7F8]  }
0x400: {  	p3 =	sgt.s32 @p0 s11, $0xC7  }
0x401: {  	s12 =	sor.u32 @p0 s26, s16;
	p3 =	por !p3, !p0;
	s4 =	sadd.s32 @p0 $0x7FFF47, s15  }
0x402: {  	v0 =	vld @p0 [tilespmem:s12+$0x0];
	s4 =	smov.u32 @p3 s11;
	s10 =	sor.u32 @p1 s9, s10  }
0x403: {  	s11 =	sadd.s32 $0xF, s13;
	v2 =	vld @p1 [tilespmem:s10+$0x0];
	s10 =	sadd.s32 $0x7FFF47, s13;
	s13 =	sor.u32 s22, s14  }
0x404: {  	s15 =	sor.u32 s28, s19;
	p3 =	sgt.s32 s11, $0xC7;
	[tilespmem:s13+$0x0] =	vst.add.f32.msk $0xffff, v1  }
0x405: {  	s18 =	smov.u32 s8;
	s2 =	sor.u32 @p2 s2, s0;
	s11 =	smov.u32 @p3 s10;
	v1 =	vld [tilespmem:s15+$0x0]  }
0x406: {  	s10 =	sor.u32 @p2 s1, s5;
	s5 =	sor.u32 @p0 s26, s21;
	s8 =	sld [smem:$0x7F9];
	[tilespmem:s2+$0x0] =	vst.add.f32.msk @p2 $0xffff, v3  }
0x407: {  	[tilespmem:s5+$0x0] =	vst.add.f32.msk @p0 $0xffff, v0;
	s5 =	sor.u32 @p0 s24, s16  }
0x408: {  	v0 =	vld @p0 [tilespmem:s5+$0x0];
	s5 =	sor.u32 @p1 s9, s7  }
0x409: {  	s3 =	sshll.u32 @p1 s3, $0x9;
	[tilespmem:s5+$0x0] =	vst.add.f32.msk @p1 $0xffff, v2  }
0x40a: {  	s13 =	smov.u32 s9;
	s5 =	sor.u32 s28, s14;
	s9 =	sld [smem:$0x7FA]  }
0x40b: {  	s12 =	spop (v2sf);
	s3 =	sshra.s32 @p1 s3, $0x2;
	s15 =	smov.u32 s0;
	[tilespmem:s5+$0x0] =	vst.add.f32.msk $0xffff, v1  }
0x40c: {  	s2 =	sor.u32 @p1 $0xF, s6;
	s4 =	sadd.s32 @p0 s4, s8;
	s0 =	sld [smem:$0x7FB]  }
0x40d: {  	s5 =	smov.u32 @p1 s3;
	s7 =	sor.u32 @p1 s9, s3;
	s3 =	sor.u32 s31, s19  }
0x40e: {  	s2 =	sadd.s32 @p1 s17, s2;
	s8 =	sadd.s32 s11, s12;
	s4 =	sshll.u32 @p0 s4, $0x9;
	v1 =	vld [tilespmem:s3+$0x0]  }
0x40f: {  	s4 =	sshra.s32 @p0 s4, $0x2;
	v2 =	vld @p1 [tilespmem:s7+$0x0];
	s7 =	sor.u32 @p0 s24, s21;
	s11 =	sor.u32 @p0 $0xF, s0  }
0x410: {  	s2 =	sshll.u32 @p1 s2, $0x7;
	[tilespmem:s7+$0x0] =	vst.add.f32.msk @p0 $0xffff, v0;
	s7 =	sadd.s32 @p0 s17, s11;
	s11 =	sor.u32 @p0 s20, s4  }
0x411: {  	s6 =	sor.u32 $0xF, s29;
	s2 =	smov.u32 @p1 s2;
	v0 =	vld @p0 [tilespmem:s11+$0x0]  }
0x412: {  	v3 =	vld @p2 [tilespmem:s10+$0x0];
	s10 =	sadd.s32 s17, s6;
	s2 =	sand.u32 @p1 $0x3FFFFF80, s2;
	s8 =	sshll.u32 s8, $0x9  }
0x413: {  	s16 =	sshll.u32 s10, $0x7;
	s2 =	sadd.s32 @p1 $0x10100, s2;
	s8 =	sshra.s32 s8, $0x2  }
0x414: {  	s3 =	smov.u32 @p1 s23;
	s23 =	sor.u32 s31, s14;
	s7 =	sshll.u32 @p0 s7, $0x7  }
0x415: {  	s9 =	smov.u32 @p1 s9;
	s14 =	sor.u32 s30, s8;
	s7 =	smov.u32 @p0 s7;
	[tilespmem:s23+$0x0] =	vst.add.f32.msk $0xffff, v1  }
0x416: {  	s10 =	smov.u32 @p0 s18;
	s9 =	sor.u32 @p1 s9, s2;
	s7 =	sand.u32 @p0 $0x3FFFFF80, s7;
	v63 =	vld [tilespmem:s14+$0x0];
	v1 =	vpsel p1, v2, v0  }
0x417: {  	s12 =	smov.u32 @p0 s20;
	s11 =	sor.u32 @p1 s3, s5;
	s7 =	sadd.s32 @p0 $0x10100, s7;
	[tilespmem:s9+$0x0] =	vst.add.f32.msk @p1 $0xffff, v1  }
0x418: {  	s4 =	smov.u32 @p0 s4;
	v0 =	vpsel p0, v0, v0;
	s9 =	sand.u32 $0x3FFFFF80, s16;
	v1 =	vld @p1 [tilespmem:s11+$0x0];
	s11 =	sor.u32 @p0 s12, s7  }
0x419: {  	s9 =	sadd.s32 $0x10100, s9;
	[tilespmem:s11+$0x0] =	vst.add.f32.msk @p0 $0xffff, v0;
	s11 =	sor.u32 @p0 s10, s4  }
0x41a: {  	s17 =	sor.u32 s30, s9;
	v0 =	vld @p0 [tilespmem:s11+$0x0]  }
0x41b: {  	[tilespmem:s17+$0x0] =	vst.add.f32.msk $0xffff, v63;
	s11 =	sor.u32 s22, s8  }
0x41c: {  	s3 =	sor.u32 @p1 s3, s2;
	v2 =	vld [tilespmem:s11+$0x0];
	s11 =	smov.u32 @p1 s25  }
0x41d: {  	[tilespmem:s3+$0x0] =	vst.add.f32.msk @p1 $0xffff, v1;
	s3 =	sor.u32 @p1 s11, s5  }
0x41e: {  	s0 =	smov.u32 @p0 s26;
	v1 =	vld @p1 [tilespmem:s3+$0x0];
	s3 =	sor.u32 @p0 s10, s7  }
0x41f: {  	[tilespmem:s3+$0x0] =	vst.add.f32.msk @p0 $0xffff, v0;
	s3 =	sor.u32 @p0 s0, s4  }
0x420: {  	s18 =	sor.u32 s22, s9;
	v0 =	vld @p0 [tilespmem:s3+$0x0]  }
0x421: {  	[tilespmem:s18+$0x0] =	vst.add.f32.msk $0xffff, v2;
	s3 =	sor.u32 s28, s8  }
0x422: {  	s10 =	sor.u32 @p1 s11, s2;
	v2 =	vld [tilespmem:s3+$0x0];
	s3 =	smov.u32 @p1 s13  }
0x423: {  	s5 =	sor.u32 @p1 s3, s5;
	[tilespmem:s10+$0x0] =	vst.add.f32.msk @p1 $0xffff, v1  }
0x424: {  	s0 =	sor.u32 @p0 s0, s7;
	v1 =	vld @p1 [tilespmem:s5+$0x0];
	s5 =	smov.u32 @p0 s24  }
0x425: {  	[tilespmem:s0+$0x0] =	vst.add.f32.msk @p0 $0xffff, v0;
	s0 =	sor.u32 @p0 s5, s4  }
0x426: {  	s19 =	sor.u32 s28, s9;
	v0 =	vld @p0 [tilespmem:s0+$0x0]  }
0x427: {  	s20 =	sor.u32 s31, s8;
	[tilespmem:s19+$0x0] =	vst.add.f32.msk $0xffff, v2  }
0x428: {  	s0 =	sor.u32 @p2 s1, s15;
	v2 =	vld [tilespmem:s20+$0x0]  }
0x429: {  	[tilespmem:s0+$0x0] =	vst.add.f32.msk @p2 $0xffff, v3;
	s0 =	sor.u32 @p1 s3, s2  }
0x42a: {  	[tilespmem:s0+$0x0] =	vst.add.f32.msk @p1 $0xffff, v1  }
0x42b: {  	s21 =	rddreg [dreg:$0xa]  }
0x42c: {  	s0 =	sor.u32 @p0 s5, s7;
	s22 =	rddreg [dreg:$0x11]  }
0x42d: {  	s29 =	rddreg [dreg:$0x4];
	s23 =	sor.u32 s31, s9;
	s1 =	sadd.s32 s21, s22;
	[tilespmem:s0+$0x0] =	vst.add.f32.msk @p0 $0xffff, v0  }
0x42e: {  	s30 =	simm.s32 $0x0;
	s24 =	rddreg [dreg:$0x10];
	s1 =	sshll.u32 s1, $0x4;
	[tilespmem:s23+$0x0] =	vst.add.f32.msk $0xffff, v2  }
0x42f: {  	s25 =	sshll.u32 s24, $0xE;
	s28 =	sadd.s32 $0x4, s24;
	s5 =	rddreg [dreg:$0xf]  }
0x430: {  	s1 =	sadd.s32 s29, s1;
	s26 =	sadd.s32 $0x10100, s25;
	p0 =	sgt.u32 s5, $0x2F  }
0x431: {  	[hbm4b:s1+s30] =	stream.linear.scatter [tilespmem:s26], [sflag:s28], $0x4000, $0x38;
	[tilespmem:$0x1C100] =	vst v63  }
0x432: {  	p1 =	seq.s32 @!p0 s5, $0x0  }
0x433: {  	p1 =	por p1, p0  }
0x434: {  	s0 =	sadd.s32 @!p1 $0xFFFFFFFF, s5  }
0x435: {  	s1 =	sand.u32 @!p1 $0xFF, s0  }
0x436: {  	s2 =	sadd.s32 $0x2, s5;
	s1 =	smul.u32 @!p1 $0xAB, s1  }
0x437: {  	s3 =	smul.u32 @!p0 $0xAB, s2  }
0x438: {  	s1 =	sshrl.u32 @!p1 s1, $0x9  }
0x439: {  	s3 =	sshrl.u32 @!p0 s3, $0x9;
	s1 =	smul.u32 @!p1 $0x3, s1  }
0x43a: {  	s3 =	sand.u32 @!p0 $0x7F, s3  }
0x43b: {  	s0 =	ssub.s32 @!p1 s0, s1;
	s1 =	smul.u32 @!p0 $0x3, s3  }
0x43c: {  	s0 =	sor.u32 @!p1 $0x4, s0  }
0x43d: {  	s0 =	sand.u32 @!p1 $0xFF, s0;
	s1 =	ssub.s32 @!p0 s2, s1;
	s2 =	sshll.u32 @!p0 s2, $0x7  }
0x43e: {  	_ =	swait.ge @!p1 [sflag:s0], $0x4000;
	s1 =	sand.u32 @!p0 $0xFF, s1;
	s2 =	sand.u32 @!p0 $0x3FFFFF80, s2  }
0x43f: {  	[sflag:s0] =	ssyncset.done @!p1 $0x0;
	s3 =	sshll.u32 @!p0 s1, $0xE;
	s2 =	sadd.s32 @!p0 $0xC900, s2  }
0x440: {  	s1 =	sadd.s32 @!p0 $0x1, s1;
	s31 =	rddreg [dreg:$0x6];
	[sflag:s0] =	ssyncadd.s32 @!p1 $0xFFFFC000  }
0x441: {  	s0 =	sor.u32 @!p0 $0x10100, s3;
	s3 =	simm.s32 @!p0 $0x80;
	s4 =	rddreg [dreg:$0x0]  }
0x442: {  	[tilespmem:s0], [sflag:s1] =	stream.indirect.gather @!p0 [hbm4b:s4+s3], $0x80, s2, s3, $0xb8;
	[tilespmem:$0x1C100] =	vst v63  }
0x443: {  	s0 =	sadd.s32 $0x80, s31  }
0x444: {  	s5 =	sadd.s32 $0x1, s5;
	s1 =	sadd.s32 $0xFFFFFFB8, s31;
	p0 =	sgt.s32 s0, $0xC7  }
0x445: {  	s0 =	smov.u32 @p0 s1;
	p0 =	sne.s32 s5, $0x32  }
.Ltmp8:
0x446: {  	_ = 	snop;
	(pc) =	sbr.rel @p0 .LBB2_4-.Ltmp8, $4  }
.Ltmp9:
0x447: {  	_ = 	snop;
	(pc) =	sbr.rel @!p0 .LBB2_15-.Ltmp9, $4  }
0x448: {  	_ = 	snop  }
0x449: {  	_ = 	snop  }
0x44a: {  	s12 =	smov.u32 s0  }
0x44b: {  	_ = 	snop  }
.LBB2_5:
0x44c: {  	s22 =	smov.u32 s0  }
0x44d: {  	_ = 	snop  }
.Ltmp10:
0x44e: {  	(pc) =	sbr.rel .LBB2_14-.Ltmp10, $4  }
0x44f: {  	_ = 	snop  }
0x450: {  	_ = 	snop  }
0x451: {  	s30 =	simm.s32 $0x0  }
0x452: {  	[dreg:$0x7] =	wrdreg s30  }
.LBB2_7:
0x453: {  	_ = 	snop  }
0x454: {  	_ = 	snop  }
0x455: {  	_ = 	snop  }
0x456: {  	_ = 	snop  }
0x457: {  	_ = 	snop  }
0x458: {  	_ = 	snop  }
0x459: {  	_ = 	snop  }
.Ltmp11:
0x45a: {  	(pc) =	sbr.rel .LBB2_14-.Ltmp11, $4  }
0x45b: {  	_ = 	snop  }
0x45c: {  	s19 =	smov.u32 s14;
	s15 =	smov.u32 s25;
	s25 =	simm.s32 $0x0  }
0x45d: {  	s8 =	smov.u32 s13;
	s29 =	simm.s32 $0x8;
	[smem:$0x7FD] =	sst s25  }
0x45e: {  	s21 =	smov.u32 s23;
	s20 =	smov.u32 s11;
	v2 =	vmov v0;
	[dreg:$0x7] =	wrdreg s29  }
.LBB2_9:
0x45f: {  	[dreg:$0x1f] =	wrdreg s13  }
0x460: {  	[dreg:$0x1e] =	wrdreg s11  }
.Ltmp12:
0x461: {  	[dreg:$0x1a] =	wrdreg s25;
	(pc) =	sbr.rel .LBB2_14-.Ltmp12, $4  }
0x462: {  	s19 =	smov.u32 s3;
	s0 =	simm.s32 $0x8;
	[smem:$0x7FC] =	sst s23  }
0x463: {  	s25 =	simm.s32 $0x0;
	s3 =	smov.u32 s14;
	[smem:$0x7FD] =	sst s0  }
0x464: {  	s30 =	simm.s32 $0x80;
	s29 =	simm.s32 $0x10;
	[dreg:$0x13] =	wrdreg s25  }
0x465: {  	v7 =	vmov v1;
	v8 =	vmov v0;
	s9 =	smov.u32 s22;
	s22 =	smov.u32 s6;
	[dreg:$0x7] =	wrdreg s29  }
.LBB2_11:
0x466: {  	[dreg:$0x1f] =	wrdreg s8  }
0x467: {  	[dreg:$0x1e] =	wrdreg s20  }
0x468: {  	[dreg:$0x1a] =	wrdreg s15  }
0x469: {  	[smem:$0x7FC] =	sst s21  }
0x46a: {  	s10 =	rddreg [dreg:$0x17]  }
0x46b: {  	s16 =	rddreg [dreg:$0x16]  }
0x46c: {  	s2 =	rddreg [dreg:$0x15]  }
.Ltmp13:
0x46d: {  	s1 =	rddreg [dreg:$0x14];
	(pc) =	sbr.rel .LBB2_14-.Ltmp13, $4  }
0x46e: {  	s0 =	simm.s32 $0x8;
	s25 =	simm.s32 $0x10;
	s22 =	rddreg [dreg:$0x8]  }
0x46f: {  	s8 =	smov.u32 s14;
	s29 =	simm.s32 $0x18;
	[dreg:$0x13] =	wrdreg s0  }
0x470: {  	s21 =	smov.u32 s13;
	s20 =	smov.u32 s11;
	[smem:$0x7FD] =	sst s25  }
0x471: {  	v8 =	vmov v2;
	s15 =	smov.u32 s30;
	v2 =	vmov v4;
	s30 =	simm.s32 $0xC0;
	[dreg:$0x7] =	wrdreg s29  }
.LBB2_16:
0x472: {  	_ =	sfence.sel $0x180000  }
0x473: {  	[bflag:$0x0] =	sbarrier.arrive $0xFFFF  }
0x474: {  	_ =	strace $0x90000047  }
0x475: {  	s0 =	stileid.u32;
	[bflag:$0x2] =	sbarrier.arrive $0xFFFF  }
0x476: {  	p0 =	sne.s32 s0, $0x0;
	s0 =	rddreg [dreg:$0x5]  }
0x477: {  	s0 =	sadd.s32 @!p0 $0x100000, s0  }
0x478: {  	[sflag:s0] =	ssyncadd.tile.s32 @!p0 $0x1;
	_ =	shalt  }
.Lfunc_end2:
_tile_overlayer_lowered:
.L_overlay_start_2:
0x479: {  	(tag) =	ssettag $0x2  }
0x47a: {  	s0 =	rddreg [dreg:$0x0];
	s2 =	stileid.u32  }
0x47b: {  	s1 =	rddreg [dreg:$0x1];
	p0 =	sne.s32 s2, $0x0  }
0x47c: {  	s3 =	rddreg [dreg:$0x2];
	[bflag:$0x3] =	sbarrier.arrive $0xFFFF;
	s2 =	simm.s32 @!p0 $0x1C07  }
0x47d: {  	[timem:s3], [sflag:s2] =	dma.local @!p0 [hbm:s0], s1  }
0x47e: {  	s0 =	simm.s32 @!p0 $0x7  }
0x47f: {  	_ =	swait.ge @!p0 [sflag:s0], s1  }
0x480: {  	s1 =	ssub.s32 @!p0 $0x0, s1;
	[sflag:s0] =	ssyncset.done @!p0 $0x0  }
0x481: {  	[sflag:s0] =	ssyncadd.s32 @!p0 s1  }
0x482: {  	[bflag:$0x3] =	sbarrier.arrive $0xFFFF  }
0x483: {  	_ =	shalt  }

</sc_bundles>
